<compile_context>
chip_gen: v7x
topology: tpu7x:2x2x1
jax: 0.10.2.dev20260603
libtpu: 0.0.44.dev20260713+nightly
codegen_flags: <defaults>
</compile_context>

<pallas_src>
import jax
import jax.numpy as jnp
from jax import lax
from jax.experimental import pallas as pl
from jax.experimental.pallas import tpu as pltpu
from jax.experimental.pallas import tpu_sc as plsc

N = 10000
NNZ = 320000
DIM = 128
NW = 32
PAIRS_PER_W = NNZ // NW
CHUNK = 80
CHUNKS_PER_W = PAIRS_PER_W // CHUNK
GROUPS = 5
GCHUNKS = CHUNKS_PER_W // GROUPS
GPAIRS = GCHUNKS * CHUNK
ROWS_PER_S = N // 16
LANES = 16
ROWS_BLK = 2000


def _make_sc_phase(src_row, dst_row):
    def body(table_hbm, hyper_hbm, zeros_hbm, out_hbm, hist_hbm,
             src_a, dst_a, src_b, dst_b, b0, b1, b2, hist,
             sg0, sg1, sg2, ss0, ss1, ss2, gsem, acc):
        c = lax.axis_index("c")
        s = lax.axis_index("s")
        w = s * 2 + c
        base = w * PAIRS_PER_W
        bufs = (b0, b1, b2)
        gsems = (sg0, sg1, sg2)
        ssems = (ss0, ss1, ss2)

        def stage(grp, sv, dv):
            pltpu.async_copy(
                hyper_hbm.at[src_row, pl.ds(base + grp * GPAIRS, GPAIRS)], sv, gsem)
            pltpu.async_copy(
                hyper_hbm.at[dst_row, pl.ds(base + grp * GPAIRS, GPAIRS)], dv, gsem)

        def stage_wait(grp, sv, dv):
            pltpu.make_async_copy(
                hyper_hbm.at[src_row, pl.ds(base + grp * GPAIRS, GPAIRS)], sv,
                gsem).wait()
            pltpu.make_async_copy(
                hyper_hbm.at[dst_row, pl.ds(base + grp * GPAIRS, GPAIRS)], dv,
                gsem).wait()

        def ig(ch, p, sv):
            pltpu.async_copy(table_hbm.at[sv.at[pl.ds(ch * CHUNK, CHUNK)]],
                             bufs[p], gsems[p])

        def wg(ch, p, sv):
            pltpu.make_async_copy(table_hbm.at[sv.at[pl.ds(ch * CHUNK, CHUNK)]],
                                  bufs[p], gsems[p]).wait()

        def asc(ch, p, dv):
            pltpu.async_copy(bufs[p], acc.at[dv.at[pl.ds(ch * CHUNK, CHUNK)]],
                             ssems[p], add=True)

        def wsc(ch, p, dv):
            pltpu.make_async_copy(bufs[p], acc.at[dv.at[pl.ds(ch * CHUNK, CHUNK)]],
                                  ssems[p]).wait()

        ones = jnp.ones((LANES,), jnp.float32)

        def hst(ch, dv):
            for q in range(CHUNK // LANES):
                idx = dv[pl.ds(ch * CHUNK + q * LANES, LANES)]
                plsc.addupdate_scatter(hist, [idx], ones)

        stage(0, src_a, dst_a)
        pltpu.sync_copy(zeros_hbm.at[pl.ds(s * ROWS_PER_S, ROWS_PER_S)],
                        acc.at[pl.ds(s * ROWS_PER_S, ROWS_PER_S)])
        zv = jnp.zeros((LANES,), jnp.float32)

        @pl.loop(0, N // LANES)
        def _(i):
            hist[pl.ds(i * LANES, LANES)] = zv

        stage_wait(0, src_a, dst_a)
        ig(0, 0, src_a)
        ig(1, 1, src_a)
        plsc.subcore_barrier()

        for grp in range(GROUPS):
            sv, dv = (src_a, dst_a) if grp % 2 == 0 else (src_b, dst_b)
            nsv, ndv = (src_b, dst_b) if grp % 2 == 0 else (src_a, dst_a)
            if grp + 1 < GROUPS:
                stage(grp + 1, nsv, ndv)

            wg(0, 0, sv)
            asc(0, 0, dv)
            hst(0, dv)
            ig(2, 2, sv)

            @pl.loop(1, GCHUNKS - 2, step=3)
            def _(j, sv=sv, dv=dv):
                wg(j, 1, sv)
                asc(j, 1, dv)
                hst(j, dv)
                wsc(j - 1, 0, dv)
                ig(j + 2, 0, sv)
                wg(j + 1, 2, sv)
                asc(j + 1, 2, dv)
                hst(j + 1, dv)
                wsc(j, 1, dv)

                @pl.when(j <= GCHUNKS - 4)
                def _():
                    ig(j + 3, 1, sv)

                wg(j + 2, 0, sv)
                asc(j + 2, 0, dv)
                hst(j + 2, dv)
                wsc(j + 1, 2, dv)

                @pl.when(j <= GCHUNKS - 5)
                def _():
                    ig(j + 4, 2, sv)

            wsc(GCHUNKS - 1, 0, dv)
            if grp + 1 < GROUPS:
                stage_wait(grp + 1, nsv, ndv)
                ig(0, 0, nsv)
                ig(1, 1, nsv)

        plsc.subcore_barrier()
        pltpu.sync_copy(acc.at[pl.ds(s * ROWS_PER_S, ROWS_PER_S)],
                        out_hbm.at[c, pl.ds(s * ROWS_PER_S, ROWS_PER_S)])
        for i in range(N // ROWS_BLK):
            pltpu.sync_copy(hist.at[pl.ds(i * ROWS_BLK, ROWS_BLK)],
                            hist_hbm.at[i, w])

    return pl.kernel(
        body,
        out_type=(jax.ShapeDtypeStruct((2, N, DIM), jnp.float32),
                  jax.ShapeDtypeStruct((N // ROWS_BLK, NW, ROWS_BLK),
                                       jnp.float32)),
        mesh=plsc.VectorSubcoreMesh(core_axis_name="c", subcore_axis_name="s"),
        scratch_types=[
            pltpu.VMEM((GPAIRS,), jnp.int32),
            pltpu.VMEM((GPAIRS,), jnp.int32),
            pltpu.VMEM((GPAIRS,), jnp.int32),
            pltpu.VMEM((GPAIRS,), jnp.int32),
            pltpu.VMEM((CHUNK, DIM), jnp.float32),
            pltpu.VMEM((CHUNK, DIM), jnp.float32),
            pltpu.VMEM((CHUNK, DIM), jnp.float32),
            pltpu.VMEM((N,), jnp.float32),
            pltpu.SemaphoreType.DMA,
            pltpu.SemaphoreType.DMA,
            pltpu.SemaphoreType.DMA,
            pltpu.SemaphoreType.DMA,
            pltpu.SemaphoreType.DMA,
            pltpu.SemaphoreType.DMA,
            pltpu.SemaphoreType.DMA,
            pltpu.VMEM_SHARED((N, DIM), jnp.float32),
        ],
        compiler_params=pltpu.CompilerParams(use_tc_tiling_on_sc=False,
                                             needs_layout_passes=False),
    )


_sc_phase1 = _make_sc_phase(0, 1)
_sc_phase2 = _make_sc_phase(1, 0)


def _tc_pre_body(e_ref, w_ref, out_ref):
    out_ref[...] = jnp.dot(e_ref[...], w_ref[...],
                           preferred_element_type=jnp.float32)


def _tc_pre(emb, W):
    return pl.pallas_call(
        _tc_pre_body,
        grid=(N // ROWS_BLK,),
        in_specs=[
            pl.BlockSpec((ROWS_BLK, DIM), lambda i: (i, 0)),
            pl.BlockSpec((DIM, DIM), lambda i: (0, 0)),
        ],
        out_specs=pl.BlockSpec((ROWS_BLK, DIM), lambda i: (i, 0)),
        out_shape=jax.ShapeDtypeStruct((N, DIM), jnp.float32),
    )(emb, W)


def _inv_seg(h_ref):
    seg = jnp.sum(h_ref[0], axis=0)
    return jnp.where(seg > 0, 1.0 / seg, 0.0)


def _tc_mid_body(ep_ref, hb_ref, out_ref):
    out_ref[...] = (ep_ref[0] + ep_ref[1]) * _inv_seg(hb_ref)[:, None]


def _tc_mid(e_p, histb):
    return pl.pallas_call(
        _tc_mid_body,
        grid=(N // ROWS_BLK,),
        in_specs=[
            pl.BlockSpec((2, ROWS_BLK, DIM), lambda i: (0, i, 0)),
            pl.BlockSpec((1, NW, ROWS_BLK), lambda i: (i, 0, 0)),
        ],
        out_specs=pl.BlockSpec((ROWS_BLK, DIM), lambda i: (i, 0)),
        out_shape=jax.ShapeDtypeStruct((N, DIM), jnp.float32),
    )(e_p, histb)


def _tc_final_body(op_ref, hd_ref, b_ref, out_ref):
    out_ref[...] = ((op_ref[0] + op_ref[1]) * _inv_seg(hd_ref)[:, None]
                    + b_ref[...])


def _tc_final(out_p, histd, b2d):
    return pl.pallas_call(
        _tc_final_body,
        grid=(N // ROWS_BLK,),
        in_specs=[
            pl.BlockSpec((2, ROWS_BLK, DIM), lambda i: (0, i, 0)),
            pl.BlockSpec((1, NW, ROWS_BLK), lambda i: (i, 0, 0)),
            pl.BlockSpec((1, DIM), lambda i: (0, 0)),
        ],
        out_specs=pl.BlockSpec((ROWS_BLK, DIM), lambda i: (i, 0)),
        out_shape=jax.ShapeDtypeStruct((N, DIM), jnp.float32),
    )(out_p, histd, b2d)


@jax.jit
def kernel(hypergraph, embedding, W, b):
    zeros = jnp.zeros((N, DIM), jnp.float32)

    xa = _tc_pre(embedding, W)
    e_p, histb = _sc_phase1(xa, hypergraph, zeros)
    ea = _tc_mid(e_p, histb)
    out_p, histd = _sc_phase2(ea, hypergraph, zeros)
    return _tc_final(out_p, histd, b.reshape(1, DIM))

# --- scband reference (transcript-rebuilt; emitter-appended) ---
"""Pipeline reference for scband-relation-hgnn-56135222559277 (READ-ONLY COPY).

The authoritative reference and input builder live on the scoring server;
editing this copy changes nothing except your own understanding.
"""

import jax, jax.numpy as jnp
import numpy as np

NUM_NODES = 10000
NUM_HYPEREDGES = 10000
NNZ = 320000
DIM = 128

def setup_inputs(seed: int = 0) -> dict:
    key = jax.random.key(seed)
    k1, k2, k3 = jax.random.split(key, 3)
    hypergraph = jax.random.randint(k1, (2, NNZ), 0, NUM_HYPEREDGES, dtype=jnp.int32)
    # embedding: xavier_normal_ init
    std_e = float(np.sqrt(2.0 / (NUM_NODES + DIM)))
    embedding = jax.random.normal(k2, (NUM_NODES, DIM), dtype=jnp.float32) * std_e
    # HypergraphConv lin weight (glorot), separate bias param (zeros)
    std_w = float(np.sqrt(6.0 / (DIM + DIM)))
    W = jax.random.uniform(k3, (DIM, DIM), dtype=jnp.float32, minval=-std_w, maxval=std_w)
    b = jnp.zeros((DIM,), dtype=jnp.float32)
    return {"hypergraph": hypergraph, "embedding": embedding, "W": W, "b": b}

def reference(hypergraph, embedding, W, b):
    # RelationHGNN.forward: HypergraphConv(embedding.weight, hypergraph); dropout is identity in eval; is_norm=False
    node_idx = hypergraph[0]
    edge_idx = hypergraph[1]
    N = NUM_NODES
    M = NUM_HYPEREDGES
    # x = self.lin(x) (bias=False)
    x = embedding @ W
    # hyperedge_weight defaults to ones
    hw = jnp.ones((M,), dtype=jnp.float32)
    # D: per-node sum of incident hyperedge weights, then inverse with inf->0
    D = jax.ops.segment_sum(hw[edge_idx], node_idx, num_segments=N)
    Dinv = jnp.where(D > 0, 1.0 / D, 0.0)
    # B: per-hyperedge cardinality, then inverse with inf->0
    Bdeg = jax.ops.segment_sum(jnp.ones((NNZ,), dtype=jnp.float32), edge_idx, num_segments=M)
    Binv = jnp.where(Bdeg > 0, 1.0 / Bdeg, 0.0)
    # propagate node -> hyperedge: message = B[dst] * x[src], sum-aggregate
    m1 = Binv[edge_idx][:, None] * x[node_idx]
    e = jax.ops.segment_sum(m1, edge_idx, num_segments=M)
    # propagate hyperedge -> node: message = D[dst] * e[src], sum-aggregate
    m2 = Dinv[node_idx][:, None] * e[edge_idx]
    out = jax.ops.segment_sum(m2, node_idx, num_segments=N)
    out = out + b
    return out

if __name__ == "__main__":
    import jax
    _d = setup_inputs()
    print(jax.jit(kernel)(*tuple(_d.values())))

</pallas_src>

<mosaic_0001>
#map = affine_map<(d0, d1) -> (0, 0)>
#map1 = affine_map<(d0, d1) -> (0, 0, 0)>
module attributes {stable_mosaic.version = 14 : i64} {
  func.func @body(%arg0: i32, %arg1: i32, %arg2: memref<10000x128xf32, #tpu.memory_space<hbm>>, %arg3: memref<2x320000xi32, #tpu.memory_space<hbm>>, %arg4: memref<10000x128xf32, #tpu.memory_space<hbm>>, %arg5: memref<2x10000x128xf32, #tpu.memory_space<hbm>>, %arg6: memref<5x32x2000xf32, #tpu.memory_space<hbm>>, %arg7: memref<2000xi32, #tpu.memory_space<vmem>>, %arg8: memref<2000xi32, #tpu.memory_space<vmem>>, %arg9: memref<2000xi32, #tpu.memory_space<vmem>>, %arg10: memref<2000xi32, #tpu.memory_space<vmem>>, %arg11: memref<80x128xf32, #tpu.memory_space<vmem>>, %arg12: memref<80x128xf32, #tpu.memory_space<vmem>>, %arg13: memref<80x128xf32, #tpu.memory_space<vmem>>, %arg14: memref<10000xf32, #tpu.memory_space<vmem>>, %arg15: memref<!tpu.dma_semaphore, #tpu.memory_space<semaphore_mem>>, %arg16: memref<!tpu.dma_semaphore, #tpu.memory_space<semaphore_mem>>, %arg17: memref<!tpu.dma_semaphore, #tpu.memory_space<semaphore_mem>>, %arg18: memref<!tpu.dma_semaphore, #tpu.memory_space<semaphore_mem>>, %arg19: memref<!tpu.dma_semaphore, #tpu.memory_space<semaphore_mem>>, %arg20: memref<!tpu.dma_semaphore, #tpu.memory_space<semaphore_mem>>, %arg21: memref<!tpu.dma_semaphore, #tpu.memory_space<semaphore_mem>>, %arg22: memref<10000x128xf32, #tpu.memory_space<vmem_shared>>) attributes {dimension_semantics = [#tpu.dimension_semantics<core_parallel>, #tpu.dimension_semantics<subcore_parallel>], iteration_bounds = array<i64: 2, 16>, scalar_prefetch = 0 : i64, scratch_operands = 16 : i64, tpu.core_type = #tpu.core_type<sc_vector_subcore>, window_params = [{transform_indices = #map}, {transform_indices = #map}, {transform_indices = #map}, {transform_indices = #map1}, {transform_indices = #map1}]} {
    %mul3A = arith.constant 2 : i32
    %mul3A_0 = arith.muli %arg1, %mul3A : i32
    %add3A = arith.addi %mul3A_0, %arg0 : i32
    %mul3A_1 = arith.constant 10000 : i32
    %mul3A_2 = arith.muli %add3A, %mul3A_1 : i32
    %broadcast_in_dim3A = arith.constant 1.000000e+00 : f32
    %broadcast_in_dim3A_3 = vector.broadcast %broadcast_in_dim3A : f32 to vector<16xf32>
    %add3A_4 = arith.constant 0 : i32
    %add3A_5 = arith.addi %mul3A_2, %add3A_4 : i32
    %dma_start3A = arith.constant 0 : i32
    %dma_start3A_6 = tpu.memref_slice %arg3[%dma_start3A, %add3A_5] : memref<2x320000xi32, #tpu.memory_space<hbm>> -> memref<1x2000xi32, #tpu.memory_space<hbm>>
    %dma_start3A_7 = tpu.memref_squeeze %dma_start3A_6 : memref<1x2000xi32, #tpu.memory_space<hbm>> -> memref<2000xi32, #tpu.memory_space<hbm>>
    %dma_start3A_8 = tpu.memref_slice %arg3[%dma_start3A, %add3A_5] : memref<2x320000xi32, #tpu.memory_space<hbm>> -> memref<1x2000xi32, #tpu.memory_space<hbm>>
    %dma_start3A_9 = tpu.memref_squeeze %dma_start3A_8 : memref<1x2000xi32, #tpu.memory_space<hbm>> -> memref<2000xi32, #tpu.memory_space<hbm>>
    tpu.enqueue_dma source(%dma_start3A_9 : memref<2000xi32, #tpu.memory_space<hbm>>) target(%arg7 : memref<2000xi32, #tpu.memory_space<vmem>>) target_semaphore(%arg21 : memref<!tpu.dma_semaphore, #tpu.memory_space<semaphore_mem>>)
    %add3A_10 = arith.constant 0 : i32
    %add3A_11 = arith.addi %mul3A_2, %add3A_10 : i32
    %dma_start3A_12 = arith.constant 1 : i32
    %dma_start3A_13 = tpu.memref_slice %arg3[%dma_start3A_12, %add3A_11] : memref<2x320000xi32, #tpu.memory_space<hbm>> -> memref<1x2000xi32, #tpu.memory_space<hbm>>
    %dma_start3A_14 = tpu.memref_squeeze %dma_start3A_13 : memref<1x2000xi32, #tpu.memory_space<hbm>> -> memref<2000xi32, #tpu.memory_space<hbm>>
    %dma_start3A_15 = tpu.memref_slice %arg3[%dma_start3A_12, %add3A_11] : memref<2x320000xi32, #tpu.memory_space<hbm>> -> memref<1x2000xi32, #tpu.memory_space<hbm>>
    %dma_start3A_16 = tpu.memref_squeeze %dma_start3A_15 : memref<1x2000xi32, #tpu.memory_space<hbm>> -> memref<2000xi32, #tpu.memory_space<hbm>>
    tpu.enqueue_dma source(%dma_start3A_16 : memref<2000xi32, #tpu.memory_space<hbm>>) target(%arg8 : memref<2000xi32, #tpu.memory_space<vmem>>) target_semaphore(%arg21 : memref<!tpu.dma_semaphore, #tpu.memory_space<semaphore_mem>>)
    %mul3A_17 = arith.constant 625 : i32
    %mul3A_18 = arith.muli %arg1, %mul3A_17 : i32
    %mul3A_19 = arith.constant 625 : i32
    %mul3A_20 = arith.muli %arg1, %mul3A_19 : i32
    "tpu.region"() ({
      %run_scoped3A_385 = tpu.sem_alloc : memref<!tpu.dma_semaphore, #tpu.memory_space<semaphore_mem>>
      %dma_start3A_386 = arith.constant 0 : i32
      %dma_start3A_387 = tpu.memref_slice %arg22[%mul3A_20, %dma_start3A_386] : memref<10000x128xf32, #tpu.memory_space<vmem_shared>> -> memref<625x128xf32, #tpu.memory_space<vmem_shared>>
      %dma_start3A_388 = arith.constant 0 : i32
      %dma_start3A_389 = tpu.memref_slice %arg4[%mul3A_18, %dma_start3A_388] : memref<10000x128xf32, #tpu.memory_space<hbm>> -> memref<625x128xf32, #tpu.memory_space<hbm>>
      tpu.enqueue_dma source(%dma_start3A_389 : memref<625x128xf32, #tpu.memory_space<hbm>>) target(%dma_start3A_387 : memref<625x128xf32, #tpu.memory_space<vmem_shared>>) target_semaphore(%run_scoped3A_385 : memref<!tpu.dma_semaphore, #tpu.memory_space<semaphore_mem>>)
      %dma_wait3A_390 = arith.constant 0 : i32
      %dma_wait3A_391 = tpu.memref_slice %arg22[%mul3A_20, %dma_wait3A_390] : memref<10000x128xf32, #tpu.memory_space<vmem_shared>> -> memref<625x128xf32, #tpu.memory_space<vmem_shared>>
      %dma_wait3A_392 = arith.constant 0 : i32
      %dma_wait3A_393 = tpu.memref_slice %arg4[%mul3A_18, %dma_wait3A_392] : memref<10000x128xf32, #tpu.memory_space<hbm>> -> memref<625x128xf32, #tpu.memory_space<hbm>>
      tpu.wait_dma2 semaphore(%run_scoped3A_385 : memref<!tpu.dma_semaphore, #tpu.memory_space<semaphore_mem>>) src(%dma_wait3A_393 : memref<625x128xf32, #tpu.memory_space<hbm>>) dst(%dma_wait3A_391 : memref<625x128xf32, #tpu.memory_space<vmem_shared>>)
      tpu.yield
    }) : () -> ()
    %broadcast_in_dim3A_21 = arith.constant 0.000000e+00 : f32
    %broadcast_in_dim3A_22 = vector.broadcast %broadcast_in_dim3A_21 : f32 to vector<16xf32>
    %scan3A = arith.constant 0 : i32
    %scan3A_23 = arith.constant 625 : i32
    %scan3A_24 = arith.addi %scan3A, %scan3A_23 : i32
    %scan3A_25 = arith.constant 1 : i32
    scf.for %scan3A_385 = %scan3A to %scan3A_24 step %scan3A_25  : i32 {
      %mul3A_386 = arith.constant 1 : i32
      %mul3A_387 = arith.muli %scan3A_385, %mul3A_386 : i32
      %add3A_388 = arith.constant 0 : i32
      %add3A_389 = arith.addi %add3A_388, %mul3A_387 : i32
      %mul3A_390 = arith.constant 16 : i32
      %mul3A_391 = arith.muli %add3A_389, %mul3A_390 : i32
      %swap3A = arith.index_cast %mul3A_391 : i32 to index
      %swap3A_392 = tpu.vector_load %arg14[%swap3A] {strides = array<i32>} : memref<10000xf32, #tpu.memory_space<vmem>>, vector<16xf32>,
      tpu.vector_store %arg14[%swap3A], %broadcast_in_dim3A_22 {strides = array<i32>} : memref<10000xf32, #tpu.memory_space<vmem>>, vector<16xf32>,
    }
    %scan3A_26 = arith.constant 625 : i32
    %add3A_27 = arith.constant 0 : i32
    %add3A_28 = arith.addi %mul3A_2, %add3A_27 : i32
    %dma_wait3A = arith.constant 0 : i32
    %dma_wait3A_29 = tpu.memref_slice %arg3[%dma_wait3A, %add3A_28] : memref<2x320000xi32, #tpu.memory_space<hbm>> -> memref<1x2000xi32, #tpu.memory_space<hbm>>
    %dma_wait3A_30 = tpu.memref_squeeze %dma_wait3A_29 : memref<1x2000xi32, #tpu.memory_space<hbm>> -> memref<2000xi32, #tpu.memory_space<hbm>>
    %dma_wait3A_31 = tpu.memref_slice %arg3[%dma_wait3A, %add3A_28] : memref<2x320000xi32, #tpu.memory_space<hbm>> -> memref<1x2000xi32, #tpu.memory_space<hbm>>
    %dma_wait3A_32 = tpu.memref_squeeze %dma_wait3A_31 : memref<1x2000xi32, #tpu.memory_space<hbm>> -> memref<2000xi32, #tpu.memory_space<hbm>>
    tpu.wait_dma2 semaphore(%arg21 : memref<!tpu.dma_semaphore, #tpu.memory_space<semaphore_mem>>) src(%dma_wait3A_32 : memref<2000xi32, #tpu.memory_space<hbm>>) dst(%arg7 : memref<2000xi32, #tpu.memory_space<vmem>>)
    %add3A_33 = arith.constant 0 : i32
    %add3A_34 = arith.addi %mul3A_2, %add3A_33 : i32
    %dma_wait3A_35 = arith.constant 1 : i32
    %dma_wait3A_36 = tpu.memref_slice %arg3[%dma_wait3A_35, %add3A_34] : memref<2x320000xi32, #tpu.memory_space<hbm>> -> memref<1x2000xi32, #tpu.memory_space<hbm>>
    %dma_wait3A_37 = tpu.memref_squeeze %dma_wait3A_36 : memref<1x2000xi32, #tpu.memory_space<hbm>> -> memref<2000xi32, #tpu.memory_space<hbm>>
    %dma_wait3A_38 = tpu.memref_slice %arg3[%dma_wait3A_35, %add3A_34] : memref<2x320000xi32, #tpu.memory_space<hbm>> -> memref<1x2000xi32, #tpu.memory_space<hbm>>
    %dma_wait3A_39 = tpu.memref_squeeze %dma_wait3A_38 : memref<1x2000xi32, #tpu.memory_space<hbm>> -> memref<2000xi32, #tpu.memory_space<hbm>>
    tpu.wait_dma2 semaphore(%arg21 : memref<!tpu.dma_semaphore, #tpu.memory_space<semaphore_mem>>) src(%dma_wait3A_39 : memref<2000xi32, #tpu.memory_space<hbm>>) dst(%arg8 : memref<2000xi32, #tpu.memory_space<vmem>>)
    %dma_start3A_40 = arith.constant 0 : i32
    %dma_start3A_41 = tpu.memref_slice %arg7[%dma_start3A_40] : memref<2000xi32, #tpu.memory_space<vmem>> -> memref<80xi32, #tpu.memory_space<vmem>>
    %dma_start3A_42 = arith.constant 0 : i32
    %dma_start3A_43 = arith.constant 0 : i32
    %dma_start3A_44 = tpu.memref_slice %arg2[%dma_start3A_42, %dma_start3A_43] : memref<10000x128xf32, #tpu.memory_space<hbm>> -> memref<10000x128xf32, #tpu.memory_space<hbm>>
    tpu.enqueue_indirect_dma source(%dma_start3A_44 : memref<10000x128xf32, #tpu.memory_space<hbm>>) target(%arg11 : memref<80x128xf32, #tpu.memory_space<vmem>>) offsets(%dma_start3A_41 : memref<80xi32, #tpu.memory_space<vmem>>) semaphore(%arg15 : memref<!tpu.dma_semaphore, #tpu.memory_space<semaphore_mem>>)
    %dma_start3A_45 = arith.constant 80 : i32
    %dma_start3A_46 = tpu.memref_slice %arg7[%dma_start3A_45] : memref<2000xi32, #tpu.memory_space<vmem>> -> memref<80xi32, #tpu.memory_space<vmem>>
    %dma_start3A_47 = arith.constant 0 : i32
    %dma_start3A_48 = arith.constant 0 : i32
    %dma_start3A_49 = tpu.memref_slice %arg2[%dma_start3A_47, %dma_start3A_48] : memref<10000x128xf32, #tpu.memory_space<hbm>> -> memref<10000x128xf32, #tpu.memory_space<hbm>>
    tpu.enqueue_indirect_dma source(%dma_start3A_49 : memref<10000x128xf32, #tpu.memory_space<hbm>>) target(%arg12 : memref<80x128xf32, #tpu.memory_space<vmem>>) offsets(%dma_start3A_46 : memref<80xi32, #tpu.memory_space<vmem>>) semaphore(%arg16 : memref<!tpu.dma_semaphore, #tpu.memory_space<semaphore_mem>>)
    %barrier3A = arith.constant 0 : index
    tpu.barrier barrier_id(%barrier3A)
    %add3A_50 = arith.constant 2000 : i32
    %add3A_51 = arith.addi %mul3A_2, %add3A_50 : i32
    %dma_start3A_52 = arith.constant 0 : i32
    %dma_start3A_53 = tpu.memref_slice %arg3[%dma_start3A_52, %add3A_51] : memref<2x320000xi32, #tpu.memory_space<hbm>> -> memref<1x2000xi32, #tpu.memory_space<hbm>>
    %dma_start3A_54 = tpu.memref_squeeze %dma_start3A_53 : memref<1x2000xi32, #tpu.memory_space<hbm>> -> memref<2000xi32, #tpu.memory_space<hbm>>
    %dma_start3A_55 = tpu.memref_slice %arg3[%dma_start3A_52, %add3A_51] : memref<2x320000xi32, #tpu.memory_space<hbm>> -> memref<1x2000xi32, #tpu.memory_space<hbm>>
    %dma_start3A_56 = tpu.memref_squeeze %dma_start3A_55 : memref<1x2000xi32, #tpu.memory_space<hbm>> -> memref<2000xi32, #tpu.memory_space<hbm>>
    tpu.enqueue_dma source(%dma_start3A_56 : memref<2000xi32, #tpu.memory_space<hbm>>) target(%arg9 : memref<2000xi32, #tpu.memory_space<vmem>>) target_semaphore(%arg21 : memref<!tpu.dma_semaphore, #tpu.memory_space<semaphore_mem>>)
    %add3A_57 = arith.constant 2000 : i32
    %add3A_58 = arith.addi %mul3A_2, %add3A_57 : i32
    %dma_start3A_59 = arith.constant 1 : i32
    %dma_start3A_60 = tpu.memref_slice %arg3[%dma_start3A_59, %add3A_58] : memref<2x320000xi32, #tpu.memory_space<hbm>> -> memref<1x2000xi32, #tpu.memory_space<hbm>>
    %dma_start3A_61 = tpu.memref_squeeze %dma_start3A_60 : memref<1x2000xi32, #tpu.memory_space<hbm>> -> memref<2000xi32, #tpu.memory_space<hbm>>
    %dma_start3A_62 = tpu.memref_slice %arg3[%dma_start3A_59, %add3A_58] : memref<2x320000xi32, #tpu.memory_space<hbm>> -> memref<1x2000xi32, #tpu.memory_space<hbm>>
    %dma_start3A_63 = tpu.memref_squeeze %dma_start3A_62 : memref<1x2000xi32, #tpu.memory_space<hbm>> -> memref<2000xi32, #tpu.memory_space<hbm>>
    tpu.enqueue_dma source(%dma_start3A_63 : memref<2000xi32, #tpu.memory_space<hbm>>) target(%arg10 : memref<2000xi32, #tpu.memory_space<vmem>>) target_semaphore(%arg21 : memref<!tpu.dma_semaphore, #tpu.memory_space<semaphore_mem>>)
    %dma_wait3A_64 = arith.constant 0 : i32
    %dma_wait3A_65 = tpu.memref_slice %arg7[%dma_wait3A_64] : memref<2000xi32, #tpu.memory_space<vmem>> -> memref<80xi32, #tpu.memory_space<vmem>>
    %dma_wait3A_66 = arith.constant 0 : i32
    %dma_wait3A_67 = arith.constant 0 : i32
    %dma_wait3A_68 = tpu.memref_slice %arg2[%dma_wait3A_66, %dma_wait3A_67] : memref<10000x128xf32, #tpu.memory_space<hbm>> -> memref<10000x128xf32, #tpu.memory_space<hbm>>
    tpu.wait_indirect_dma semaphore(%arg15 : memref<!tpu.dma_semaphore, #tpu.memory_space<semaphore_mem>>) src(%dma_wait3A_68 : memref<10000x128xf32, #tpu.memory_space<hbm>>) dst(%arg11 : memref<80x128xf32, #tpu.memory_space<vmem>>)
    %dma_start3A_69 = arith.constant 0 : i32
    %dma_start3A_70 = tpu.memref_slice %arg8[%dma_start3A_69] : memref<2000xi32, #tpu.memory_space<vmem>> -> memref<80xi32, #tpu.memory_space<vmem>>
    %dma_start3A_71 = arith.constant 0 : i32
    %dma_start3A_72 = arith.constant 0 : i32
    %dma_start3A_73 = tpu.memref_slice %arg22[%dma_start3A_71, %dma_start3A_72] : memref<10000x128xf32, #tpu.memory_space<vmem_shared>> -> memref<10000x128xf32, #tpu.memory_space<vmem_shared>>
    tpu.enqueue_indirect_dma source(%arg11 : memref<80x128xf32, #tpu.memory_space<vmem>>) target(%dma_start3A_73 : memref<10000x128xf32, #tpu.memory_space<vmem_shared>>) offsets(%dma_start3A_70 : memref<80xi32, #tpu.memory_space<vmem>>) semaphore(%arg18 : memref<!tpu.dma_semaphore, #tpu.memory_space<semaphore_mem>>) {add = true}
    %get3A = arith.constant 0 : index
    %get3A_74 = tpu.vector_load %arg8[%get3A] {strides = array<i32>} : memref<2000xi32, #tpu.memory_space<vmem>>, vector<16xi32>,
    tpu.vector_store_idx %arg14[%get3A_74], %broadcast_in_dim3A_3 {add = true} : memref<10000xf32, #tpu.memory_space<vmem>>[vector<16xi32>], vector<16xf32>,
    %get3A_75 = arith.constant 16 : index
    %get3A_76 = tpu.vector_load %arg8[%get3A_75] {strides = array<i32>} : memref<2000xi32, #tpu.memory_space<vmem>>, vector<16xi32>,
    tpu.vector_store_idx %arg14[%get3A_76], %broadcast_in_dim3A_3 {add = true} : memref<10000xf32, #tpu.memory_space<vmem>>[vector<16xi32>], vector<16xf32>,
    %get3A_77 = arith.constant 32 : index
    %get3A_78 = tpu.vector_load %arg8[%get3A_77] {strides = array<i32>} : memref<2000xi32, #tpu.memory_space<vmem>>, vector<16xi32>,
    tpu.vector_store_idx %arg14[%get3A_78], %broadcast_in_dim3A_3 {add = true} : memref<10000xf32, #tpu.memory_space<vmem>>[vector<16xi32>], vector<16xf32>,
    %get3A_79 = arith.constant 48 : index
    %get3A_80 = tpu.vector_load %arg8[%get3A_79] {strides = array<i32>} : memref<2000xi32, #tpu.memory_space<vmem>>, vector<16xi32>,
    tpu.vector_store_idx %arg14[%get3A_80], %broadcast_in_dim3A_3 {add = true} : memref<10000xf32, #tpu.memory_space<vmem>>[vector<16xi32>], vector<16xf32>,
    %get3A_81 = arith.constant 64 : index
    %get3A_82 = tpu.vector_load %arg8[%get3A_81] {strides = array<i32>} : memref<2000xi32, #tpu.memory_space<vmem>>, vector<16xi32>,
    tpu.vector_store_idx %arg14[%get3A_82], %broadcast_in_dim3A_3 {add = true} : memref<10000xf32, #tpu.memory_space<vmem>>[vector<16xi32>], vector<16xf32>,
    %dma_start3A_83 = arith.constant 160 : i32
    %dma_start3A_84 = tpu.memref_slice %arg7[%dma_start3A_83] : memref<2000xi32, #tpu.memory_space<vmem>> -> memref<80xi32, #tpu.memory_space<vmem>>
    %dma_start3A_85 = arith.constant 0 : i32
    %dma_start3A_86 = arith.constant 0 : i32
    %dma_start3A_87 = tpu.memref_slice %arg2[%dma_start3A_85, %dma_start3A_86] : memref<10000x128xf32, #tpu.memory_space<hbm>> -> memref<10000x128xf32, #tpu.memory_space<hbm>>
    tpu.enqueue_indirect_dma source(%dma_start3A_87 : memref<10000x128xf32, #tpu.memory_space<hbm>>) target(%arg13 : memref<80x128xf32, #tpu.memory_space<vmem>>) offsets(%dma_start3A_84 : memref<80xi32, #tpu.memory_space<vmem>>) semaphore(%arg17 : memref<!tpu.dma_semaphore, #tpu.memory_space<semaphore_mem>>)
    %scan3A_88 = arith.constant 0 : i32
    %scan3A_89 = arith.constant 8 : i32
    %scan3A_90 = arith.addi %scan3A_88, %scan3A_89 : i32
    %scan3A_91 = arith.constant 1 : i32
    scf.for %scan3A_385 = %scan3A_88 to %scan3A_90 step %scan3A_91  : i32 {
      %mul3A_386 = arith.constant 3 : i32
      %mul3A_387 = arith.muli %scan3A_385, %mul3A_386 : i32
      %add3A_388 = arith.constant 1 : i32
      %add3A_389 = arith.addi %add3A_388, %mul3A_387 : i32
      %mul3A_390 = arith.constant 80 : i32
      %mul3A_391 = arith.muli %add3A_389, %mul3A_390 : i32
      %dma_wait3A_392 = tpu.memref_slice %arg7[%mul3A_391] : memref<2000xi32, #tpu.memory_space<vmem>> -> memref<80xi32, #tpu.memory_space<vmem>>
      %dma_wait3A_393 = arith.constant 0 : i32
      %dma_wait3A_394 = arith.constant 0 : i32
      %dma_wait3A_395 = tpu.memref_slice %arg2[%dma_wait3A_393, %dma_wait3A_394] : memref<10000x128xf32, #tpu.memory_space<hbm>> -> memref<10000x128xf32, #tpu.memory_space<hbm>>
      tpu.wait_indirect_dma semaphore(%arg16 : memref<!tpu.dma_semaphore, #tpu.memory_space<semaphore_mem>>) src(%dma_wait3A_395 : memref<10000x128xf32, #tpu.memory_space<hbm>>) dst(%arg12 : memref<80x128xf32, #tpu.memory_space<vmem>>)
      %mul3A_396 = arith.constant 80 : i32
      %mul3A_397 = arith.muli %add3A_389, %mul3A_396 : i32
      %dma_start3A_398 = tpu.memref_slice %arg8[%mul3A_397] : memref<2000xi32, #tpu.memory_space<vmem>> -> memref<80xi32, #tpu.memory_space<vmem>>
      %dma_start3A_399 = arith.constant 0 : i32
      %dma_start3A_400 = arith.constant 0 : i32
      %dma_start3A_401 = tpu.memref_slice %arg22[%dma_start3A_399, %dma_start3A_400] : memref<10000x128xf32, #tpu.memory_space<vmem_shared>> -> memref<10000x128xf32, #tpu.memory_space<vmem_shared>>
      tpu.enqueue_indirect_dma source(%arg12 : memref<80x128xf32, #tpu.memory_space<vmem>>) target(%dma_start3A_401 : memref<10000x128xf32, #tpu.memory_space<vmem_shared>>) offsets(%dma_start3A_398 : memref<80xi32, #tpu.memory_space<vmem>>) semaphore(%arg19 : memref<!tpu.dma_semaphore, #tpu.memory_space<semaphore_mem>>) {add = true}
      %mul3A_402 = arith.constant 80 : i32
      %mul3A_403 = arith.muli %add3A_389, %mul3A_402 : i32
      %add3A_404 = arith.constant 0 : i32
      %add3A_405 = arith.addi %mul3A_403, %add3A_404 : i32
      %get3A_406 = arith.index_cast %add3A_405 : i32 to index
      %get3A_407 = tpu.vector_load %arg8[%get3A_406] {strides = array<i32>} : memref<2000xi32, #tpu.memory_space<vmem>>, vector<16xi32>,
      tpu.vector_store_idx %arg14[%get3A_407], %broadcast_in_dim3A_3 {add = true} : memref<10000xf32, #tpu.memory_space<vmem>>[vector<16xi32>], vector<16xf32>,
      %mul3A_408 = arith.constant 80 : i32
      %mul3A_409 = arith.muli %add3A_389, %mul3A_408 : i32
      %add3A_410 = arith.constant 16 : i32
      %add3A_411 = arith.addi %mul3A_409, %add3A_410 : i32
      %get3A_412 = arith.index_cast %add3A_411 : i32 to index
      %get3A_413 = tpu.vector_load %arg8[%get3A_412] {strides = array<i32>} : memref<2000xi32, #tpu.memory_space<vmem>>, vector<16xi32>,
      tpu.vector_store_idx %arg14[%get3A_413], %broadcast_in_dim3A_3 {add = true} : memref<10000xf32, #tpu.memory_space<vmem>>[vector<16xi32>], vector<16xf32>,
      %mul3A_414 = arith.constant 80 : i32
      %mul3A_415 = arith.muli %add3A_389, %mul3A_414 : i32
      %add3A_416 = arith.constant 32 : i32
      %add3A_417 = arith.addi %mul3A_415, %add3A_416 : i32
      %get3A_418 = arith.index_cast %add3A_417 : i32 to index
      %get3A_419 = tpu.vector_load %arg8[%get3A_418] {strides = array<i32>} : memref<2000xi32, #tpu.memory_space<vmem>>, vector<16xi32>,
      tpu.vector_store_idx %arg14[%get3A_419], %broadcast_in_dim3A_3 {add = true} : memref<10000xf32, #tpu.memory_space<vmem>>[vector<16xi32>], vector<16xf32>,
      %mul3A_420 = arith.constant 80 : i32
      %mul3A_421 = arith.muli %add3A_389, %mul3A_420 : i32
      %add3A_422 = arith.constant 48 : i32
      %add3A_423 = arith.addi %mul3A_421, %add3A_422 : i32
      %get3A_424 = arith.index_cast %add3A_423 : i32 to index
      %get3A_425 = tpu.vector_load %arg8[%get3A_424] {strides = array<i32>} : memref<2000xi32, #tpu.memory_space<vmem>>, vector<16xi32>,
      tpu.vector_store_idx %arg14[%get3A_425], %broadcast_in_dim3A_3 {add = true} : memref<10000xf32, #tpu.memory_space<vmem>>[vector<16xi32>], vector<16xf32>,
      %mul3A_426 = arith.constant 80 : i32
      %mul3A_427 = arith.muli %add3A_389, %mul3A_426 : i32
      %add3A_428 = arith.constant 64 : i32
      %add3A_429 = arith.addi %mul3A_427, %add3A_428 : i32
      %get3A_430 = arith.index_cast %add3A_429 : i32 to index
      %get3A_431 = tpu.vector_load %arg8[%get3A_430] {strides = array<i32>} : memref<2000xi32, #tpu.memory_space<vmem>>, vector<16xi32>,
      tpu.vector_store_idx %arg14[%get3A_431], %broadcast_in_dim3A_3 {add = true} : memref<10000xf32, #tpu.memory_space<vmem>>[vector<16xi32>], vector<16xf32>,
      %sub3A = arith.constant 1 : i32
      %sub3A_432 = arith.subi %add3A_389, %sub3A : i32
      %mul3A_433 = arith.constant 80 : i32
      %mul3A_434 = arith.muli %sub3A_432, %mul3A_433 : i32
      %dma_wait3A_435 = tpu.memref_slice %arg8[%mul3A_434] : memref<2000xi32, #tpu.memory_space<vmem>> -> memref<80xi32, #tpu.memory_space<vmem>>
      %dma_wait3A_436 = arith.constant 0 : i32
      %dma_wait3A_437 = arith.constant 0 : i32
      %dma_wait3A_438 = tpu.memref_slice %arg22[%dma_wait3A_436, %dma_wait3A_437] : memref<10000x128xf32, #tpu.memory_space<vmem_shared>> -> memref<10000x128xf32, #tpu.memory_space<vmem_shared>>
      tpu.wait_indirect_dma semaphore(%arg18 : memref<!tpu.dma_semaphore, #tpu.memory_space<semaphore_mem>>) src(%arg11 : memref<80x128xf32, #tpu.memory_space<vmem>>) dst(%dma_wait3A_438 : memref<10000x128xf32, #tpu.memory_space<vmem_shared>>)
      %add3A_439 = arith.constant 2 : i32
      %add3A_440 = arith.addi %add3A_389, %add3A_439 : i32
      %mul3A_441 = arith.constant 80 : i32
      %mul3A_442 = arith.muli %add3A_440, %mul3A_441 : i32
      %dma_start3A_443 = tpu.memref_slice %arg7[%mul3A_442] : memref<2000xi32, #tpu.memory_space<vmem>> -> memref<80xi32, #tpu.memory_space<vmem>>
      %dma_start3A_444 = arith.constant 0 : i32
      %dma_start3A_445 = arith.constant 0 : i32
      %dma_start3A_446 = tpu.memref_slice %arg2[%dma_start3A_444, %dma_start3A_445] : memref<10000x128xf32, #tpu.memory_space<hbm>> -> memref<10000x128xf32, #tpu.memory_space<hbm>>
      tpu.enqueue_indirect_dma source(%dma_start3A_446 : memref<10000x128xf32, #tpu.memory_space<hbm>>) target(%arg11 : memref<80x128xf32, #tpu.memory_space<vmem>>) offsets(%dma_start3A_443 : memref<80xi32, #tpu.memory_space<vmem>>) semaphore(%arg15 : memref<!tpu.dma_semaphore, #tpu.memory_space<semaphore_mem>>)
      %add3A_447 = arith.constant 1 : i32
      %add3A_448 = arith.addi %add3A_389, %add3A_447 : i32
      %mul3A_449 = arith.constant 80 : i32
      %mul3A_450 = arith.muli %add3A_448, %mul3A_449 : i32
      %dma_wait3A_451 = tpu.memref_slice %arg7[%mul3A_450] : memref<2000xi32, #tpu.memory_space<vmem>> -> memref<80xi32, #tpu.memory_space<vmem>>
      %dma_wait3A_452 = arith.constant 0 : i32
      %dma_wait3A_453 = arith.constant 0 : i32
      %dma_wait3A_454 = tpu.memref_slice %arg2[%dma_wait3A_452, %dma_wait3A_453] : memref<10000x128xf32, #tpu.memory_space<hbm>> -> memref<10000x128xf32, #tpu.memory_space<hbm>>
      tpu.wait_indirect_dma semaphore(%arg17 : memref<!tpu.dma_semaphore, #tpu.memory_space<semaphore_mem>>) src(%dma_wait3A_454 : memref<10000x128xf32, #tpu.memory_space<hbm>>) dst(%arg13 : memref<80x128xf32, #tpu.memory_space<vmem>>)
      %add3A_455 = arith.constant 1 : i32
      %add3A_456 = arith.addi %add3A_389, %add3A_455 : i32
      %mul3A_457 = arith.constant 80 : i32
      %mul3A_458 = arith.muli %add3A_456, %mul3A_457 : i32
      %dma_start3A_459 = tpu.memref_slice %arg8[%mul3A_458] : memref<2000xi32, #tpu.memory_space<vmem>> -> memref<80xi32, #tpu.memory_space<vmem>>
      %dma_start3A_460 = arith.constant 0 : i32
      %dma_start3A_461 = arith.constant 0 : i32
      %dma_start3A_462 = tpu.memref_slice %arg22[%dma_start3A_460, %dma_start3A_461] : memref<10000x128xf32, #tpu.memory_space<vmem_shared>> -> memref<10000x128xf32, #tpu.memory_space<vmem_shared>>
      tpu.enqueue_indirect_dma source(%arg13 : memref<80x128xf32, #tpu.memory_space<vmem>>) target(%dma_start3A_462 : memref<10000x128xf32, #tpu.memory_space<vmem_shared>>) offsets(%dma_start3A_459 : memref<80xi32, #tpu.memory_space<vmem>>) semaphore(%arg20 : memref<!tpu.dma_semaphore, #tpu.memory_space<semaphore_mem>>) {add = true}
      %add3A_463 = arith.constant 1 : i32
      %add3A_464 = arith.addi %add3A_389, %add3A_463 : i32
      %mul3A_465 = arith.constant 80 : i32
      %mul3A_466 = arith.muli %add3A_464, %mul3A_465 : i32
      %add3A_467 = arith.constant 0 : i32
      %add3A_468 = arith.addi %mul3A_466, %add3A_467 : i32
      %get3A_469 = arith.index_cast %add3A_468 : i32 to index
      %get3A_470 = tpu.vector_load %arg8[%get3A_469] {strides = array<i32>} : memref<2000xi32, #tpu.memory_space<vmem>>, vector<16xi32>,
      tpu.vector_store_idx %arg14[%get3A_470], %broadcast_in_dim3A_3 {add = true} : memref<10000xf32, #tpu.memory_space<vmem>>[vector<16xi32>], vector<16xf32>,
      %mul3A_471 = arith.constant 80 : i32
      %mul3A_472 = arith.muli %add3A_464, %mul3A_471 : i32
      %add3A_473 = arith.constant 16 : i32
      %add3A_474 = arith.addi %mul3A_472, %add3A_473 : i32
      %get3A_475 = arith.index_cast %add3A_474 : i32 to index
      %get3A_476 = tpu.vector_load %arg8[%get3A_475] {strides = array<i32>} : memref<2000xi32, #tpu.memory_space<vmem>>, vector<16xi32>,
      tpu.vector_store_idx %arg14[%get3A_476], %broadcast_in_dim3A_3 {add = true} : memref<10000xf32, #tpu.memory_space<vmem>>[vector<16xi32>], vector<16xf32>,
      %mul3A_477 = arith.constant 80 : i32
      %mul3A_478 = arith.muli %add3A_464, %mul3A_477 : i32
      %add3A_479 = arith.constant 32 : i32
      %add3A_480 = arith.addi %mul3A_478, %add3A_479 : i32
      %get3A_481 = arith.index_cast %add3A_480 : i32 to index
      %get3A_482 = tpu.vector_load %arg8[%get3A_481] {strides = array<i32>} : memref<2000xi32, #tpu.memory_space<vmem>>, vector<16xi32>,
      tpu.vector_store_idx %arg14[%get3A_482], %broadcast_in_dim3A_3 {add = true} : memref<10000xf32, #tpu.memory_space<vmem>>[vector<16xi32>], vector<16xf32>,
      %mul3A_483 = arith.constant 80 : i32
      %mul3A_484 = arith.muli %add3A_464, %mul3A_483 : i32
      %add3A_485 = arith.constant 48 : i32
      %add3A_486 = arith.addi %mul3A_484, %add3A_485 : i32
      %get3A_487 = arith.index_cast %add3A_486 : i32 to index
      %get3A_488 = tpu.vector_load %arg8[%get3A_487] {strides = array<i32>} : memref<2000xi32, #tpu.memory_space<vmem>>, vector<16xi32>,
      tpu.vector_store_idx %arg14[%get3A_488], %broadcast_in_dim3A_3 {add = true} : memref<10000xf32, #tpu.memory_space<vmem>>[vector<16xi32>], vector<16xf32>,
      %mul3A_489 = arith.constant 80 : i32
      %mul3A_490 = arith.muli %add3A_464, %mul3A_489 : i32
      %add3A_491 = arith.constant 64 : i32
      %add3A_492 = arith.addi %mul3A_490, %add3A_491 : i32
      %get3A_493 = arith.index_cast %add3A_492 : i32 to index
      %get3A_494 = tpu.vector_load %arg8[%get3A_493] {strides = array<i32>} : memref<2000xi32, #tpu.memory_space<vmem>>, vector<16xi32>,
      tpu.vector_store_idx %arg14[%get3A_494], %broadcast_in_dim3A_3 {add = true} : memref<10000xf32, #tpu.memory_space<vmem>>[vector<16xi32>], vector<16xf32>,
      %mul3A_495 = arith.constant 80 : i32
      %mul3A_496 = arith.muli %add3A_389, %mul3A_495 : i32
      %dma_wait3A_497 = tpu.memref_slice %arg8[%mul3A_496] : memref<2000xi32, #tpu.memory_space<vmem>> -> memref<80xi32, #tpu.memory_space<vmem>>
      %dma_wait3A_498 = arith.constant 0 : i32
      %dma_wait3A_499 = arith.constant 0 : i32
      %dma_wait3A_500 = tpu.memref_slice %arg22[%dma_wait3A_498, %dma_wait3A_499] : memref<10000x128xf32, #tpu.memory_space<vmem_shared>> -> memref<10000x128xf32, #tpu.memory_space<vmem_shared>>
      tpu.wait_indirect_dma semaphore(%arg19 : memref<!tpu.dma_semaphore, #tpu.memory_space<semaphore_mem>>) src(%arg12 : memref<80x128xf32, #tpu.memory_space<vmem>>) dst(%dma_wait3A_500 : memref<10000x128xf32, #tpu.memory_space<vmem_shared>>)
      %le3A = arith.constant 21 : i32
      %le3A_501 = arith.cmpi sle, %add3A_389, %le3A : i32
      %convert_element_type3A = arith.extui %le3A_501 : i1 to i32
      %cond3A = arith.constant 0 : i32
      %cond3A_502 = arith.cmpi ne, %convert_element_type3A, %cond3A : i32
      scf.if %cond3A_502 {
        %add3A_564 = arith.constant 3 : i32
        %add3A_565 = arith.addi %add3A_389, %add3A_564 : i32
        %mul3A_566 = arith.constant 80 : i32
        %mul3A_567 = arith.muli %add3A_565, %mul3A_566 : i32
        %dma_start3A_568 = tpu.memref_slice %arg7[%mul3A_567] : memref<2000xi32, #tpu.memory_space<vmem>> -> memref<80xi32, #tpu.memory_space<vmem>>
        %dma_start3A_569 = arith.constant 0 : i32
        %dma_start3A_570 = arith.constant 0 : i32
        %dma_start3A_571 = tpu.memref_slice %arg2[%dma_start3A_569, %dma_start3A_570] : memref<10000x128xf32, #tpu.memory_space<hbm>> -> memref<10000x128xf32, #tpu.memory_space<hbm>>
        tpu.enqueue_indirect_dma source(%dma_start3A_571 : memref<10000x128xf32, #tpu.memory_space<hbm>>) target(%arg12 : memref<80x128xf32, #tpu.memory_space<vmem>>) offsets(%dma_start3A_568 : memref<80xi32, #tpu.memory_space<vmem>>) semaphore(%arg16 : memref<!tpu.dma_semaphore, #tpu.memory_space<semaphore_mem>>)
      } else {
      }
      %add3A_503 = arith.constant 2 : i32
      %add3A_504 = arith.addi %add3A_389, %add3A_503 : i32
      %mul3A_505 = arith.constant 80 : i32
      %mul3A_506 = arith.muli %add3A_504, %mul3A_505 : i32
      %dma_wait3A_507 = tpu.memref_slice %arg7[%mul3A_506] : memref<2000xi32, #tpu.memory_space<vmem>> -> memref<80xi32, #tpu.memory_space<vmem>>
      %dma_wait3A_508 = arith.constant 0 : i32
      %dma_wait3A_509 = arith.constant 0 : i32
      %dma_wait3A_510 = tpu.memref_slice %arg2[%dma_wait3A_508, %dma_wait3A_509] : memref<10000x128xf32, #tpu.memory_space<hbm>> -> memref<10000x128xf32, #tpu.memory_space<hbm>>
      tpu.wait_indirect_dma semaphore(%arg15 : memref<!tpu.dma_semaphore, #tpu.memory_space<semaphore_mem>>) src(%dma_wait3A_510 : memref<10000x128xf32, #tpu.memory_space<hbm>>) dst(%arg11 : memref<80x128xf32, #tpu.memory_space<vmem>>)
      %add3A_511 = arith.constant 2 : i32
      %add3A_512 = arith.addi %add3A_389, %add3A_511 : i32
      %mul3A_513 = arith.constant 80 : i32
      %mul3A_514 = arith.muli %add3A_512, %mul3A_513 : i32
      %dma_start3A_515 = tpu.memref_slice %arg8[%mul3A_514] : memref<2000xi32, #tpu.memory_space<vmem>> -> memref<80xi32, #tpu.memory_space<vmem>>
      %dma_start3A_516 = arith.constant 0 : i32
      %dma_start3A_517 = arith.constant 0 : i32
      %dma_start3A_518 = tpu.memref_slice %arg22[%dma_start3A_516, %dma_start3A_517] : memref<10000x128xf32, #tpu.memory_space<vmem_shared>> -> memref<10000x128xf32, #tpu.memory_space<vmem_shared>>
      tpu.enqueue_indirect_dma source(%arg11 : memref<80x128xf32, #tpu.memory_space<vmem>>) target(%dma_start3A_518 : memref<10000x128xf32, #tpu.memory_space<vmem_shared>>) offsets(%dma_start3A_515 : memref<80xi32, #tpu.memory_space<vmem>>) semaphore(%arg18 : memref<!tpu.dma_semaphore, #tpu.memory_space<semaphore_mem>>) {add = true}
      %add3A_519 = arith.constant 2 : i32
      %add3A_520 = arith.addi %add3A_389, %add3A_519 : i32
      %mul3A_521 = arith.constant 80 : i32
      %mul3A_522 = arith.muli %add3A_520, %mul3A_521 : i32
      %add3A_523 = arith.constant 0 : i32
      %add3A_524 = arith.addi %mul3A_522, %add3A_523 : i32
      %get3A_525 = arith.index_cast %add3A_524 : i32 to index
      %get3A_526 = tpu.vector_load %arg8[%get3A_525] {strides = array<i32>} : memref<2000xi32, #tpu.memory_space<vmem>>, vector<16xi32>,
      tpu.vector_store_idx %arg14[%get3A_526], %broadcast_in_dim3A_3 {add = true} : memref<10000xf32, #tpu.memory_space<vmem>>[vector<16xi32>], vector<16xf32>,
      %mul3A_527 = arith.constant 80 : i32
      %mul3A_528 = arith.muli %add3A_520, %mul3A_527 : i32
      %add3A_529 = arith.constant 16 : i32
      %add3A_530 = arith.addi %mul3A_528, %add3A_529 : i32
      %get3A_531 = arith.index_cast %add3A_530 : i32 to index
      %get3A_532 = tpu.vector_load %arg8[%get3A_531] {strides = array<i32>} : memref<2000xi32, #tpu.memory_space<vmem>>, vector<16xi32>,
      tpu.vector_store_idx %arg14[%get3A_532], %broadcast_in_dim3A_3 {add = true} : memref<10000xf32, #tpu.memory_space<vmem>>[vector<16xi32>], vector<16xf32>,
      %mul3A_533 = arith.constant 80 : i32
      %mul3A_534 = arith.muli %add3A_520, %mul3A_533 : i32
      %add3A_535 = arith.constant 32 : i32
      %add3A_536 = arith.addi %mul3A_534, %add3A_535 : i32
      %get3A_537 = arith.index_cast %add3A_536 : i32 to index
      %get3A_538 = tpu.vector_load %arg8[%get3A_537] {strides = array<i32>} : memref<2000xi32, #tpu.memory_space<vmem>>, vector<16xi32>,
      tpu.vector_store_idx %arg14[%get3A_538], %broadcast_in_dim3A_3 {add = true} : memref<10000xf32, #tpu.memory_space<vmem>>[vector<16xi32>], vector<16xf32>,
      %mul3A_539 = arith.constant 80 : i32
      %mul3A_540 = arith.muli %add3A_520, %mul3A_539 : i32
      %add3A_541 = arith.constant 48 : i32
      %add3A_542 = arith.addi %mul3A_540, %add3A_541 : i32
      %get3A_543 = arith.index_cast %add3A_542 : i32 to index
      %get3A_544 = tpu.vector_load %arg8[%get3A_543] {strides = array<i32>} : memref<2000xi32, #tpu.memory_space<vmem>>, vector<16xi32>,
      tpu.vector_store_idx %arg14[%get3A_544], %broadcast_in_dim3A_3 {add = true} : memref<10000xf32, #tpu.memory_space<vmem>>[vector<16xi32>], vector<16xf32>,
      %mul3A_545 = arith.constant 80 : i32
      %mul3A_546 = arith.muli %add3A_520, %mul3A_545 : i32
      %add3A_547 = arith.constant 64 : i32
      %add3A_548 = arith.addi %mul3A_546, %add3A_547 : i32
      %get3A_549 = arith.index_cast %add3A_548 : i32 to index
      %get3A_550 = tpu.vector_load %arg8[%get3A_549] {strides = array<i32>} : memref<2000xi32, #tpu.memory_space<vmem>>, vector<16xi32>,
      tpu.vector_store_idx %arg14[%get3A_550], %broadcast_in_dim3A_3 {add = true} : memref<10000xf32, #tpu.memory_space<vmem>>[vector<16xi32>], vector<16xf32>,
      %add3A_551 = arith.constant 1 : i32
      %add3A_552 = arith.addi %add3A_389, %add3A_551 : i32
      %mul3A_553 = arith.constant 80 : i32
      %mul3A_554 = arith.muli %add3A_552, %mul3A_553 : i32
      %dma_wait3A_555 = tpu.memref_slice %arg8[%mul3A_554] : memref<2000xi32, #tpu.memory_space<vmem>> -> memref<80xi32, #tpu.memory_space<vmem>>
      %dma_wait3A_556 = arith.constant 0 : i32
      %dma_wait3A_557 = arith.constant 0 : i32
      %dma_wait3A_558 = tpu.memref_slice %arg22[%dma_wait3A_556, %dma_wait3A_557] : memref<10000x128xf32, #tpu.memory_space<vmem_shared>> -> memref<10000x128xf32, #tpu.memory_space<vmem_shared>>
      tpu.wait_indirect_dma semaphore(%arg20 : memref<!tpu.dma_semaphore, #tpu.memory_space<semaphore_mem>>) src(%arg13 : memref<80x128xf32, #tpu.memory_space<vmem>>) dst(%dma_wait3A_558 : memref<10000x128xf32, #tpu.memory_space<vmem_shared>>)
      %le3A_559 = arith.constant 20 : i32
      %le3A_560 = arith.cmpi sle, %add3A_389, %le3A_559 : i32
      %convert_element_type3A_561 = arith.extui %le3A_560 : i1 to i32
      %cond3A_562 = arith.constant 0 : i32
      %cond3A_563 = arith.cmpi ne, %convert_element_type3A_561, %cond3A_562 : i32
      scf.if %cond3A_563 {
        %add3A_564 = arith.constant 4 : i32
        %add3A_565 = arith.addi %add3A_389, %add3A_564 : i32
        %mul3A_566 = arith.constant 80 : i32
        %mul3A_567 = arith.muli %add3A_565, %mul3A_566 : i32
        %dma_start3A_568 = tpu.memref_slice %arg7[%mul3A_567] : memref<2000xi32, #tpu.memory_space<vmem>> -> memref<80xi32, #tpu.memory_space<vmem>>
        %dma_start3A_569 = arith.constant 0 : i32
        %dma_start3A_570 = arith.constant 0 : i32
        %dma_start3A_571 = tpu.memref_slice %arg2[%dma_start3A_569, %dma_start3A_570] : memref<10000x128xf32, #tpu.memory_space<hbm>> -> memref<10000x128xf32, #tpu.memory_space<hbm>>
        tpu.enqueue_indirect_dma source(%dma_start3A_571 : memref<10000x128xf32, #tpu.memory_space<hbm>>) target(%arg13 : memref<80x128xf32, #tpu.memory_space<vmem>>) offsets(%dma_start3A_568 : memref<80xi32, #tpu.memory_space<vmem>>) semaphore(%arg17 : memref<!tpu.dma_semaphore, #tpu.memory_space<semaphore_mem>>)
      } else {
      }
    }
    %scan3A_92 = arith.constant 8 : i32
    %dma_wait3A_93 = arith.constant 1920 : i32
    %dma_wait3A_94 = tpu.memref_slice %arg8[%dma_wait3A_93] : memref<2000xi32, #tpu.memory_space<vmem>> -> memref<80xi32, #tpu.memory_space<vmem>>
    %dma_wait3A_95 = arith.constant 0 : i32
    %dma_wait3A_96 = arith.constant 0 : i32
    %dma_wait3A_97 = tpu.memref_slice %arg22[%dma_wait3A_95, %dma_wait3A_96] : memref<10000x128xf32, #tpu.memory_space<vmem_shared>> -> memref<10000x128xf32, #tpu.memory_space<vmem_shared>>
    tpu.wait_indirect_dma semaphore(%arg18 : memref<!tpu.dma_semaphore, #tpu.memory_space<semaphore_mem>>) src(%arg11 : memref<80x128xf32, #tpu.memory_space<vmem>>) dst(%dma_wait3A_97 : memref<10000x128xf32, #tpu.memory_space<vmem_shared>>)
    %add3A_98 = arith.constant 2000 : i32
    %add3A_99 = arith.addi %mul3A_2, %add3A_98 : i32
    %dma_wait3A_100 = arith.constant 0 : i32
    %dma_wait3A_101 = tpu.memref_slice %arg3[%dma_wait3A_100, %add3A_99] : memref<2x320000xi32, #tpu.memory_space<hbm>> -> memref<1x2000xi32, #tpu.memory_space<hbm>>
    %dma_wait3A_102 = tpu.memref_squeeze %dma_wait3A_101 : memref<1x2000xi32, #tpu.memory_space<hbm>> -> memref<2000xi32, #tpu.memory_space<hbm>>
    %dma_wait3A_103 = tpu.memref_slice %arg3[%dma_wait3A_100, %add3A_99] : memref<2x320000xi32, #tpu.memory_space<hbm>> -> memref<1x2000xi32, #tpu.memory_space<hbm>>
    %dma_wait3A_104 = tpu.memref_squeeze %dma_wait3A_103 : memref<1x2000xi32, #tpu.memory_space<hbm>> -> memref<2000xi32, #tpu.memory_space<hbm>>
    tpu.wait_dma2 semaphore(%arg21 : memref<!tpu.dma_semaphore, #tpu.memory_space<semaphore_mem>>) src(%dma_wait3A_104 : memref<2000xi32, #tpu.memory_space<hbm>>) dst(%arg9 : memref<2000xi32, #tpu.memory_space<vmem>>)
    %add3A_105 = arith.constant 2000 : i32
    %add3A_106 = arith.addi %mul3A_2, %add3A_105 : i32
    %dma_wait3A_107 = arith.constant 1 : i32
    %dma_wait3A_108 = tpu.memref_slice %arg3[%dma_wait3A_107, %add3A_106] : memref<2x320000xi32, #tpu.memory_space<hbm>> -> memref<1x2000xi32, #tpu.memory_space<hbm>>
    %dma_wait3A_109 = tpu.memref_squeeze %dma_wait3A_108 : memref<1x2000xi32, #tpu.memory_space<hbm>> -> memref<2000xi32, #tpu.memory_space<hbm>>
    %dma_wait3A_110 = tpu.memref_slice %arg3[%dma_wait3A_107, %add3A_106] : memref<2x320000xi32, #tpu.memory_space<hbm>> -> memref<1x2000xi32, #tpu.memory_space<hbm>>
    %dma_wait3A_111 = tpu.memref_squeeze %dma_wait3A_110 : memref<1x2000xi32, #tpu.memory_space<hbm>> -> memref<2000xi32, #tpu.memory_space<hbm>>
    tpu.wait_dma2 semaphore(%arg21 : memref<!tpu.dma_semaphore, #tpu.memory_space<semaphore_mem>>) src(%dma_wait3A_111 : memref<2000xi32, #tpu.memory_space<hbm>>) dst(%arg10 : memref<2000xi32, #tpu.memory_space<vmem>>)
    %dma_start3A_112 = arith.constant 0 : i32
    %dma_start3A_113 = tpu.memref_slice %arg9[%dma_start3A_112] : memref<2000xi32, #tpu.memory_space<vmem>> -> memref<80xi32, #tpu.memory_space<vmem>>
    %dma_start3A_114 = arith.constant 0 : i32
    %dma_start3A_115 = arith.constant 0 : i32
    %dma_start3A_116 = tpu.memref_slice %arg2[%dma_start3A_114, %dma_start3A_115] : memref<10000x128xf32, #tpu.memory_space<hbm>> -> memref<10000x128xf32, #tpu.memory_space<hbm>>
    tpu.enqueue_indirect_dma source(%dma_start3A_116 : memref<10000x128xf32, #tpu.memory_space<hbm>>) target(%arg11 : memref<80x128xf32, #tpu.memory_space<vmem>>) offsets(%dma_start3A_113 : memref<80xi32, #tpu.memory_space<vmem>>) semaphore(%arg15 : memref<!tpu.dma_semaphore, #tpu.memory_space<semaphore_mem>>)
    %dma_start3A_117 = arith.constant 80 : i32
    %dma_start3A_118 = tpu.memref_slice %arg9[%dma_start3A_117] : memref<2000xi32, #tpu.memory_space<vmem>> -> memref<80xi32, #tpu.memory_space<vmem>>
    %dma_start3A_119 = arith.constant 0 : i32
    %dma_start3A_120 = arith.constant 0 : i32
    %dma_start3A_121 = tpu.memref_slice %arg2[%dma_start3A_119, %dma_start3A_120] : memref<10000x128xf32, #tpu.memory_space<hbm>> -> memref<10000x128xf32, #tpu.memory_space<hbm>>
    tpu.enqueue_indirect_dma source(%dma_start3A_121 : memref<10000x128xf32, #tpu.memory_space<hbm>>) target(%arg12 : memref<80x128xf32, #tpu.memory_space<vmem>>) offsets(%dma_start3A_118 : memref<80xi32, #tpu.memory_space<vmem>>) semaphore(%arg16 : memref<!tpu.dma_semaphore, #tpu.memory_space<semaphore_mem>>)
    %add3A_122 = arith.constant 4000 : i32
    %add3A_123 = arith.addi %mul3A_2, %add3A_122 : i32
    %dma_start3A_124 = arith.constant 0 : i32
    %dma_start3A_125 = tpu.memref_slice %arg3[%dma_start3A_124, %add3A_123] : memref<2x320000xi32, #tpu.memory_space<hbm>> -> memref<1x2000xi32, #tpu.memory_space<hbm>>
    %dma_start3A_126 = tpu.memref_squeeze %dma_start3A_125 : memref<1x2000xi32, #tpu.memory_space<hbm>> -> memref<2000xi32, #tpu.memory_space<hbm>>
    %dma_start3A_127 = tpu.memref_slice %arg3[%dma_start3A_124, %add3A_123] : memref<2x320000xi32, #tpu.memory_space<hbm>> -> memref<1x2000xi32, #tpu.memory_space<hbm>>
    %dma_start3A_128 = tpu.memref_squeeze %dma_start3A_127 : memref<1x2000xi32, #tpu.memory_space<hbm>> -> memref<2000xi32, #tpu.memory_space<hbm>>
    tpu.enqueue_dma source(%dma_start3A_128 : memref<2000xi32, #tpu.memory_space<hbm>>) target(%arg7 : memref<2000xi32, #tpu.memory_space<vmem>>) target_semaphore(%arg21 : memref<!tpu.dma_semaphore, #tpu.memory_space<semaphore_mem>>)
    %add3A_129 = arith.constant 4000 : i32
    %add3A_130 = arith.addi %mul3A_2, %add3A_129 : i32
    %dma_start3A_131 = arith.constant 1 : i32
    %dma_start3A_132 = tpu.memref_slice %arg3[%dma_start3A_131, %add3A_130] : memref<2x320000xi32, #tpu.memory_space<hbm>> -> memref<1x2000xi32, #tpu.memory_space<hbm>>
    %dma_start3A_133 = tpu.memref_squeeze %dma_start3A_132 : memref<1x2000xi32, #tpu.memory_space<hbm>> -> memref<2000xi32, #tpu.memory_space<hbm>>
    %dma_start3A_134 = tpu.memref_slice %arg3[%dma_start3A_131, %add3A_130] : memref<2x320000xi32, #tpu.memory_space<hbm>> -> memref<1x2000xi32, #tpu.memory_space<hbm>>
    %dma_start3A_135 = tpu.memref_squeeze %dma_start3A_134 : memref<1x2000xi32, #tpu.memory_space<hbm>> -> memref<2000xi32, #tpu.memory_space<hbm>>
    tpu.enqueue_dma source(%dma_start3A_135 : memref<2000xi32, #tpu.memory_space<hbm>>) target(%arg8 : memref<2000xi32, #tpu.memory_space<vmem>>) target_semaphore(%arg21 : memref<!tpu.dma_semaphore, #tpu.memory_space<semaphore_mem>>)
    %dma_wait3A_136 = arith.constant 0 : i32
    %dma_wait3A_137 = tpu.memref_slice %arg9[%dma_wait3A_136] : memref<2000xi32, #tpu.memory_space<vmem>> -> memref<80xi32, #tpu.memory_space<vmem>>
    %dma_wait3A_138 = arith.constant 0 : i32
    %dma_wait3A_139 = arith.constant 0 : i32
    %dma_wait3A_140 = tpu.memref_slice %arg2[%dma_wait3A_138, %dma_wait3A_139] : memref<10000x128xf32, #tpu.memory_space<hbm>> -> memref<10000x128xf32, #tpu.memory_space<hbm>>
    tpu.wait_indirect_dma semaphore(%arg15 : memref<!tpu.dma_semaphore, #tpu.memory_space<semaphore_mem>>) src(%dma_wait3A_140 : memref<10000x128xf32, #tpu.memory_space<hbm>>) dst(%arg11 : memref<80x128xf32, #tpu.memory_space<vmem>>)
    %dma_start3A_141 = arith.constant 0 : i32
    %dma_start3A_142 = tpu.memref_slice %arg10[%dma_start3A_141] : memref<2000xi32, #tpu.memory_space<vmem>> -> memref<80xi32, #tpu.memory_space<vmem>>
    %dma_start3A_143 = arith.constant 0 : i32
    %dma_start3A_144 = arith.constant 0 : i32
    %dma_start3A_145 = tpu.memref_slice %arg22[%dma_start3A_143, %dma_start3A_144] : memref<10000x128xf32, #tpu.memory_space<vmem_shared>> -> memref<10000x128xf32, #tpu.memory_space<vmem_shared>>
    tpu.enqueue_indirect_dma source(%arg11 : memref<80x128xf32, #tpu.memory_space<vmem>>) target(%dma_start3A_145 : memref<10000x128xf32, #tpu.memory_space<vmem_shared>>) offsets(%dma_start3A_142 : memref<80xi32, #tpu.memory_space<vmem>>) semaphore(%arg18 : memref<!tpu.dma_semaphore, #tpu.memory_space<semaphore_mem>>) {add = true}
    %get3A_146 = arith.constant 0 : index
    %get3A_147 = tpu.vector_load %arg10[%get3A_146] {strides = array<i32>} : memref<2000xi32, #tpu.memory_space<vmem>>, vector<16xi32>,
    tpu.vector_store_idx %arg14[%get3A_147], %broadcast_in_dim3A_3 {add = true} : memref<10000xf32, #tpu.memory_space<vmem>>[vector<16xi32>], vector<16xf32>,
    %get3A_148 = arith.constant 16 : index
    %get3A_149 = tpu.vector_load %arg10[%get3A_148] {strides = array<i32>} : memref<2000xi32, #tpu.memory_space<vmem>>, vector<16xi32>,
    tpu.vector_store_idx %arg14[%get3A_149], %broadcast_in_dim3A_3 {add = true} : memref<10000xf32, #tpu.memory_space<vmem>>[vector<16xi32>], vector<16xf32>,
    %get3A_150 = arith.constant 32 : index
    %get3A_151 = tpu.vector_load %arg10[%get3A_150] {strides = array<i32>} : memref<2000xi32, #tpu.memory_space<vmem>>, vector<16xi32>,
    tpu.vector_store_idx %arg14[%get3A_151], %broadcast_in_dim3A_3 {add = true} : memref<10000xf32, #tpu.memory_space<vmem>>[vector<16xi32>], vector<16xf32>,
    %get3A_152 = arith.constant 48 : index
    %get3A_153 = tpu.vector_load %arg10[%get3A_152] {strides = array<i32>} : memref<2000xi32, #tpu.memory_space<vmem>>, vector<16xi32>,
    tpu.vector_store_idx %arg14[%get3A_153], %broadcast_in_dim3A_3 {add = true} : memref<10000xf32, #tpu.memory_space<vmem>>[vector<16xi32>], vector<16xf32>,
    %get3A_154 = arith.constant 64 : index
    %get3A_155 = tpu.vector_load %arg10[%get3A_154] {strides = array<i32>} : memref<2000xi32, #tpu.memory_space<vmem>>, vector<16xi32>,
    tpu.vector_store_idx %arg14[%get3A_155], %broadcast_in_dim3A_3 {add = true} : memref<10000xf32, #tpu.memory_space<vmem>>[vector<16xi32>], vector<16xf32>,
    %dma_start3A_156 = arith.constant 160 : i32
    %dma_start3A_157 = tpu.memref_slice %arg9[%dma_start3A_156] : memref<2000xi32, #tpu.memory_space<vmem>> -> memref<80xi32, #tpu.memory_space<vmem>>
    %dma_start3A_158 = arith.constant 0 : i32
    %dma_start3A_159 = arith.constant 0 : i32
    %dma_start3A_160 = tpu.memref_slice %arg2[%dma_start3A_158, %dma_start3A_159] : memref<10000x128xf32, #tpu.memory_space<hbm>> -> memref<10000x128xf32, #tpu.memory_space<hbm>>
    tpu.enqueue_indirect_dma source(%dma_start3A_160 : memref<10000x128xf32, #tpu.memory_space<hbm>>) target(%arg13 : memref<80x128xf32, #tpu.memory_space<vmem>>) offsets(%dma_start3A_157 : memref<80xi32, #tpu.memory_space<vmem>>) semaphore(%arg17 : memref<!tpu.dma_semaphore, #tpu.memory_space<semaphore_mem>>)
    %scan3A_161 = arith.constant 0 : i32
    %scan3A_162 = arith.constant 8 : i32
    %scan3A_163 = arith.addi %scan3A_161, %scan3A_162 : i32
    %scan3A_164 = arith.constant 1 : i32
    scf.for %scan3A_385 = %scan3A_161 to %scan3A_163 step %scan3A_164  : i32 {
      %mul3A_386 = arith.constant 3 : i32
      %mul3A_387 = arith.muli %scan3A_385, %mul3A_386 : i32
      %add3A_388 = arith.constant 1 : i32
      %add3A_389 = arith.addi %add3A_388, %mul3A_387 : i32
      %mul3A_390 = arith.constant 80 : i32
      %mul3A_391 = arith.muli %add3A_389, %mul3A_390 : i32
      %dma_wait3A_392 = tpu.memref_slice %arg9[%mul3A_391] : memref<2000xi32, #tpu.memory_space<vmem>> -> memref<80xi32, #tpu.memory_space<vmem>>
      %dma_wait3A_393 = arith.constant 0 : i32
      %dma_wait3A_394 = arith.constant 0 : i32
      %dma_wait3A_395 = tpu.memref_slice %arg2[%dma_wait3A_393, %dma_wait3A_394] : memref<10000x128xf32, #tpu.memory_space<hbm>> -> memref<10000x128xf32, #tpu.memory_space<hbm>>
      tpu.wait_indirect_dma semaphore(%arg16 : memref<!tpu.dma_semaphore, #tpu.memory_space<semaphore_mem>>) src(%dma_wait3A_395 : memref<10000x128xf32, #tpu.memory_space<hbm>>) dst(%arg12 : memref<80x128xf32, #tpu.memory_space<vmem>>)
      %mul3A_396 = arith.constant 80 : i32
      %mul3A_397 = arith.muli %add3A_389, %mul3A_396 : i32
      %dma_start3A_398 = tpu.memref_slice %arg10[%mul3A_397] : memref<2000xi32, #tpu.memory_space<vmem>> -> memref<80xi32, #tpu.memory_space<vmem>>
      %dma_start3A_399 = arith.constant 0 : i32
      %dma_start3A_400 = arith.constant 0 : i32
      %dma_start3A_401 = tpu.memref_slice %arg22[%dma_start3A_399, %dma_start3A_400] : memref<10000x128xf32, #tpu.memory_space<vmem_shared>> -> memref<10000x128xf32, #tpu.memory_space<vmem_shared>>
      tpu.enqueue_indirect_dma source(%arg12 : memref<80x128xf32, #tpu.memory_space<vmem>>) target(%dma_start3A_401 : memref<10000x128xf32, #tpu.memory_space<vmem_shared>>) offsets(%dma_start3A_398 : memref<80xi32, #tpu.memory_space<vmem>>) semaphore(%arg19 : memref<!tpu.dma_semaphore, #tpu.memory_space<semaphore_mem>>) {add = true}
      %mul3A_402 = arith.constant 80 : i32
      %mul3A_403 = arith.muli %add3A_389, %mul3A_402 : i32
      %add3A_404 = arith.constant 0 : i32
      %add3A_405 = arith.addi %mul3A_403, %add3A_404 : i32
      %get3A_406 = arith.index_cast %add3A_405 : i32 to index
      %get3A_407 = tpu.vector_load %arg10[%get3A_406] {strides = array<i32>} : memref<2000xi32, #tpu.memory_space<vmem>>, vector<16xi32>,
      tpu.vector_store_idx %arg14[%get3A_407], %broadcast_in_dim3A_3 {add = true} : memref<10000xf32, #tpu.memory_space<vmem>>[vector<16xi32>], vector<16xf32>,
      %mul3A_408 = arith.constant 80 : i32
      %mul3A_409 = arith.muli %add3A_389, %mul3A_408 : i32
      %add3A_410 = arith.constant 16 : i32
      %add3A_411 = arith.addi %mul3A_409, %add3A_410 : i32
      %get3A_412 = arith.index_cast %add3A_411 : i32 to index
      %get3A_413 = tpu.vector_load %arg10[%get3A_412] {strides = array<i32>} : memref<2000xi32, #tpu.memory_space<vmem>>, vector<16xi32>,
      tpu.vector_store_idx %arg14[%get3A_413], %broadcast_in_dim3A_3 {add = true} : memref<10000xf32, #tpu.memory_space<vmem>>[vector<16xi32>], vector<16xf32>,
      %mul3A_414 = arith.constant 80 : i32
      %mul3A_415 = arith.muli %add3A_389, %mul3A_414 : i32
      %add3A_416 = arith.constant 32 : i32
      %add3A_417 = arith.addi %mul3A_415, %add3A_416 : i32
      %get3A_418 = arith.index_cast %add3A_417 : i32 to index
      %get3A_419 = tpu.vector_load %arg10[%get3A_418] {strides = array<i32>} : memref<2000xi32, #tpu.memory_space<vmem>>, vector<16xi32>,
      tpu.vector_store_idx %arg14[%get3A_419], %broadcast_in_dim3A_3 {add = true} : memref<10000xf32, #tpu.memory_space<vmem>>[vector<16xi32>], vector<16xf32>,
      %mul3A_420 = arith.constant 80 : i32
      %mul3A_421 = arith.muli %add3A_389, %mul3A_420 : i32
      %add3A_422 = arith.constant 48 : i32
      %add3A_423 = arith.addi %mul3A_421, %add3A_422 : i32
      %get3A_424 = arith.index_cast %add3A_423 : i32 to index
      %get3A_425 = tpu.vector_load %arg10[%get3A_424] {strides = array<i32>} : memref<2000xi32, #tpu.memory_space<vmem>>, vector<16xi32>,
      tpu.vector_store_idx %arg14[%get3A_425], %broadcast_in_dim3A_3 {add = true} : memref<10000xf32, #tpu.memory_space<vmem>>[vector<16xi32>], vector<16xf32>,
      %mul3A_426 = arith.constant 80 : i32
      %mul3A_427 = arith.muli %add3A_389, %mul3A_426 : i32
      %add3A_428 = arith.constant 64 : i32
      %add3A_429 = arith.addi %mul3A_427, %add3A_428 : i32
      %get3A_430 = arith.index_cast %add3A_429 : i32 to index
      %get3A_431 = tpu.vector_load %arg10[%get3A_430] {strides = array<i32>} : memref<2000xi32, #tpu.memory_space<vmem>>, vector<16xi32>,
      tpu.vector_store_idx %arg14[%get3A_431], %broadcast_in_dim3A_3 {add = true} : memref<10000xf32, #tpu.memory_space<vmem>>[vector<16xi32>], vector<16xf32>,
      %sub3A = arith.constant 1 : i32
      %sub3A_432 = arith.subi %add3A_389, %sub3A : i32
      %mul3A_433 = arith.constant 80 : i32
      %mul3A_434 = arith.muli %sub3A_432, %mul3A_433 : i32
      %dma_wait3A_435 = tpu.memref_slice %arg10[%mul3A_434] : memref<2000xi32, #tpu.memory_space<vmem>> -> memref<80xi32, #tpu.memory_space<vmem>>
      %dma_wait3A_436 = arith.constant 0 : i32
      %dma_wait3A_437 = arith.constant 0 : i32
      %dma_wait3A_438 = tpu.memref_slice %arg22[%dma_wait3A_436, %dma_wait3A_437] : memref<10000x128xf32, #tpu.memory_space<vmem_shared>> -> memref<10000x128xf32, #tpu.memory_space<vmem_shared>>
      tpu.wait_indirect_dma semaphore(%arg18 : memref<!tpu.dma_semaphore, #tpu.memory_space<semaphore_mem>>) src(%arg11 : memref<80x128xf32, #tpu.memory_space<vmem>>) dst(%dma_wait3A_438 : memref<10000x128xf32, #tpu.memory_space<vmem_shared>>)
      %add3A_439 = arith.constant 2 : i32
      %add3A_440 = arith.addi %add3A_389, %add3A_439 : i32
      %mul3A_441 = arith.constant 80 : i32
      %mul3A_442 = arith.muli %add3A_440, %mul3A_441 : i32
      %dma_start3A_443 = tpu.memref_slice %arg9[%mul3A_442] : memref<2000xi32, #tpu.memory_space<vmem>> -> memref<80xi32, #tpu.memory_space<vmem>>
      %dma_start3A_444 = arith.constant 0 : i32
      %dma_start3A_445 = arith.constant 0 : i32
      %dma_start3A_446 = tpu.memref_slice %arg2[%dma_start3A_444, %dma_start3A_445] : memref<10000x128xf32, #tpu.memory_space<hbm>> -> memref<10000x128xf32, #tpu.memory_space<hbm>>
      tpu.enqueue_indirect_dma source(%dma_start3A_446 : memref<10000x128xf32, #tpu.memory_space<hbm>>) target(%arg11 : memref<80x128xf32, #tpu.memory_space<vmem>>) offsets(%dma_start3A_443 : memref<80xi32, #tpu.memory_space<vmem>>) semaphore(%arg15 : memref<!tpu.dma_semaphore, #tpu.memory_space<semaphore_mem>>)
      %add3A_447 = arith.constant 1 : i32
      %add3A_448 = arith.addi %add3A_389, %add3A_447 : i32
      %mul3A_449 = arith.constant 80 : i32
      %mul3A_450 = arith.muli %add3A_448, %mul3A_449 : i32
      %dma_wait3A_451 = tpu.memref_slice %arg9[%mul3A_450] : memref<2000xi32, #tpu.memory_space<vmem>> -> memref<80xi32, #tpu.memory_space<vmem>>
      %dma_wait3A_452 = arith.constant 0 : i32
      %dma_wait3A_453 = arith.constant 0 : i32
      %dma_wait3A_454 = tpu.memref_slice %arg2[%dma_wait3A_452, %dma_wait3A_453] : memref<10000x128xf32, #tpu.memory_space<hbm>> -> memref<10000x128xf32, #tpu.memory_space<hbm>>
      tpu.wait_indirect_dma semaphore(%arg17 : memref<!tpu.dma_semaphore, #tpu.memory_space<semaphore_mem>>) src(%dma_wait3A_454 : memref<10000x128xf32, #tpu.memory_space<hbm>>) dst(%arg13 : memref<80x128xf32, #tpu.memory_space<vmem>>)
      %add3A_455 = arith.constant 1 : i32
      %add3A_456 = arith.addi %add3A_389, %add3A_455 : i32
      %mul3A_457 = arith.constant 80 : i32
      %mul3A_458 = arith.muli %add3A_456, %mul3A_457 : i32
      %dma_start3A_459 = tpu.memref_slice %arg10[%mul3A_458] : memref<2000xi32, #tpu.memory_space<vmem>> -> memref<80xi32, #tpu.memory_space<vmem>>
      %dma_start3A_460 = arith.constant 0 : i32
      %dma_start3A_461 = arith.constant 0 : i32
      %dma_start3A_462 = tpu.memref_slice %arg22[%dma_start3A_460, %dma_start3A_461] : memref<10000x128xf32, #tpu.memory_space<vmem_shared>> -> memref<10000x128xf32, #tpu.memory_space<vmem_shared>>
      tpu.enqueue_indirect_dma source(%arg13 : memref<80x128xf32, #tpu.memory_space<vmem>>) target(%dma_start3A_462 : memref<10000x128xf32, #tpu.memory_space<vmem_shared>>) offsets(%dma_start3A_459 : memref<80xi32, #tpu.memory_space<vmem>>) semaphore(%arg20 : memref<!tpu.dma_semaphore, #tpu.memory_space<semaphore_mem>>) {add = true}
      %add3A_463 = arith.constant 1 : i32
      %add3A_464 = arith.addi %add3A_389, %add3A_463 : i32
      %mul3A_465 = arith.constant 80 : i32
      %mul3A_466 = arith.muli %add3A_464, %mul3A_465 : i32
      %add3A_467 = arith.constant 0 : i32
      %add3A_468 = arith.addi %mul3A_466, %add3A_467 : i32
      %get3A_469 = arith.index_cast %add3A_468 : i32 to index
      %get3A_470 = tpu.vector_load %arg10[%get3A_469] {strides = array<i32>} : memref<2000xi32, #tpu.memory_space<vmem>>, vector<16xi32>,
      tpu.vector_store_idx %arg14[%get3A_470], %broadcast_in_dim3A_3 {add = true} : memref<10000xf32, #tpu.memory_space<vmem>>[vector<16xi32>], vector<16xf32>,
      %mul3A_471 = arith.constant 80 : i32
      %mul3A_472 = arith.muli %add3A_464, %mul3A_471 : i32
      %add3A_473 = arith.constant 16 : i32
      %add3A_474 = arith.addi %mul3A_472, %add3A_473 : i32
      %get3A_475 = arith.index_cast %add3A_474 : i32 to index
      %get3A_476 = tpu.vector_load %arg10[%get3A_475] {strides = array<i32>} : memref<2000xi32, #tpu.memory_space<vmem>>, vector<16xi32>,
      tpu.vector_store_idx %arg14[%get3A_476], %broadcast_in_dim3A_3 {add = true} : memref<10000xf32, #tpu.memory_space<vmem>>[vector<16xi32>], vector<16xf32>,
      %mul3A_477 = arith.constant 80 : i32
      %mul3A_478 = arith.muli %add3A_464, %mul3A_477 : i32
      %add3A_479 = arith.constant 32 : i32
      %add3A_480 = arith.addi %mul3A_478, %add3A_479 : i32
      %get3A_481 = arith.index_cast %add3A_480 : i32 to index
      %get3A_482 = tpu.vector_load %arg10[%get3A_481] {strides = array<i32>} : memref<2000xi32, #tpu.memory_space<vmem>>, vector<16xi32>,
      tpu.vector_store_idx %arg14[%get3A_482], %broadcast_in_dim3A_3 {add = true} : memref<10000xf32, #tpu.memory_space<vmem>>[vector<16xi32>], vector<16xf32>,
      %mul3A_483 = arith.constant 80 : i32
      %mul3A_484 = arith.muli %add3A_464, %mul3A_483 : i32
      %add3A_485 = arith.constant 48 : i32
      %add3A_486 = arith.addi %mul3A_484, %add3A_485 : i32
      %get3A_487 = arith.index_cast %add3A_486 : i32 to index
      %get3A_488 = tpu.vector_load %arg10[%get3A_487] {strides = array<i32>} : memref<2000xi32, #tpu.memory_space<vmem>>, vector<16xi32>,
      tpu.vector_store_idx %arg14[%get3A_488], %broadcast_in_dim3A_3 {add = true} : memref<10000xf32, #tpu.memory_space<vmem>>[vector<16xi32>], vector<16xf32>,
      %mul3A_489 = arith.constant 80 : i32
      %mul3A_490 = arith.muli %add3A_464, %mul3A_489 : i32
      %add3A_491 = arith.constant 64 : i32
      %add3A_492 = arith.addi %mul3A_490, %add3A_491 : i32
      %get3A_493 = arith.index_cast %add3A_492 : i32 to index
      %get3A_494 = tpu.vector_load %arg10[%get3A_493] {strides = array<i32>} : memref<2000xi32, #tpu.memory_space<vmem>>, vector<16xi32>,
      tpu.vector_store_idx %arg14[%get3A_494], %broadcast_in_dim3A_3 {add = true} : memref<10000xf32, #tpu.memory_space<vmem>>[vector<16xi32>], vector<16xf32>,
      %mul3A_495 = arith.constant 80 : i32
      %mul3A_496 = arith.muli %add3A_389, %mul3A_495 : i32
      %dma_wait3A_497 = tpu.memref_slice %arg10[%mul3A_496] : memref<2000xi32, #tpu.memory_space<vmem>> -> memref<80xi32, #tpu.memory_space<vmem>>
      %dma_wait3A_498 = arith.constant 0 : i32
      %dma_wait3A_499 = arith.constant 0 : i32
      %dma_wait3A_500 = tpu.memref_slice %arg22[%dma_wait3A_498, %dma_wait3A_499] : memref<10000x128xf32, #tpu.memory_space<vmem_shared>> -> memref<10000x128xf32, #tpu.memory_space<vmem_shared>>
      tpu.wait_indirect_dma semaphore(%arg19 : memref<!tpu.dma_semaphore, #tpu.memory_space<semaphore_mem>>) src(%arg12 : memref<80x128xf32, #tpu.memory_space<vmem>>) dst(%dma_wait3A_500 : memref<10000x128xf32, #tpu.memory_space<vmem_shared>>)
      %le3A = arith.constant 21 : i32
      %le3A_501 = arith.cmpi sle, %add3A_389, %le3A : i32
      %convert_element_type3A = arith.extui %le3A_501 : i1 to i32
      %cond3A = arith.constant 0 : i32
      %cond3A_502 = arith.cmpi ne, %convert_element_type3A, %cond3A : i32
      scf.if %cond3A_502 {
        %add3A_564 = arith.constant 3 : i32
        %add3A_565 = arith.addi %add3A_389, %add3A_564 : i32
        %mul3A_566 = arith.constant 80 : i32
        %mul3A_567 = arith.muli %add3A_565, %mul3A_566 : i32
        %dma_start3A_568 = tpu.memref_slice %arg9[%mul3A_567] : memref<2000xi32, #tpu.memory_space<vmem>> -> memref<80xi32, #tpu.memory_space<vmem>>
        %dma_start3A_569 = arith.constant 0 : i32
        %dma_start3A_570 = arith.constant 0 : i32
        %dma_start3A_571 = tpu.memref_slice %arg2[%dma_start3A_569, %dma_start3A_570] : memref<10000x128xf32, #tpu.memory_space<hbm>> -> memref<10000x128xf32, #tpu.memory_space<hbm>>
        tpu.enqueue_indirect_dma source(%dma_start3A_571 : memref<10000x128xf32, #tpu.memory_space<hbm>>) target(%arg12 : memref<80x128xf32, #tpu.memory_space<vmem>>) offsets(%dma_start3A_568 : memref<80xi32, #tpu.memory_space<vmem>>) semaphore(%arg16 : memref<!tpu.dma_semaphore, #tpu.memory_space<semaphore_mem>>)
      } else {
      }
      %add3A_503 = arith.constant 2 : i32
      %add3A_504 = arith.addi %add3A_389, %add3A_503 : i32
      %mul3A_505 = arith.constant 80 : i32
      %mul3A_506 = arith.muli %add3A_504, %mul3A_505 : i32
      %dma_wait3A_507 = tpu.memref_slice %arg9[%mul3A_506] : memref<2000xi32, #tpu.memory_space<vmem>> -> memref<80xi32, #tpu.memory_space<vmem>>
      %dma_wait3A_508 = arith.constant 0 : i32
      %dma_wait3A_509 = arith.constant 0 : i32
      %dma_wait3A_510 = tpu.memref_slice %arg2[%dma_wait3A_508, %dma_wait3A_509] : memref<10000x128xf32, #tpu.memory_space<hbm>> -> memref<10000x128xf32, #tpu.memory_space<hbm>>
      tpu.wait_indirect_dma semaphore(%arg15 : memref<!tpu.dma_semaphore, #tpu.memory_space<semaphore_mem>>) src(%dma_wait3A_510 : memref<10000x128xf32, #tpu.memory_space<hbm>>) dst(%arg11 : memref<80x128xf32, #tpu.memory_space<vmem>>)
      %add3A_511 = arith.constant 2 : i32
      %add3A_512 = arith.addi %add3A_389, %add3A_511 : i32
      %mul3A_513 = arith.constant 80 : i32
      %mul3A_514 = arith.muli %add3A_512, %mul3A_513 : i32
      %dma_start3A_515 = tpu.memref_slice %arg10[%mul3A_514] : memref<2000xi32, #tpu.memory_space<vmem>> -> memref<80xi32, #tpu.memory_space<vmem>>
      %dma_start3A_516 = arith.constant 0 : i32
      %dma_start3A_517 = arith.constant 0 : i32
      %dma_start3A_518 = tpu.memref_slice %arg22[%dma_start3A_516, %dma_start3A_517] : memref<10000x128xf32, #tpu.memory_space<vmem_shared>> -> memref<10000x128xf32, #tpu.memory_space<vmem_shared>>
      tpu.enqueue_indirect_dma source(%arg11 : memref<80x128xf32, #tpu.memory_space<vmem>>) target(%dma_start3A_518 : memref<10000x128xf32, #tpu.memory_space<vmem_shared>>) offsets(%dma_start3A_515 : memref<80xi32, #tpu.memory_space<vmem>>) semaphore(%arg18 : memref<!tpu.dma_semaphore, #tpu.memory_space<semaphore_mem>>) {add = true}
      %add3A_519 = arith.constant 2 : i32
      %add3A_520 = arith.addi %add3A_389, %add3A_519 : i32
      %mul3A_521 = arith.constant 80 : i32
      %mul3A_522 = arith.muli %add3A_520, %mul3A_521 : i32
      %add3A_523 = arith.constant 0 : i32
      %add3A_524 = arith.addi %mul3A_522, %add3A_523 : i32
      %get3A_525 = arith.index_cast %add3A_524 : i32 to index
      %get3A_526 = tpu.vector_load %arg10[%get3A_525] {strides = array<i32>} : memref<2000xi32, #tpu.memory_space<vmem>>, vector<16xi32>,
      tpu.vector_store_idx %arg14[%get3A_526], %broadcast_in_dim3A_3 {add = true} : memref<10000xf32, #tpu.memory_space<vmem>>[vector<16xi32>], vector<16xf32>,
      %mul3A_527 = arith.constant 80 : i32
      %mul3A_528 = arith.muli %add3A_520, %mul3A_527 : i32
      %add3A_529 = arith.constant 16 : i32
      %add3A_530 = arith.addi %mul3A_528, %add3A_529 : i32
      %get3A_531 = arith.index_cast %add3A_530 : i32 to index
      %get3A_532 = tpu.vector_load %arg10[%get3A_531] {strides = array<i32>} : memref<2000xi32, #tpu.memory_space<vmem>>, vector<16xi32>,
      tpu.vector_store_idx %arg14[%get3A_532], %broadcast_in_dim3A_3 {add = true} : memref<10000xf32, #tpu.memory_space<vmem>>[vector<16xi32>], vector<16xf32>,
      %mul3A_533 = arith.constant 80 : i32
      %mul3A_534 = arith.muli %add3A_520, %mul3A_533 : i32
      %add3A_535 = arith.constant 32 : i32
      %add3A_536 = arith.addi %mul3A_534, %add3A_535 : i32
      %get3A_537 = arith.index_cast %add3A_536 : i32 to index
      %get3A_538 = tpu.vector_load %arg10[%get3A_537] {strides = array<i32>} : memref<2000xi32, #tpu.memory_space<vmem>>, vector<16xi32>,
      tpu.vector_store_idx %arg14[%get3A_538], %broadcast_in_dim3A_3 {add = true} : memref<10000xf32, #tpu.memory_space<vmem>>[vector<16xi32>], vector<16xf32>,
      %mul3A_539 = arith.constant 80 : i32
      %mul3A_540 = arith.muli %add3A_520, %mul3A_539 : i32
      %add3A_541 = arith.constant 48 : i32
      %add3A_542 = arith.addi %mul3A_540, %add3A_541 : i32
      %get3A_543 = arith.index_cast %add3A_542 : i32 to index
      %get3A_544 = tpu.vector_load %arg10[%get3A_543] {strides = array<i32>} : memref<2000xi32, #tpu.memory_space<vmem>>, vector<16xi32>,
      tpu.vector_store_idx %arg14[%get3A_544], %broadcast_in_dim3A_3 {add = true} : memref<10000xf32, #tpu.memory_space<vmem>>[vector<16xi32>], vector<16xf32>,
      %mul3A_545 = arith.constant 80 : i32
      %mul3A_546 = arith.muli %add3A_520, %mul3A_545 : i32
      %add3A_547 = arith.constant 64 : i32
      %add3A_548 = arith.addi %mul3A_546, %add3A_547 : i32
      %get3A_549 = arith.index_cast %add3A_548 : i32 to index
      %get3A_550 = tpu.vector_load %arg10[%get3A_549] {strides = array<i32>} : memref<2000xi32, #tpu.memory_space<vmem>>, vector<16xi32>,
      tpu.vector_store_idx %arg14[%get3A_550], %broadcast_in_dim3A_3 {add = true} : memref<10000xf32, #tpu.memory_space<vmem>>[vector<16xi32>], vector<16xf32>,
      %add3A_551 = arith.constant 1 : i32
      %add3A_552 = arith.addi %add3A_389, %add3A_551 : i32
      %mul3A_553 = arith.constant 80 : i32
      %mul3A_554 = arith.muli %add3A_552, %mul3A_553 : i32
      %dma_wait3A_555 = tpu.memref_slice %arg10[%mul3A_554] : memref<2000xi32, #tpu.memory_space<vmem>> -> memref<80xi32, #tpu.memory_space<vmem>>
      %dma_wait3A_556 = arith.constant 0 : i32
      %dma_wait3A_557 = arith.constant 0 : i32
      %dma_wait3A_558 = tpu.memref_slice %arg22[%dma_wait3A_556, %dma_wait3A_557] : memref<10000x128xf32, #tpu.memory_space<vmem_shared>> -> memref<10000x128xf32, #tpu.memory_space<vmem_shared>>
      tpu.wait_indirect_dma semaphore(%arg20 : memref<!tpu.dma_semaphore, #tpu.memory_space<semaphore_mem>>) src(%arg13 : memref<80x128xf32, #tpu.memory_space<vmem>>) dst(%dma_wait3A_558 : memref<10000x128xf32, #tpu.memory_space<vmem_shared>>)
      %le3A_559 = arith.constant 20 : i32
      %le3A_560 = arith.cmpi sle, %add3A_389, %le3A_559 : i32
      %convert_element_type3A_561 = arith.extui %le3A_560 : i1 to i32
      %cond3A_562 = arith.constant 0 : i32
      %cond3A_563 = arith.cmpi ne, %convert_element_type3A_561, %cond3A_562 : i32
      scf.if %cond3A_563 {
        %add3A_564 = arith.constant 4 : i32
        %add3A_565 = arith.addi %add3A_389, %add3A_564 : i32
        %mul3A_566 = arith.constant 80 : i32
        %mul3A_567 = arith.muli %add3A_565, %mul3A_566 : i32
        %dma_start3A_568 = tpu.memref_slice %arg9[%mul3A_567] : memref<2000xi32, #tpu.memory_space<vmem>> -> memref<80xi32, #tpu.memory_space<vmem>>
        %dma_start3A_569 = arith.constant 0 : i32
        %dma_start3A_570 = arith.constant 0 : i32
        %dma_start3A_571 = tpu.memref_slice %arg2[%dma_start3A_569, %dma_start3A_570] : memref<10000x128xf32, #tpu.memory_space<hbm>> -> memref<10000x128xf32, #tpu.memory_space<hbm>>
        tpu.enqueue_indirect_dma source(%dma_start3A_571 : memref<10000x128xf32, #tpu.memory_space<hbm>>) target(%arg13 : memref<80x128xf32, #tpu.memory_space<vmem>>) offsets(%dma_start3A_568 : memref<80xi32, #tpu.memory_space<vmem>>) semaphore(%arg17 : memref<!tpu.dma_semaphore, #tpu.memory_space<semaphore_mem>>)
      } else {
      }
    }
    %scan3A_165 = arith.constant 8 : i32
    %dma_wait3A_166 = arith.constant 1920 : i32
    %dma_wait3A_167 = tpu.memref_slice %arg10[%dma_wait3A_166] : memref<2000xi32, #tpu.memory_space<vmem>> -> memref<80xi32, #tpu.memory_space<vmem>>
    %dma_wait3A_168 = arith.constant 0 : i32
    %dma_wait3A_169 = arith.constant 0 : i32
    %dma_wait3A_170 = tpu.memref_slice %arg22[%dma_wait3A_168, %dma_wait3A_169] : memref<10000x128xf32, #tpu.memory_space<vmem_shared>> -> memref<10000x128xf32, #tpu.memory_space<vmem_shared>>
    tpu.wait_indirect_dma semaphore(%arg18 : memref<!tpu.dma_semaphore, #tpu.memory_space<semaphore_mem>>) src(%arg11 : memref<80x128xf32, #tpu.memory_space<vmem>>) dst(%dma_wait3A_170 : memref<10000x128xf32, #tpu.memory_space<vmem_shared>>)
    %add3A_171 = arith.constant 4000 : i32
    %add3A_172 = arith.addi %mul3A_2, %add3A_171 : i32
    %dma_wait3A_173 = arith.constant 0 : i32
    %dma_wait3A_174 = tpu.memref_slice %arg3[%dma_wait3A_173, %add3A_172] : memref<2x320000xi32, #tpu.memory_space<hbm>> -> memref<1x2000xi32, #tpu.memory_space<hbm>>
    %dma_wait3A_175 = tpu.memref_squeeze %dma_wait3A_174 : memref<1x2000xi32, #tpu.memory_space<hbm>> -> memref<2000xi32, #tpu.memory_space<hbm>>
    %dma_wait3A_176 = tpu.memref_slice %arg3[%dma_wait3A_173, %add3A_172] : memref<2x320000xi32, #tpu.memory_space<hbm>> -> memref<1x2000xi32, #tpu.memory_space<hbm>>
    %dma_wait3A_177 = tpu.memref_squeeze %dma_wait3A_176 : memref<1x2000xi32, #tpu.memory_space<hbm>> -> memref<2000xi32, #tpu.memory_space<hbm>>
    tpu.wait_dma2 semaphore(%arg21 : memref<!tpu.dma_semaphore, #tpu.memory_space<semaphore_mem>>) src(%dma_wait3A_177 : memref<2000xi32, #tpu.memory_space<hbm>>) dst(%arg7 : memref<2000xi32, #tpu.memory_space<vmem>>)
    %add3A_178 = arith.constant 4000 : i32
    %add3A_179 = arith.addi %mul3A_2, %add3A_178 : i32
    %dma_wait3A_180 = arith.constant 1 : i32
    %dma_wait3A_181 = tpu.memref_slice %arg3[%dma_wait3A_180, %add3A_179] : memref<2x320000xi32, #tpu.memory_space<hbm>> -> memref<1x2000xi32, #tpu.memory_space<hbm>>
    %dma_wait3A_182 = tpu.memref_squeeze %dma_wait3A_181 : memref<1x2000xi32, #tpu.memory_space<hbm>> -> memref<2000xi32, #tpu.memory_space<hbm>>
    %dma_wait3A_183 = tpu.memref_slice %arg3[%dma_wait3A_180, %add3A_179] : memref<2x320000xi32, #tpu.memory_space<hbm>> -> memref<1x2000xi32, #tpu.memory_space<hbm>>
    %dma_wait3A_184 = tpu.memref_squeeze %dma_wait3A_183 : memref<1x2000xi32, #tpu.memory_space<hbm>> -> memref<2000xi32, #tpu.memory_space<hbm>>
    tpu.wait_dma2 semaphore(%arg21 : memref<!tpu.dma_semaphore, #tpu.memory_space<semaphore_mem>>) src(%dma_wait3A_184 : memref<2000xi32, #tpu.memory_space<hbm>>) dst(%arg8 : memref<2000xi32, #tpu.memory_space<vmem>>)
    %dma_start3A_185 = arith.constant 0 : i32
    %dma_start3A_186 = tpu.memref_slice %arg7[%dma_start3A_185] : memref<2000xi32, #tpu.memory_space<vmem>> -> memref<80xi32, #tpu.memory_space<vmem>>
    %dma_start3A_187 = arith.constant 0 : i32
    %dma_start3A_188 = arith.constant 0 : i32
    %dma_start3A_189 = tpu.memref_slice %arg2[%dma_start3A_187, %dma_start3A_188] : memref<10000x128xf32, #tpu.memory_space<hbm>> -> memref<10000x128xf32, #tpu.memory_space<hbm>>
    tpu.enqueue_indirect_dma source(%dma_start3A_189 : memref<10000x128xf32, #tpu.memory_space<hbm>>) target(%arg11 : memref<80x128xf32, #tpu.memory_space<vmem>>) offsets(%dma_start3A_186 : memref<80xi32, #tpu.memory_space<vmem>>) semaphore(%arg15 : memref<!tpu.dma_semaphore, #tpu.memory_space<semaphore_mem>>)
    %dma_start3A_190 = arith.constant 80 : i32
    %dma_start3A_191 = tpu.memref_slice %arg7[%dma_start3A_190] : memref<2000xi32, #tpu.memory_space<vmem>> -> memref<80xi32, #tpu.memory_space<vmem>>
    %dma_start3A_192 = arith.constant 0 : i32
    %dma_start3A_193 = arith.constant 0 : i32
    %dma_start3A_194 = tpu.memref_slice %arg2[%dma_start3A_192, %dma_start3A_193] : memref<10000x128xf32, #tpu.memory_space<hbm>> -> memref<10000x128xf32, #tpu.memory_space<hbm>>
    tpu.enqueue_indirect_dma source(%dma_start3A_194 : memref<10000x128xf32, #tpu.memory_space<hbm>>) target(%arg12 : memref<80x128xf32, #tpu.memory_space<vmem>>) offsets(%dma_start3A_191 : memref<80xi32, #tpu.memory_space<vmem>>) semaphore(%arg16 : memref<!tpu.dma_semaphore, #tpu.memory_space<semaphore_mem>>)
    %add3A_195 = arith.constant 6000 : i32
    %add3A_196 = arith.addi %mul3A_2, %add3A_195 : i32
    %dma_start3A_197 = arith.constant 0 : i32
    %dma_start3A_198 = tpu.memref_slice %arg3[%dma_start3A_197, %add3A_196] : memref<2x320000xi32, #tpu.memory_space<hbm>> -> memref<1x2000xi32, #tpu.memory_space<hbm>>
    %dma_start3A_199 = tpu.memref_squeeze %dma_start3A_198 : memref<1x2000xi32, #tpu.memory_space<hbm>> -> memref<2000xi32, #tpu.memory_space<hbm>>
    %dma_start3A_200 = tpu.memref_slice %arg3[%dma_start3A_197, %add3A_196] : memref<2x320000xi32, #tpu.memory_space<hbm>> -> memref<1x2000xi32, #tpu.memory_space<hbm>>
    %dma_start3A_201 = tpu.memref_squeeze %dma_start3A_200 : memref<1x2000xi32, #tpu.memory_space<hbm>> -> memref<2000xi32, #tpu.memory_space<hbm>>
    tpu.enqueue_dma source(%dma_start3A_201 : memref<2000xi32, #tpu.memory_space<hbm>>) target(%arg9 : memref<2000xi32, #tpu.memory_space<vmem>>) target_semaphore(%arg21 : memref<!tpu.dma_semaphore, #tpu.memory_space<semaphore_mem>>)
    %add3A_202 = arith.constant 6000 : i32
    %add3A_203 = arith.addi %mul3A_2, %add3A_202 : i32
    %dma_start3A_204 = arith.constant 1 : i32
    %dma_start3A_205 = tpu.memref_slice %arg3[%dma_start3A_204, %add3A_203] : memref<2x320000xi32, #tpu.memory_space<hbm>> -> memref<1x2000xi32, #tpu.memory_space<hbm>>
    %dma_start3A_206 = tpu.memref_squeeze %dma_start3A_205 : memref<1x2000xi32, #tpu.memory_space<hbm>> -> memref<2000xi32, #tpu.memory_space<hbm>>
    %dma_start3A_207 = tpu.memref_slice %arg3[%dma_start3A_204, %add3A_203] : memref<2x320000xi32, #tpu.memory_space<hbm>> -> memref<1x2000xi32, #tpu.memory_space<hbm>>
    %dma_start3A_208 = tpu.memref_squeeze %dma_start3A_207 : memref<1x2000xi32, #tpu.memory_space<hbm>> -> memref<2000xi32, #tpu.memory_space<hbm>>
    tpu.enqueue_dma source(%dma_start3A_208 : memref<2000xi32, #tpu.memory_space<hbm>>) target(%arg10 : memref<2000xi32, #tpu.memory_space<vmem>>) target_semaphore(%arg21 : memref<!tpu.dma_semaphore, #tpu.memory_space<semaphore_mem>>)
    %dma_wait3A_209 = arith.constant 0 : i32
    %dma_wait3A_210 = tpu.memref_slice %arg7[%dma_wait3A_209] : memref<2000xi32, #tpu.memory_space<vmem>> -> memref<80xi32, #tpu.memory_space<vmem>>
    %dma_wait3A_211 = arith.constant 0 : i32
    %dma_wait3A_212 = arith.constant 0 : i32
    %dma_wait3A_213 = tpu.memref_slice %arg2[%dma_wait3A_211, %dma_wait3A_212] : memref<10000x128xf32, #tpu.memory_space<hbm>> -> memref<10000x128xf32, #tpu.memory_space<hbm>>
    tpu.wait_indirect_dma semaphore(%arg15 : memref<!tpu.dma_semaphore, #tpu.memory_space<semaphore_mem>>) src(%dma_wait3A_213 : memref<10000x128xf32, #tpu.memory_space<hbm>>) dst(%arg11 : memref<80x128xf32, #tpu.memory_space<vmem>>)
    %dma_start3A_214 = arith.constant 0 : i32
    %dma_start3A_215 = tpu.memref_slice %arg8[%dma_start3A_214] : memref<2000xi32, #tpu.memory_space<vmem>> -> memref<80xi32, #tpu.memory_space<vmem>>
    %dma_start3A_216 = arith.constant 0 : i32
    %dma_start3A_217 = arith.constant 0 : i32
    %dma_start3A_218 = tpu.memref_slice %arg22[%dma_start3A_216, %dma_start3A_217] : memref<10000x128xf32, #tpu.memory_space<vmem_shared>> -> memref<10000x128xf32, #tpu.memory_space<vmem_shared>>
    tpu.enqueue_indirect_dma source(%arg11 : memref<80x128xf32, #tpu.memory_space<vmem>>) target(%dma_start3A_218 : memref<10000x128xf32, #tpu.memory_space<vmem_shared>>) offsets(%dma_start3A_215 : memref<80xi32, #tpu.memory_space<vmem>>) semaphore(%arg18 : memref<!tpu.dma_semaphore, #tpu.memory_space<semaphore_mem>>) {add = true}
    %get3A_219 = arith.constant 0 : index
    %get3A_220 = tpu.vector_load %arg8[%get3A_219] {strides = array<i32>} : memref<2000xi32, #tpu.memory_space<vmem>>, vector<16xi32>,
    tpu.vector_store_idx %arg14[%get3A_220], %broadcast_in_dim3A_3 {add = true} : memref<10000xf32, #tpu.memory_space<vmem>>[vector<16xi32>], vector<16xf32>,
    %get3A_221 = arith.constant 16 : index
    %get3A_222 = tpu.vector_load %arg8[%get3A_221] {strides = array<i32>} : memref<2000xi32, #tpu.memory_space<vmem>>, vector<16xi32>,
    tpu.vector_store_idx %arg14[%get3A_222], %broadcast_in_dim3A_3 {add = true} : memref<10000xf32, #tpu.memory_space<vmem>>[vector<16xi32>], vector<16xf32>,
    %get3A_223 = arith.constant 32 : index
    %get3A_224 = tpu.vector_load %arg8[%get3A_223] {strides = array<i32>} : memref<2000xi32, #tpu.memory_space<vmem>>, vector<16xi32>,
    tpu.vector_store_idx %arg14[%get3A_224], %broadcast_in_dim3A_3 {add = true} : memref<10000xf32, #tpu.memory_space<vmem>>[vector<16xi32>], vector<16xf32>,
    %get3A_225 = arith.constant 48 : index
    %get3A_226 = tpu.vector_load %arg8[%get3A_225] {strides = array<i32>} : memref<2000xi32, #tpu.memory_space<vmem>>, vector<16xi32>,
    tpu.vector_store_idx %arg14[%get3A_226], %broadcast_in_dim3A_3 {add = true} : memref<10000xf32, #tpu.memory_space<vmem>>[vector<16xi32>], vector<16xf32>,
    %get3A_227 = arith.constant 64 : index
    %get3A_228 = tpu.vector_load %arg8[%get3A_227] {strides = array<i32>} : memref<2000xi32, #tpu.memory_space<vmem>>, vector<16xi32>,
    tpu.vector_store_idx %arg14[%get3A_228], %broadcast_in_dim3A_3 {add = true} : memref<10000xf32, #tpu.memory_space<vmem>>[vector<16xi32>], vector<16xf32>,
    %dma_start3A_229 = arith.constant 160 : i32
    %dma_start3A_230 = tpu.memref_slice %arg7[%dma_start3A_229] : memref<2000xi32, #tpu.memory_space<vmem>> -> memref<80xi32, #tpu.memory_space<vmem>>
    %dma_start3A_231 = arith.constant 0 : i32
    %dma_start3A_232 = arith.constant 0 : i32
    %dma_start3A_233 = tpu.memref_slice %arg2[%dma_start3A_231, %dma_start3A_232] : memref<10000x128xf32, #tpu.memory_space<hbm>> -> memref<10000x128xf32, #tpu.memory_space<hbm>>
    tpu.enqueue_indirect_dma source(%dma_start3A_233 : memref<10000x128xf32, #tpu.memory_space<hbm>>) target(%arg13 : memref<80x128xf32, #tpu.memory_space<vmem>>) offsets(%dma_start3A_230 : memref<80xi32, #tpu.memory_space<vmem>>) semaphore(%arg17 : memref<!tpu.dma_semaphore, #tpu.memory_space<semaphore_mem>>)
    %scan3A_234 = arith.constant 0 : i32
    %scan3A_235 = arith.constant 8 : i32
    %scan3A_236 = arith.addi %scan3A_234, %scan3A_235 : i32
    %scan3A_237 = arith.constant 1 : i32
    scf.for %scan3A_385 = %scan3A_234 to %scan3A_236 step %scan3A_237  : i32 {
      %mul3A_386 = arith.constant 3 : i32
      %mul3A_387 = arith.muli %scan3A_385, %mul3A_386 : i32
      %add3A_388 = arith.constant 1 : i32
      %add3A_389 = arith.addi %add3A_388, %mul3A_387 : i32
      %mul3A_390 = arith.constant 80 : i32
      %mul3A_391 = arith.muli %add3A_389, %mul3A_390 : i32
      %dma_wait3A_392 = tpu.memref_slice %arg7[%mul3A_391] : memref<2000xi32, #tpu.memory_space<vmem>> -> memref<80xi32, #tpu.memory_space<vmem>>
      %dma_wait3A_393 = arith.constant 0 : i32
      %dma_wait3A_394 = arith.constant 0 : i32
      %dma_wait3A_395 = tpu.memref_slice %arg2[%dma_wait3A_393, %dma_wait3A_394] : memref<10000x128xf32, #tpu.memory_space<hbm>> -> memref<10000x128xf32, #tpu.memory_space<hbm>>
      tpu.wait_indirect_dma semaphore(%arg16 : memref<!tpu.dma_semaphore, #tpu.memory_space<semaphore_mem>>) src(%dma_wait3A_395 : memref<10000x128xf32, #tpu.memory_space<hbm>>) dst(%arg12 : memref<80x128xf32, #tpu.memory_space<vmem>>)
      %mul3A_396 = arith.constant 80 : i32
      %mul3A_397 = arith.muli %add3A_389, %mul3A_396 : i32
      %dma_start3A_398 = tpu.memref_slice %arg8[%mul3A_397] : memref<2000xi32, #tpu.memory_space<vmem>> -> memref<80xi32, #tpu.memory_space<vmem>>
      %dma_start3A_399 = arith.constant 0 : i32
      %dma_start3A_400 = arith.constant 0 : i32
      %dma_start3A_401 = tpu.memref_slice %arg22[%dma_start3A_399, %dma_start3A_400] : memref<10000x128xf32, #tpu.memory_space<vmem_shared>> -> memref<10000x128xf32, #tpu.memory_space<vmem_shared>>
      tpu.enqueue_indirect_dma source(%arg12 : memref<80x128xf32, #tpu.memory_space<vmem>>) target(%dma_start3A_401 : memref<10000x128xf32, #tpu.memory_space<vmem_shared>>) offsets(%dma_start3A_398 : memref<80xi32, #tpu.memory_space<vmem>>) semaphore(%arg19 : memref<!tpu.dma_semaphore, #tpu.memory_space<semaphore_mem>>) {add = true}
      %mul3A_402 = arith.constant 80 : i32
      %mul3A_403 = arith.muli %add3A_389, %mul3A_402 : i32
      %add3A_404 = arith.constant 0 : i32
      %add3A_405 = arith.addi %mul3A_403, %add3A_404 : i32
      %get3A_406 = arith.index_cast %add3A_405 : i32 to index
      %get3A_407 = tpu.vector_load %arg8[%get3A_406] {strides = array<i32>} : memref<2000xi32, #tpu.memory_space<vmem>>, vector<16xi32>,
      tpu.vector_store_idx %arg14[%get3A_407], %broadcast_in_dim3A_3 {add = true} : memref<10000xf32, #tpu.memory_space<vmem>>[vector<16xi32>], vector<16xf32>,
      %mul3A_408 = arith.constant 80 : i32
      %mul3A_409 = arith.muli %add3A_389, %mul3A_408 : i32
      %add3A_410 = arith.constant 16 : i32
      %add3A_411 = arith.addi %mul3A_409, %add3A_410 : i32
      %get3A_412 = arith.index_cast %add3A_411 : i32 to index
      %get3A_413 = tpu.vector_load %arg8[%get3A_412] {strides = array<i32>} : memref<2000xi32, #tpu.memory_space<vmem>>, vector<16xi32>,
      tpu.vector_store_idx %arg14[%get3A_413], %broadcast_in_dim3A_3 {add = true} : memref<10000xf32, #tpu.memory_space<vmem>>[vector<16xi32>], vector<16xf32>,
      %mul3A_414 = arith.constant 80 : i32
      %mul3A_415 = arith.muli %add3A_389, %mul3A_414 : i32
      %add3A_416 = arith.constant 32 : i32
      %add3A_417 = arith.addi %mul3A_415, %add3A_416 : i32
      %get3A_418 = arith.index_cast %add3A_417 : i32 to index
      %get3A_419 = tpu.vector_load %arg8[%get3A_418] {strides = array<i32>} : memref<2000xi32, #tpu.memory_space<vmem>>, vector<16xi32>,
      tpu.vector_store_idx %arg14[%get3A_419], %broadcast_in_dim3A_3 {add = true} : memref<10000xf32, #tpu.memory_space<vmem>>[vector<16xi32>], vector<16xf32>,
      %mul3A_420 = arith.constant 80 : i32
      %mul3A_421 = arith.muli %add3A_389, %mul3A_420 : i32
      %add3A_422 = arith.constant 48 : i32
      %add3A_423 = arith.addi %mul3A_421, %add3A_422 : i32
      %get3A_424 = arith.index_cast %add3A_423 : i32 to index
      %get3A_425 = tpu.vector_load %arg8[%get3A_424] {strides = array<i32>} : memref<2000xi32, #tpu.memory_space<vmem>>, vector<16xi32>,
      tpu.vector_store_idx %arg14[%get3A_425], %broadcast_in_dim3A_3 {add = true} : memref<10000xf32, #tpu.memory_space<vmem>>[vector<16xi32>], vector<16xf32>,
      %mul3A_426 = arith.constant 80 : i32
      %mul3A_427 = arith.muli %add3A_389, %mul3A_426 : i32
      %add3A_428 = arith.constant 64 : i32
      %add3A_429 = arith.addi %mul3A_427, %add3A_428 : i32
      %get3A_430 = arith.index_cast %add3A_429 : i32 to index
      %get3A_431 = tpu.vector_load %arg8[%get3A_430] {strides = array<i32>} : memref<2000xi32, #tpu.memory_space<vmem>>, vector<16xi32>,
      tpu.vector_store_idx %arg14[%get3A_431], %broadcast_in_dim3A_3 {add = true} : memref<10000xf32, #tpu.memory_space<vmem>>[vector<16xi32>], vector<16xf32>,
      %sub3A = arith.constant 1 : i32
      %sub3A_432 = arith.subi %add3A_389, %sub3A : i32
      %mul3A_433 = arith.constant 80 : i32
      %mul3A_434 = arith.muli %sub3A_432, %mul3A_433 : i32
      %dma_wait3A_435 = tpu.memref_slice %arg8[%mul3A_434] : memref<2000xi32, #tpu.memory_space<vmem>> -> memref<80xi32, #tpu.memory_space<vmem>>
      %dma_wait3A_436 = arith.constant 0 : i32
      %dma_wait3A_437 = arith.constant 0 : i32
      %dma_wait3A_438 = tpu.memref_slice %arg22[%dma_wait3A_436, %dma_wait3A_437] : memref<10000x128xf32, #tpu.memory_space<vmem_shared>> -> memref<10000x128xf32, #tpu.memory_space<vmem_shared>>
      tpu.wait_indirect_dma semaphore(%arg18 : memref<!tpu.dma_semaphore, #tpu.memory_space<semaphore_mem>>) src(%arg11 : memref<80x128xf32, #tpu.memory_space<vmem>>) dst(%dma_wait3A_438 : memref<10000x128xf32, #tpu.memory_space<vmem_shared>>)
      %add3A_439 = arith.constant 2 : i32
      %add3A_440 = arith.addi %add3A_389, %add3A_439 : i32
      %mul3A_441 = arith.constant 80 : i32
      %mul3A_442 = arith.muli %add3A_440, %mul3A_441 : i32
      %dma_start3A_443 = tpu.memref_slice %arg7[%mul3A_442] : memref<2000xi32, #tpu.memory_space<vmem>> -> memref<80xi32, #tpu.memory_space<vmem>>
      %dma_start3A_444 = arith.constant 0 : i32
      %dma_start3A_445 = arith.constant 0 : i32
      %dma_start3A_446 = tpu.memref_slice %arg2[%dma_start3A_444, %dma_start3A_445] : memref<10000x128xf32, #tpu.memory_space<hbm>> -> memref<10000x128xf32, #tpu.memory_space<hbm>>
      tpu.enqueue_indirect_dma source(%dma_start3A_446 : memref<10000x128xf32, #tpu.memory_space<hbm>>) target(%arg11 : memref<80x128xf32, #tpu.memory_space<vmem>>) offsets(%dma_start3A_443 : memref<80xi32, #tpu.memory_space<vmem>>) semaphore(%arg15 : memref<!tpu.dma_semaphore, #tpu.memory_space<semaphore_mem>>)
      %add3A_447 = arith.constant 1 : i32
      %add3A_448 = arith.addi %add3A_389, %add3A_447 : i32
      %mul3A_449 = arith.constant 80 : i32
      %mul3A_450 = arith.muli %add3A_448, %mul3A_449 : i32
      %dma_wait3A_451 = tpu.memref_slice %arg7[%mul3A_450] : memref<2000xi32, #tpu.memory_space<vmem>> -> memref<80xi32, #tpu.memory_space<vmem>>
      %dma_wait3A_452 = arith.constant 0 : i32
      %dma_wait3A_453 = arith.constant 0 : i32
      %dma_wait3A_454 = tpu.memref_slice %arg2[%dma_wait3A_452, %dma_wait3A_453] : memref<10000x128xf32, #tpu.memory_space<hbm>> -> memref<10000x128xf32, #tpu.memory_space<hbm>>
      tpu.wait_indirect_dma semaphore(%arg17 : memref<!tpu.dma_semaphore, #tpu.memory_space<semaphore_mem>>) src(%dma_wait3A_454 : memref<10000x128xf32, #tpu.memory_space<hbm>>) dst(%arg13 : memref<80x128xf32, #tpu.memory_space<vmem>>)
      %add3A_455 = arith.constant 1 : i32
      %add3A_456 = arith.addi %add3A_389, %add3A_455 : i32
      %mul3A_457 = arith.constant 80 : i32
      %mul3A_458 = arith.muli %add3A_456, %mul3A_457 : i32
      %dma_start3A_459 = tpu.memref_slice %arg8[%mul3A_458] : memref<2000xi32, #tpu.memory_space<vmem>> -> memref<80xi32, #tpu.memory_space<vmem>>
      %dma_start3A_460 = arith.constant 0 : i32
      %dma_start3A_461 = arith.constant 0 : i32
      %dma_start3A_462 = tpu.memref_slice %arg22[%dma_start3A_460, %dma_start3A_461] : memref<10000x128xf32, #tpu.memory_space<vmem_shared>> -> memref<10000x128xf32, #tpu.memory_space<vmem_shared>>
      tpu.enqueue_indirect_dma source(%arg13 : memref<80x128xf32, #tpu.memory_space<vmem>>) target(%dma_start3A_462 : memref<10000x128xf32, #tpu.memory_space<vmem_shared>>) offsets(%dma_start3A_459 : memref<80xi32, #tpu.memory_space<vmem>>) semaphore(%arg20 : memref<!tpu.dma_semaphore, #tpu.memory_space<semaphore_mem>>) {add = true}
      %add3A_463 = arith.constant 1 : i32
      %add3A_464 = arith.addi %add3A_389, %add3A_463 : i32
      %mul3A_465 = arith.constant 80 : i32
      %mul3A_466 = arith.muli %add3A_464, %mul3A_465 : i32
      %add3A_467 = arith.constant 0 : i32
      %add3A_468 = arith.addi %mul3A_466, %add3A_467 : i32
      %get3A_469 = arith.index_cast %add3A_468 : i32 to index
      %get3A_470 = tpu.vector_load %arg8[%get3A_469] {strides = array<i32>} : memref<2000xi32, #tpu.memory_space<vmem>>, vector<16xi32>,
      tpu.vector_store_idx %arg14[%get3A_470], %broadcast_in_dim3A_3 {add = true} : memref<10000xf32, #tpu.memory_space<vmem>>[vector<16xi32>], vector<16xf32>,
      %mul3A_471 = arith.constant 80 : i32
      %mul3A_472 = arith.muli %add3A_464, %mul3A_471 : i32
      %add3A_473 = arith.constant 16 : i32
      %add3A_474 = arith.addi %mul3A_472, %add3A_473 : i32
      %get3A_475 = arith.index_cast %add3A_474 : i32 to index
      %get3A_476 = tpu.vector_load %arg8[%get3A_475] {strides = array<i32>} : memref<2000xi32, #tpu.memory_space<vmem>>, vector<16xi32>,
      tpu.vector_store_idx %arg14[%get3A_476], %broadcast_in_dim3A_3 {add = true} : memref<10000xf32, #tpu.memory_space<vmem>>[vector<16xi32>], vector<16xf32>,
      %mul3A_477 = arith.constant 80 : i32
      %mul3A_478 = arith.muli %add3A_464, %mul3A_477 : i32
      %add3A_479 = arith.constant 32 : i32
      %add3A_480 = arith.addi %mul3A_478, %add3A_479 : i32
      %get3A_481 = arith.index_cast %add3A_480 : i32 to index
      %get3A_482 = tpu.vector_load %arg8[%get3A_481] {strides = array<i32>} : memref<2000xi32, #tpu.memory_space<vmem>>, vector<16xi32>,
      tpu.vector_store_idx %arg14[%get3A_482], %broadcast_in_dim3A_3 {add = true} : memref<10000xf32, #tpu.memory_space<vmem>>[vector<16xi32>], vector<16xf32>,
      %mul3A_483 = arith.constant 80 : i32
      %mul3A_484 = arith.muli %add3A_464, %mul3A_483 : i32
      %add3A_485 = arith.constant 48 : i32
      %add3A_486 = arith.addi %mul3A_484, %add3A_485 : i32
      %get3A_487 = arith.index_cast %add3A_486 : i32 to index
      %get3A_488 = tpu.vector_load %arg8[%get3A_487] {strides = array<i32>} : memref<2000xi32, #tpu.memory_space<vmem>>, vector<16xi32>,
      tpu.vector_store_idx %arg14[%get3A_488], %broadcast_in_dim3A_3 {add = true} : memref<10000xf32, #tpu.memory_space<vmem>>[vector<16xi32>], vector<16xf32>,
      %mul3A_489 = arith.constant 80 : i32
      %mul3A_490 = arith.muli %add3A_464, %mul3A_489 : i32
      %add3A_491 = arith.constant 64 : i32
      %add3A_492 = arith.addi %mul3A_490, %add3A_491 : i32
      %get3A_493 = arith.index_cast %add3A_492 : i32 to index
      %get3A_494 = tpu.vector_load %arg8[%get3A_493] {strides = array<i32>} : memref<2000xi32, #tpu.memory_space<vmem>>, vector<16xi32>,
      tpu.vector_store_idx %arg14[%get3A_494], %broadcast_in_dim3A_3 {add = true} : memref<10000xf32, #tpu.memory_space<vmem>>[vector<16xi32>], vector<16xf32>,
      %mul3A_495 = arith.constant 80 : i32
      %mul3A_496 = arith.muli %add3A_389, %mul3A_495 : i32
      %dma_wait3A_497 = tpu.memref_slice %arg8[%mul3A_496] : memref<2000xi32, #tpu.memory_space<vmem>> -> memref<80xi32, #tpu.memory_space<vmem>>
      %dma_wait3A_498 = arith.constant 0 : i32
      %dma_wait3A_499 = arith.constant 0 : i32
      %dma_wait3A_500 = tpu.memref_slice %arg22[%dma_wait3A_498, %dma_wait3A_499] : memref<10000x128xf32, #tpu.memory_space<vmem_shared>> -> memref<10000x128xf32, #tpu.memory_space<vmem_shared>>
      tpu.wait_indirect_dma semaphore(%arg19 : memref<!tpu.dma_semaphore, #tpu.memory_space<semaphore_mem>>) src(%arg12 : memref<80x128xf32, #tpu.memory_space<vmem>>) dst(%dma_wait3A_500 : memref<10000x128xf32, #tpu.memory_space<vmem_shared>>)
      %le3A = arith.constant 21 : i32
      %le3A_501 = arith.cmpi sle, %add3A_389, %le3A : i32
      %convert_element_type3A = arith.extui %le3A_501 : i1 to i32
      %cond3A = arith.constant 0 : i32
      %cond3A_502 = arith.cmpi ne, %convert_element_type3A, %cond3A : i32
      scf.if %cond3A_502 {
        %add3A_564 = arith.constant 3 : i32
        %add3A_565 = arith.addi %add3A_389, %add3A_564 : i32
        %mul3A_566 = arith.constant 80 : i32
        %mul3A_567 = arith.muli %add3A_565, %mul3A_566 : i32
        %dma_start3A_568 = tpu.memref_slice %arg7[%mul3A_567] : memref<2000xi32, #tpu.memory_space<vmem>> -> memref<80xi32, #tpu.memory_space<vmem>>
        %dma_start3A_569 = arith.constant 0 : i32
        %dma_start3A_570 = arith.constant 0 : i32
        %dma_start3A_571 = tpu.memref_slice %arg2[%dma_start3A_569, %dma_start3A_570] : memref<10000x128xf32, #tpu.memory_space<hbm>> -> memref<10000x128xf32, #tpu.memory_space<hbm>>
        tpu.enqueue_indirect_dma source(%dma_start3A_571 : memref<10000x128xf32, #tpu.memory_space<hbm>>) target(%arg12 : memref<80x128xf32, #tpu.memory_space<vmem>>) offsets(%dma_start3A_568 : memref<80xi32, #tpu.memory_space<vmem>>) semaphore(%arg16 : memref<!tpu.dma_semaphore, #tpu.memory_space<semaphore_mem>>)
      } else {
      }
      %add3A_503 = arith.constant 2 : i32
      %add3A_504 = arith.addi %add3A_389, %add3A_503 : i32
      %mul3A_505 = arith.constant 80 : i32
      %mul3A_506 = arith.muli %add3A_504, %mul3A_505 : i32
      %dma_wait3A_507 = tpu.memref_slice %arg7[%mul3A_506] : memref<2000xi32, #tpu.memory_space<vmem>> -> memref<80xi32, #tpu.memory_space<vmem>>
      %dma_wait3A_508 = arith.constant 0 : i32
      %dma_wait3A_509 = arith.constant 0 : i32
      %dma_wait3A_510 = tpu.memref_slice %arg2[%dma_wait3A_508, %dma_wait3A_509] : memref<10000x128xf32, #tpu.memory_space<hbm>> -> memref<10000x128xf32, #tpu.memory_space<hbm>>
      tpu.wait_indirect_dma semaphore(%arg15 : memref<!tpu.dma_semaphore, #tpu.memory_space<semaphore_mem>>) src(%dma_wait3A_510 : memref<10000x128xf32, #tpu.memory_space<hbm>>) dst(%arg11 : memref<80x128xf32, #tpu.memory_space<vmem>>)
      %add3A_511 = arith.constant 2 : i32
      %add3A_512 = arith.addi %add3A_389, %add3A_511 : i32
      %mul3A_513 = arith.constant 80 : i32
      %mul3A_514 = arith.muli %add3A_512, %mul3A_513 : i32
      %dma_start3A_515 = tpu.memref_slice %arg8[%mul3A_514] : memref<2000xi32, #tpu.memory_space<vmem>> -> memref<80xi32, #tpu.memory_space<vmem>>
      %dma_start3A_516 = arith.constant 0 : i32
      %dma_start3A_517 = arith.constant 0 : i32
      %dma_start3A_518 = tpu.memref_slice %arg22[%dma_start3A_516, %dma_start3A_517] : memref<10000x128xf32, #tpu.memory_space<vmem_shared>> -> memref<10000x128xf32, #tpu.memory_space<vmem_shared>>
      tpu.enqueue_indirect_dma source(%arg11 : memref<80x128xf32, #tpu.memory_space<vmem>>) target(%dma_start3A_518 : memref<10000x128xf32, #tpu.memory_space<vmem_shared>>) offsets(%dma_start3A_515 : memref<80xi32, #tpu.memory_space<vmem>>) semaphore(%arg18 : memref<!tpu.dma_semaphore, #tpu.memory_space<semaphore_mem>>) {add = true}
      %add3A_519 = arith.constant 2 : i32
      %add3A_520 = arith.addi %add3A_389, %add3A_519 : i32
      %mul3A_521 = arith.constant 80 : i32
      %mul3A_522 = arith.muli %add3A_520, %mul3A_521 : i32
      %add3A_523 = arith.constant 0 : i32
      %add3A_524 = arith.addi %mul3A_522, %add3A_523 : i32
      %get3A_525 = arith.index_cast %add3A_524 : i32 to index
      %get3A_526 = tpu.vector_load %arg8[%get3A_525] {strides = array<i32>} : memref<2000xi32, #tpu.memory_space<vmem>>, vector<16xi32>,
      tpu.vector_store_idx %arg14[%get3A_526], %broadcast_in_dim3A_3 {add = true} : memref<10000xf32, #tpu.memory_space<vmem>>[vector<16xi32>], vector<16xf32>,
      %mul3A_527 = arith.constant 80 : i32
      %mul3A_528 = arith.muli %add3A_520, %mul3A_527 : i32
      %add3A_529 = arith.constant 16 : i32
      %add3A_530 = arith.addi %mul3A_528, %add3A_529 : i32
      %get3A_531 = arith.index_cast %add3A_530 : i32 to index
      %get3A_532 = tpu.vector_load %arg8[%get3A_531] {strides = array<i32>} : memref<2000xi32, #tpu.memory_space<vmem>>, vector<16xi32>,
      tpu.vector_store_idx %arg14[%get3A_532], %broadcast_in_dim3A_3 {add = true} : memref<10000xf32, #tpu.memory_space<vmem>>[vector<16xi32>], vector<16xf32>,
      %mul3A_533 = arith.constant 80 : i32
      %mul3A_534 = arith.muli %add3A_520, %mul3A_533 : i32
      %add3A_535 = arith.constant 32 : i32
      %add3A_536 = arith.addi %mul3A_534, %add3A_535 : i32
      %get3A_537 = arith.index_cast %add3A_536 : i32 to index
      %get3A_538 = tpu.vector_load %arg8[%get3A_537] {strides = array<i32>} : memref<2000xi32, #tpu.memory_space<vmem>>, vector<16xi32>,
      tpu.vector_store_idx %arg14[%get3A_538], %broadcast_in_dim3A_3 {add = true} : memref<10000xf32, #tpu.memory_space<vmem>>[vector<16xi32>], vector<16xf32>,
      %mul3A_539 = arith.constant 80 : i32
      %mul3A_540 = arith.muli %add3A_520, %mul3A_539 : i32
      %add3A_541 = arith.constant 48 : i32
      %add3A_542 = arith.addi %mul3A_540, %add3A_541 : i32
      %get3A_543 = arith.index_cast %add3A_542 : i32 to index
      %get3A_544 = tpu.vector_load %arg8[%get3A_543] {strides = array<i32>} : memref<2000xi32, #tpu.memory_space<vmem>>, vector<16xi32>,
      tpu.vector_store_idx %arg14[%get3A_544], %broadcast_in_dim3A_3 {add = true} : memref<10000xf32, #tpu.memory_space<vmem>>[vector<16xi32>], vector<16xf32>,
      %mul3A_545 = arith.constant 80 : i32
      %mul3A_546 = arith.muli %add3A_520, %mul3A_545 : i32
      %add3A_547 = arith.constant 64 : i32
      %add3A_548 = arith.addi %mul3A_546, %add3A_547 : i32
      %get3A_549 = arith.index_cast %add3A_548 : i32 to index
      %get3A_550 = tpu.vector_load %arg8[%get3A_549] {strides = array<i32>} : memref<2000xi32, #tpu.memory_space<vmem>>, vector<16xi32>,
      tpu.vector_store_idx %arg14[%get3A_550], %broadcast_in_dim3A_3 {add = true} : memref<10000xf32, #tpu.memory_space<vmem>>[vector<16xi32>], vector<16xf32>,
      %add3A_551 = arith.constant 1 : i32
      %add3A_552 = arith.addi %add3A_389, %add3A_551 : i32
      %mul3A_553 = arith.constant 80 : i32
      %mul3A_554 = arith.muli %add3A_552, %mul3A_553 : i32
      %dma_wait3A_555 = tpu.memref_slice %arg8[%mul3A_554] : memref<2000xi32, #tpu.memory_space<vmem>> -> memref<80xi32, #tpu.memory_space<vmem>>
      %dma_wait3A_556 = arith.constant 0 : i32
      %dma_wait3A_557 = arith.constant 0 : i32
      %dma_wait3A_558 = tpu.memref_slice %arg22[%dma_wait3A_556, %dma_wait3A_557] : memref<10000x128xf32, #tpu.memory_space<vmem_shared>> -> memref<10000x128xf32, #tpu.memory_space<vmem_shared>>
      tpu.wait_indirect_dma semaphore(%arg20 : memref<!tpu.dma_semaphore, #tpu.memory_space<semaphore_mem>>) src(%arg13 : memref<80x128xf32, #tpu.memory_space<vmem>>) dst(%dma_wait3A_558 : memref<10000x128xf32, #tpu.memory_space<vmem_shared>>)
      %le3A_559 = arith.constant 20 : i32
      %le3A_560 = arith.cmpi sle, %add3A_389, %le3A_559 : i32
      %convert_element_type3A_561 = arith.extui %le3A_560 : i1 to i32
      %cond3A_562 = arith.constant 0 : i32
      %cond3A_563 = arith.cmpi ne, %convert_element_type3A_561, %cond3A_562 : i32
      scf.if %cond3A_563 {
        %add3A_564 = arith.constant 4 : i32
        %add3A_565 = arith.addi %add3A_389, %add3A_564 : i32
        %mul3A_566 = arith.constant 80 : i32
        %mul3A_567 = arith.muli %add3A_565, %mul3A_566 : i32
        %dma_start3A_568 = tpu.memref_slice %arg7[%mul3A_567] : memref<2000xi32, #tpu.memory_space<vmem>> -> memref<80xi32, #tpu.memory_space<vmem>>
        %dma_start3A_569 = arith.constant 0 : i32
        %dma_start3A_570 = arith.constant 0 : i32
        %dma_start3A_571 = tpu.memref_slice %arg2[%dma_start3A_569, %dma_start3A_570] : memref<10000x128xf32, #tpu.memory_space<hbm>> -> memref<10000x128xf32, #tpu.memory_space<hbm>>
        tpu.enqueue_indirect_dma source(%dma_start3A_571 : memref<10000x128xf32, #tpu.memory_space<hbm>>) target(%arg13 : memref<80x128xf32, #tpu.memory_space<vmem>>) offsets(%dma_start3A_568 : memref<80xi32, #tpu.memory_space<vmem>>) semaphore(%arg17 : memref<!tpu.dma_semaphore, #tpu.memory_space<semaphore_mem>>)
      } else {
      }
    }
    %scan3A_238 = arith.constant 8 : i32
    %dma_wait3A_239 = arith.constant 1920 : i32
    %dma_wait3A_240 = tpu.memref_slice %arg8[%dma_wait3A_239] : memref<2000xi32, #tpu.memory_space<vmem>> -> memref<80xi32, #tpu.memory_space<vmem>>
    %dma_wait3A_241 = arith.constant 0 : i32
    %dma_wait3A_242 = arith.constant 0 : i32
    %dma_wait3A_243 = tpu.memref_slice %arg22[%dma_wait3A_241, %dma_wait3A_242] : memref<10000x128xf32, #tpu.memory_space<vmem_shared>> -> memref<10000x128xf32, #tpu.memory_space<vmem_shared>>
    tpu.wait_indirect_dma semaphore(%arg18 : memref<!tpu.dma_semaphore, #tpu.memory_space<semaphore_mem>>) src(%arg11 : memref<80x128xf32, #tpu.memory_space<vmem>>) dst(%dma_wait3A_243 : memref<10000x128xf32, #tpu.memory_space<vmem_shared>>)
    %add3A_244 = arith.constant 6000 : i32
    %add3A_245 = arith.addi %mul3A_2, %add3A_244 : i32
    %dma_wait3A_246 = arith.constant 0 : i32
    %dma_wait3A_247 = tpu.memref_slice %arg3[%dma_wait3A_246, %add3A_245] : memref<2x320000xi32, #tpu.memory_space<hbm>> -> memref<1x2000xi32, #tpu.memory_space<hbm>>
    %dma_wait3A_248 = tpu.memref_squeeze %dma_wait3A_247 : memref<1x2000xi32, #tpu.memory_space<hbm>> -> memref<2000xi32, #tpu.memory_space<hbm>>
    %dma_wait3A_249 = tpu.memref_slice %arg3[%dma_wait3A_246, %add3A_245] : memref<2x320000xi32, #tpu.memory_space<hbm>> -> memref<1x2000xi32, #tpu.memory_space<hbm>>
    %dma_wait3A_250 = tpu.memref_squeeze %dma_wait3A_249 : memref<1x2000xi32, #tpu.memory_space<hbm>> -> memref<2000xi32, #tpu.memory_space<hbm>>
    tpu.wait_dma2 semaphore(%arg21 : memref<!tpu.dma_semaphore, #tpu.memory_space<semaphore_mem>>) src(%dma_wait3A_250 : memref<2000xi32, #tpu.memory_space<hbm>>) dst(%arg9 : memref<2000xi32, #tpu.memory_space<vmem>>)
    %add3A_251 = arith.constant 6000 : i32
    %add3A_252 = arith.addi %mul3A_2, %add3A_251 : i32
    %dma_wait3A_253 = arith.constant 1 : i32
    %dma_wait3A_254 = tpu.memref_slice %arg3[%dma_wait3A_253, %add3A_252] : memref<2x320000xi32, #tpu.memory_space<hbm>> -> memref<1x2000xi32, #tpu.memory_space<hbm>>
    %dma_wait3A_255 = tpu.memref_squeeze %dma_wait3A_254 : memref<1x2000xi32, #tpu.memory_space<hbm>> -> memref<2000xi32, #tpu.memory_space<hbm>>
    %dma_wait3A_256 = tpu.memref_slice %arg3[%dma_wait3A_253, %add3A_252] : memref<2x320000xi32, #tpu.memory_space<hbm>> -> memref<1x2000xi32, #tpu.memory_space<hbm>>
    %dma_wait3A_257 = tpu.memref_squeeze %dma_wait3A_256 : memref<1x2000xi32, #tpu.memory_space<hbm>> -> memref<2000xi32, #tpu.memory_space<hbm>>
    tpu.wait_dma2 semaphore(%arg21 : memref<!tpu.dma_semaphore, #tpu.memory_space<semaphore_mem>>) src(%dma_wait3A_257 : memref<2000xi32, #tpu.memory_space<hbm>>) dst(%arg10 : memref<2000xi32, #tpu.memory_space<vmem>>)
    %dma_start3A_258 = arith.constant 0 : i32
    %dma_start3A_259 = tpu.memref_slice %arg9[%dma_start3A_258] : memref<2000xi32, #tpu.memory_space<vmem>> -> memref<80xi32, #tpu.memory_space<vmem>>
    %dma_start3A_260 = arith.constant 0 : i32
    %dma_start3A_261 = arith.constant 0 : i32
    %dma_start3A_262 = tpu.memref_slice %arg2[%dma_start3A_260, %dma_start3A_261] : memref<10000x128xf32, #tpu.memory_space<hbm>> -> memref<10000x128xf32, #tpu.memory_space<hbm>>
    tpu.enqueue_indirect_dma source(%dma_start3A_262 : memref<10000x128xf32, #tpu.memory_space<hbm>>) target(%arg11 : memref<80x128xf32, #tpu.memory_space<vmem>>) offsets(%dma_start3A_259 : memref<80xi32, #tpu.memory_space<vmem>>) semaphore(%arg15 : memref<!tpu.dma_semaphore, #tpu.memory_space<semaphore_mem>>)
    %dma_start3A_263 = arith.constant 80 : i32
    %dma_start3A_264 = tpu.memref_slice %arg9[%dma_start3A_263] : memref<2000xi32, #tpu.memory_space<vmem>> -> memref<80xi32, #tpu.memory_space<vmem>>
    %dma_start3A_265 = arith.constant 0 : i32
    %dma_start3A_266 = arith.constant 0 : i32
    %dma_start3A_267 = tpu.memref_slice %arg2[%dma_start3A_265, %dma_start3A_266] : memref<10000x128xf32, #tpu.memory_space<hbm>> -> memref<10000x128xf32, #tpu.memory_space<hbm>>
    tpu.enqueue_indirect_dma source(%dma_start3A_267 : memref<10000x128xf32, #tpu.memory_space<hbm>>) target(%arg12 : memref<80x128xf32, #tpu.memory_space<vmem>>) offsets(%dma_start3A_264 : memref<80xi32, #tpu.memory_space<vmem>>) semaphore(%arg16 : memref<!tpu.dma_semaphore, #tpu.memory_space<semaphore_mem>>)
    %add3A_268 = arith.constant 8000 : i32
    %add3A_269 = arith.addi %mul3A_2, %add3A_268 : i32
    %dma_start3A_270 = arith.constant 0 : i32
    %dma_start3A_271 = tpu.memref_slice %arg3[%dma_start3A_270, %add3A_269] : memref<2x320000xi32, #tpu.memory_space<hbm>> -> memref<1x2000xi32, #tpu.memory_space<hbm>>
    %dma_start3A_272 = tpu.memref_squeeze %dma_start3A_271 : memref<1x2000xi32, #tpu.memory_space<hbm>> -> memref<2000xi32, #tpu.memory_space<hbm>>
    %dma_start3A_273 = tpu.memref_slice %arg3[%dma_start3A_270, %add3A_269] : memref<2x320000xi32, #tpu.memory_space<hbm>> -> memref<1x2000xi32, #tpu.memory_space<hbm>>
    %dma_start3A_274 = tpu.memref_squeeze %dma_start3A_273 : memref<1x2000xi32, #tpu.memory_space<hbm>> -> memref<2000xi32, #tpu.memory_space<hbm>>
    tpu.enqueue_dma source(%dma_start3A_274 : memref<2000xi32, #tpu.memory_space<hbm>>) target(%arg7 : memref<2000xi32, #tpu.memory_space<vmem>>) target_semaphore(%arg21 : memref<!tpu.dma_semaphore, #tpu.memory_space<semaphore_mem>>)
    %add3A_275 = arith.constant 8000 : i32
    %add3A_276 = arith.addi %mul3A_2, %add3A_275 : i32
    %dma_start3A_277 = arith.constant 1 : i32
    %dma_start3A_278 = tpu.memref_slice %arg3[%dma_start3A_277, %add3A_276] : memref<2x320000xi32, #tpu.memory_space<hbm>> -> memref<1x2000xi32, #tpu.memory_space<hbm>>
    %dma_start3A_279 = tpu.memref_squeeze %dma_start3A_278 : memref<1x2000xi32, #tpu.memory_space<hbm>> -> memref<2000xi32, #tpu.memory_space<hbm>>
    %dma_start3A_280 = tpu.memref_slice %arg3[%dma_start3A_277, %add3A_276] : memref<2x320000xi32, #tpu.memory_space<hbm>> -> memref<1x2000xi32, #tpu.memory_space<hbm>>
    %dma_start3A_281 = tpu.memref_squeeze %dma_start3A_280 : memref<1x2000xi32, #tpu.memory_space<hbm>> -> memref<2000xi32, #tpu.memory_space<hbm>>
    tpu.enqueue_dma source(%dma_start3A_281 : memref<2000xi32, #tpu.memory_space<hbm>>) target(%arg8 : memref<2000xi32, #tpu.memory_space<vmem>>) target_semaphore(%arg21 : memref<!tpu.dma_semaphore, #tpu.memory_space<semaphore_mem>>)
    %dma_wait3A_282 = arith.constant 0 : i32
    %dma_wait3A_283 = tpu.memref_slice %arg9[%dma_wait3A_282] : memref<2000xi32, #tpu.memory_space<vmem>> -> memref<80xi32, #tpu.memory_space<vmem>>
    %dma_wait3A_284 = arith.constant 0 : i32
    %dma_wait3A_285 = arith.constant 0 : i32
    %dma_wait3A_286 = tpu.memref_slice %arg2[%dma_wait3A_284, %dma_wait3A_285] : memref<10000x128xf32, #tpu.memory_space<hbm>> -> memref<10000x128xf32, #tpu.memory_space<hbm>>
    tpu.wait_indirect_dma semaphore(%arg15 : memref<!tpu.dma_semaphore, #tpu.memory_space<semaphore_mem>>) src(%dma_wait3A_286 : memref<10000x128xf32, #tpu.memory_space<hbm>>) dst(%arg11 : memref<80x128xf32, #tpu.memory_space<vmem>>)
    %dma_start3A_287 = arith.constant 0 : i32
    %dma_start3A_288 = tpu.memref_slice %arg10[%dma_start3A_287] : memref<2000xi32, #tpu.memory_space<vmem>> -> memref<80xi32, #tpu.memory_space<vmem>>
    %dma_start3A_289 = arith.constant 0 : i32
    %dma_start3A_290 = arith.constant 0 : i32
    %dma_start3A_291 = tpu.memref_slice %arg22[%dma_start3A_289, %dma_start3A_290] : memref<10000x128xf32, #tpu.memory_space<vmem_shared>> -> memref<10000x128xf32, #tpu.memory_space<vmem_shared>>
    tpu.enqueue_indirect_dma source(%arg11 : memref<80x128xf32, #tpu.memory_space<vmem>>) target(%dma_start3A_291 : memref<10000x128xf32, #tpu.memory_space<vmem_shared>>) offsets(%dma_start3A_288 : memref<80xi32, #tpu.memory_space<vmem>>) semaphore(%arg18 : memref<!tpu.dma_semaphore, #tpu.memory_space<semaphore_mem>>) {add = true}
    %get3A_292 = arith.constant 0 : index
    %get3A_293 = tpu.vector_load %arg10[%get3A_292] {strides = array<i32>} : memref<2000xi32, #tpu.memory_space<vmem>>, vector<16xi32>,
    tpu.vector_store_idx %arg14[%get3A_293], %broadcast_in_dim3A_3 {add = true} : memref<10000xf32, #tpu.memory_space<vmem>>[vector<16xi32>], vector<16xf32>,
    %get3A_294 = arith.constant 16 : index
    %get3A_295 = tpu.vector_load %arg10[%get3A_294] {strides = array<i32>} : memref<2000xi32, #tpu.memory_space<vmem>>, vector<16xi32>,
    tpu.vector_store_idx %arg14[%get3A_295], %broadcast_in_dim3A_3 {add = true} : memref<10000xf32, #tpu.memory_space<vmem>>[vector<16xi32>], vector<16xf32>,
    %get3A_296 = arith.constant 32 : index
    %get3A_297 = tpu.vector_load %arg10[%get3A_296] {strides = array<i32>} : memref<2000xi32, #tpu.memory_space<vmem>>, vector<16xi32>,
    tpu.vector_store_idx %arg14[%get3A_297], %broadcast_in_dim3A_3 {add = true} : memref<10000xf32, #tpu.memory_space<vmem>>[vector<16xi32>], vector<16xf32>,
    %get3A_298 = arith.constant 48 : index
    %get3A_299 = tpu.vector_load %arg10[%get3A_298] {strides = array<i32>} : memref<2000xi32, #tpu.memory_space<vmem>>, vector<16xi32>,
    tpu.vector_store_idx %arg14[%get3A_299], %broadcast_in_dim3A_3 {add = true} : memref<10000xf32, #tpu.memory_space<vmem>>[vector<16xi32>], vector<16xf32>,
    %get3A_300 = arith.constant 64 : index
    %get3A_301 = tpu.vector_load %arg10[%get3A_300] {strides = array<i32>} : memref<2000xi32, #tpu.memory_space<vmem>>, vector<16xi32>,
    tpu.vector_store_idx %arg14[%get3A_301], %broadcast_in_dim3A_3 {add = true} : memref<10000xf32, #tpu.memory_space<vmem>>[vector<16xi32>], vector<16xf32>,
    %dma_start3A_302 = arith.constant 160 : i32
    %dma_start3A_303 = tpu.memref_slice %arg9[%dma_start3A_302] : memref<2000xi32, #tpu.memory_space<vmem>> -> memref<80xi32, #tpu.memory_space<vmem>>
    %dma_start3A_304 = arith.constant 0 : i32
    %dma_start3A_305 = arith.constant 0 : i32
    %dma_start3A_306 = tpu.memref_slice %arg2[%dma_start3A_304, %dma_start3A_305] : memref<10000x128xf32, #tpu.memory_space<hbm>> -> memref<10000x128xf32, #tpu.memory_space<hbm>>
    tpu.enqueue_indirect_dma source(%dma_start3A_306 : memref<10000x128xf32, #tpu.memory_space<hbm>>) target(%arg13 : memref<80x128xf32, #tpu.memory_space<vmem>>) offsets(%dma_start3A_303 : memref<80xi32, #tpu.memory_space<vmem>>) semaphore(%arg17 : memref<!tpu.dma_semaphore, #tpu.memory_space<semaphore_mem>>)
    %scan3A_307 = arith.constant 0 : i32
    %scan3A_308 = arith.constant 8 : i32
    %scan3A_309 = arith.addi %scan3A_307, %scan3A_308 : i32
    %scan3A_310 = arith.constant 1 : i32
    scf.for %scan3A_385 = %scan3A_307 to %scan3A_309 step %scan3A_310  : i32 {
      %mul3A_386 = arith.constant 3 : i32
      %mul3A_387 = arith.muli %scan3A_385, %mul3A_386 : i32
      %add3A_388 = arith.constant 1 : i32
      %add3A_389 = arith.addi %add3A_388, %mul3A_387 : i32
      %mul3A_390 = arith.constant 80 : i32
      %mul3A_391 = arith.muli %add3A_389, %mul3A_390 : i32
      %dma_wait3A_392 = tpu.memref_slice %arg9[%mul3A_391] : memref<2000xi32, #tpu.memory_space<vmem>> -> memref<80xi32, #tpu.memory_space<vmem>>
      %dma_wait3A_393 = arith.constant 0 : i32
      %dma_wait3A_394 = arith.constant 0 : i32
      %dma_wait3A_395 = tpu.memref_slice %arg2[%dma_wait3A_393, %dma_wait3A_394] : memref<10000x128xf32, #tpu.memory_space<hbm>> -> memref<10000x128xf32, #tpu.memory_space<hbm>>
      tpu.wait_indirect_dma semaphore(%arg16 : memref<!tpu.dma_semaphore, #tpu.memory_space<semaphore_mem>>) src(%dma_wait3A_395 : memref<10000x128xf32, #tpu.memory_space<hbm>>) dst(%arg12 : memref<80x128xf32, #tpu.memory_space<vmem>>)
      %mul3A_396 = arith.constant 80 : i32
      %mul3A_397 = arith.muli %add3A_389, %mul3A_396 : i32
      %dma_start3A_398 = tpu.memref_slice %arg10[%mul3A_397] : memref<2000xi32, #tpu.memory_space<vmem>> -> memref<80xi32, #tpu.memory_space<vmem>>
      %dma_start3A_399 = arith.constant 0 : i32
      %dma_start3A_400 = arith.constant 0 : i32
      %dma_start3A_401 = tpu.memref_slice %arg22[%dma_start3A_399, %dma_start3A_400] : memref<10000x128xf32, #tpu.memory_space<vmem_shared>> -> memref<10000x128xf32, #tpu.memory_space<vmem_shared>>
      tpu.enqueue_indirect_dma source(%arg12 : memref<80x128xf32, #tpu.memory_space<vmem>>) target(%dma_start3A_401 : memref<10000x128xf32, #tpu.memory_space<vmem_shared>>) offsets(%dma_start3A_398 : memref<80xi32, #tpu.memory_space<vmem>>) semaphore(%arg19 : memref<!tpu.dma_semaphore, #tpu.memory_space<semaphore_mem>>) {add = true}
      %mul3A_402 = arith.constant 80 : i32
      %mul3A_403 = arith.muli %add3A_389, %mul3A_402 : i32
      %add3A_404 = arith.constant 0 : i32
      %add3A_405 = arith.addi %mul3A_403, %add3A_404 : i32
      %get3A_406 = arith.index_cast %add3A_405 : i32 to index
      %get3A_407 = tpu.vector_load %arg10[%get3A_406] {strides = array<i32>} : memref<2000xi32, #tpu.memory_space<vmem>>, vector<16xi32>,
      tpu.vector_store_idx %arg14[%get3A_407], %broadcast_in_dim3A_3 {add = true} : memref<10000xf32, #tpu.memory_space<vmem>>[vector<16xi32>], vector<16xf32>,
      %mul3A_408 = arith.constant 80 : i32
      %mul3A_409 = arith.muli %add3A_389, %mul3A_408 : i32
      %add3A_410 = arith.constant 16 : i32
      %add3A_411 = arith.addi %mul3A_409, %add3A_410 : i32
      %get3A_412 = arith.index_cast %add3A_411 : i32 to index
      %get3A_413 = tpu.vector_load %arg10[%get3A_412] {strides = array<i32>} : memref<2000xi32, #tpu.memory_space<vmem>>, vector<16xi32>,
      tpu.vector_store_idx %arg14[%get3A_413], %broadcast_in_dim3A_3 {add = true} : memref<10000xf32, #tpu.memory_space<vmem>>[vector<16xi32>], vector<16xf32>,
      %mul3A_414 = arith.constant 80 : i32
      %mul3A_415 = arith.muli %add3A_389, %mul3A_414 : i32
      %add3A_416 = arith.constant 32 : i32
      %add3A_417 = arith.addi %mul3A_415, %add3A_416 : i32
      %get3A_418 = arith.index_cast %add3A_417 : i32 to index
      %get3A_419 = tpu.vector_load %arg10[%get3A_418] {strides = array<i32>} : memref<2000xi32, #tpu.memory_space<vmem>>, vector<16xi32>,
      tpu.vector_store_idx %arg14[%get3A_419], %broadcast_in_dim3A_3 {add = true} : memref<10000xf32, #tpu.memory_space<vmem>>[vector<16xi32>], vector<16xf32>,
      %mul3A_420 = arith.constant 80 : i32
      %mul3A_421 = arith.muli %add3A_389, %mul3A_420 : i32
      %add3A_422 = arith.constant 48 : i32
      %add3A_423 = arith.addi %mul3A_421, %add3A_422 : i32
      %get3A_424 = arith.index_cast %add3A_423 : i32 to index
      %get3A_425 = tpu.vector_load %arg10[%get3A_424] {strides = array<i32>} : memref<2000xi32, #tpu.memory_space<vmem>>, vector<16xi32>,
      tpu.vector_store_idx %arg14[%get3A_425], %broadcast_in_dim3A_3 {add = true} : memref<10000xf32, #tpu.memory_space<vmem>>[vector<16xi32>], vector<16xf32>,
      %mul3A_426 = arith.constant 80 : i32
      %mul3A_427 = arith.muli %add3A_389, %mul3A_426 : i32
      %add3A_428 = arith.constant 64 : i32
      %add3A_429 = arith.addi %mul3A_427, %add3A_428 : i32
      %get3A_430 = arith.index_cast %add3A_429 : i32 to index
      %get3A_431 = tpu.vector_load %arg10[%get3A_430] {strides = array<i32>} : memref<2000xi32, #tpu.memory_space<vmem>>, vector<16xi32>,
      tpu.vector_store_idx %arg14[%get3A_431], %broadcast_in_dim3A_3 {add = true} : memref<10000xf32, #tpu.memory_space<vmem>>[vector<16xi32>], vector<16xf32>,
      %sub3A = arith.constant 1 : i32
      %sub3A_432 = arith.subi %add3A_389, %sub3A : i32
      %mul3A_433 = arith.constant 80 : i32
      %mul3A_434 = arith.muli %sub3A_432, %mul3A_433 : i32
      %dma_wait3A_435 = tpu.memref_slice %arg10[%mul3A_434] : memref<2000xi32, #tpu.memory_space<vmem>> -> memref<80xi32, #tpu.memory_space<vmem>>
      %dma_wait3A_436 = arith.constant 0 : i32
      %dma_wait3A_437 = arith.constant 0 : i32
      %dma_wait3A_438 = tpu.memref_slice %arg22[%dma_wait3A_436, %dma_wait3A_437] : memref<10000x128xf32, #tpu.memory_space<vmem_shared>> -> memref<10000x128xf32, #tpu.memory_space<vmem_shared>>
      tpu.wait_indirect_dma semaphore(%arg18 : memref<!tpu.dma_semaphore, #tpu.memory_space<semaphore_mem>>) src(%arg11 : memref<80x128xf32, #tpu.memory_space<vmem>>) dst(%dma_wait3A_438 : memref<10000x128xf32, #tpu.memory_space<vmem_shared>>)
      %add3A_439 = arith.constant 2 : i32
      %add3A_440 = arith.addi %add3A_389, %add3A_439 : i32
      %mul3A_441 = arith.constant 80 : i32
      %mul3A_442 = arith.muli %add3A_440, %mul3A_441 : i32
      %dma_start3A_443 = tpu.memref_slice %arg9[%mul3A_442] : memref<2000xi32, #tpu.memory_space<vmem>> -> memref<80xi32, #tpu.memory_space<vmem>>
      %dma_start3A_444 = arith.constant 0 : i32
      %dma_start3A_445 = arith.constant 0 : i32
      %dma_start3A_446 = tpu.memref_slice %arg2[%dma_start3A_444, %dma_start3A_445] : memref<10000x128xf32, #tpu.memory_space<hbm>> -> memref<10000x128xf32, #tpu.memory_space<hbm>>
      tpu.enqueue_indirect_dma source(%dma_start3A_446 : memref<10000x128xf32, #tpu.memory_space<hbm>>) target(%arg11 : memref<80x128xf32, #tpu.memory_space<vmem>>) offsets(%dma_start3A_443 : memref<80xi32, #tpu.memory_space<vmem>>) semaphore(%arg15 : memref<!tpu.dma_semaphore, #tpu.memory_space<semaphore_mem>>)
      %add3A_447 = arith.constant 1 : i32
      %add3A_448 = arith.addi %add3A_389, %add3A_447 : i32
      %mul3A_449 = arith.constant 80 : i32
      %mul3A_450 = arith.muli %add3A_448, %mul3A_449 : i32
      %dma_wait3A_451 = tpu.memref_slice %arg9[%mul3A_450] : memref<2000xi32, #tpu.memory_space<vmem>> -> memref<80xi32, #tpu.memory_space<vmem>>
      %dma_wait3A_452 = arith.constant 0 : i32
      %dma_wait3A_453 = arith.constant 0 : i32
      %dma_wait3A_454 = tpu.memref_slice %arg2[%dma_wait3A_452, %dma_wait3A_453] : memref<10000x128xf32, #tpu.memory_space<hbm>> -> memref<10000x128xf32, #tpu.memory_space<hbm>>
      tpu.wait_indirect_dma semaphore(%arg17 : memref<!tpu.dma_semaphore, #tpu.memory_space<semaphore_mem>>) src(%dma_wait3A_454 : memref<10000x128xf32, #tpu.memory_space<hbm>>) dst(%arg13 : memref<80x128xf32, #tpu.memory_space<vmem>>)
      %add3A_455 = arith.constant 1 : i32
      %add3A_456 = arith.addi %add3A_389, %add3A_455 : i32
      %mul3A_457 = arith.constant 80 : i32
      %mul3A_458 = arith.muli %add3A_456, %mul3A_457 : i32
      %dma_start3A_459 = tpu.memref_slice %arg10[%mul3A_458] : memref<2000xi32, #tpu.memory_space<vmem>> -> memref<80xi32, #tpu.memory_space<vmem>>
      %dma_start3A_460 = arith.constant 0 : i32
      %dma_start3A_461 = arith.constant 0 : i32
      %dma_start3A_462 = tpu.memref_slice %arg22[%dma_start3A_460, %dma_start3A_461] : memref<10000x128xf32, #tpu.memory_space<vmem_shared>> -> memref<10000x128xf32, #tpu.memory_space<vmem_shared>>
      tpu.enqueue_indirect_dma source(%arg13 : memref<80x128xf32, #tpu.memory_space<vmem>>) target(%dma_start3A_462 : memref<10000x128xf32, #tpu.memory_space<vmem_shared>>) offsets(%dma_start3A_459 : memref<80xi32, #tpu.memory_space<vmem>>) semaphore(%arg20 : memref<!tpu.dma_semaphore, #tpu.memory_space<semaphore_mem>>) {add = true}
      %add3A_463 = arith.constant 1 : i32
      %add3A_464 = arith.addi %add3A_389, %add3A_463 : i32
      %mul3A_465 = arith.constant 80 : i32
      %mul3A_466 = arith.muli %add3A_464, %mul3A_465 : i32
      %add3A_467 = arith.constant 0 : i32
      %add3A_468 = arith.addi %mul3A_466, %add3A_467 : i32
      %get3A_469 = arith.index_cast %add3A_468 : i32 to index
      %get3A_470 = tpu.vector_load %arg10[%get3A_469] {strides = array<i32>} : memref<2000xi32, #tpu.memory_space<vmem>>, vector<16xi32>,
      tpu.vector_store_idx %arg14[%get3A_470], %broadcast_in_dim3A_3 {add = true} : memref<10000xf32, #tpu.memory_space<vmem>>[vector<16xi32>], vector<16xf32>,
      %mul3A_471 = arith.constant 80 : i32
      %mul3A_472 = arith.muli %add3A_464, %mul3A_471 : i32
      %add3A_473 = arith.constant 16 : i32
      %add3A_474 = arith.addi %mul3A_472, %add3A_473 : i32
      %get3A_475 = arith.index_cast %add3A_474 : i32 to index
      %get3A_476 = tpu.vector_load %arg10[%get3A_475] {strides = array<i32>} : memref<2000xi32, #tpu.memory_space<vmem>>, vector<16xi32>,
      tpu.vector_store_idx %arg14[%get3A_476], %broadcast_in_dim3A_3 {add = true} : memref<10000xf32, #tpu.memory_space<vmem>>[vector<16xi32>], vector<16xf32>,
      %mul3A_477 = arith.constant 80 : i32
      %mul3A_478 = arith.muli %add3A_464, %mul3A_477 : i32
      %add3A_479 = arith.constant 32 : i32
      %add3A_480 = arith.addi %mul3A_478, %add3A_479 : i32
      %get3A_481 = arith.index_cast %add3A_480 : i32 to index
      %get3A_482 = tpu.vector_load %arg10[%get3A_481] {strides = array<i32>} : memref<2000xi32, #tpu.memory_space<vmem>>, vector<16xi32>,
      tpu.vector_store_idx %arg14[%get3A_482], %broadcast_in_dim3A_3 {add = true} : memref<10000xf32, #tpu.memory_space<vmem>>[vector<16xi32>], vector<16xf32>,
      %mul3A_483 = arith.constant 80 : i32
      %mul3A_484 = arith.muli %add3A_464, %mul3A_483 : i32
      %add3A_485 = arith.constant 48 : i32
      %add3A_486 = arith.addi %mul3A_484, %add3A_485 : i32
      %get3A_487 = arith.index_cast %add3A_486 : i32 to index
      %get3A_488 = tpu.vector_load %arg10[%get3A_487] {strides = array<i32>} : memref<2000xi32, #tpu.memory_space<vmem>>, vector<16xi32>,
      tpu.vector_store_idx %arg14[%get3A_488], %broadcast_in_dim3A_3 {add = true} : memref<10000xf32, #tpu.memory_space<vmem>>[vector<16xi32>], vector<16xf32>,
      %mul3A_489 = arith.constant 80 : i32
      %mul3A_490 = arith.muli %add3A_464, %mul3A_489 : i32
      %add3A_491 = arith.constant 64 : i32
      %add3A_492 = arith.addi %mul3A_490, %add3A_491 : i32
      %get3A_493 = arith.index_cast %add3A_492 : i32 to index
      %get3A_494 = tpu.vector_load %arg10[%get3A_493] {strides = array<i32>} : memref<2000xi32, #tpu.memory_space<vmem>>, vector<16xi32>,
      tpu.vector_store_idx %arg14[%get3A_494], %broadcast_in_dim3A_3 {add = true} : memref<10000xf32, #tpu.memory_space<vmem>>[vector<16xi32>], vector<16xf32>,
      %mul3A_495 = arith.constant 80 : i32
      %mul3A_496 = arith.muli %add3A_389, %mul3A_495 : i32
      %dma_wait3A_497 = tpu.memref_slice %arg10[%mul3A_496] : memref<2000xi32, #tpu.memory_space<vmem>> -> memref<80xi32, #tpu.memory_space<vmem>>
      %dma_wait3A_498 = arith.constant 0 : i32
      %dma_wait3A_499 = arith.constant 0 : i32
      %dma_wait3A_500 = tpu.memref_slice %arg22[%dma_wait3A_498, %dma_wait3A_499] : memref<10000x128xf32, #tpu.memory_space<vmem_shared>> -> memref<10000x128xf32, #tpu.memory_space<vmem_shared>>
      tpu.wait_indirect_dma semaphore(%arg19 : memref<!tpu.dma_semaphore, #tpu.memory_space<semaphore_mem>>) src(%arg12 : memref<80x128xf32, #tpu.memory_space<vmem>>) dst(%dma_wait3A_500 : memref<10000x128xf32, #tpu.memory_space<vmem_shared>>)
      %le3A = arith.constant 21 : i32
      %le3A_501 = arith.cmpi sle, %add3A_389, %le3A : i32
      %convert_element_type3A = arith.extui %le3A_501 : i1 to i32
      %cond3A = arith.constant 0 : i32
      %cond3A_502 = arith.cmpi ne, %convert_element_type3A, %cond3A : i32
      scf.if %cond3A_502 {
        %add3A_564 = arith.constant 3 : i32
        %add3A_565 = arith.addi %add3A_389, %add3A_564 : i32
        %mul3A_566 = arith.constant 80 : i32
        %mul3A_567 = arith.muli %add3A_565, %mul3A_566 : i32
        %dma_start3A_568 = tpu.memref_slice %arg9[%mul3A_567] : memref<2000xi32, #tpu.memory_space<vmem>> -> memref<80xi32, #tpu.memory_space<vmem>>
        %dma_start3A_569 = arith.constant 0 : i32
        %dma_start3A_570 = arith.constant 0 : i32
        %dma_start3A_571 = tpu.memref_slice %arg2[%dma_start3A_569, %dma_start3A_570] : memref<10000x128xf32, #tpu.memory_space<hbm>> -> memref<10000x128xf32, #tpu.memory_space<hbm>>
        tpu.enqueue_indirect_dma source(%dma_start3A_571 : memref<10000x128xf32, #tpu.memory_space<hbm>>) target(%arg12 : memref<80x128xf32, #tpu.memory_space<vmem>>) offsets(%dma_start3A_568 : memref<80xi32, #tpu.memory_space<vmem>>) semaphore(%arg16 : memref<!tpu.dma_semaphore, #tpu.memory_space<semaphore_mem>>)
      } else {
      }
      %add3A_503 = arith.constant 2 : i32
      %add3A_504 = arith.addi %add3A_389, %add3A_503 : i32
      %mul3A_505 = arith.constant 80 : i32
      %mul3A_506 = arith.muli %add3A_504, %mul3A_505 : i32
      %dma_wait3A_507 = tpu.memref_slice %arg9[%mul3A_506] : memref<2000xi32, #tpu.memory_space<vmem>> -> memref<80xi32, #tpu.memory_space<vmem>>
      %dma_wait3A_508 = arith.constant 0 : i32
      %dma_wait3A_509 = arith.constant 0 : i32
      %dma_wait3A_510 = tpu.memref_slice %arg2[%dma_wait3A_508, %dma_wait3A_509] : memref<10000x128xf32, #tpu.memory_space<hbm>> -> memref<10000x128xf32, #tpu.memory_space<hbm>>
      tpu.wait_indirect_dma semaphore(%arg15 : memref<!tpu.dma_semaphore, #tpu.memory_space<semaphore_mem>>) src(%dma_wait3A_510 : memref<10000x128xf32, #tpu.memory_space<hbm>>) dst(%arg11 : memref<80x128xf32, #tpu.memory_space<vmem>>)
      %add3A_511 = arith.constant 2 : i32
      %add3A_512 = arith.addi %add3A_389, %add3A_511 : i32
      %mul3A_513 = arith.constant 80 : i32
      %mul3A_514 = arith.muli %add3A_512, %mul3A_513 : i32
      %dma_start3A_515 = tpu.memref_slice %arg10[%mul3A_514] : memref<2000xi32, #tpu.memory_space<vmem>> -> memref<80xi32, #tpu.memory_space<vmem>>
      %dma_start3A_516 = arith.constant 0 : i32
      %dma_start3A_517 = arith.constant 0 : i32
      %dma_start3A_518 = tpu.memref_slice %arg22[%dma_start3A_516, %dma_start3A_517] : memref<10000x128xf32, #tpu.memory_space<vmem_shared>> -> memref<10000x128xf32, #tpu.memory_space<vmem_shared>>
      tpu.enqueue_indirect_dma source(%arg11 : memref<80x128xf32, #tpu.memory_space<vmem>>) target(%dma_start3A_518 : memref<10000x128xf32, #tpu.memory_space<vmem_shared>>) offsets(%dma_start3A_515 : memref<80xi32, #tpu.memory_space<vmem>>) semaphore(%arg18 : memref<!tpu.dma_semaphore, #tpu.memory_space<semaphore_mem>>) {add = true}
      %add3A_519 = arith.constant 2 : i32
      %add3A_520 = arith.addi %add3A_389, %add3A_519 : i32
      %mul3A_521 = arith.constant 80 : i32
      %mul3A_522 = arith.muli %add3A_520, %mul3A_521 : i32
      %add3A_523 = arith.constant 0 : i32
      %add3A_524 = arith.addi %mul3A_522, %add3A_523 : i32
      %get3A_525 = arith.index_cast %add3A_524 : i32 to index
      %get3A_526 = tpu.vector_load %arg10[%get3A_525] {strides = array<i32>} : memref<2000xi32, #tpu.memory_space<vmem>>, vector<16xi32>,
      tpu.vector_store_idx %arg14[%get3A_526], %broadcast_in_dim3A_3 {add = true} : memref<10000xf32, #tpu.memory_space<vmem>>[vector<16xi32>], vector<16xf32>,
      %mul3A_527 = arith.constant 80 : i32
      %mul3A_528 = arith.muli %add3A_520, %mul3A_527 : i32
      %add3A_529 = arith.constant 16 : i32
      %add3A_530 = arith.addi %mul3A_528, %add3A_529 : i32
      %get3A_531 = arith.index_cast %add3A_530 : i32 to index
      %get3A_532 = tpu.vector_load %arg10[%get3A_531] {strides = array<i32>} : memref<2000xi32, #tpu.memory_space<vmem>>, vector<16xi32>,
      tpu.vector_store_idx %arg14[%get3A_532], %broadcast_in_dim3A_3 {add = true} : memref<10000xf32, #tpu.memory_space<vmem>>[vector<16xi32>], vector<16xf32>,
      %mul3A_533 = arith.constant 80 : i32
      %mul3A_534 = arith.muli %add3A_520, %mul3A_533 : i32
      %add3A_535 = arith.constant 32 : i32
      %add3A_536 = arith.addi %mul3A_534, %add3A_535 : i32
      %get3A_537 = arith.index_cast %add3A_536 : i32 to index
      %get3A_538 = tpu.vector_load %arg10[%get3A_537] {strides = array<i32>} : memref<2000xi32, #tpu.memory_space<vmem>>, vector<16xi32>,
      tpu.vector_store_idx %arg14[%get3A_538], %broadcast_in_dim3A_3 {add = true} : memref<10000xf32, #tpu.memory_space<vmem>>[vector<16xi32>], vector<16xf32>,
      %mul3A_539 = arith.constant 80 : i32
      %mul3A_540 = arith.muli %add3A_520, %mul3A_539 : i32
      %add3A_541 = arith.constant 48 : i32
      %add3A_542 = arith.addi %mul3A_540, %add3A_541 : i32
      %get3A_543 = arith.index_cast %add3A_542 : i32 to index
      %get3A_544 = tpu.vector_load %arg10[%get3A_543] {strides = array<i32>} : memref<2000xi32, #tpu.memory_space<vmem>>, vector<16xi32>,
      tpu.vector_store_idx %arg14[%get3A_544], %broadcast_in_dim3A_3 {add = true} : memref<10000xf32, #tpu.memory_space<vmem>>[vector<16xi32>], vector<16xf32>,
      %mul3A_545 = arith.constant 80 : i32
      %mul3A_546 = arith.muli %add3A_520, %mul3A_545 : i32
      %add3A_547 = arith.constant 64 : i32
      %add3A_548 = arith.addi %mul3A_546, %add3A_547 : i32
      %get3A_549 = arith.index_cast %add3A_548 : i32 to index
      %get3A_550 = tpu.vector_load %arg10[%get3A_549] {strides = array<i32>} : memref<2000xi32, #tpu.memory_space<vmem>>, vector<16xi32>,
      tpu.vector_store_idx %arg14[%get3A_550], %broadcast_in_dim3A_3 {add = true} : memref<10000xf32, #tpu.memory_space<vmem>>[vector<16xi32>], vector<16xf32>,
      %add3A_551 = arith.constant 1 : i32
      %add3A_552 = arith.addi %add3A_389, %add3A_551 : i32
      %mul3A_553 = arith.constant 80 : i32
      %mul3A_554 = arith.muli %add3A_552, %mul3A_553 : i32
      %dma_wait3A_555 = tpu.memref_slice %arg10[%mul3A_554] : memref<2000xi32, #tpu.memory_space<vmem>> -> memref<80xi32, #tpu.memory_space<vmem>>
      %dma_wait3A_556 = arith.constant 0 : i32
      %dma_wait3A_557 = arith.constant 0 : i32
      %dma_wait3A_558 = tpu.memref_slice %arg22[%dma_wait3A_556, %dma_wait3A_557] : memref<10000x128xf32, #tpu.memory_space<vmem_shared>> -> memref<10000x128xf32, #tpu.memory_space<vmem_shared>>
      tpu.wait_indirect_dma semaphore(%arg20 : memref<!tpu.dma_semaphore, #tpu.memory_space<semaphore_mem>>) src(%arg13 : memref<80x128xf32, #tpu.memory_space<vmem>>) dst(%dma_wait3A_558 : memref<10000x128xf32, #tpu.memory_space<vmem_shared>>)
      %le3A_559 = arith.constant 20 : i32
      %le3A_560 = arith.cmpi sle, %add3A_389, %le3A_559 : i32
      %convert_element_type3A_561 = arith.extui %le3A_560 : i1 to i32
      %cond3A_562 = arith.constant 0 : i32
      %cond3A_563 = arith.cmpi ne, %convert_element_type3A_561, %cond3A_562 : i32
      scf.if %cond3A_563 {
        %add3A_564 = arith.constant 4 : i32
        %add3A_565 = arith.addi %add3A_389, %add3A_564 : i32
        %mul3A_566 = arith.constant 80 : i32
        %mul3A_567 = arith.muli %add3A_565, %mul3A_566 : i32
        %dma_start3A_568 = tpu.memref_slice %arg9[%mul3A_567] : memref<2000xi32, #tpu.memory_space<vmem>> -> memref<80xi32, #tpu.memory_space<vmem>>
        %dma_start3A_569 = arith.constant 0 : i32
        %dma_start3A_570 = arith.constant 0 : i32
        %dma_start3A_571 = tpu.memref_slice %arg2[%dma_start3A_569, %dma_start3A_570] : memref<10000x128xf32, #tpu.memory_space<hbm>> -> memref<10000x128xf32, #tpu.memory_space<hbm>>
        tpu.enqueue_indirect_dma source(%dma_start3A_571 : memref<10000x128xf32, #tpu.memory_space<hbm>>) target(%arg13 : memref<80x128xf32, #tpu.memory_space<vmem>>) offsets(%dma_start3A_568 : memref<80xi32, #tpu.memory_space<vmem>>) semaphore(%arg17 : memref<!tpu.dma_semaphore, #tpu.memory_space<semaphore_mem>>)
      } else {
      }
    }
    %scan3A_311 = arith.constant 8 : i32
    %dma_wait3A_312 = arith.constant 1920 : i32
    %dma_wait3A_313 = tpu.memref_slice %arg10[%dma_wait3A_312] : memref<2000xi32, #tpu.memory_space<vmem>> -> memref<80xi32, #tpu.memory_space<vmem>>
    %dma_wait3A_314 = arith.constant 0 : i32
    %dma_wait3A_315 = arith.constant 0 : i32
    %dma_wait3A_316 = tpu.memref_slice %arg22[%dma_wait3A_314, %dma_wait3A_315] : memref<10000x128xf32, #tpu.memory_space<vmem_shared>> -> memref<10000x128xf32, #tpu.memory_space<vmem_shared>>
    tpu.wait_indirect_dma semaphore(%arg18 : memref<!tpu.dma_semaphore, #tpu.memory_space<semaphore_mem>>) src(%arg11 : memref<80x128xf32, #tpu.memory_space<vmem>>) dst(%dma_wait3A_316 : memref<10000x128xf32, #tpu.memory_space<vmem_shared>>)
    %add3A_317 = arith.constant 8000 : i32
    %add3A_318 = arith.addi %mul3A_2, %add3A_317 : i32
    %dma_wait3A_319 = arith.constant 0 : i32
    %dma_wait3A_320 = tpu.memref_slice %arg3[%dma_wait3A_319, %add3A_318] : memref<2x320000xi32, #tpu.memory_space<hbm>> -> memref<1x2000xi32, #tpu.memory_space<hbm>>
    %dma_wait3A_321 = tpu.memref_squeeze %dma_wait3A_320 : memref<1x2000xi32, #tpu.memory_space<hbm>> -> memref<2000xi32, #tpu.memory_space<hbm>>
    %dma_wait3A_322 = tpu.memref_slice %arg3[%dma_wait3A_319, %add3A_318] : memref<2x320000xi32, #tpu.memory_space<hbm>> -> memref<1x2000xi32, #tpu.memory_space<hbm>>
    %dma_wait3A_323 = tpu.memref_squeeze %dma_wait3A_322 : memref<1x2000xi32, #tpu.memory_space<hbm>> -> memref<2000xi32, #tpu.memory_space<hbm>>
    tpu.wait_dma2 semaphore(%arg21 : memref<!tpu.dma_semaphore, #tpu.memory_space<semaphore_mem>>) src(%dma_wait3A_323 : memref<2000xi32, #tpu.memory_space<hbm>>) dst(%arg7 : memref<2000xi32, #tpu.memory_space<vmem>>)
    %add3A_324 = arith.constant 8000 : i32
    %add3A_325 = arith.addi %mul3A_2, %add3A_324 : i32
    %dma_wait3A_326 = arith.constant 1 : i32
    %dma_wait3A_327 = tpu.memref_slice %arg3[%dma_wait3A_326, %add3A_325] : memref<2x320000xi32, #tpu.memory_space<hbm>> -> memref<1x2000xi32, #tpu.memory_space<hbm>>
    %dma_wait3A_328 = tpu.memref_squeeze %dma_wait3A_327 : memref<1x2000xi32, #tpu.memory_space<hbm>> -> memref<2000xi32, #tpu.memory_space<hbm>>
    %dma_wait3A_329 = tpu.memref_slice %arg3[%dma_wait3A_326, %add3A_325] : memref<2x320000xi32, #tpu.memory_space<hbm>> -> memref<1x2000xi32, #tpu.memory_space<hbm>>
    %dma_wait3A_330 = tpu.memref_squeeze %dma_wait3A_329 : memref<1x2000xi32, #tpu.memory_space<hbm>> -> memref<2000xi32, #tpu.memory_space<hbm>>
    tpu.wait_dma2 semaphore(%arg21 : memref<!tpu.dma_semaphore, #tpu.memory_space<semaphore_mem>>) src(%dma_wait3A_330 : memref<2000xi32, #tpu.memory_space<hbm>>) dst(%arg8 : memref<2000xi32, #tpu.memory_space<vmem>>)
    %dma_start3A_331 = arith.constant 0 : i32
    %dma_start3A_332 = tpu.memref_slice %arg7[%dma_start3A_331] : memref<2000xi32, #tpu.memory_space<vmem>> -> memref<80xi32, #tpu.memory_space<vmem>>
    %dma_start3A_333 = arith.constant 0 : i32
    %dma_start3A_334 = arith.constant 0 : i32
    %dma_start3A_335 = tpu.memref_slice %arg2[%dma_start3A_333, %dma_start3A_334] : memref<10000x128xf32, #tpu.memory_space<hbm>> -> memref<10000x128xf32, #tpu.memory_space<hbm>>
    tpu.enqueue_indirect_dma source(%dma_start3A_335 : memref<10000x128xf32, #tpu.memory_space<hbm>>) target(%arg11 : memref<80x128xf32, #tpu.memory_space<vmem>>) offsets(%dma_start3A_332 : memref<80xi32, #tpu.memory_space<vmem>>) semaphore(%arg15 : memref<!tpu.dma_semaphore, #tpu.memory_space<semaphore_mem>>)
    %dma_start3A_336 = arith.constant 80 : i32
    %dma_start3A_337 = tpu.memref_slice %arg7[%dma_start3A_336] : memref<2000xi32, #tpu.memory_space<vmem>> -> memref<80xi32, #tpu.memory_space<vmem>>
    %dma_start3A_338 = arith.constant 0 : i32
    %dma_start3A_339 = arith.constant 0 : i32
    %dma_start3A_340 = tpu.memref_slice %arg2[%dma_start3A_338, %dma_start3A_339] : memref<10000x128xf32, #tpu.memory_space<hbm>> -> memref<10000x128xf32, #tpu.memory_space<hbm>>
    tpu.enqueue_indirect_dma source(%dma_start3A_340 : memref<10000x128xf32, #tpu.memory_space<hbm>>) target(%arg12 : memref<80x128xf32, #tpu.memory_space<vmem>>) offsets(%dma_start3A_337 : memref<80xi32, #tpu.memory_space<vmem>>) semaphore(%arg16 : memref<!tpu.dma_semaphore, #tpu.memory_space<semaphore_mem>>)
    %dma_wait3A_341 = arith.constant 0 : i32
    %dma_wait3A_342 = tpu.memref_slice %arg7[%dma_wait3A_341] : memref<2000xi32, #tpu.memory_space<vmem>> -> memref<80xi32, #tpu.memory_space<vmem>>
    %dma_wait3A_343 = arith.constant 0 : i32
    %dma_wait3A_344 = arith.constant 0 : i32
    %dma_wait3A_345 = tpu.memref_slice %arg2[%dma_wait3A_343, %dma_wait3A_344] : memref<10000x128xf32, #tpu.memory_space<hbm>> -> memref<10000x128xf32, #tpu.memory_space<hbm>>
    tpu.wait_indirect_dma semaphore(%arg15 : memref<!tpu.dma_semaphore, #tpu.memory_space<semaphore_mem>>) src(%dma_wait3A_345 : memref<10000x128xf32, #tpu.memory_space<hbm>>) dst(%arg11 : memref<80x128xf32, #tpu.memory_space<vmem>>)
    %dma_start3A_346 = arith.constant 0 : i32
    %dma_start3A_347 = tpu.memref_slice %arg8[%dma_start3A_346] : memref<2000xi32, #tpu.memory_space<vmem>> -> memref<80xi32, #tpu.memory_space<vmem>>
    %dma_start3A_348 = arith.constant 0 : i32
    %dma_start3A_349 = arith.constant 0 : i32
    %dma_start3A_350 = tpu.memref_slice %arg22[%dma_start3A_348, %dma_start3A_349] : memref<10000x128xf32, #tpu.memory_space<vmem_shared>> -> memref<10000x128xf32, #tpu.memory_space<vmem_shared>>
    tpu.enqueue_indirect_dma source(%arg11 : memref<80x128xf32, #tpu.memory_space<vmem>>) target(%dma_start3A_350 : memref<10000x128xf32, #tpu.memory_space<vmem_shared>>) offsets(%dma_start3A_347 : memref<80xi32, #tpu.memory_space<vmem>>) semaphore(%arg18 : memref<!tpu.dma_semaphore, #tpu.memory_space<semaphore_mem>>) {add = true}
    %get3A_351 = arith.constant 0 : index
    %get3A_352 = tpu.vector_load %arg8[%get3A_351] {strides = array<i32>} : memref<2000xi32, #tpu.memory_space<vmem>>, vector<16xi32>,
    tpu.vector_store_idx %arg14[%get3A_352], %broadcast_in_dim3A_3 {add = true} : memref<10000xf32, #tpu.memory_space<vmem>>[vector<16xi32>], vector<16xf32>,
    %get3A_353 = arith.constant 16 : index
    %get3A_354 = tpu.vector_load %arg8[%get3A_353] {strides = array<i32>} : memref<2000xi32, #tpu.memory_space<vmem>>, vector<16xi32>,
    tpu.vector_store_idx %arg14[%get3A_354], %broadcast_in_dim3A_3 {add = true} : memref<10000xf32, #tpu.memory_space<vmem>>[vector<16xi32>], vector<16xf32>,
    %get3A_355 = arith.constant 32 : index
    %get3A_356 = tpu.vector_load %arg8[%get3A_355] {strides = array<i32>} : memref<2000xi32, #tpu.memory_space<vmem>>, vector<16xi32>,
    tpu.vector_store_idx %arg14[%get3A_356], %broadcast_in_dim3A_3 {add = true} : memref<10000xf32, #tpu.memory_space<vmem>>[vector<16xi32>], vector<16xf32>,
    %get3A_357 = arith.constant 48 : index
    %get3A_358 = tpu.vector_load %arg8[%get3A_357] {strides = array<i32>} : memref<2000xi32, #tpu.memory_space<vmem>>, vector<16xi32>,
    tpu.vector_store_idx %arg14[%get3A_358], %broadcast_in_dim3A_3 {add = true} : memref<10000xf32, #tpu.memory_space<vmem>>[vector<16xi32>], vector<16xf32>,
    %get3A_359 = arith.constant 64 : index
    %get3A_360 = tpu.vector_load %arg8[%get3A_359] {strides = array<i32>} : memref<2000xi32, #tpu.memory_space<vmem>>, vector<16xi32>,
    tpu.vector_store_idx %arg14[%get3A_360], %broadcast_in_dim3A_3 {add = true} : memref<10000xf32, #tpu.memory_space<vmem>>[vector<16xi32>], vector<16xf32>,
    %dma_start3A_361 = arith.constant 160 : i32
    %dma_start3A_362 = tpu.memref_slice %arg7[%dma_start3A_361] : memref<2000xi32, #tpu.memory_space<vmem>> -> memref<80xi32, #tpu.memory_space<vmem>>
    %dma_start3A_363 = arith.constant 0 : i32
    %dma_start3A_364 = arith.constant 0 : i32
    %dma_start3A_365 = tpu.memref_slice %arg2[%dma_start3A_363, %dma_start3A_364] : memref<10000x128xf32, #tpu.memory_space<hbm>> -> memref<10000x128xf32, #tpu.memory_space<hbm>>
    tpu.enqueue_indirect_dma source(%dma_start3A_365 : memref<10000x128xf32, #tpu.memory_space<hbm>>) target(%arg13 : memref<80x128xf32, #tpu.memory_space<vmem>>) offsets(%dma_start3A_362 : memref<80xi32, #tpu.memory_space<vmem>>) semaphore(%arg17 : memref<!tpu.dma_semaphore, #tpu.memory_space<semaphore_mem>>)
    %scan3A_366 = arith.constant 0 : i32
    %scan3A_367 = arith.constant 8 : i32
    %scan3A_368 = arith.addi %scan3A_366, %scan3A_367 : i32
    %scan3A_369 = arith.constant 1 : i32
    scf.for %scan3A_385 = %scan3A_366 to %scan3A_368 step %scan3A_369  : i32 {
      %mul3A_386 = arith.constant 3 : i32
      %mul3A_387 = arith.muli %scan3A_385, %mul3A_386 : i32
      %add3A_388 = arith.constant 1 : i32
      %add3A_389 = arith.addi %add3A_388, %mul3A_387 : i32
      %mul3A_390 = arith.constant 80 : i32
      %mul3A_391 = arith.muli %add3A_389, %mul3A_390 : i32
      %dma_wait3A_392 = tpu.memref_slice %arg7[%mul3A_391] : memref<2000xi32, #tpu.memory_space<vmem>> -> memref<80xi32, #tpu.memory_space<vmem>>
      %dma_wait3A_393 = arith.constant 0 : i32
      %dma_wait3A_394 = arith.constant 0 : i32
      %dma_wait3A_395 = tpu.memref_slice %arg2[%dma_wait3A_393, %dma_wait3A_394] : memref<10000x128xf32, #tpu.memory_space<hbm>> -> memref<10000x128xf32, #tpu.memory_space<hbm>>
      tpu.wait_indirect_dma semaphore(%arg16 : memref<!tpu.dma_semaphore, #tpu.memory_space<semaphore_mem>>) src(%dma_wait3A_395 : memref<10000x128xf32, #tpu.memory_space<hbm>>) dst(%arg12 : memref<80x128xf32, #tpu.memory_space<vmem>>)
      %mul3A_396 = arith.constant 80 : i32
      %mul3A_397 = arith.muli %add3A_389, %mul3A_396 : i32
      %dma_start3A_398 = tpu.memref_slice %arg8[%mul3A_397] : memref<2000xi32, #tpu.memory_space<vmem>> -> memref<80xi32, #tpu.memory_space<vmem>>
      %dma_start3A_399 = arith.constant 0 : i32
      %dma_start3A_400 = arith.constant 0 : i32
      %dma_start3A_401 = tpu.memref_slice %arg22[%dma_start3A_399, %dma_start3A_400] : memref<10000x128xf32, #tpu.memory_space<vmem_shared>> -> memref<10000x128xf32, #tpu.memory_space<vmem_shared>>
      tpu.enqueue_indirect_dma source(%arg12 : memref<80x128xf32, #tpu.memory_space<vmem>>) target(%dma_start3A_401 : memref<10000x128xf32, #tpu.memory_space<vmem_shared>>) offsets(%dma_start3A_398 : memref<80xi32, #tpu.memory_space<vmem>>) semaphore(%arg19 : memref<!tpu.dma_semaphore, #tpu.memory_space<semaphore_mem>>) {add = true}
      %mul3A_402 = arith.constant 80 : i32
      %mul3A_403 = arith.muli %add3A_389, %mul3A_402 : i32
      %add3A_404 = arith.constant 0 : i32
      %add3A_405 = arith.addi %mul3A_403, %add3A_404 : i32
      %get3A_406 = arith.index_cast %add3A_405 : i32 to index
      %get3A_407 = tpu.vector_load %arg8[%get3A_406] {strides = array<i32>} : memref<2000xi32, #tpu.memory_space<vmem>>, vector<16xi32>,
      tpu.vector_store_idx %arg14[%get3A_407], %broadcast_in_dim3A_3 {add = true} : memref<10000xf32, #tpu.memory_space<vmem>>[vector<16xi32>], vector<16xf32>,
      %mul3A_408 = arith.constant 80 : i32
      %mul3A_409 = arith.muli %add3A_389, %mul3A_408 : i32
      %add3A_410 = arith.constant 16 : i32
      %add3A_411 = arith.addi %mul3A_409, %add3A_410 : i32
      %get3A_412 = arith.index_cast %add3A_411 : i32 to index
      %get3A_413 = tpu.vector_load %arg8[%get3A_412] {strides = array<i32>} : memref<2000xi32, #tpu.memory_space<vmem>>, vector<16xi32>,
      tpu.vector_store_idx %arg14[%get3A_413], %broadcast_in_dim3A_3 {add = true} : memref<10000xf32, #tpu.memory_space<vmem>>[vector<16xi32>], vector<16xf32>,
      %mul3A_414 = arith.constant 80 : i32
      %mul3A_415 = arith.muli %add3A_389, %mul3A_414 : i32
      %add3A_416 = arith.constant 32 : i32
      %add3A_417 = arith.addi %mul3A_415, %add3A_416 : i32
      %get3A_418 = arith.index_cast %add3A_417 : i32 to index
      %get3A_419 = tpu.vector_load %arg8[%get3A_418] {strides = array<i32>} : memref<2000xi32, #tpu.memory_space<vmem>>, vector<16xi32>,
      tpu.vector_store_idx %arg14[%get3A_419], %broadcast_in_dim3A_3 {add = true} : memref<10000xf32, #tpu.memory_space<vmem>>[vector<16xi32>], vector<16xf32>,
      %mul3A_420 = arith.constant 80 : i32
      %mul3A_421 = arith.muli %add3A_389, %mul3A_420 : i32
      %add3A_422 = arith.constant 48 : i32
      %add3A_423 = arith.addi %mul3A_421, %add3A_422 : i32
      %get3A_424 = arith.index_cast %add3A_423 : i32 to index
      %get3A_425 = tpu.vector_load %arg8[%get3A_424] {strides = array<i32>} : memref<2000xi32, #tpu.memory_space<vmem>>, vector<16xi32>,
      tpu.vector_store_idx %arg14[%get3A_425], %broadcast_in_dim3A_3 {add = true} : memref<10000xf32, #tpu.memory_space<vmem>>[vector<16xi32>], vector<16xf32>,
      %mul3A_426 = arith.constant 80 : i32
      %mul3A_427 = arith.muli %add3A_389, %mul3A_426 : i32
      %add3A_428 = arith.constant 64 : i32
      %add3A_429 = arith.addi %mul3A_427, %add3A_428 : i32
      %get3A_430 = arith.index_cast %add3A_429 : i32 to index
      %get3A_431 = tpu.vector_load %arg8[%get3A_430] {strides = array<i32>} : memref<2000xi32, #tpu.memory_space<vmem>>, vector<16xi32>,
      tpu.vector_store_idx %arg14[%get3A_431], %broadcast_in_dim3A_3 {add = true} : memref<10000xf32, #tpu.memory_space<vmem>>[vector<16xi32>], vector<16xf32>,
      %sub3A = arith.constant 1 : i32
      %sub3A_432 = arith.subi %add3A_389, %sub3A : i32
      %mul3A_433 = arith.constant 80 : i32
      %mul3A_434 = arith.muli %sub3A_432, %mul3A_433 : i32
      %dma_wait3A_435 = tpu.memref_slice %arg8[%mul3A_434] : memref<2000xi32, #tpu.memory_space<vmem>> -> memref<80xi32, #tpu.memory_space<vmem>>
      %dma_wait3A_436 = arith.constant 0 : i32
      %dma_wait3A_437 = arith.constant 0 : i32
      %dma_wait3A_438 = tpu.memref_slice %arg22[%dma_wait3A_436, %dma_wait3A_437] : memref<10000x128xf32, #tpu.memory_space<vmem_shared>> -> memref<10000x128xf32, #tpu.memory_space<vmem_shared>>
      tpu.wait_indirect_dma semaphore(%arg18 : memref<!tpu.dma_semaphore, #tpu.memory_space<semaphore_mem>>) src(%arg11 : memref<80x128xf32, #tpu.memory_space<vmem>>) dst(%dma_wait3A_438 : memref<10000x128xf32, #tpu.memory_space<vmem_shared>>)
      %add3A_439 = arith.constant 2 : i32
      %add3A_440 = arith.addi %add3A_389, %add3A_439 : i32
      %mul3A_441 = arith.constant 80 : i32
      %mul3A_442 = arith.muli %add3A_440, %mul3A_441 : i32
      %dma_start3A_443 = tpu.memref_slice %arg7[%mul3A_442] : memref<2000xi32, #tpu.memory_space<vmem>> -> memref<80xi32, #tpu.memory_space<vmem>>
      %dma_start3A_444 = arith.constant 0 : i32
      %dma_start3A_445 = arith.constant 0 : i32
      %dma_start3A_446 = tpu.memref_slice %arg2[%dma_start3A_444, %dma_start3A_445] : memref<10000x128xf32, #tpu.memory_space<hbm>> -> memref<10000x128xf32, #tpu.memory_space<hbm>>
      tpu.enqueue_indirect_dma source(%dma_start3A_446 : memref<10000x128xf32, #tpu.memory_space<hbm>>) target(%arg11 : memref<80x128xf32, #tpu.memory_space<vmem>>) offsets(%dma_start3A_443 : memref<80xi32, #tpu.memory_space<vmem>>) semaphore(%arg15 : memref<!tpu.dma_semaphore, #tpu.memory_space<semaphore_mem>>)
      %add3A_447 = arith.constant 1 : i32
      %add3A_448 = arith.addi %add3A_389, %add3A_447 : i32
      %mul3A_449 = arith.constant 80 : i32
      %mul3A_450 = arith.muli %add3A_448, %mul3A_449 : i32
      %dma_wait3A_451 = tpu.memref_slice %arg7[%mul3A_450] : memref<2000xi32, #tpu.memory_space<vmem>> -> memref<80xi32, #tpu.memory_space<vmem>>
      %dma_wait3A_452 = arith.constant 0 : i32
      %dma_wait3A_453 = arith.constant 0 : i32
      %dma_wait3A_454 = tpu.memref_slice %arg2[%dma_wait3A_452, %dma_wait3A_453] : memref<10000x128xf32, #tpu.memory_space<hbm>> -> memref<10000x128xf32, #tpu.memory_space<hbm>>
      tpu.wait_indirect_dma semaphore(%arg17 : memref<!tpu.dma_semaphore, #tpu.memory_space<semaphore_mem>>) src(%dma_wait3A_454 : memref<10000x128xf32, #tpu.memory_space<hbm>>) dst(%arg13 : memref<80x128xf32, #tpu.memory_space<vmem>>)
      %add3A_455 = arith.constant 1 : i32
      %add3A_456 = arith.addi %add3A_389, %add3A_455 : i32
      %mul3A_457 = arith.constant 80 : i32
      %mul3A_458 = arith.muli %add3A_456, %mul3A_457 : i32
      %dma_start3A_459 = tpu.memref_slice %arg8[%mul3A_458] : memref<2000xi32, #tpu.memory_space<vmem>> -> memref<80xi32, #tpu.memory_space<vmem>>
      %dma_start3A_460 = arith.constant 0 : i32
      %dma_start3A_461 = arith.constant 0 : i32
      %dma_start3A_462 = tpu.memref_slice %arg22[%dma_start3A_460, %dma_start3A_461] : memref<10000x128xf32, #tpu.memory_space<vmem_shared>> -> memref<10000x128xf32, #tpu.memory_space<vmem_shared>>
      tpu.enqueue_indirect_dma source(%arg13 : memref<80x128xf32, #tpu.memory_space<vmem>>) target(%dma_start3A_462 : memref<10000x128xf32, #tpu.memory_space<vmem_shared>>) offsets(%dma_start3A_459 : memref<80xi32, #tpu.memory_space<vmem>>) semaphore(%arg20 : memref<!tpu.dma_semaphore, #tpu.memory_space<semaphore_mem>>) {add = true}
      %add3A_463 = arith.constant 1 : i32
      %add3A_464 = arith.addi %add3A_389, %add3A_463 : i32
      %mul3A_465 = arith.constant 80 : i32
      %mul3A_466 = arith.muli %add3A_464, %mul3A_465 : i32
      %add3A_467 = arith.constant 0 : i32
      %add3A_468 = arith.addi %mul3A_466, %add3A_467 : i32
      %get3A_469 = arith.index_cast %add3A_468 : i32 to index
      %get3A_470 = tpu.vector_load %arg8[%get3A_469] {strides = array<i32>} : memref<2000xi32, #tpu.memory_space<vmem>>, vector<16xi32>,
      tpu.vector_store_idx %arg14[%get3A_470], %broadcast_in_dim3A_3 {add = true} : memref<10000xf32, #tpu.memory_space<vmem>>[vector<16xi32>], vector<16xf32>,
      %mul3A_471 = arith.constant 80 : i32
      %mul3A_472 = arith.muli %add3A_464, %mul3A_471 : i32
      %add3A_473 = arith.constant 16 : i32
      %add3A_474 = arith.addi %mul3A_472, %add3A_473 : i32
      %get3A_475 = arith.index_cast %add3A_474 : i32 to index
      %get3A_476 = tpu.vector_load %arg8[%get3A_475] {strides = array<i32>} : memref<2000xi32, #tpu.memory_space<vmem>>, vector<16xi32>,
      tpu.vector_store_idx %arg14[%get3A_476], %broadcast_in_dim3A_3 {add = true} : memref<10000xf32, #tpu.memory_space<vmem>>[vector<16xi32>], vector<16xf32>,
      %mul3A_477 = arith.constant 80 : i32
      %mul3A_478 = arith.muli %add3A_464, %mul3A_477 : i32
      %add3A_479 = arith.constant 32 : i32
      %add3A_480 = arith.addi %mul3A_478, %add3A_479 : i32
      %get3A_481 = arith.index_cast %add3A_480 : i32 to index
      %get3A_482 = tpu.vector_load %arg8[%get3A_481] {strides = array<i32>} : memref<2000xi32, #tpu.memory_space<vmem>>, vector<16xi32>,
      tpu.vector_store_idx %arg14[%get3A_482], %broadcast_in_dim3A_3 {add = true} : memref<10000xf32, #tpu.memory_space<vmem>>[vector<16xi32>], vector<16xf32>,
      %mul3A_483 = arith.constant 80 : i32
      %mul3A_484 = arith.muli %add3A_464, %mul3A_483 : i32
      %add3A_485 = arith.constant 48 : i32
      %add3A_486 = arith.addi %mul3A_484, %add3A_485 : i32
      %get3A_487 = arith.index_cast %add3A_486 : i32 to index
      %get3A_488 = tpu.vector_load %arg8[%get3A_487] {strides = array<i32>} : memref<2000xi32, #tpu.memory_space<vmem>>, vector<16xi32>,
      tpu.vector_store_idx %arg14[%get3A_488], %broadcast_in_dim3A_3 {add = true} : memref<10000xf32, #tpu.memory_space<vmem>>[vector<16xi32>], vector<16xf32>,
      %mul3A_489 = arith.constant 80 : i32
      %mul3A_490 = arith.muli %add3A_464, %mul3A_489 : i32
      %add3A_491 = arith.constant 64 : i32
      %add3A_492 = arith.addi %mul3A_490, %add3A_491 : i32
      %get3A_493 = arith.index_cast %add3A_492 : i32 to index
      %get3A_494 = tpu.vector_load %arg8[%get3A_493] {strides = array<i32>} : memref<2000xi32, #tpu.memory_space<vmem>>, vector<16xi32>,
      tpu.vector_store_idx %arg14[%get3A_494], %broadcast_in_dim3A_3 {add = true} : memref<10000xf32, #tpu.memory_space<vmem>>[vector<16xi32>], vector<16xf32>,
      %mul3A_495 = arith.constant 80 : i32
      %mul3A_496 = arith.muli %add3A_389, %mul3A_495 : i32
      %dma_wait3A_497 = tpu.memref_slice %arg8[%mul3A_496] : memref<2000xi32, #tpu.memory_space<vmem>> -> memref<80xi32, #tpu.memory_space<vmem>>
      %dma_wait3A_498 = arith.constant 0 : i32
      %dma_wait3A_499 = arith.constant 0 : i32
      %dma_wait3A_500 = tpu.memref_slice %arg22[%dma_wait3A_498, %dma_wait3A_499] : memref<10000x128xf32, #tpu.memory_space<vmem_shared>> -> memref<10000x128xf32, #tpu.memory_space<vmem_shared>>
      tpu.wait_indirect_dma semaphore(%arg19 : memref<!tpu.dma_semaphore, #tpu.memory_space<semaphore_mem>>) src(%arg12 : memref<80x128xf32, #tpu.memory_space<vmem>>) dst(%dma_wait3A_500 : memref<10000x128xf32, #tpu.memory_space<vmem_shared>>)
      %le3A = arith.constant 21 : i32
      %le3A_501 = arith.cmpi sle, %add3A_389, %le3A : i32
      %convert_element_type3A = arith.extui %le3A_501 : i1 to i32
      %cond3A = arith.constant 0 : i32
      %cond3A_502 = arith.cmpi ne, %convert_element_type3A, %cond3A : i32
      scf.if %cond3A_502 {
        %add3A_564 = arith.constant 3 : i32
        %add3A_565 = arith.addi %add3A_389, %add3A_564 : i32
        %mul3A_566 = arith.constant 80 : i32
        %mul3A_567 = arith.muli %add3A_565, %mul3A_566 : i32
        %dma_start3A_568 = tpu.memref_slice %arg7[%mul3A_567] : memref<2000xi32, #tpu.memory_space<vmem>> -> memref<80xi32, #tpu.memory_space<vmem>>
        %dma_start3A_569 = arith.constant 0 : i32
        %dma_start3A_570 = arith.constant 0 : i32
        %dma_start3A_571 = tpu.memref_slice %arg2[%dma_start3A_569, %dma_start3A_570] : memref<10000x128xf32, #tpu.memory_space<hbm>> -> memref<10000x128xf32, #tpu.memory_space<hbm>>
        tpu.enqueue_indirect_dma source(%dma_start3A_571 : memref<10000x128xf32, #tpu.memory_space<hbm>>) target(%arg12 : memref<80x128xf32, #tpu.memory_space<vmem>>) offsets(%dma_start3A_568 : memref<80xi32, #tpu.memory_space<vmem>>) semaphore(%arg16 : memref<!tpu.dma_semaphore, #tpu.memory_space<semaphore_mem>>)
      } else {
      }
      %add3A_503 = arith.constant 2 : i32
      %add3A_504 = arith.addi %add3A_389, %add3A_503 : i32
      %mul3A_505 = arith.constant 80 : i32
      %mul3A_506 = arith.muli %add3A_504, %mul3A_505 : i32
      %dma_wait3A_507 = tpu.memref_slice %arg7[%mul3A_506] : memref<2000xi32, #tpu.memory_space<vmem>> -> memref<80xi32, #tpu.memory_space<vmem>>
      %dma_wait3A_508 = arith.constant 0 : i32
      %dma_wait3A_509 = arith.constant 0 : i32
      %dma_wait3A_510 = tpu.memref_slice %arg2[%dma_wait3A_508, %dma_wait3A_509] : memref<10000x128xf32, #tpu.memory_space<hbm>> -> memref<10000x128xf32, #tpu.memory_space<hbm>>
      tpu.wait_indirect_dma semaphore(%arg15 : memref<!tpu.dma_semaphore, #tpu.memory_space<semaphore_mem>>) src(%dma_wait3A_510 : memref<10000x128xf32, #tpu.memory_space<hbm>>) dst(%arg11 : memref<80x128xf32, #tpu.memory_space<vmem>>)
      %add3A_511 = arith.constant 2 : i32
      %add3A_512 = arith.addi %add3A_389, %add3A_511 : i32
      %mul3A_513 = arith.constant 80 : i32
      %mul3A_514 = arith.muli %add3A_512, %mul3A_513 : i32
      %dma_start3A_515 = tpu.memref_slice %arg8[%mul3A_514] : memref<2000xi32, #tpu.memory_space<vmem>> -> memref<80xi32, #tpu.memory_space<vmem>>
      %dma_start3A_516 = arith.constant 0 : i32
      %dma_start3A_517 = arith.constant 0 : i32
      %dma_start3A_518 = tpu.memref_slice %arg22[%dma_start3A_516, %dma_start3A_517] : memref<10000x128xf32, #tpu.memory_space<vmem_shared>> -> memref<10000x128xf32, #tpu.memory_space<vmem_shared>>
      tpu.enqueue_indirect_dma source(%arg11 : memref<80x128xf32, #tpu.memory_space<vmem>>) target(%dma_start3A_518 : memref<10000x128xf32, #tpu.memory_space<vmem_shared>>) offsets(%dma_start3A_515 : memref<80xi32, #tpu.memory_space<vmem>>) semaphore(%arg18 : memref<!tpu.dma_semaphore, #tpu.memory_space<semaphore_mem>>) {add = true}
      %add3A_519 = arith.constant 2 : i32
      %add3A_520 = arith.addi %add3A_389, %add3A_519 : i32
      %mul3A_521 = arith.constant 80 : i32
      %mul3A_522 = arith.muli %add3A_520, %mul3A_521 : i32
      %add3A_523 = arith.constant 0 : i32
      %add3A_524 = arith.addi %mul3A_522, %add3A_523 : i32
      %get3A_525 = arith.index_cast %add3A_524 : i32 to index
      %get3A_526 = tpu.vector_load %arg8[%get3A_525] {strides = array<i32>} : memref<2000xi32, #tpu.memory_space<vmem>>, vector<16xi32>,
      tpu.vector_store_idx %arg14[%get3A_526], %broadcast_in_dim3A_3 {add = true} : memref<10000xf32, #tpu.memory_space<vmem>>[vector<16xi32>], vector<16xf32>,
      %mul3A_527 = arith.constant 80 : i32
      %mul3A_528 = arith.muli %add3A_520, %mul3A_527 : i32
      %add3A_529 = arith.constant 16 : i32
      %add3A_530 = arith.addi %mul3A_528, %add3A_529 : i32
      %get3A_531 = arith.index_cast %add3A_530 : i32 to index
      %get3A_532 = tpu.vector_load %arg8[%get3A_531] {strides = array<i32>} : memref<2000xi32, #tpu.memory_space<vmem>>, vector<16xi32>,
      tpu.vector_store_idx %arg14[%get3A_532], %broadcast_in_dim3A_3 {add = true} : memref<10000xf32, #tpu.memory_space<vmem>>[vector<16xi32>], vector<16xf32>,
      %mul3A_533 = arith.constant 80 : i32
      %mul3A_534 = arith.muli %add3A_520, %mul3A_533 : i32
      %add3A_535 = arith.constant 32 : i32
      %add3A_536 = arith.addi %mul3A_534, %add3A_535 : i32
      %get3A_537 = arith.index_cast %add3A_536 : i32 to index
      %get3A_538 = tpu.vector_load %arg8[%get3A_537] {strides = array<i32>} : memref<2000xi32, #tpu.memory_space<vmem>>, vector<16xi32>,
      tpu.vector_store_idx %arg14[%get3A_538], %broadcast_in_dim3A_3 {add = true} : memref<10000xf32, #tpu.memory_space<vmem>>[vector<16xi32>], vector<16xf32>,
      %mul3A_539 = arith.constant 80 : i32
      %mul3A_540 = arith.muli %add3A_520, %mul3A_539 : i32
      %add3A_541 = arith.constant 48 : i32
      %add3A_542 = arith.addi %mul3A_540, %add3A_541 : i32
      %get3A_543 = arith.index_cast %add3A_542 : i32 to index
      %get3A_544 = tpu.vector_load %arg8[%get3A_543] {strides = array<i32>} : memref<2000xi32, #tpu.memory_space<vmem>>, vector<16xi32>,
      tpu.vector_store_idx %arg14[%get3A_544], %broadcast_in_dim3A_3 {add = true} : memref<10000xf32, #tpu.memory_space<vmem>>[vector<16xi32>], vector<16xf32>,
      %mul3A_545 = arith.constant 80 : i32
      %mul3A_546 = arith.muli %add3A_520, %mul3A_545 : i32
      %add3A_547 = arith.constant 64 : i32
      %add3A_548 = arith.addi %mul3A_546, %add3A_547 : i32
      %get3A_549 = arith.index_cast %add3A_548 : i32 to index
      %get3A_550 = tpu.vector_load %arg8[%get3A_549] {strides = array<i32>} : memref<2000xi32, #tpu.memory_space<vmem>>, vector<16xi32>,
      tpu.vector_store_idx %arg14[%get3A_550], %broadcast_in_dim3A_3 {add = true} : memref<10000xf32, #tpu.memory_space<vmem>>[vector<16xi32>], vector<16xf32>,
      %add3A_551 = arith.constant 1 : i32
      %add3A_552 = arith.addi %add3A_389, %add3A_551 : i32
      %mul3A_553 = arith.constant 80 : i32
      %mul3A_554 = arith.muli %add3A_552, %mul3A_553 : i32
      %dma_wait3A_555 = tpu.memref_slice %arg8[%mul3A_554] : memref<2000xi32, #tpu.memory_space<vmem>> -> memref<80xi32, #tpu.memory_space<vmem>>
      %dma_wait3A_556 = arith.constant 0 : i32
      %dma_wait3A_557 = arith.constant 0 : i32
      %dma_wait3A_558 = tpu.memref_slice %arg22[%dma_wait3A_556, %dma_wait3A_557] : memref<10000x128xf32, #tpu.memory_space<vmem_shared>> -> memref<10000x128xf32, #tpu.memory_space<vmem_shared>>
      tpu.wait_indirect_dma semaphore(%arg20 : memref<!tpu.dma_semaphore, #tpu.memory_space<semaphore_mem>>) src(%arg13 : memref<80x128xf32, #tpu.memory_space<vmem>>) dst(%dma_wait3A_558 : memref<10000x128xf32, #tpu.memory_space<vmem_shared>>)
      %le3A_559 = arith.constant 20 : i32
      %le3A_560 = arith.cmpi sle, %add3A_389, %le3A_559 : i32
      %convert_element_type3A_561 = arith.extui %le3A_560 : i1 to i32
      %cond3A_562 = arith.constant 0 : i32
      %cond3A_563 = arith.cmpi ne, %convert_element_type3A_561, %cond3A_562 : i32
      scf.if %cond3A_563 {
        %add3A_564 = arith.constant 4 : i32
        %add3A_565 = arith.addi %add3A_389, %add3A_564 : i32
        %mul3A_566 = arith.constant 80 : i32
        %mul3A_567 = arith.muli %add3A_565, %mul3A_566 : i32
        %dma_start3A_568 = tpu.memref_slice %arg7[%mul3A_567] : memref<2000xi32, #tpu.memory_space<vmem>> -> memref<80xi32, #tpu.memory_space<vmem>>
        %dma_start3A_569 = arith.constant 0 : i32
        %dma_start3A_570 = arith.constant 0 : i32
        %dma_start3A_571 = tpu.memref_slice %arg2[%dma_start3A_569, %dma_start3A_570] : memref<10000x128xf32, #tpu.memory_space<hbm>> -> memref<10000x128xf32, #tpu.memory_space<hbm>>
        tpu.enqueue_indirect_dma source(%dma_start3A_571 : memref<10000x128xf32, #tpu.memory_space<hbm>>) target(%arg13 : memref<80x128xf32, #tpu.memory_space<vmem>>) offsets(%dma_start3A_568 : memref<80xi32, #tpu.memory_space<vmem>>) semaphore(%arg17 : memref<!tpu.dma_semaphore, #tpu.memory_space<semaphore_mem>>)
      } else {
      }
    }
    %scan3A_370 = arith.constant 8 : i32
    %dma_wait3A_371 = arith.constant 1920 : i32
    %dma_wait3A_372 = tpu.memref_slice %arg8[%dma_wait3A_371] : memref<2000xi32, #tpu.memory_space<vmem>> -> memref<80xi32, #tpu.memory_space<vmem>>
    %dma_wait3A_373 = arith.constant 0 : i32
    %dma_wait3A_374 = arith.constant 0 : i32
    %dma_wait3A_375 = tpu.memref_slice %arg22[%dma_wait3A_373, %dma_wait3A_374] : memref<10000x128xf32, #tpu.memory_space<vmem_shared>> -> memref<10000x128xf32, #tpu.memory_space<vmem_shared>>
    tpu.wait_indirect_dma semaphore(%arg18 : memref<!tpu.dma_semaphore, #tpu.memory_space<semaphore_mem>>) src(%arg11 : memref<80x128xf32, #tpu.memory_space<vmem>>) dst(%dma_wait3A_375 : memref<10000x128xf32, #tpu.memory_space<vmem_shared>>)
    %barrier3A_376 = arith.constant 0 : index
    tpu.barrier barrier_id(%barrier3A_376)
    %mul3A_377 = arith.constant 625 : i32
    %mul3A_378 = arith.muli %arg1, %mul3A_377 : i32
    %mul3A_379 = arith.constant 625 : i32
    %mul3A_380 = arith.muli %arg1, %mul3A_379 : i32
    "tpu.region"() ({
      %run_scoped3A_385 = tpu.sem_alloc : memref<!tpu.dma_semaphore, #tpu.memory_space<semaphore_mem>>
      %dma_start3A_386 = arith.constant 0 : i32
      %dma_start3A_387 = tpu.memref_slice %arg5[%arg0, %mul3A_380, %dma_start3A_386] : memref<2x10000x128xf32, #tpu.memory_space<hbm>> -> memref<1x625x128xf32, #tpu.memory_space<hbm>>
      %dma_start3A_388 = tpu.memref_squeeze %dma_start3A_387 : memref<1x625x128xf32, #tpu.memory_space<hbm>> -> memref<625x128xf32, #tpu.memory_space<hbm>>
      %dma_start3A_389 = arith.constant 0 : i32
      %dma_start3A_390 = tpu.memref_slice %arg22[%mul3A_378, %dma_start3A_389] : memref<10000x128xf32, #tpu.memory_space<vmem_shared>> -> memref<625x128xf32, #tpu.memory_space<vmem_shared>>
      tpu.enqueue_dma source(%dma_start3A_390 : memref<625x128xf32, #tpu.memory_space<vmem_shared>>) target(%dma_start3A_388 : memref<625x128xf32, #tpu.memory_space<hbm>>) target_semaphore(%run_scoped3A_385 : memref<!tpu.dma_semaphore, #tpu.memory_space<semaphore_mem>>)
      %dma_wait3A_391 = arith.constant 0 : i32
      %dma_wait3A_392 = tpu.memref_slice %arg5[%arg0, %mul3A_380, %dma_wait3A_391] : memref<2x10000x128xf32, #tpu.memory_space<hbm>> -> memref<1x625x128xf32, #tpu.memory_space<hbm>>
      %dma_wait3A_393 = tpu.memref_squeeze %dma_wait3A_392 : memref<1x625x128xf32, #tpu.memory_space<hbm>> -> memref<625x128xf32, #tpu.memory_space<hbm>>
      %dma_wait3A_394 = arith.constant 0 : i32
      %dma_wait3A_395 = tpu.memref_slice %arg22[%mul3A_378, %dma_wait3A_394] : memref<10000x128xf32, #tpu.memory_space<vmem_shared>> -> memref<625x128xf32, #tpu.memory_space<vmem_shared>>
      tpu.wait_dma2 semaphore(%run_scoped3A_385 : memref<!tpu.dma_semaphore, #tpu.memory_space<semaphore_mem>>) src(%dma_wait3A_395 : memref<625x128xf32, #tpu.memory_space<vmem_shared>>) dst(%dma_wait3A_393 : memref<625x128xf32, #tpu.memory_space<hbm>>)
      tpu.yield
    }) : () -> ()
    %run_scoped3A = arith.constant 0 : i32
    "tpu.region"() ({
      %run_scoped3A_385 = tpu.sem_alloc : memref<!tpu.dma_semaphore, #tpu.memory_space<semaphore_mem>>
      %dma_start3A_386 = arith.constant 0 : i32
      %dma_start3A_387 = tpu.memref_slice %arg14[%dma_start3A_386] : memref<10000xf32, #tpu.memory_space<vmem>> -> memref<2000xf32, #tpu.memory_space<vmem>>
      %dma_start3A_388 = arith.constant 0 : i32
      %dma_start3A_389 = tpu.memref_slice %arg6[%run_scoped3A, %add3A, %dma_start3A_388] : memref<5x32x2000xf32, #tpu.memory_space<hbm>> -> memref<1x1x2000xf32, #tpu.memory_space<hbm>>
      %dma_start3A_390 = tpu.memref_squeeze %dma_start3A_389 : memref<1x1x2000xf32, #tpu.memory_space<hbm>> -> memref<2000xf32, #tpu.memory_space<hbm>>
      %dma_start3A_391 = arith.constant 0 : i32
      %dma_start3A_392 = tpu.memref_slice %arg6[%run_scoped3A, %add3A, %dma_start3A_391] : memref<5x32x2000xf32, #tpu.memory_space<hbm>> -> memref<1x1x2000xf32, #tpu.memory_space<hbm>>
      %dma_start3A_393 = tpu.memref_squeeze %dma_start3A_392 : memref<1x1x2000xf32, #tpu.memory_space<hbm>> -> memref<2000xf32, #tpu.memory_space<hbm>>
      %dma_start3A_394 = arith.constant 0 : i32
      %dma_start3A_395 = tpu.memref_slice %arg14[%dma_start3A_394] : memref<10000xf32, #tpu.memory_space<vmem>> -> memref<2000xf32, #tpu.memory_space<vmem>>
      tpu.enqueue_dma source(%dma_start3A_395 : memref<2000xf32, #tpu.memory_space<vmem>>) target(%dma_start3A_393 : memref<2000xf32, #tpu.memory_space<hbm>>) target_semaphore(%run_scoped3A_385 : memref<!tpu.dma_semaphore, #tpu.memory_space<semaphore_mem>>)
      %dma_wait3A_396 = arith.constant 0 : i32
      %dma_wait3A_397 = tpu.memref_slice %arg14[%dma_wait3A_396] : memref<10000xf32, #tpu.memory_space<vmem>> -> memref<2000xf32, #tpu.memory_space<vmem>>
      %dma_wait3A_398 = arith.constant 0 : i32
      %dma_wait3A_399 = tpu.memref_slice %arg6[%run_scoped3A, %add3A, %dma_wait3A_398] : memref<5x32x2000xf32, #tpu.memory_space<hbm>> -> memref<1x1x2000xf32, #tpu.memory_space<hbm>>
      %dma_wait3A_400 = tpu.memref_squeeze %dma_wait3A_399 : memref<1x1x2000xf32, #tpu.memory_space<hbm>> -> memref<2000xf32, #tpu.memory_space<hbm>>
      %dma_wait3A_401 = arith.constant 0 : i32
      %dma_wait3A_402 = tpu.memref_slice %arg6[%run_scoped3A, %add3A, %dma_wait3A_401] : memref<5x32x2000xf32, #tpu.memory_space<hbm>> -> memref<1x1x2000xf32, #tpu.memory_space<hbm>>
      %dma_wait3A_403 = tpu.memref_squeeze %dma_wait3A_402 : memref<1x1x2000xf32, #tpu.memory_space<hbm>> -> memref<2000xf32, #tpu.memory_space<hbm>>
      %dma_wait3A_404 = arith.constant 0 : i32
      %dma_wait3A_405 = tpu.memref_slice %arg14[%dma_wait3A_404] : memref<10000xf32, #tpu.memory_space<vmem>> -> memref<2000xf32, #tpu.memory_space<vmem>>
      tpu.wait_dma2 semaphore(%run_scoped3A_385 : memref<!tpu.dma_semaphore, #tpu.memory_space<semaphore_mem>>) src(%dma_wait3A_405 : memref<2000xf32, #tpu.memory_space<vmem>>) dst(%dma_wait3A_403 : memref<2000xf32, #tpu.memory_space<hbm>>)
      tpu.yield
    }) : () -> ()
    %run_scoped3A_381 = arith.constant 1 : i32
    "tpu.region"() ({
      %run_scoped3A_385 = tpu.sem_alloc : memref<!tpu.dma_semaphore, #tpu.memory_space<semaphore_mem>>
      %dma_start3A_386 = arith.constant 2000 : i32
      %dma_start3A_387 = tpu.memref_slice %arg14[%dma_start3A_386] : memref<10000xf32, #tpu.memory_space<vmem>> -> memref<2000xf32, #tpu.memory_space<vmem>>
      %dma_start3A_388 = arith.constant 0 : i32
      %dma_start3A_389 = tpu.memref_slice %arg6[%run_scoped3A_381, %add3A, %dma_start3A_388] : memref<5x32x2000xf32, #tpu.memory_space<hbm>> -> memref<1x1x2000xf32, #tpu.memory_space<hbm>>
      %dma_start3A_390 = tpu.memref_squeeze %dma_start3A_389 : memref<1x1x2000xf32, #tpu.memory_space<hbm>> -> memref<2000xf32, #tpu.memory_space<hbm>>
      %dma_start3A_391 = arith.constant 0 : i32
      %dma_start3A_392 = tpu.memref_slice %arg6[%run_scoped3A_381, %add3A, %dma_start3A_391] : memref<5x32x2000xf32, #tpu.memory_space<hbm>> -> memref<1x1x2000xf32, #tpu.memory_space<hbm>>
      %dma_start3A_393 = tpu.memref_squeeze %dma_start3A_392 : memref<1x1x2000xf32, #tpu.memory_space<hbm>> -> memref<2000xf32, #tpu.memory_space<hbm>>
      %dma_start3A_394 = arith.constant 2000 : i32
      %dma_start3A_395 = tpu.memref_slice %arg14[%dma_start3A_394] : memref<10000xf32, #tpu.memory_space<vmem>> -> memref<2000xf32, #tpu.memory_space<vmem>>
      tpu.enqueue_dma source(%dma_start3A_395 : memref<2000xf32, #tpu.memory_space<vmem>>) target(%dma_start3A_393 : memref<2000xf32, #tpu.memory_space<hbm>>) target_semaphore(%run_scoped3A_385 : memref<!tpu.dma_semaphore, #tpu.memory_space<semaphore_mem>>)
      %dma_wait3A_396 = arith.constant 2000 : i32
      %dma_wait3A_397 = tpu.memref_slice %arg14[%dma_wait3A_396] : memref<10000xf32, #tpu.memory_space<vmem>> -> memref<2000xf32, #tpu.memory_space<vmem>>
      %dma_wait3A_398 = arith.constant 0 : i32
      %dma_wait3A_399 = tpu.memref_slice %arg6[%run_scoped3A_381, %add3A, %dma_wait3A_398] : memref<5x32x2000xf32, #tpu.memory_space<hbm>> -> memref<1x1x2000xf32, #tpu.memory_space<hbm>>
      %dma_wait3A_400 = tpu.memref_squeeze %dma_wait3A_399 : memref<1x1x2000xf32, #tpu.memory_space<hbm>> -> memref<2000xf32, #tpu.memory_space<hbm>>
      %dma_wait3A_401 = arith.constant 0 : i32
      %dma_wait3A_402 = tpu.memref_slice %arg6[%run_scoped3A_381, %add3A, %dma_wait3A_401] : memref<5x32x2000xf32, #tpu.memory_space<hbm>> -> memref<1x1x2000xf32, #tpu.memory_space<hbm>>
      %dma_wait3A_403 = tpu.memref_squeeze %dma_wait3A_402 : memref<1x1x2000xf32, #tpu.memory_space<hbm>> -> memref<2000xf32, #tpu.memory_space<hbm>>
      %dma_wait3A_404 = arith.constant 2000 : i32
      %dma_wait3A_405 = tpu.memref_slice %arg14[%dma_wait3A_404] : memref<10000xf32, #tpu.memory_space<vmem>> -> memref<2000xf32, #tpu.memory_space<vmem>>
      tpu.wait_dma2 semaphore(%run_scoped3A_385 : memref<!tpu.dma_semaphore, #tpu.memory_space<semaphore_mem>>) src(%dma_wait3A_405 : memref<2000xf32, #tpu.memory_space<vmem>>) dst(%dma_wait3A_403 : memref<2000xf32, #tpu.memory_space<hbm>>)
      tpu.yield
    }) : () -> ()
    %run_scoped3A_382 = arith.constant 2 : i32
    "tpu.region"() ({
      %run_scoped3A_385 = tpu.sem_alloc : memref<!tpu.dma_semaphore, #tpu.memory_space<semaphore_mem>>
      %dma_start3A_386 = arith.constant 4000 : i32
      %dma_start3A_387 = tpu.memref_slice %arg14[%dma_start3A_386] : memref<10000xf32, #tpu.memory_space<vmem>> -> memref<2000xf32, #tpu.memory_space<vmem>>
      %dma_start3A_388 = arith.constant 0 : i32
      %dma_start3A_389 = tpu.memref_slice %arg6[%run_scoped3A_382, %add3A, %dma_start3A_388] : memref<5x32x2000xf32, #tpu.memory_space<hbm>> -> memref<1x1x2000xf32, #tpu.memory_space<hbm>>
      %dma_start3A_390 = tpu.memref_squeeze %dma_start3A_389 : memref<1x1x2000xf32, #tpu.memory_space<hbm>> -> memref<2000xf32, #tpu.memory_space<hbm>>
      %dma_start3A_391 = arith.constant 0 : i32
      %dma_start3A_392 = tpu.memref_slice %arg6[%run_scoped3A_382, %add3A, %dma_start3A_391] : memref<5x32x2000xf32, #tpu.memory_space<hbm>> -> memref<1x1x2000xf32, #tpu.memory_space<hbm>>
      %dma_start3A_393 = tpu.memref_squeeze %dma_start3A_392 : memref<1x1x2000xf32, #tpu.memory_space<hbm>> -> memref<2000xf32, #tpu.memory_space<hbm>>
      %dma_start3A_394 = arith.constant 4000 : i32
      %dma_start3A_395 = tpu.memref_slice %arg14[%dma_start3A_394] : memref<10000xf32, #tpu.memory_space<vmem>> -> memref<2000xf32, #tpu.memory_space<vmem>>
      tpu.enqueue_dma source(%dma_start3A_395 : memref<2000xf32, #tpu.memory_space<vmem>>) target(%dma_start3A_393 : memref<2000xf32, #tpu.memory_space<hbm>>) target_semaphore(%run_scoped3A_385 : memref<!tpu.dma_semaphore, #tpu.memory_space<semaphore_mem>>)
      %dma_wait3A_396 = arith.constant 4000 : i32
      %dma_wait3A_397 = tpu.memref_slice %arg14[%dma_wait3A_396] : memref<10000xf32, #tpu.memory_space<vmem>> -> memref<2000xf32, #tpu.memory_space<vmem>>
      %dma_wait3A_398 = arith.constant 0 : i32
      %dma_wait3A_399 = tpu.memref_slice %arg6[%run_scoped3A_382, %add3A, %dma_wait3A_398] : memref<5x32x2000xf32, #tpu.memory_space<hbm>> -> memref<1x1x2000xf32, #tpu.memory_space<hbm>>
      %dma_wait3A_400 = tpu.memref_squeeze %dma_wait3A_399 : memref<1x1x2000xf32, #tpu.memory_space<hbm>> -> memref<2000xf32, #tpu.memory_space<hbm>>
      %dma_wait3A_401 = arith.constant 0 : i32
      %dma_wait3A_402 = tpu.memref_slice %arg6[%run_scoped3A_382, %add3A, %dma_wait3A_401] : memref<5x32x2000xf32, #tpu.memory_space<hbm>> -> memref<1x1x2000xf32, #tpu.memory_space<hbm>>
      %dma_wait3A_403 = tpu.memref_squeeze %dma_wait3A_402 : memref<1x1x2000xf32, #tpu.memory_space<hbm>> -> memref<2000xf32, #tpu.memory_space<hbm>>
      %dma_wait3A_404 = arith.constant 4000 : i32
      %dma_wait3A_405 = tpu.memref_slice %arg14[%dma_wait3A_404] : memref<10000xf32, #tpu.memory_space<vmem>> -> memref<2000xf32, #tpu.memory_space<vmem>>
      tpu.wait_dma2 semaphore(%run_scoped3A_385 : memref<!tpu.dma_semaphore, #tpu.memory_space<semaphore_mem>>) src(%dma_wait3A_405 : memref<2000xf32, #tpu.memory_space<vmem>>) dst(%dma_wait3A_403 : memref<2000xf32, #tpu.memory_space<hbm>>)
      tpu.yield
    }) : () -> ()
    %run_scoped3A_383 = arith.constant 3 : i32
    "tpu.region"() ({
      %run_scoped3A_385 = tpu.sem_alloc : memref<!tpu.dma_semaphore, #tpu.memory_space<semaphore_mem>>
      %dma_start3A_386 = arith.constant 6000 : i32
      %dma_start3A_387 = tpu.memref_slice %arg14[%dma_start3A_386] : memref<10000xf32, #tpu.memory_space<vmem>> -> memref<2000xf32, #tpu.memory_space<vmem>>
      %dma_start3A_388 = arith.constant 0 : i32
      %dma_start3A_389 = tpu.memref_slice %arg6[%run_scoped3A_383, %add3A, %dma_start3A_388] : memref<5x32x2000xf32, #tpu.memory_space<hbm>> -> memref<1x1x2000xf32, #tpu.memory_space<hbm>>
      %dma_start3A_390 = tpu.memref_squeeze %dma_start3A_389 : memref<1x1x2000xf32, #tpu.memory_space<hbm>> -> memref<2000xf32, #tpu.memory_space<hbm>>
      %dma_start3A_391 = arith.constant 0 : i32
      %dma_start3A_392 = tpu.memref_slice %arg6[%run_scoped3A_383, %add3A, %dma_start3A_391] : memref<5x32x2000xf32, #tpu.memory_space<hbm>> -> memref<1x1x2000xf32, #tpu.memory_space<hbm>>
      %dma_start3A_393 = tpu.memref_squeeze %dma_start3A_392 : memref<1x1x2000xf32, #tpu.memory_space<hbm>> -> memref<2000xf32, #tpu.memory_space<hbm>>
      %dma_start3A_394 = arith.constant 6000 : i32
      %dma_start3A_395 = tpu.memref_slice %arg14[%dma_start3A_394] : memref<10000xf32, #tpu.memory_space<vmem>> -> memref<2000xf32, #tpu.memory_space<vmem>>
      tpu.enqueue_dma source(%dma_start3A_395 : memref<2000xf32, #tpu.memory_space<vmem>>) target(%dma_start3A_393 : memref<2000xf32, #tpu.memory_space<hbm>>) target_semaphore(%run_scoped3A_385 : memref<!tpu.dma_semaphore, #tpu.memory_space<semaphore_mem>>)
      %dma_wait3A_396 = arith.constant 6000 : i32
      %dma_wait3A_397 = tpu.memref_slice %arg14[%dma_wait3A_396] : memref<10000xf32, #tpu.memory_space<vmem>> -> memref<2000xf32, #tpu.memory_space<vmem>>
      %dma_wait3A_398 = arith.constant 0 : i32
      %dma_wait3A_399 = tpu.memref_slice %arg6[%run_scoped3A_383, %add3A, %dma_wait3A_398] : memref<5x32x2000xf32, #tpu.memory_space<hbm>> -> memref<1x1x2000xf32, #tpu.memory_space<hbm>>
      %dma_wait3A_400 = tpu.memref_squeeze %dma_wait3A_399 : memref<1x1x2000xf32, #tpu.memory_space<hbm>> -> memref<2000xf32, #tpu.memory_space<hbm>>
      %dma_wait3A_401 = arith.constant 0 : i32
      %dma_wait3A_402 = tpu.memref_slice %arg6[%run_scoped3A_383, %add3A, %dma_wait3A_401] : memref<5x32x2000xf32, #tpu.memory_space<hbm>> -> memref<1x1x2000xf32, #tpu.memory_space<hbm>>
      %dma_wait3A_403 = tpu.memref_squeeze %dma_wait3A_402 : memref<1x1x2000xf32, #tpu.memory_space<hbm>> -> memref<2000xf32, #tpu.memory_space<hbm>>
      %dma_wait3A_404 = arith.constant 6000 : i32
      %dma_wait3A_405 = tpu.memref_slice %arg14[%dma_wait3A_404] : memref<10000xf32, #tpu.memory_space<vmem>> -> memref<2000xf32, #tpu.memory_space<vmem>>
      tpu.wait_dma2 semaphore(%run_scoped3A_385 : memref<!tpu.dma_semaphore, #tpu.memory_space<semaphore_mem>>) src(%dma_wait3A_405 : memref<2000xf32, #tpu.memory_space<vmem>>) dst(%dma_wait3A_403 : memref<2000xf32, #tpu.memory_space<hbm>>)
      tpu.yield
    }) : () -> ()
    %run_scoped3A_384 = arith.constant 4 : i32
    "tpu.region"() ({
      %run_scoped3A_385 = tpu.sem_alloc : memref<!tpu.dma_semaphore, #tpu.memory_space<semaphore_mem>>
      %dma_start3A_386 = arith.constant 8000 : i32
      %dma_start3A_387 = tpu.memref_slice %arg14[%dma_start3A_386] : memref<10000xf32, #tpu.memory_space<vmem>> -> memref<2000xf32, #tpu.memory_space<vmem>>
      %dma_start3A_388 = arith.constant 0 : i32
      %dma_start3A_389 = tpu.memref_slice %arg6[%run_scoped3A_384, %add3A, %dma_start3A_388] : memref<5x32x2000xf32, #tpu.memory_space<hbm>> -> memref<1x1x2000xf32, #tpu.memory_space<hbm>>
      %dma_start3A_390 = tpu.memref_squeeze %dma_start3A_389 : memref<1x1x2000xf32, #tpu.memory_space<hbm>> -> memref<2000xf32, #tpu.memory_space<hbm>>
      %dma_start3A_391 = arith.constant 0 : i32
      %dma_start3A_392 = tpu.memref_slice %arg6[%run_scoped3A_384, %add3A, %dma_start3A_391] : memref<5x32x2000xf32, #tpu.memory_space<hbm>> -> memref<1x1x2000xf32, #tpu.memory_space<hbm>>
      %dma_start3A_393 = tpu.memref_squeeze %dma_start3A_392 : memref<1x1x2000xf32, #tpu.memory_space<hbm>> -> memref<2000xf32, #tpu.memory_space<hbm>>
      %dma_start3A_394 = arith.constant 8000 : i32
      %dma_start3A_395 = tpu.memref_slice %arg14[%dma_start3A_394] : memref<10000xf32, #tpu.memory_space<vmem>> -> memref<2000xf32, #tpu.memory_space<vmem>>
      tpu.enqueue_dma source(%dma_start3A_395 : memref<2000xf32, #tpu.memory_space<vmem>>) target(%dma_start3A_393 : memref<2000xf32, #tpu.memory_space<hbm>>) target_semaphore(%run_scoped3A_385 : memref<!tpu.dma_semaphore, #tpu.memory_space<semaphore_mem>>)
      %dma_wait3A_396 = arith.constant 8000 : i32
      %dma_wait3A_397 = tpu.memref_slice %arg14[%dma_wait3A_396] : memref<10000xf32, #tpu.memory_space<vmem>> -> memref<2000xf32, #tpu.memory_space<vmem>>
      %dma_wait3A_398 = arith.constant 0 : i32
      %dma_wait3A_399 = tpu.memref_slice %arg6[%run_scoped3A_384, %add3A, %dma_wait3A_398] : memref<5x32x2000xf32, #tpu.memory_space<hbm>> -> memref<1x1x2000xf32, #tpu.memory_space<hbm>>
      %dma_wait3A_400 = tpu.memref_squeeze %dma_wait3A_399 : memref<1x1x2000xf32, #tpu.memory_space<hbm>> -> memref<2000xf32, #tpu.memory_space<hbm>>
      %dma_wait3A_401 = arith.constant 0 : i32
      %dma_wait3A_402 = tpu.memref_slice %arg6[%run_scoped3A_384, %add3A, %dma_wait3A_401] : memref<5x32x2000xf32, #tpu.memory_space<hbm>> -> memref<1x1x2000xf32, #tpu.memory_space<hbm>>
      %dma_wait3A_403 = tpu.memref_squeeze %dma_wait3A_402 : memref<1x1x2000xf32, #tpu.memory_space<hbm>> -> memref<2000xf32, #tpu.memory_space<hbm>>
      %dma_wait3A_404 = arith.constant 8000 : i32
      %dma_wait3A_405 = tpu.memref_slice %arg14[%dma_wait3A_404] : memref<10000xf32, #tpu.memory_space<vmem>> -> memref<2000xf32, #tpu.memory_space<vmem>>
      tpu.wait_dma2 semaphore(%run_scoped3A_385 : memref<!tpu.dma_semaphore, #tpu.memory_space<semaphore_mem>>) src(%dma_wait3A_405 : memref<2000xf32, #tpu.memory_space<vmem>>) dst(%dma_wait3A_403 : memref<2000xf32, #tpu.memory_space<hbm>>)
      tpu.yield
    }) : () -> ()
    return
  }
}

#map = affine_map<(d0, d1) -> (0, 0)>
#map1 = affine_map<(d0, d1) -> (0, 0, 0)>
module attributes {stable_mosaic.version = 14 : i64} {
  func.func @body(%arg0: i32, %arg1: i32, %arg2: memref<10000x128xf32, #tpu.memory_space<hbm>>, %arg3: memref<2x320000xi32, #tpu.memory_space<hbm>>, %arg4: memref<10000x128xf32, #tpu.memory_space<hbm>>, %arg5: memref<2x10000x128xf32, #tpu.memory_space<hbm>>, %arg6: memref<5x32x2000xf32, #tpu.memory_space<hbm>>, %arg7: memref<2000xi32, #tpu.memory_space<vmem>>, %arg8: memref<2000xi32, #tpu.memory_space<vmem>>, %arg9: memref<2000xi32, #tpu.memory_space<vmem>>, %arg10: memref<2000xi32, #tpu.memory_space<vmem>>, %arg11: memref<80x128xf32, #tpu.memory_space<vmem>>, %arg12: memref<80x128xf32, #tpu.memory_space<vmem>>, %arg13: memref<80x128xf32, #tpu.memory_space<vmem>>, %arg14: memref<10000xf32, #tpu.memory_space<vmem>>, %arg15: memref<!tpu.dma_semaphore, #tpu.memory_space<semaphore_mem>>, %arg16: memref<!tpu.dma_semaphore, #tpu.memory_space<semaphore_mem>>, %arg17: memref<!tpu.dma_semaphore, #tpu.memory_space<semaphore_mem>>, %arg18: memref<!tpu.dma_semaphore, #tpu.memory_space<semaphore_mem>>, %arg19: memref<!tpu.dma_semaphore, #tpu.memory_space<semaphore_mem>>, %arg20: memref<!tpu.dma_semaphore, #tpu.memory_space<semaphore_mem>>, %arg21: memref<!tpu.dma_semaphore, #tpu.memory_space<semaphore_mem>>, %arg22: memref<10000x128xf32, #tpu.memory_space<vmem_shared>>) attributes {dimension_semantics = [#tpu.dimension_semantics<core_parallel>, #tpu.dimension_semantics<subcore_parallel>], iteration_bounds = array<i64: 2, 16>, scalar_prefetch = 0 : i64, scratch_operands = 16 : i64, tpu.core_type = #tpu.core_type<sc_vector_subcore>, window_params = [{transform_indices = #map}, {transform_indices = #map}, {transform_indices = #map}, {transform_indices = #map1}, {transform_indices = #map1}]} {
    %mul3A = arith.constant 2 : i32
    %mul3A_0 = arith.muli %arg1, %mul3A : i32
    %add3A = arith.addi %mul3A_0, %arg0 : i32
    %mul3A_1 = arith.constant 10000 : i32
    %mul3A_2 = arith.muli %add3A, %mul3A_1 : i32
    %broadcast_in_dim3A = arith.constant 1.000000e+00 : f32
    %broadcast_in_dim3A_3 = vector.broadcast %broadcast_in_dim3A : f32 to vector<16xf32>
    %add3A_4 = arith.constant 0 : i32
    %add3A_5 = arith.addi %mul3A_2, %add3A_4 : i32
    %dma_start3A = arith.constant 1 : i32
    %dma_start3A_6 = tpu.memref_slice %arg3[%dma_start3A, %add3A_5] : memref<2x320000xi32, #tpu.memory_space<hbm>> -> memref<1x2000xi32, #tpu.memory_space<hbm>>
    %dma_start3A_7 = tpu.memref_squeeze %dma_start3A_6 : memref<1x2000xi32, #tpu.memory_space<hbm>> -> memref<2000xi32, #tpu.memory_space<hbm>>
    %dma_start3A_8 = tpu.memref_slice %arg3[%dma_start3A, %add3A_5] : memref<2x320000xi32, #tpu.memory_space<hbm>> -> memref<1x2000xi32, #tpu.memory_space<hbm>>
    %dma_start3A_9 = tpu.memref_squeeze %dma_start3A_8 : memref<1x2000xi32, #tpu.memory_space<hbm>> -> memref<2000xi32, #tpu.memory_space<hbm>>
    tpu.enqueue_dma source(%dma_start3A_9 : memref<2000xi32, #tpu.memory_space<hbm>>) target(%arg7 : memref<2000xi32, #tpu.memory_space<vmem>>) target_semaphore(%arg21 : memref<!tpu.dma_semaphore, #tpu.memory_space<semaphore_mem>>)
    %add3A_10 = arith.constant 0 : i32
    %add3A_11 = arith.addi %mul3A_2, %add3A_10 : i32
    %dma_start3A_12 = arith.constant 0 : i32
    %dma_start3A_13 = tpu.memref_slice %arg3[%dma_start3A_12, %add3A_11] : memref<2x320000xi32, #tpu.memory_space<hbm>> -> memref<1x2000xi32, #tpu.memory_space<hbm>>
    %dma_start3A_14 = tpu.memref_squeeze %dma_start3A_13 : memref<1x2000xi32, #tpu.memory_space<hbm>> -> memref<2000xi32, #tpu.memory_space<hbm>>
    %dma_start3A_15 = tpu.memref_slice %arg3[%dma_start3A_12, %add3A_11] : memref<2x320000xi32, #tpu.memory_space<hbm>> -> memref<1x2000xi32, #tpu.memory_space<hbm>>
    %dma_start3A_16 = tpu.memref_squeeze %dma_start3A_15 : memref<1x2000xi32, #tpu.memory_space<hbm>> -> memref<2000xi32, #tpu.memory_space<hbm>>
    tpu.enqueue_dma source(%dma_start3A_16 : memref<2000xi32, #tpu.memory_space<hbm>>) target(%arg8 : memref<2000xi32, #tpu.memory_space<vmem>>) target_semaphore(%arg21 : memref<!tpu.dma_semaphore, #tpu.memory_space<semaphore_mem>>)
    %mul3A_17 = arith.constant 625 : i32
    %mul3A_18 = arith.muli %arg1, %mul3A_17 : i32
    %mul3A_19 = arith.constant 625 : i32
    %mul3A_20 = arith.muli %arg1, %mul3A_19 : i32
    "tpu.region"() ({
      %run_scoped3A_385 = tpu.sem_alloc : memref<!tpu.dma_semaphore, #tpu.memory_space<semaphore_mem>>
      %dma_start3A_386 = arith.constant 0 : i32
      %dma_start3A_387 = tpu.memref_slice %arg22[%mul3A_20, %dma_start3A_386] : memref<10000x128xf32, #tpu.memory_space<vmem_shared>> -> memref<625x128xf32, #tpu.memory_space<vmem_shared>>
      %dma_start3A_388 = arith.constant 0 : i32
      %dma_start3A_389 = tpu.memref_slice %arg4[%mul3A_18, %dma_start3A_388] : memref<10000x128xf32, #tpu.memory_space<hbm>> -> memref<625x128xf32, #tpu.memory_space<hbm>>
      tpu.enqueue_dma source(%dma_start3A_389 : memref<625x128xf32, #tpu.memory_space<hbm>>) target(%dma_start3A_387 : memref<625x128xf32, #tpu.memory_space<vmem_shared>>) target_semaphore(%run_scoped3A_385 : memref<!tpu.dma_semaphore, #tpu.memory_space<semaphore_mem>>)
      %dma_wait3A_390 = arith.constant 0 : i32
      %dma_wait3A_391 = tpu.memref_slice %arg22[%mul3A_20, %dma_wait3A_390] : memref<10000x128xf32, #tpu.memory_space<vmem_shared>> -> memref<625x128xf32, #tpu.memory_space<vmem_shared>>
      %dma_wait3A_392 = arith.constant 0 : i32
      %dma_wait3A_393 = tpu.memref_slice %arg4[%mul3A_18, %dma_wait3A_392] : memref<10000x128xf32, #tpu.memory_space<hbm>> -> memref<625x128xf32, #tpu.memory_space<hbm>>
      tpu.wait_dma2 semaphore(%run_scoped3A_385 : memref<!tpu.dma_semaphore, #tpu.memory_space<semaphore_mem>>) src(%dma_wait3A_393 : memref<625x128xf32, #tpu.memory_space<hbm>>) dst(%dma_wait3A_391 : memref<625x128xf32, #tpu.memory_space<vmem_shared>>)
      tpu.yield
    }) : () -> ()
    %broadcast_in_dim3A_21 = arith.constant 0.000000e+00 : f32
    %broadcast_in_dim3A_22 = vector.broadcast %broadcast_in_dim3A_21 : f32 to vector<16xf32>
    %scan3A = arith.constant 0 : i32
    %scan3A_23 = arith.constant 625 : i32
    %scan3A_24 = arith.addi %scan3A, %scan3A_23 : i32
    %scan3A_25 = arith.constant 1 : i32
    scf.for %scan3A_385 = %scan3A to %scan3A_24 step %scan3A_25  : i32 {
      %mul3A_386 = arith.constant 1 : i32
      %mul3A_387 = arith.muli %scan3A_385, %mul3A_386 : i32
      %add3A_388 = arith.constant 0 : i32
      %add3A_389 = arith.addi %add3A_388, %mul3A_387 : i32
      %mul3A_390 = arith.constant 16 : i32
      %mul3A_391 = arith.muli %add3A_389, %mul3A_390 : i32
      %swap3A = arith.index_cast %mul3A_391 : i32 to index
      %swap3A_392 = tpu.vector_load %arg14[%swap3A] {strides = array<i32>} : memref<10000xf32, #tpu.memory_space<vmem>>, vector<16xf32>,
      tpu.vector_store %arg14[%swap3A], %broadcast_in_dim3A_22 {strides = array<i32>} : memref<10000xf32, #tpu.memory_space<vmem>>, vector<16xf32>,
    }
    %scan3A_26 = arith.constant 625 : i32
    %add3A_27 = arith.constant 0 : i32
    %add3A_28 = arith.addi %mul3A_2, %add3A_27 : i32
    %dma_wait3A = arith.constant 1 : i32
    %dma_wait3A_29 = tpu.memref_slice %arg3[%dma_wait3A, %add3A_28] : memref<2x320000xi32, #tpu.memory_space<hbm>> -> memref<1x2000xi32, #tpu.memory_space<hbm>>
    %dma_wait3A_30 = tpu.memref_squeeze %dma_wait3A_29 : memref<1x2000xi32, #tpu.memory_space<hbm>> -> memref<2000xi32, #tpu.memory_space<hbm>>
    %dma_wait3A_31 = tpu.memref_slice %arg3[%dma_wait3A, %add3A_28] : memref<2x320000xi32, #tpu.memory_space<hbm>> -> memref<1x2000xi32, #tpu.memory_space<hbm>>
    %dma_wait3A_32 = tpu.memref_squeeze %dma_wait3A_31 : memref<1x2000xi32, #tpu.memory_space<hbm>> -> memref<2000xi32, #tpu.memory_space<hbm>>
    tpu.wait_dma2 semaphore(%arg21 : memref<!tpu.dma_semaphore, #tpu.memory_space<semaphore_mem>>) src(%dma_wait3A_32 : memref<2000xi32, #tpu.memory_space<hbm>>) dst(%arg7 : memref<2000xi32, #tpu.memory_space<vmem>>)
    %add3A_33 = arith.constant 0 : i32
    %add3A_34 = arith.addi %mul3A_2, %add3A_33 : i32
    %dma_wait3A_35 = arith.constant 0 : i32
    %dma_wait3A_36 = tpu.memref_slice %arg3[%dma_wait3A_35, %add3A_34] : memref<2x320000xi32, #tpu.memory_space<hbm>> -> memref<1x2000xi32, #tpu.memory_space<hbm>>
    %dma_wait3A_37 = tpu.memref_squeeze %dma_wait3A_36 : memref<1x2000xi32, #tpu.memory_space<hbm>> -> memref<2000xi32, #tpu.memory_space<hbm>>
    %dma_wait3A_38 = tpu.memref_slice %arg3[%dma_wait3A_35, %add3A_34] : memref<2x320000xi32, #tpu.memory_space<hbm>> -> memref<1x2000xi32, #tpu.memory_space<hbm>>
    %dma_wait3A_39 = tpu.memref_squeeze %dma_wait3A_38 : memref<1x2000xi32, #tpu.memory_space<hbm>> -> memref<2000xi32, #tpu.memory_space<hbm>>
    tpu.wait_dma2 semaphore(%arg21 : memref<!tpu.dma_semaphore, #tpu.memory_space<semaphore_mem>>) src(%dma_wait3A_39 : memref<2000xi32, #tpu.memory_space<hbm>>) dst(%arg8 : memref<2000xi32, #tpu.memory_space<vmem>>)
    %dma_start3A_40 = arith.constant 0 : i32
    %dma_start3A_41 = tpu.memref_slice %arg7[%dma_start3A_40] : memref<2000xi32, #tpu.memory_space<vmem>> -> memref<80xi32, #tpu.memory_space<vmem>>
    %dma_start3A_42 = arith.constant 0 : i32
    %dma_start3A_43 = arith.constant 0 : i32
    %dma_start3A_44 = tpu.memref_slice %arg2[%dma_start3A_42, %dma_start3A_43] : memref<10000x128xf32, #tpu.memory_space<hbm>> -> memref<10000x128xf32, #tpu.memory_space<hbm>>
    tpu.enqueue_indirect_dma source(%dma_start3A_44 : memref<10000x128xf32, #tpu.memory_space<hbm>>) target(%arg11 : memref<80x128xf32, #tpu.memory_space<vmem>>) offsets(%dma_start3A_41 : memref<80xi32, #tpu.memory_space<vmem>>) semaphore(%arg15 : memref<!tpu.dma_semaphore, #tpu.memory_space<semaphore_mem>>)
    %dma_start3A_45 = arith.constant 80 : i32
    %dma_start3A_46 = tpu.memref_slice %arg7[%dma_start3A_45] : memref<2000xi32, #tpu.memory_space<vmem>> -> memref<80xi32, #tpu.memory_space<vmem>>
    %dma_start3A_47 = arith.constant 0 : i32
    %dma_start3A_48 = arith.constant 0 : i32
    %dma_start3A_49 = tpu.memref_slice %arg2[%dma_start3A_47, %dma_start3A_48] : memref<10000x128xf32, #tpu.memory_space<hbm>> -> memref<10000x128xf32, #tpu.memory_space<hbm>>
    tpu.enqueue_indirect_dma source(%dma_start3A_49 : memref<10000x128xf32, #tpu.memory_space<hbm>>) target(%arg12 : memref<80x128xf32, #tpu.memory_space<vmem>>) offsets(%dma_start3A_46 : memref<80xi32, #tpu.memory_space<vmem>>) semaphore(%arg16 : memref<!tpu.dma_semaphore, #tpu.memory_space<semaphore_mem>>)
    %barrier3A = arith.constant 0 : index
    tpu.barrier barrier_id(%barrier3A)
    %add3A_50 = arith.constant 2000 : i32
    %add3A_51 = arith.addi %mul3A_2, %add3A_50 : i32
    %dma_start3A_52 = arith.constant 1 : i32
    %dma_start3A_53 = tpu.memref_slice %arg3[%dma_start3A_52, %add3A_51] : memref<2x320000xi32, #tpu.memory_space<hbm>> -> memref<1x2000xi32, #tpu.memory_space<hbm>>
    %dma_start3A_54 = tpu.memref_squeeze %dma_start3A_53 : memref<1x2000xi32, #tpu.memory_space<hbm>> -> memref<2000xi32, #tpu.memory_space<hbm>>
    %dma_start3A_55 = tpu.memref_slice %arg3[%dma_start3A_52, %add3A_51] : memref<2x320000xi32, #tpu.memory_space<hbm>> -> memref<1x2000xi32, #tpu.memory_space<hbm>>
    %dma_start3A_56 = tpu.memref_squeeze %dma_start3A_55 : memref<1x2000xi32, #tpu.memory_space<hbm>> -> memref<2000xi32, #tpu.memory_space<hbm>>
    tpu.enqueue_dma source(%dma_start3A_56 : memref<2000xi32, #tpu.memory_space<hbm>>) target(%arg9 : memref<2000xi32, #tpu.memory_space<vmem>>) target_semaphore(%arg21 : memref<!tpu.dma_semaphore, #tpu.memory_space<semaphore_mem>>)
    %add3A_57 = arith.constant 2000 : i32
    %add3A_58 = arith.addi %mul3A_2, %add3A_57 : i32
    %dma_start3A_59 = arith.constant 0 : i32
    %dma_start3A_60 = tpu.memref_slice %arg3[%dma_start3A_59, %add3A_58] : memref<2x320000xi32, #tpu.memory_space<hbm>> -> memref<1x2000xi32, #tpu.memory_space<hbm>>
    %dma_start3A_61 = tpu.memref_squeeze %dma_start3A_60 : memref<1x2000xi32, #tpu.memory_space<hbm>> -> memref<2000xi32, #tpu.memory_space<hbm>>
    %dma_start3A_62 = tpu.memref_slice %arg3[%dma_start3A_59, %add3A_58] : memref<2x320000xi32, #tpu.memory_space<hbm>> -> memref<1x2000xi32, #tpu.memory_space<hbm>>
    %dma_start3A_63 = tpu.memref_squeeze %dma_start3A_62 : memref<1x2000xi32, #tpu.memory_space<hbm>> -> memref<2000xi32, #tpu.memory_space<hbm>>
    tpu.enqueue_dma source(%dma_start3A_63 : memref<2000xi32, #tpu.memory_space<hbm>>) target(%arg10 : memref<2000xi32, #tpu.memory_space<vmem>>) target_semaphore(%arg21 : memref<!tpu.dma_semaphore, #tpu.memory_space<semaphore_mem>>)
    %dma_wait3A_64 = arith.constant 0 : i32
    %dma_wait3A_65 = tpu.memref_slice %arg7[%dma_wait3A_64] : memref<2000xi32, #tpu.memory_space<vmem>> -> memref<80xi32, #tpu.memory_space<vmem>>
    %dma_wait3A_66 = arith.constant 0 : i32
    %dma_wait3A_67 = arith.constant 0 : i32
    %dma_wait3A_68 = tpu.memref_slice %arg2[%dma_wait3A_66, %dma_wait3A_67] : memref<10000x128xf32, #tpu.memory_space<hbm>> -> memref<10000x128xf32, #tpu.memory_space<hbm>>
    tpu.wait_indirect_dma semaphore(%arg15 : memref<!tpu.dma_semaphore, #tpu.memory_space<semaphore_mem>>) src(%dma_wait3A_68 : memref<10000x128xf32, #tpu.memory_space<hbm>>) dst(%arg11 : memref<80x128xf32, #tpu.memory_space<vmem>>)
    %dma_start3A_69 = arith.constant 0 : i32
    %dma_start3A_70 = tpu.memref_slice %arg8[%dma_start3A_69] : memref<2000xi32, #tpu.memory_space<vmem>> -> memref<80xi32, #tpu.memory_space<vmem>>
    %dma_start3A_71 = arith.constant 0 : i32
    %dma_start3A_72 = arith.constant 0 : i32
    %dma_start3A_73 = tpu.memref_slice %arg22[%dma_start3A_71, %dma_start3A_72] : memref<10000x128xf32, #tpu.memory_space<vmem_shared>> -> memref<10000x128xf32, #tpu.memory_space<vmem_shared>>
    tpu.enqueue_indirect_dma source(%arg11 : memref<80x128xf32, #tpu.memory_space<vmem>>) target(%dma_start3A_73 : memref<10000x128xf32, #tpu.memory_space<vmem_shared>>) offsets(%dma_start3A_70 : memref<80xi32, #tpu.memory_space<vmem>>) semaphore(%arg18 : memref<!tpu.dma_semaphore, #tpu.memory_space<semaphore_mem>>) {add = true}
    %get3A = arith.constant 0 : index
    %get3A_74 = tpu.vector_load %arg8[%get3A] {strides = array<i32>} : memref<2000xi32, #tpu.memory_space<vmem>>, vector<16xi32>,
    tpu.vector_store_idx %arg14[%get3A_74], %broadcast_in_dim3A_3 {add = true} : memref<10000xf32, #tpu.memory_space<vmem>>[vector<16xi32>], vector<16xf32>,
    %get3A_75 = arith.constant 16 : index
    %get3A_76 = tpu.vector_load %arg8[%get3A_75] {strides = array<i32>} : memref<2000xi32, #tpu.memory_space<vmem>>, vector<16xi32>,
    tpu.vector_store_idx %arg14[%get3A_76], %broadcast_in_dim3A_3 {add = true} : memref<10000xf32, #tpu.memory_space<vmem>>[vector<16xi32>], vector<16xf32>,
    %get3A_77 = arith.constant 32 : index
    %get3A_78 = tpu.vector_load %arg8[%get3A_77] {strides = array<i32>} : memref<2000xi32, #tpu.memory_space<vmem>>, vector<16xi32>,
    tpu.vector_store_idx %arg14[%get3A_78], %broadcast_in_dim3A_3 {add = true} : memref<10000xf32, #tpu.memory_space<vmem>>[vector<16xi32>], vector<16xf32>,
    %get3A_79 = arith.constant 48 : index
    %get3A_80 = tpu.vector_load %arg8[%get3A_79] {strides = array<i32>} : memref<2000xi32, #tpu.memory_space<vmem>>, vector<16xi32>,
    tpu.vector_store_idx %arg14[%get3A_80], %broadcast_in_dim3A_3 {add = true} : memref<10000xf32, #tpu.memory_space<vmem>>[vector<16xi32>], vector<16xf32>,
    %get3A_81 = arith.constant 64 : index
    %get3A_82 = tpu.vector_load %arg8[%get3A_81] {strides = array<i32>} : memref<2000xi32, #tpu.memory_space<vmem>>, vector<16xi32>,
    tpu.vector_store_idx %arg14[%get3A_82], %broadcast_in_dim3A_3 {add = true} : memref<10000xf32, #tpu.memory_space<vmem>>[vector<16xi32>], vector<16xf32>,
    %dma_start3A_83 = arith.constant 160 : i32
    %dma_start3A_84 = tpu.memref_slice %arg7[%dma_start3A_83] : memref<2000xi32, #tpu.memory_space<vmem>> -> memref<80xi32, #tpu.memory_space<vmem>>
    %dma_start3A_85 = arith.constant 0 : i32
    %dma_start3A_86 = arith.constant 0 : i32
    %dma_start3A_87 = tpu.memref_slice %arg2[%dma_start3A_85, %dma_start3A_86] : memref<10000x128xf32, #tpu.memory_space<hbm>> -> memref<10000x128xf32, #tpu.memory_space<hbm>>
    tpu.enqueue_indirect_dma source(%dma_start3A_87 : memref<10000x128xf32, #tpu.memory_space<hbm>>) target(%arg13 : memref<80x128xf32, #tpu.memory_space<vmem>>) offsets(%dma_start3A_84 : memref<80xi32, #tpu.memory_space<vmem>>) semaphore(%arg17 : memref<!tpu.dma_semaphore, #tpu.memory_space<semaphore_mem>>)
    %scan3A_88 = arith.constant 0 : i32
    %scan3A_89 = arith.constant 8 : i32
    %scan3A_90 = arith.addi %scan3A_88, %scan3A_89 : i32
    %scan3A_91 = arith.constant 1 : i32
    scf.for %scan3A_385 = %scan3A_88 to %scan3A_90 step %scan3A_91  : i32 {
      %mul3A_386 = arith.constant 3 : i32
      %mul3A_387 = arith.muli %scan3A_385, %mul3A_386 : i32
      %add3A_388 = arith.constant 1 : i32
      %add3A_389 = arith.addi %add3A_388, %mul3A_387 : i32
      %mul3A_390 = arith.constant 80 : i32
      %mul3A_391 = arith.muli %add3A_389, %mul3A_390 : i32
      %dma_wait3A_392 = tpu.memref_slice %arg7[%mul3A_391] : memref<2000xi32, #tpu.memory_space<vmem>> -> memref<80xi32, #tpu.memory_space<vmem>>
      %dma_wait3A_393 = arith.constant 0 : i32
      %dma_wait3A_394 = arith.constant 0 : i32
      %dma_wait3A_395 = tpu.memref_slice %arg2[%dma_wait3A_393, %dma_wait3A_394] : memref<10000x128xf32, #tpu.memory_space<hbm>> -> memref<10000x128xf32, #tpu.memory_space<hbm>>
      tpu.wait_indirect_dma semaphore(%arg16 : memref<!tpu.dma_semaphore, #tpu.memory_space<semaphore_mem>>) src(%dma_wait3A_395 : memref<10000x128xf32, #tpu.memory_space<hbm>>) dst(%arg12 : memref<80x128xf32, #tpu.memory_space<vmem>>)
      %mul3A_396 = arith.constant 80 : i32
      %mul3A_397 = arith.muli %add3A_389, %mul3A_396 : i32
      %dma_start3A_398 = tpu.memref_slice %arg8[%mul3A_397] : memref<2000xi32, #tpu.memory_space<vmem>> -> memref<80xi32, #tpu.memory_space<vmem>>
      %dma_start3A_399 = arith.constant 0 : i32
      %dma_start3A_400 = arith.constant 0 : i32
      %dma_start3A_401 = tpu.memref_slice %arg22[%dma_start3A_399, %dma_start3A_400] : memref<10000x128xf32, #tpu.memory_space<vmem_shared>> -> memref<10000x128xf32, #tpu.memory_space<vmem_shared>>
      tpu.enqueue_indirect_dma source(%arg12 : memref<80x128xf32, #tpu.memory_space<vmem>>) target(%dma_start3A_401 : memref<10000x128xf32, #tpu.memory_space<vmem_shared>>) offsets(%dma_start3A_398 : memref<80xi32, #tpu.memory_space<vmem>>) semaphore(%arg19 : memref<!tpu.dma_semaphore, #tpu.memory_space<semaphore_mem>>) {add = true}
      %mul3A_402 = arith.constant 80 : i32
      %mul3A_403 = arith.muli %add3A_389, %mul3A_402 : i32
      %add3A_404 = arith.constant 0 : i32
      %add3A_405 = arith.addi %mul3A_403, %add3A_404 : i32
      %get3A_406 = arith.index_cast %add3A_405 : i32 to index
      %get3A_407 = tpu.vector_load %arg8[%get3A_406] {strides = array<i32>} : memref<2000xi32, #tpu.memory_space<vmem>>, vector<16xi32>,
      tpu.vector_store_idx %arg14[%get3A_407], %broadcast_in_dim3A_3 {add = true} : memref<10000xf32, #tpu.memory_space<vmem>>[vector<16xi32>], vector<16xf32>,
      %mul3A_408 = arith.constant 80 : i32
      %mul3A_409 = arith.muli %add3A_389, %mul3A_408 : i32
      %add3A_410 = arith.constant 16 : i32
      %add3A_411 = arith.addi %mul3A_409, %add3A_410 : i32
      %get3A_412 = arith.index_cast %add3A_411 : i32 to index
      %get3A_413 = tpu.vector_load %arg8[%get3A_412] {strides = array<i32>} : memref<2000xi32, #tpu.memory_space<vmem>>, vector<16xi32>,
      tpu.vector_store_idx %arg14[%get3A_413], %broadcast_in_dim3A_3 {add = true} : memref<10000xf32, #tpu.memory_space<vmem>>[vector<16xi32>], vector<16xf32>,
      %mul3A_414 = arith.constant 80 : i32
      %mul3A_415 = arith.muli %add3A_389, %mul3A_414 : i32
      %add3A_416 = arith.constant 32 : i32
      %add3A_417 = arith.addi %mul3A_415, %add3A_416 : i32
      %get3A_418 = arith.index_cast %add3A_417 : i32 to index
      %get3A_419 = tpu.vector_load %arg8[%get3A_418] {strides = array<i32>} : memref<2000xi32, #tpu.memory_space<vmem>>, vector<16xi32>,
      tpu.vector_store_idx %arg14[%get3A_419], %broadcast_in_dim3A_3 {add = true} : memref<10000xf32, #tpu.memory_space<vmem>>[vector<16xi32>], vector<16xf32>,
      %mul3A_420 = arith.constant 80 : i32
      %mul3A_421 = arith.muli %add3A_389, %mul3A_420 : i32
      %add3A_422 = arith.constant 48 : i32
      %add3A_423 = arith.addi %mul3A_421, %add3A_422 : i32
      %get3A_424 = arith.index_cast %add3A_423 : i32 to index
      %get3A_425 = tpu.vector_load %arg8[%get3A_424] {strides = array<i32>} : memref<2000xi32, #tpu.memory_space<vmem>>, vector<16xi32>,
      tpu.vector_store_idx %arg14[%get3A_425], %broadcast_in_dim3A_3 {add = true} : memref<10000xf32, #tpu.memory_space<vmem>>[vector<16xi32>], vector<16xf32>,
      %mul3A_426 = arith.constant 80 : i32
      %mul3A_427 = arith.muli %add3A_389, %mul3A_426 : i32
      %add3A_428 = arith.constant 64 : i32
      %add3A_429 = arith.addi %mul3A_427, %add3A_428 : i32
      %get3A_430 = arith.index_cast %add3A_429 : i32 to index
      %get3A_431 = tpu.vector_load %arg8[%get3A_430] {strides = array<i32>} : memref<2000xi32, #tpu.memory_space<vmem>>, vector<16xi32>,
      tpu.vector_store_idx %arg14[%get3A_431], %broadcast_in_dim3A_3 {add = true} : memref<10000xf32, #tpu.memory_space<vmem>>[vector<16xi32>], vector<16xf32>,
      %sub3A = arith.constant 1 : i32
      %sub3A_432 = arith.subi %add3A_389, %sub3A : i32
      %mul3A_433 = arith.constant 80 : i32
      %mul3A_434 = arith.muli %sub3A_432, %mul3A_433 : i32
      %dma_wait3A_435 = tpu.memref_slice %arg8[%mul3A_434] : memref<2000xi32, #tpu.memory_space<vmem>> -> memref<80xi32, #tpu.memory_space<vmem>>
      %dma_wait3A_436 = arith.constant 0 : i32
      %dma_wait3A_437 = arith.constant 0 : i32
      %dma_wait3A_438 = tpu.memref_slice %arg22[%dma_wait3A_436, %dma_wait3A_437] : memref<10000x128xf32, #tpu.memory_space<vmem_shared>> -> memref<10000x128xf32, #tpu.memory_space<vmem_shared>>
      tpu.wait_indirect_dma semaphore(%arg18 : memref<!tpu.dma_semaphore, #tpu.memory_space<semaphore_mem>>) src(%arg11 : memref<80x128xf32, #tpu.memory_space<vmem>>) dst(%dma_wait3A_438 : memref<10000x128xf32, #tpu.memory_space<vmem_shared>>)
      %add3A_439 = arith.constant 2 : i32
      %add3A_440 = arith.addi %add3A_389, %add3A_439 : i32
      %mul3A_441 = arith.constant 80 : i32
      %mul3A_442 = arith.muli %add3A_440, %mul3A_441 : i32
      %dma_start3A_443 = tpu.memref_slice %arg7[%mul3A_442] : memref<2000xi32, #tpu.memory_space<vmem>> -> memref<80xi32, #tpu.memory_space<vmem>>
      %dma_start3A_444 = arith.constant 0 : i32
      %dma_start3A_445 = arith.constant 0 : i32
      %dma_start3A_446 = tpu.memref_slice %arg2[%dma_start3A_444, %dma_start3A_445] : memref<10000x128xf32, #tpu.memory_space<hbm>> -> memref<10000x128xf32, #tpu.memory_space<hbm>>
      tpu.enqueue_indirect_dma source(%dma_start3A_446 : memref<10000x128xf32, #tpu.memory_space<hbm>>) target(%arg11 : memref<80x128xf32, #tpu.memory_space<vmem>>) offsets(%dma_start3A_443 : memref<80xi32, #tpu.memory_space<vmem>>) semaphore(%arg15 : memref<!tpu.dma_semaphore, #tpu.memory_space<semaphore_mem>>)
      %add3A_447 = arith.constant 1 : i32
      %add3A_448 = arith.addi %add3A_389, %add3A_447 : i32
      %mul3A_449 = arith.constant 80 : i32
      %mul3A_450 = arith.muli %add3A_448, %mul3A_449 : i32
      %dma_wait3A_451 = tpu.memref_slice %arg7[%mul3A_450] : memref<2000xi32, #tpu.memory_space<vmem>> -> memref<80xi32, #tpu.memory_space<vmem>>
      %dma_wait3A_452 = arith.constant 0 : i32
      %dma_wait3A_453 = arith.constant 0 : i32
      %dma_wait3A_454 = tpu.memref_slice %arg2[%dma_wait3A_452, %dma_wait3A_453] : memref<10000x128xf32, #tpu.memory_space<hbm>> -> memref<10000x128xf32, #tpu.memory_space<hbm>>
      tpu.wait_indirect_dma semaphore(%arg17 : memref<!tpu.dma_semaphore, #tpu.memory_space<semaphore_mem>>) src(%dma_wait3A_454 : memref<10000x128xf32, #tpu.memory_space<hbm>>) dst(%arg13 : memref<80x128xf32, #tpu.memory_space<vmem>>)
      %add3A_455 = arith.constant 1 : i32
      %add3A_456 = arith.addi %add3A_389, %add3A_455 : i32
      %mul3A_457 = arith.constant 80 : i32
      %mul3A_458 = arith.muli %add3A_456, %mul3A_457 : i32
      %dma_start3A_459 = tpu.memref_slice %arg8[%mul3A_458] : memref<2000xi32, #tpu.memory_space<vmem>> -> memref<80xi32, #tpu.memory_space<vmem>>
      %dma_start3A_460 = arith.constant 0 : i32
      %dma_start3A_461 = arith.constant 0 : i32
      %dma_start3A_462 = tpu.memref_slice %arg22[%dma_start3A_460, %dma_start3A_461] : memref<10000x128xf32, #tpu.memory_space<vmem_shared>> -> memref<10000x128xf32, #tpu.memory_space<vmem_shared>>
      tpu.enqueue_indirect_dma source(%arg13 : memref<80x128xf32, #tpu.memory_space<vmem>>) target(%dma_start3A_462 : memref<10000x128xf32, #tpu.memory_space<vmem_shared>>) offsets(%dma_start3A_459 : memref<80xi32, #tpu.memory_space<vmem>>) semaphore(%arg20 : memref<!tpu.dma_semaphore, #tpu.memory_space<semaphore_mem>>) {add = true}
      %add3A_463 = arith.constant 1 : i32
      %add3A_464 = arith.addi %add3A_389, %add3A_463 : i32
      %mul3A_465 = arith.constant 80 : i32
      %mul3A_466 = arith.muli %add3A_464, %mul3A_465 : i32
      %add3A_467 = arith.constant 0 : i32
      %add3A_468 = arith.addi %mul3A_466, %add3A_467 : i32
      %get3A_469 = arith.index_cast %add3A_468 : i32 to index
      %get3A_470 = tpu.vector_load %arg8[%get3A_469] {strides = array<i32>} : memref<2000xi32, #tpu.memory_space<vmem>>, vector<16xi32>,
      tpu.vector_store_idx %arg14[%get3A_470], %broadcast_in_dim3A_3 {add = true} : memref<10000xf32, #tpu.memory_space<vmem>>[vector<16xi32>], vector<16xf32>,
      %mul3A_471 = arith.constant 80 : i32
      %mul3A_472 = arith.muli %add3A_464, %mul3A_471 : i32
      %add3A_473 = arith.constant 16 : i32
      %add3A_474 = arith.addi %mul3A_472, %add3A_473 : i32
      %get3A_475 = arith.index_cast %add3A_474 : i32 to index
      %get3A_476 = tpu.vector_load %arg8[%get3A_475] {strides = array<i32>} : memref<2000xi32, #tpu.memory_space<vmem>>, vector<16xi32>,
      tpu.vector_store_idx %arg14[%get3A_476], %broadcast_in_dim3A_3 {add = true} : memref<10000xf32, #tpu.memory_space<vmem>>[vector<16xi32>], vector<16xf32>,
      %mul3A_477 = arith.constant 80 : i32
      %mul3A_478 = arith.muli %add3A_464, %mul3A_477 : i32
      %add3A_479 = arith.constant 32 : i32
      %add3A_480 = arith.addi %mul3A_478, %add3A_479 : i32
      %get3A_481 = arith.index_cast %add3A_480 : i32 to index
      %get3A_482 = tpu.vector_load %arg8[%get3A_481] {strides = array<i32>} : memref<2000xi32, #tpu.memory_space<vmem>>, vector<16xi32>,
      tpu.vector_store_idx %arg14[%get3A_482], %broadcast_in_dim3A_3 {add = true} : memref<10000xf32, #tpu.memory_space<vmem>>[vector<16xi32>], vector<16xf32>,
      %mul3A_483 = arith.constant 80 : i32
      %mul3A_484 = arith.muli %add3A_464, %mul3A_483 : i32
      %add3A_485 = arith.constant 48 : i32
      %add3A_486 = arith.addi %mul3A_484, %add3A_485 : i32
      %get3A_487 = arith.index_cast %add3A_486 : i32 to index
      %get3A_488 = tpu.vector_load %arg8[%get3A_487] {strides = array<i32>} : memref<2000xi32, #tpu.memory_space<vmem>>, vector<16xi32>,
      tpu.vector_store_idx %arg14[%get3A_488], %broadcast_in_dim3A_3 {add = true} : memref<10000xf32, #tpu.memory_space<vmem>>[vector<16xi32>], vector<16xf32>,
      %mul3A_489 = arith.constant 80 : i32
      %mul3A_490 = arith.muli %add3A_464, %mul3A_489 : i32
      %add3A_491 = arith.constant 64 : i32
      %add3A_492 = arith.addi %mul3A_490, %add3A_491 : i32
      %get3A_493 = arith.index_cast %add3A_492 : i32 to index
      %get3A_494 = tpu.vector_load %arg8[%get3A_493] {strides = array<i32>} : memref<2000xi32, #tpu.memory_space<vmem>>, vector<16xi32>,
      tpu.vector_store_idx %arg14[%get3A_494], %broadcast_in_dim3A_3 {add = true} : memref<10000xf32, #tpu.memory_space<vmem>>[vector<16xi32>], vector<16xf32>,
      %mul3A_495 = arith.constant 80 : i32
      %mul3A_496 = arith.muli %add3A_389, %mul3A_495 : i32
      %dma_wait3A_497 = tpu.memref_slice %arg8[%mul3A_496] : memref<2000xi32, #tpu.memory_space<vmem>> -> memref<80xi32, #tpu.memory_space<vmem>>
      %dma_wait3A_498 = arith.constant 0 : i32
      %dma_wait3A_499 = arith.constant 0 : i32
      %dma_wait3A_500 = tpu.memref_slice %arg22[%dma_wait3A_498, %dma_wait3A_499] : memref<10000x128xf32, #tpu.memory_space<vmem_shared>> -> memref<10000x128xf32, #tpu.memory_space<vmem_shared>>
      tpu.wait_indirect_dma semaphore(%arg19 : memref<!tpu.dma_semaphore, #tpu.memory_space<semaphore_mem>>) src(%arg12 : memref<80x128xf32, #tpu.memory_space<vmem>>) dst(%dma_wait3A_500 : memref<10000x128xf32, #tpu.memory_space<vmem_shared>>)
      %le3A = arith.constant 21 : i32
      %le3A_501 = arith.cmpi sle, %add3A_389, %le3A : i32
      %convert_element_type3A = arith.extui %le3A_501 : i1 to i32
      %cond3A = arith.constant 0 : i32
      %cond3A_502 = arith.cmpi ne, %convert_element_type3A, %cond3A : i32
      scf.if %cond3A_502 {
        %add3A_564 = arith.constant 3 : i32
        %add3A_565 = arith.addi %add3A_389, %add3A_564 : i32
        %mul3A_566 = arith.constant 80 : i32
        %mul3A_567 = arith.muli %add3A_565, %mul3A_566 : i32
        %dma_start3A_568 = tpu.memref_slice %arg7[%mul3A_567] : memref<2000xi32, #tpu.memory_space<vmem>> -> memref<80xi32, #tpu.memory_space<vmem>>
        %dma_start3A_569 = arith.constant 0 : i32
        %dma_start3A_570 = arith.constant 0 : i32
        %dma_start3A_571 = tpu.memref_slice %arg2[%dma_start3A_569, %dma_start3A_570] : memref<10000x128xf32, #tpu.memory_space<hbm>> -> memref<10000x128xf32, #tpu.memory_space<hbm>>
        tpu.enqueue_indirect_dma source(%dma_start3A_571 : memref<10000x128xf32, #tpu.memory_space<hbm>>) target(%arg12 : memref<80x128xf32, #tpu.memory_space<vmem>>) offsets(%dma_start3A_568 : memref<80xi32, #tpu.memory_space<vmem>>) semaphore(%arg16 : memref<!tpu.dma_semaphore, #tpu.memory_space<semaphore_mem>>)
      } else {
      }
      %add3A_503 = arith.constant 2 : i32
      %add3A_504 = arith.addi %add3A_389, %add3A_503 : i32
      %mul3A_505 = arith.constant 80 : i32
      %mul3A_506 = arith.muli %add3A_504, %mul3A_505 : i32
      %dma_wait3A_507 = tpu.memref_slice %arg7[%mul3A_506] : memref<2000xi32, #tpu.memory_space<vmem>> -> memref<80xi32, #tpu.memory_space<vmem>>
      %dma_wait3A_508 = arith.constant 0 : i32
      %dma_wait3A_509 = arith.constant 0 : i32
      %dma_wait3A_510 = tpu.memref_slice %arg2[%dma_wait3A_508, %dma_wait3A_509] : memref<10000x128xf32, #tpu.memory_space<hbm>> -> memref<10000x128xf32, #tpu.memory_space<hbm>>
      tpu.wait_indirect_dma semaphore(%arg15 : memref<!tpu.dma_semaphore, #tpu.memory_space<semaphore_mem>>) src(%dma_wait3A_510 : memref<10000x128xf32, #tpu.memory_space<hbm>>) dst(%arg11 : memref<80x128xf32, #tpu.memory_space<vmem>>)
      %add3A_511 = arith.constant 2 : i32
      %add3A_512 = arith.addi %add3A_389, %add3A_511 : i32
      %mul3A_513 = arith.constant 80 : i32
      %mul3A_514 = arith.muli %add3A_512, %mul3A_513 : i32
      %dma_start3A_515 = tpu.memref_slice %arg8[%mul3A_514] : memref<2000xi32, #tpu.memory_space<vmem>> -> memref<80xi32, #tpu.memory_space<vmem>>
      %dma_start3A_516 = arith.constant 0 : i32
      %dma_start3A_517 = arith.constant 0 : i32
      %dma_start3A_518 = tpu.memref_slice %arg22[%dma_start3A_516, %dma_start3A_517] : memref<10000x128xf32, #tpu.memory_space<vmem_shared>> -> memref<10000x128xf32, #tpu.memory_space<vmem_shared>>
      tpu.enqueue_indirect_dma source(%arg11 : memref<80x128xf32, #tpu.memory_space<vmem>>) target(%dma_start3A_518 : memref<10000x128xf32, #tpu.memory_space<vmem_shared>>) offsets(%dma_start3A_515 : memref<80xi32, #tpu.memory_space<vmem>>) semaphore(%arg18 : memref<!tpu.dma_semaphore, #tpu.memory_space<semaphore_mem>>) {add = true}
      %add3A_519 = arith.constant 2 : i32
      %add3A_520 = arith.addi %add3A_389, %add3A_519 : i32
      %mul3A_521 = arith.constant 80 : i32
      %mul3A_522 = arith.muli %add3A_520, %mul3A_521 : i32
      %add3A_523 = arith.constant 0 : i32
      %add3A_524 = arith.addi %mul3A_522, %add3A_523 : i32
      %get3A_525 = arith.index_cast %add3A_524 : i32 to index
      %get3A_526 = tpu.vector_load %arg8[%get3A_525] {strides = array<i32>} : memref<2000xi32, #tpu.memory_space<vmem>>, vector<16xi32>,
      tpu.vector_store_idx %arg14[%get3A_526], %broadcast_in_dim3A_3 {add = true} : memref<10000xf32, #tpu.memory_space<vmem>>[vector<16xi32>], vector<16xf32>,
      %mul3A_527 = arith.constant 80 : i32
      %mul3A_528 = arith.muli %add3A_520, %mul3A_527 : i32
      %add3A_529 = arith.constant 16 : i32
      %add3A_530 = arith.addi %mul3A_528, %add3A_529 : i32
      %get3A_531 = arith.index_cast %add3A_530 : i32 to index
      %get3A_532 = tpu.vector_load %arg8[%get3A_531] {strides = array<i32>} : memref<2000xi32, #tpu.memory_space<vmem>>, vector<16xi32>,
      tpu.vector_store_idx %arg14[%get3A_532], %broadcast_in_dim3A_3 {add = true} : memref<10000xf32, #tpu.memory_space<vmem>>[vector<16xi32>], vector<16xf32>,
      %mul3A_533 = arith.constant 80 : i32
      %mul3A_534 = arith.muli %add3A_520, %mul3A_533 : i32
      %add3A_535 = arith.constant 32 : i32
      %add3A_536 = arith.addi %mul3A_534, %add3A_535 : i32
      %get3A_537 = arith.index_cast %add3A_536 : i32 to index
      %get3A_538 = tpu.vector_load %arg8[%get3A_537] {strides = array<i32>} : memref<2000xi32, #tpu.memory_space<vmem>>, vector<16xi32>,
      tpu.vector_store_idx %arg14[%get3A_538], %broadcast_in_dim3A_3 {add = true} : memref<10000xf32, #tpu.memory_space<vmem>>[vector<16xi32>], vector<16xf32>,
      %mul3A_539 = arith.constant 80 : i32
      %mul3A_540 = arith.muli %add3A_520, %mul3A_539 : i32
      %add3A_541 = arith.constant 48 : i32
      %add3A_542 = arith.addi %mul3A_540, %add3A_541 : i32
      %get3A_543 = arith.index_cast %add3A_542 : i32 to index
      %get3A_544 = tpu.vector_load %arg8[%get3A_543] {strides = array<i32>} : memref<2000xi32, #tpu.memory_space<vmem>>, vector<16xi32>,
      tpu.vector_store_idx %arg14[%get3A_544], %broadcast_in_dim3A_3 {add = true} : memref<10000xf32, #tpu.memory_space<vmem>>[vector<16xi32>], vector<16xf32>,
      %mul3A_545 = arith.constant 80 : i32
      %mul3A_546 = arith.muli %add3A_520, %mul3A_545 : i32
      %add3A_547 = arith.constant 64 : i32
      %add3A_548 = arith.addi %mul3A_546, %add3A_547 : i32
      %get3A_549 = arith.index_cast %add3A_548 : i32 to index
      %get3A_550 = tpu.vector_load %arg8[%get3A_549] {strides = array<i32>} : memref<2000xi32, #tpu.memory_space<vmem>>, vector<16xi32>,
      tpu.vector_store_idx %arg14[%get3A_550], %broadcast_in_dim3A_3 {add = true} : memref<10000xf32, #tpu.memory_space<vmem>>[vector<16xi32>], vector<16xf32>,
      %add3A_551 = arith.constant 1 : i32
      %add3A_552 = arith.addi %add3A_389, %add3A_551 : i32
      %mul3A_553 = arith.constant 80 : i32
      %mul3A_554 = arith.muli %add3A_552, %mul3A_553 : i32
      %dma_wait3A_555 = tpu.memref_slice %arg8[%mul3A_554] : memref<2000xi32, #tpu.memory_space<vmem>> -> memref<80xi32, #tpu.memory_space<vmem>>
      %dma_wait3A_556 = arith.constant 0 : i32
      %dma_wait3A_557 = arith.constant 0 : i32
      %dma_wait3A_558 = tpu.memref_slice %arg22[%dma_wait3A_556, %dma_wait3A_557] : memref<10000x128xf32, #tpu.memory_space<vmem_shared>> -> memref<10000x128xf32, #tpu.memory_space<vmem_shared>>
      tpu.wait_indirect_dma semaphore(%arg20 : memref<!tpu.dma_semaphore, #tpu.memory_space<semaphore_mem>>) src(%arg13 : memref<80x128xf32, #tpu.memory_space<vmem>>) dst(%dma_wait3A_558 : memref<10000x128xf32, #tpu.memory_space<vmem_shared>>)
      %le3A_559 = arith.constant 20 : i32
      %le3A_560 = arith.cmpi sle, %add3A_389, %le3A_559 : i32
      %convert_element_type3A_561 = arith.extui %le3A_560 : i1 to i32
      %cond3A_562 = arith.constant 0 : i32
      %cond3A_563 = arith.cmpi ne, %convert_element_type3A_561, %cond3A_562 : i32
      scf.if %cond3A_563 {
        %add3A_564 = arith.constant 4 : i32
        %add3A_565 = arith.addi %add3A_389, %add3A_564 : i32
        %mul3A_566 = arith.constant 80 : i32
        %mul3A_567 = arith.muli %add3A_565, %mul3A_566 : i32
        %dma_start3A_568 = tpu.memref_slice %arg7[%mul3A_567] : memref<2000xi32, #tpu.memory_space<vmem>> -> memref<80xi32, #tpu.memory_space<vmem>>
        %dma_start3A_569 = arith.constant 0 : i32
        %dma_start3A_570 = arith.constant 0 : i32
        %dma_start3A_571 = tpu.memref_slice %arg2[%dma_start3A_569, %dma_start3A_570] : memref<10000x128xf32, #tpu.memory_space<hbm>> -> memref<10000x128xf32, #tpu.memory_space<hbm>>
        tpu.enqueue_indirect_dma source(%dma_start3A_571 : memref<10000x128xf32, #tpu.memory_space<hbm>>) target(%arg13 : memref<80x128xf32, #tpu.memory_space<vmem>>) offsets(%dma_start3A_568 : memref<80xi32, #tpu.memory_space<vmem>>) semaphore(%arg17 : memref<!tpu.dma_semaphore, #tpu.memory_space<semaphore_mem>>)
      } else {
      }
    }
    %scan3A_92 = arith.constant 8 : i32
    %dma_wait3A_93 = arith.constant 1920 : i32
    %dma_wait3A_94 = tpu.memref_slice %arg8[%dma_wait3A_93] : memref<2000xi32, #tpu.memory_space<vmem>> -> memref<80xi32, #tpu.memory_space<vmem>>
    %dma_wait3A_95 = arith.constant 0 : i32
    %dma_wait3A_96 = arith.constant 0 : i32
    %dma_wait3A_97 = tpu.memref_slice %arg22[%dma_wait3A_95, %dma_wait3A_96] : memref<10000x128xf32, #tpu.memory_space<vmem_shared>> -> memref<10000x128xf32, #tpu.memory_space<vmem_shared>>
    tpu.wait_indirect_dma semaphore(%arg18 : memref<!tpu.dma_semaphore, #tpu.memory_space<semaphore_mem>>) src(%arg11 : memref<80x128xf32, #tpu.memory_space<vmem>>) dst(%dma_wait3A_97 : memref<10000x128xf32, #tpu.memory_space<vmem_shared>>)
    %add3A_98 = arith.constant 2000 : i32
    %add3A_99 = arith.addi %mul3A_2, %add3A_98 : i32
    %dma_wait3A_100 = arith.constant 1 : i32
    %dma_wait3A_101 = tpu.memref_slice %arg3[%dma_wait3A_100, %add3A_99] : memref<2x320000xi32, #tpu.memory_space<hbm>> -> memref<1x2000xi32, #tpu.memory_space<hbm>>
    %dma_wait3A_102 = tpu.memref_squeeze %dma_wait3A_101 : memref<1x2000xi32, #tpu.memory_space<hbm>> -> memref<2000xi32, #tpu.memory_space<hbm>>
    %dma_wait3A_103 = tpu.memref_slice %arg3[%dma_wait3A_100, %add3A_99] : memref<2x320000xi32, #tpu.memory_space<hbm>> -> memref<1x2000xi32, #tpu.memory_space<hbm>>
    %dma_wait3A_104 = tpu.memref_squeeze %dma_wait3A_103 : memref<1x2000xi32, #tpu.memory_space<hbm>> -> memref<2000xi32, #tpu.memory_space<hbm>>
    tpu.wait_dma2 semaphore(%arg21 : memref<!tpu.dma_semaphore, #tpu.memory_space<semaphore_mem>>) src(%dma_wait3A_104 : memref<2000xi32, #tpu.memory_space<hbm>>) dst(%arg9 : memref<2000xi32, #tpu.memory_space<vmem>>)
    %add3A_105 = arith.constant 2000 : i32
    %add3A_106 = arith.addi %mul3A_2, %add3A_105 : i32
    %dma_wait3A_107 = arith.constant 0 : i32
    %dma_wait3A_108 = tpu.memref_slice %arg3[%dma_wait3A_107, %add3A_106] : memref<2x320000xi32, #tpu.memory_space<hbm>> -> memref<1x2000xi32, #tpu.memory_space<hbm>>
    %dma_wait3A_109 = tpu.memref_squeeze %dma_wait3A_108 : memref<1x2000xi32, #tpu.memory_space<hbm>> -> memref<2000xi32, #tpu.memory_space<hbm>>
    %dma_wait3A_110 = tpu.memref_slice %arg3[%dma_wait3A_107, %add3A_106] : memref<2x320000xi32, #tpu.memory_space<hbm>> -> memref<1x2000xi32, #tpu.memory_space<hbm>>
    %dma_wait3A_111 = tpu.memref_squeeze %dma_wait3A_110 : memref<1x2000xi32, #tpu.memory_space<hbm>> -> memref<2000xi32, #tpu.memory_space<hbm>>
    tpu.wait_dma2 semaphore(%arg21 : memref<!tpu.dma_semaphore, #tpu.memory_space<semaphore_mem>>) src(%dma_wait3A_111 : memref<2000xi32, #tpu.memory_space<hbm>>) dst(%arg10 : memref<2000xi32, #tpu.memory_space<vmem>>)
    %dma_start3A_112 = arith.constant 0 : i32
    %dma_start3A_113 = tpu.memref_slice %arg9[%dma_start3A_112] : memref<2000xi32, #tpu.memory_space<vmem>> -> memref<80xi32, #tpu.memory_space<vmem>>
    %dma_start3A_114 = arith.constant 0 : i32
    %dma_start3A_115 = arith.constant 0 : i32
    %dma_start3A_116 = tpu.memref_slice %arg2[%dma_start3A_114, %dma_start3A_115] : memref<10000x128xf32, #tpu.memory_space<hbm>> -> memref<10000x128xf32, #tpu.memory_space<hbm>>
    tpu.enqueue_indirect_dma source(%dma_start3A_116 : memref<10000x128xf32, #tpu.memory_space<hbm>>) target(%arg11 : memref<80x128xf32, #tpu.memory_space<vmem>>) offsets(%dma_start3A_113 : memref<80xi32, #tpu.memory_space<vmem>>) semaphore(%arg15 : memref<!tpu.dma_semaphore, #tpu.memory_space<semaphore_mem>>)
    %dma_start3A_117 = arith.constant 80 : i32
    %dma_start3A_118 = tpu.memref_slice %arg9[%dma_start3A_117] : memref<2000xi32, #tpu.memory_space<vmem>> -> memref<80xi32, #tpu.memory_space<vmem>>
    %dma_start3A_119 = arith.constant 0 : i32
    %dma_start3A_120 = arith.constant 0 : i32
    %dma_start3A_121 = tpu.memref_slice %arg2[%dma_start3A_119, %dma_start3A_120] : memref<10000x128xf32, #tpu.memory_space<hbm>> -> memref<10000x128xf32, #tpu.memory_space<hbm>>
    tpu.enqueue_indirect_dma source(%dma_start3A_121 : memref<10000x128xf32, #tpu.memory_space<hbm>>) target(%arg12 : memref<80x128xf32, #tpu.memory_space<vmem>>) offsets(%dma_start3A_118 : memref<80xi32, #tpu.memory_space<vmem>>) semaphore(%arg16 : memref<!tpu.dma_semaphore, #tpu.memory_space<semaphore_mem>>)
    %add3A_122 = arith.constant 4000 : i32
    %add3A_123 = arith.addi %mul3A_2, %add3A_122 : i32
    %dma_start3A_124 = arith.constant 1 : i32
    %dma_start3A_125 = tpu.memref_slice %arg3[%dma_start3A_124, %add3A_123] : memref<2x320000xi32, #tpu.memory_space<hbm>> -> memref<1x2000xi32, #tpu.memory_space<hbm>>
    %dma_start3A_126 = tpu.memref_squeeze %dma_start3A_125 : memref<1x2000xi32, #tpu.memory_space<hbm>> -> memref<2000xi32, #tpu.memory_space<hbm>>
    %dma_start3A_127 = tpu.memref_slice %arg3[%dma_start3A_124, %add3A_123] : memref<2x320000xi32, #tpu.memory_space<hbm>> -> memref<1x2000xi32, #tpu.memory_space<hbm>>
    %dma_start3A_128 = tpu.memref_squeeze %dma_start3A_127 : memref<1x2000xi32, #tpu.memory_space<hbm>> -> memref<2000xi32, #tpu.memory_space<hbm>>
    tpu.enqueue_dma source(%dma_start3A_128 : memref<2000xi32, #tpu.memory_space<hbm>>) target(%arg7 : memref<2000xi32, #tpu.memory_space<vmem>>) target_semaphore(%arg21 : memref<!tpu.dma_semaphore, #tpu.memory_space<semaphore_mem>>)
    %add3A_129 = arith.constant 4000 : i32
    %add3A_130 = arith.addi %mul3A_2, %add3A_129 : i32
    %dma_start3A_131 = arith.constant 0 : i32
    %dma_start3A_132 = tpu.memref_slice %arg3[%dma_start3A_131, %add3A_130] : memref<2x320000xi32, #tpu.memory_space<hbm>> -> memref<1x2000xi32, #tpu.memory_space<hbm>>
    %dma_start3A_133 = tpu.memref_squeeze %dma_start3A_132 : memref<1x2000xi32, #tpu.memory_space<hbm>> -> memref<2000xi32, #tpu.memory_space<hbm>>
    %dma_start3A_134 = tpu.memref_slice %arg3[%dma_start3A_131, %add3A_130] : memref<2x320000xi32, #tpu.memory_space<hbm>> -> memref<1x2000xi32, #tpu.memory_space<hbm>>
    %dma_start3A_135 = tpu.memref_squeeze %dma_start3A_134 : memref<1x2000xi32, #tpu.memory_space<hbm>> -> memref<2000xi32, #tpu.memory_space<hbm>>
    tpu.enqueue_dma source(%dma_start3A_135 : memref<2000xi32, #tpu.memory_space<hbm>>) target(%arg8 : memref<2000xi32, #tpu.memory_space<vmem>>) target_semaphore(%arg21 : memref<!tpu.dma_semaphore, #tpu.memory_space<semaphore_mem>>)
    %dma_wait3A_136 = arith.constant 0 : i32
    %dma_wait3A_137 = tpu.memref_slice %arg9[%dma_wait3A_136] : memref<2000xi32, #tpu.memory_space<vmem>> -> memref<80xi32, #tpu.memory_space<vmem>>
    %dma_wait3A_138 = arith.constant 0 : i32
    %dma_wait3A_139 = arith.constant 0 : i32
    %dma_wait3A_140 = tpu.memref_slice %arg2[%dma_wait3A_138, %dma_wait3A_139] : memref<10000x128xf32, #tpu.memory_space<hbm>> -> memref<10000x128xf32, #tpu.memory_space<hbm>>
    tpu.wait_indirect_dma semaphore(%arg15 : memref<!tpu.dma_semaphore, #tpu.memory_space<semaphore_mem>>) src(%dma_wait3A_140 : memref<10000x128xf32, #tpu.memory_space<hbm>>) dst(%arg11 : memref<80x128xf32, #tpu.memory_space<vmem>>)
    %dma_start3A_141 = arith.constant 0 : i32
    %dma_start3A_142 = tpu.memref_slice %arg10[%dma_start3A_141] : memref<2000xi32, #tpu.memory_space<vmem>> -> memref<80xi32, #tpu.memory_space<vmem>>
    %dma_start3A_143 = arith.constant 0 : i32
    %dma_start3A_144 = arith.constant 0 : i32
    %dma_start3A_145 = tpu.memref_slice %arg22[%dma_start3A_143, %dma_start3A_144] : memref<10000x128xf32, #tpu.memory_space<vmem_shared>> -> memref<10000x128xf32, #tpu.memory_space<vmem_shared>>
    tpu.enqueue_indirect_dma source(%arg11 : memref<80x128xf32, #tpu.memory_space<vmem>>) target(%dma_start3A_145 : memref<10000x128xf32, #tpu.memory_space<vmem_shared>>) offsets(%dma_start3A_142 : memref<80xi32, #tpu.memory_space<vmem>>) semaphore(%arg18 : memref<!tpu.dma_semaphore, #tpu.memory_space<semaphore_mem>>) {add = true}
    %get3A_146 = arith.constant 0 : index
    %get3A_147 = tpu.vector_load %arg10[%get3A_146] {strides = array<i32>} : memref<2000xi32, #tpu.memory_space<vmem>>, vector<16xi32>,
    tpu.vector_store_idx %arg14[%get3A_147], %broadcast_in_dim3A_3 {add = true} : memref<10000xf32, #tpu.memory_space<vmem>>[vector<16xi32>], vector<16xf32>,
    %get3A_148 = arith.constant 16 : index
    %get3A_149 = tpu.vector_load %arg10[%get3A_148] {strides = array<i32>} : memref<2000xi32, #tpu.memory_space<vmem>>, vector<16xi32>,
    tpu.vector_store_idx %arg14[%get3A_149], %broadcast_in_dim3A_3 {add = true} : memref<10000xf32, #tpu.memory_space<vmem>>[vector<16xi32>], vector<16xf32>,
    %get3A_150 = arith.constant 32 : index
    %get3A_151 = tpu.vector_load %arg10[%get3A_150] {strides = array<i32>} : memref<2000xi32, #tpu.memory_space<vmem>>, vector<16xi32>,
    tpu.vector_store_idx %arg14[%get3A_151], %broadcast_in_dim3A_3 {add = true} : memref<10000xf32, #tpu.memory_space<vmem>>[vector<16xi32>], vector<16xf32>,
    %get3A_152 = arith.constant 48 : index
    %get3A_153 = tpu.vector_load %arg10[%get3A_152] {strides = array<i32>} : memref<2000xi32, #tpu.memory_space<vmem>>, vector<16xi32>,
    tpu.vector_store_idx %arg14[%get3A_153], %broadcast_in_dim3A_3 {add = true} : memref<10000xf32, #tpu.memory_space<vmem>>[vector<16xi32>], vector<16xf32>,
    %get3A_154 = arith.constant 64 : index
    %get3A_155 = tpu.vector_load %arg10[%get3A_154] {strides = array<i32>} : memref<2000xi32, #tpu.memory_space<vmem>>, vector<16xi32>,
    tpu.vector_store_idx %arg14[%get3A_155], %broadcast_in_dim3A_3 {add = true} : memref<10000xf32, #tpu.memory_space<vmem>>[vector<16xi32>], vector<16xf32>,
    %dma_start3A_156 = arith.constant 160 : i32
    %dma_start3A_157 = tpu.memref_slice %arg9[%dma_start3A_156] : memref<2000xi32, #tpu.memory_space<vmem>> -> memref<80xi32, #tpu.memory_space<vmem>>
    %dma_start3A_158 = arith.constant 0 : i32
    %dma_start3A_159 = arith.constant 0 : i32
    %dma_start3A_160 = tpu.memref_slice %arg2[%dma_start3A_158, %dma_start3A_159] : memref<10000x128xf32, #tpu.memory_space<hbm>> -> memref<10000x128xf32, #tpu.memory_space<hbm>>
    tpu.enqueue_indirect_dma source(%dma_start3A_160 : memref<10000x128xf32, #tpu.memory_space<hbm>>) target(%arg13 : memref<80x128xf32, #tpu.memory_space<vmem>>) offsets(%dma_start3A_157 : memref<80xi32, #tpu.memory_space<vmem>>) semaphore(%arg17 : memref<!tpu.dma_semaphore, #tpu.memory_space<semaphore_mem>>)
    %scan3A_161 = arith.constant 0 : i32
    %scan3A_162 = arith.constant 8 : i32
    %scan3A_163 = arith.addi %scan3A_161, %scan3A_162 : i32
    %scan3A_164 = arith.constant 1 : i32
    scf.for %scan3A_385 = %scan3A_161 to %scan3A_163 step %scan3A_164  : i32 {
      %mul3A_386 = arith.constant 3 : i32
      %mul3A_387 = arith.muli %scan3A_385, %mul3A_386 : i32
      %add3A_388 = arith.constant 1 : i32
      %add3A_389 = arith.addi %add3A_388, %mul3A_387 : i32
      %mul3A_390 = arith.constant 80 : i32
      %mul3A_391 = arith.muli %add3A_389, %mul3A_390 : i32
      %dma_wait3A_392 = tpu.memref_slice %arg9[%mul3A_391] : memref<2000xi32, #tpu.memory_space<vmem>> -> memref<80xi32, #tpu.memory_space<vmem>>
      %dma_wait3A_393 = arith.constant 0 : i32
      %dma_wait3A_394 = arith.constant 0 : i32
      %dma_wait3A_395 = tpu.memref_slice %arg2[%dma_wait3A_393, %dma_wait3A_394] : memref<10000x128xf32, #tpu.memory_space<hbm>> -> memref<10000x128xf32, #tpu.memory_space<hbm>>
      tpu.wait_indirect_dma semaphore(%arg16 : memref<!tpu.dma_semaphore, #tpu.memory_space<semaphore_mem>>) src(%dma_wait3A_395 : memref<10000x128xf32, #tpu.memory_space<hbm>>) dst(%arg12 : memref<80x128xf32, #tpu.memory_space<vmem>>)
      %mul3A_396 = arith.constant 80 : i32
      %mul3A_397 = arith.muli %add3A_389, %mul3A_396 : i32
      %dma_start3A_398 = tpu.memref_slice %arg10[%mul3A_397] : memref<2000xi32, #tpu.memory_space<vmem>> -> memref<80xi32, #tpu.memory_space<vmem>>
      %dma_start3A_399 = arith.constant 0 : i32
      %dma_start3A_400 = arith.constant 0 : i32
      %dma_start3A_401 = tpu.memref_slice %arg22[%dma_start3A_399, %dma_start3A_400] : memref<10000x128xf32, #tpu.memory_space<vmem_shared>> -> memref<10000x128xf32, #tpu.memory_space<vmem_shared>>
      tpu.enqueue_indirect_dma source(%arg12 : memref<80x128xf32, #tpu.memory_space<vmem>>) target(%dma_start3A_401 : memref<10000x128xf32, #tpu.memory_space<vmem_shared>>) offsets(%dma_start3A_398 : memref<80xi32, #tpu.memory_space<vmem>>) semaphore(%arg19 : memref<!tpu.dma_semaphore, #tpu.memory_space<semaphore_mem>>) {add = true}
      %mul3A_402 = arith.constant 80 : i32
      %mul3A_403 = arith.muli %add3A_389, %mul3A_402 : i32
      %add3A_404 = arith.constant 0 : i32
      %add3A_405 = arith.addi %mul3A_403, %add3A_404 : i32
      %get3A_406 = arith.index_cast %add3A_405 : i32 to index
      %get3A_407 = tpu.vector_load %arg10[%get3A_406] {strides = array<i32>} : memref<2000xi32, #tpu.memory_space<vmem>>, vector<16xi32>,
      tpu.vector_store_idx %arg14[%get3A_407], %broadcast_in_dim3A_3 {add = true} : memref<10000xf32, #tpu.memory_space<vmem>>[vector<16xi32>], vector<16xf32>,
      %mul3A_408 = arith.constant 80 : i32
      %mul3A_409 = arith.muli %add3A_389, %mul3A_408 : i32
      %add3A_410 = arith.constant 16 : i32
      %add3A_411 = arith.addi %mul3A_409, %add3A_410 : i32
      %get3A_412 = arith.index_cast %add3A_411 : i32 to index
      %get3A_413 = tpu.vector_load %arg10[%get3A_412] {strides = array<i32>} : memref<2000xi32, #tpu.memory_space<vmem>>, vector<16xi32>,
      tpu.vector_store_idx %arg14[%get3A_413], %broadcast_in_dim3A_3 {add = true} : memref<10000xf32, #tpu.memory_space<vmem>>[vector<16xi32>], vector<16xf32>,
      %mul3A_414 = arith.constant 80 : i32
      %mul3A_415 = arith.muli %add3A_389, %mul3A_414 : i32
      %add3A_416 = arith.constant 32 : i32
      %add3A_417 = arith.addi %mul3A_415, %add3A_416 : i32
      %get3A_418 = arith.index_cast %add3A_417 : i32 to index
      %get3A_419 = tpu.vector_load %arg10[%get3A_418] {strides = array<i32>} : memref<2000xi32, #tpu.memory_space<vmem>>, vector<16xi32>,
      tpu.vector_store_idx %arg14[%get3A_419], %broadcast_in_dim3A_3 {add = true} : memref<10000xf32, #tpu.memory_space<vmem>>[vector<16xi32>], vector<16xf32>,
      %mul3A_420 = arith.constant 80 : i32
      %mul3A_421 = arith.muli %add3A_389, %mul3A_420 : i32
      %add3A_422 = arith.constant 48 : i32
      %add3A_423 = arith.addi %mul3A_421, %add3A_422 : i32
      %get3A_424 = arith.index_cast %add3A_423 : i32 to index
      %get3A_425 = tpu.vector_load %arg10[%get3A_424] {strides = array<i32>} : memref<2000xi32, #tpu.memory_space<vmem>>, vector<16xi32>,
      tpu.vector_store_idx %arg14[%get3A_425], %broadcast_in_dim3A_3 {add = true} : memref<10000xf32, #tpu.memory_space<vmem>>[vector<16xi32>], vector<16xf32>,
      %mul3A_426 = arith.constant 80 : i32
      %mul3A_427 = arith.muli %add3A_389, %mul3A_426 : i32
      %add3A_428 = arith.constant 64 : i32
      %add3A_429 = arith.addi %mul3A_427, %add3A_428 : i32
      %get3A_430 = arith.index_cast %add3A_429 : i32 to index
      %get3A_431 = tpu.vector_load %arg10[%get3A_430] {strides = array<i32>} : memref<2000xi32, #tpu.memory_space<vmem>>, vector<16xi32>,
      tpu.vector_store_idx %arg14[%get3A_431], %broadcast_in_dim3A_3 {add = true} : memref<10000xf32, #tpu.memory_space<vmem>>[vector<16xi32>], vector<16xf32>,
      %sub3A = arith.constant 1 : i32
      %sub3A_432 = arith.subi %add3A_389, %sub3A : i32
      %mul3A_433 = arith.constant 80 : i32
      %mul3A_434 = arith.muli %sub3A_432, %mul3A_433 : i32
      %dma_wait3A_435 = tpu.memref_slice %arg10[%mul3A_434] : memref<2000xi32, #tpu.memory_space<vmem>> -> memref<80xi32, #tpu.memory_space<vmem>>
      %dma_wait3A_436 = arith.constant 0 : i32
      %dma_wait3A_437 = arith.constant 0 : i32
      %dma_wait3A_438 = tpu.memref_slice %arg22[%dma_wait3A_436, %dma_wait3A_437] : memref<10000x128xf32, #tpu.memory_space<vmem_shared>> -> memref<10000x128xf32, #tpu.memory_space<vmem_shared>>
      tpu.wait_indirect_dma semaphore(%arg18 : memref<!tpu.dma_semaphore, #tpu.memory_space<semaphore_mem>>) src(%arg11 : memref<80x128xf32, #tpu.memory_space<vmem>>) dst(%dma_wait3A_438 : memref<10000x128xf32, #tpu.memory_space<vmem_shared>>)
      %add3A_439 = arith.constant 2 : i32
      %add3A_440 = arith.addi %add3A_389, %add3A_439 : i32
      %mul3A_441 = arith.constant 80 : i32
      %mul3A_442 = arith.muli %add3A_440, %mul3A_441 : i32
      %dma_start3A_443 = tpu.memref_slice %arg9[%mul3A_442] : memref<2000xi32, #tpu.memory_space<vmem>> -> memref<80xi32, #tpu.memory_space<vmem>>
      %dma_start3A_444 = arith.constant 0 : i32
      %dma_start3A_445 = arith.constant 0 : i32
      %dma_start3A_446 = tpu.memref_slice %arg2[%dma_start3A_444, %dma_start3A_445] : memref<10000x128xf32, #tpu.memory_space<hbm>> -> memref<10000x128xf32, #tpu.memory_space<hbm>>
      tpu.enqueue_indirect_dma source(%dma_start3A_446 : memref<10000x128xf32, #tpu.memory_space<hbm>>) target(%arg11 : memref<80x128xf32, #tpu.memory_space<vmem>>) offsets(%dma_start3A_443 : memref<80xi32, #tpu.memory_space<vmem>>) semaphore(%arg15 : memref<!tpu.dma_semaphore, #tpu.memory_space<semaphore_mem>>)
      %add3A_447 = arith.constant 1 : i32
      %add3A_448 = arith.addi %add3A_389, %add3A_447 : i32
      %mul3A_449 = arith.constant 80 : i32
      %mul3A_450 = arith.muli %add3A_448, %mul3A_449 : i32
      %dma_wait3A_451 = tpu.memref_slice %arg9[%mul3A_450] : memref<2000xi32, #tpu.memory_space<vmem>> -> memref<80xi32, #tpu.memory_space<vmem>>
      %dma_wait3A_452 = arith.constant 0 : i32
      %dma_wait3A_453 = arith.constant 0 : i32
      %dma_wait3A_454 = tpu.memref_slice %arg2[%dma_wait3A_452, %dma_wait3A_453] : memref<10000x128xf32, #tpu.memory_space<hbm>> -> memref<10000x128xf32, #tpu.memory_space<hbm>>
      tpu.wait_indirect_dma semaphore(%arg17 : memref<!tpu.dma_semaphore, #tpu.memory_space<semaphore_mem>>) src(%dma_wait3A_454 : memref<10000x128xf32, #tpu.memory_space<hbm>>) dst(%arg13 : memref<80x128xf32, #tpu.memory_space<vmem>>)
      %add3A_455 = arith.constant 1 : i32
      %add3A_456 = arith.addi %add3A_389, %add3A_455 : i32
      %mul3A_457 = arith.constant 80 : i32
      %mul3A_458 = arith.muli %add3A_456, %mul3A_457 : i32
      %dma_start3A_459 = tpu.memref_slice %arg10[%mul3A_458] : memref<2000xi32, #tpu.memory_space<vmem>> -> memref<80xi32, #tpu.memory_space<vmem>>
      %dma_start3A_460 = arith.constant 0 : i32
      %dma_start3A_461 = arith.constant 0 : i32
      %dma_start3A_462 = tpu.memref_slice %arg22[%dma_start3A_460, %dma_start3A_461] : memref<10000x128xf32, #tpu.memory_space<vmem_shared>> -> memref<10000x128xf32, #tpu.memory_space<vmem_shared>>
      tpu.enqueue_indirect_dma source(%arg13 : memref<80x128xf32, #tpu.memory_space<vmem>>) target(%dma_start3A_462 : memref<10000x128xf32, #tpu.memory_space<vmem_shared>>) offsets(%dma_start3A_459 : memref<80xi32, #tpu.memory_space<vmem>>) semaphore(%arg20 : memref<!tpu.dma_semaphore, #tpu.memory_space<semaphore_mem>>) {add = true}
      %add3A_463 = arith.constant 1 : i32
      %add3A_464 = arith.addi %add3A_389, %add3A_463 : i32
      %mul3A_465 = arith.constant 80 : i32
      %mul3A_466 = arith.muli %add3A_464, %mul3A_465 : i32
      %add3A_467 = arith.constant 0 : i32
      %add3A_468 = arith.addi %mul3A_466, %add3A_467 : i32
      %get3A_469 = arith.index_cast %add3A_468 : i32 to index
      %get3A_470 = tpu.vector_load %arg10[%get3A_469] {strides = array<i32>} : memref<2000xi32, #tpu.memory_space<vmem>>, vector<16xi32>,
      tpu.vector_store_idx %arg14[%get3A_470], %broadcast_in_dim3A_3 {add = true} : memref<10000xf32, #tpu.memory_space<vmem>>[vector<16xi32>], vector<16xf32>,
      %mul3A_471 = arith.constant 80 : i32
      %mul3A_472 = arith.muli %add3A_464, %mul3A_471 : i32
      %add3A_473 = arith.constant 16 : i32
      %add3A_474 = arith.addi %mul3A_472, %add3A_473 : i32
      %get3A_475 = arith.index_cast %add3A_474 : i32 to index
      %get3A_476 = tpu.vector_load %arg10[%get3A_475] {strides = array<i32>} : memref<2000xi32, #tpu.memory_space<vmem>>, vector<16xi32>,
      tpu.vector_store_idx %arg14[%get3A_476], %broadcast_in_dim3A_3 {add = true} : memref<10000xf32, #tpu.memory_space<vmem>>[vector<16xi32>], vector<16xf32>,
      %mul3A_477 = arith.constant 80 : i32
      %mul3A_478 = arith.muli %add3A_464, %mul3A_477 : i32
      %add3A_479 = arith.constant 32 : i32
      %add3A_480 = arith.addi %mul3A_478, %add3A_479 : i32
      %get3A_481 = arith.index_cast %add3A_480 : i32 to index
      %get3A_482 = tpu.vector_load %arg10[%get3A_481] {strides = array<i32>} : memref<2000xi32, #tpu.memory_space<vmem>>, vector<16xi32>,
      tpu.vector_store_idx %arg14[%get3A_482], %broadcast_in_dim3A_3 {add = true} : memref<10000xf32, #tpu.memory_space<vmem>>[vector<16xi32>], vector<16xf32>,
      %mul3A_483 = arith.constant 80 : i32
      %mul3A_484 = arith.muli %add3A_464, %mul3A_483 : i32
      %add3A_485 = arith.constant 48 : i32
      %add3A_486 = arith.addi %mul3A_484, %add3A_485 : i32
      %get3A_487 = arith.index_cast %add3A_486 : i32 to index
      %get3A_488 = tpu.vector_load %arg10[%get3A_487] {strides = array<i32>} : memref<2000xi32, #tpu.memory_space<vmem>>, vector<16xi32>,
      tpu.vector_store_idx %arg14[%get3A_488], %broadcast_in_dim3A_3 {add = true} : memref<10000xf32, #tpu.memory_space<vmem>>[vector<16xi32>], vector<16xf32>,
      %mul3A_489 = arith.constant 80 : i32
      %mul3A_490 = arith.muli %add3A_464, %mul3A_489 : i32
      %add3A_491 = arith.constant 64 : i32
      %add3A_492 = arith.addi %mul3A_490, %add3A_491 : i32
      %get3A_493 = arith.index_cast %add3A_492 : i32 to index
      %get3A_494 = tpu.vector_load %arg10[%get3A_493] {strides = array<i32>} : memref<2000xi32, #tpu.memory_space<vmem>>, vector<16xi32>,
      tpu.vector_store_idx %arg14[%get3A_494], %broadcast_in_dim3A_3 {add = true} : memref<10000xf32, #tpu.memory_space<vmem>>[vector<16xi32>], vector<16xf32>,
      %mul3A_495 = arith.constant 80 : i32
      %mul3A_496 = arith.muli %add3A_389, %mul3A_495 : i32
      %dma_wait3A_497 = tpu.memref_slice %arg10[%mul3A_496] : memref<2000xi32, #tpu.memory_space<vmem>> -> memref<80xi32, #tpu.memory_space<vmem>>
      %dma_wait3A_498 = arith.constant 0 : i32
      %dma_wait3A_499 = arith.constant 0 : i32
      %dma_wait3A_500 = tpu.memref_slice %arg22[%dma_wait3A_498, %dma_wait3A_499] : memref<10000x128xf32, #tpu.memory_space<vmem_shared>> -> memref<10000x128xf32, #tpu.memory_space<vmem_shared>>
      tpu.wait_indirect_dma semaphore(%arg19 : memref<!tpu.dma_semaphore, #tpu.memory_space<semaphore_mem>>) src(%arg12 : memref<80x128xf32, #tpu.memory_space<vmem>>) dst(%dma_wait3A_500 : memref<10000x128xf32, #tpu.memory_space<vmem_shared>>)
      %le3A = arith.constant 21 : i32
      %le3A_501 = arith.cmpi sle, %add3A_389, %le3A : i32
      %convert_element_type3A = arith.extui %le3A_501 : i1 to i32
      %cond3A = arith.constant 0 : i32
      %cond3A_502 = arith.cmpi ne, %convert_element_type3A, %cond3A : i32
      scf.if %cond3A_502 {
        %add3A_564 = arith.constant 3 : i32
        %add3A_565 = arith.addi %add3A_389, %add3A_564 : i32
        %mul3A_566 = arith.constant 80 : i32
        %mul3A_567 = arith.muli %add3A_565, %mul3A_566 : i32
        %dma_start3A_568 = tpu.memref_slice %arg9[%mul3A_567] : memref<2000xi32, #tpu.memory_space<vmem>> -> memref<80xi32, #tpu.memory_space<vmem>>
        %dma_start3A_569 = arith.constant 0 : i32
        %dma_start3A_570 = arith.constant 0 : i32
        %dma_start3A_571 = tpu.memref_slice %arg2[%dma_start3A_569, %dma_start3A_570] : memref<10000x128xf32, #tpu.memory_space<hbm>> -> memref<10000x128xf32, #tpu.memory_space<hbm>>
        tpu.enqueue_indirect_dma source(%dma_start3A_571 : memref<10000x128xf32, #tpu.memory_space<hbm>>) target(%arg12 : memref<80x128xf32, #tpu.memory_space<vmem>>) offsets(%dma_start3A_568 : memref<80xi32, #tpu.memory_space<vmem>>) semaphore(%arg16 : memref<!tpu.dma_semaphore, #tpu.memory_space<semaphore_mem>>)
      } else {
      }
      %add3A_503 = arith.constant 2 : i32
      %add3A_504 = arith.addi %add3A_389, %add3A_503 : i32
      %mul3A_505 = arith.constant 80 : i32
      %mul3A_506 = arith.muli %add3A_504, %mul3A_505 : i32
      %dma_wait3A_507 = tpu.memref_slice %arg9[%mul3A_506] : memref<2000xi32, #tpu.memory_space<vmem>> -> memref<80xi32, #tpu.memory_space<vmem>>
      %dma_wait3A_508 = arith.constant 0 : i32
      %dma_wait3A_509 = arith.constant 0 : i32
      %dma_wait3A_510 = tpu.memref_slice %arg2[%dma_wait3A_508, %dma_wait3A_509] : memref<10000x128xf32, #tpu.memory_space<hbm>> -> memref<10000x128xf32, #tpu.memory_space<hbm>>
      tpu.wait_indirect_dma semaphore(%arg15 : memref<!tpu.dma_semaphore, #tpu.memory_space<semaphore_mem>>) src(%dma_wait3A_510 : memref<10000x128xf32, #tpu.memory_space<hbm>>) dst(%arg11 : memref<80x128xf32, #tpu.memory_space<vmem>>)
      %add3A_511 = arith.constant 2 : i32
      %add3A_512 = arith.addi %add3A_389, %add3A_511 : i32
      %mul3A_513 = arith.constant 80 : i32
      %mul3A_514 = arith.muli %add3A_512, %mul3A_513 : i32
      %dma_start3A_515 = tpu.memref_slice %arg10[%mul3A_514] : memref<2000xi32, #tpu.memory_space<vmem>> -> memref<80xi32, #tpu.memory_space<vmem>>
      %dma_start3A_516 = arith.constant 0 : i32
      %dma_start3A_517 = arith.constant 0 : i32
      %dma_start3A_518 = tpu.memref_slice %arg22[%dma_start3A_516, %dma_start3A_517] : memref<10000x128xf32, #tpu.memory_space<vmem_shared>> -> memref<10000x128xf32, #tpu.memory_space<vmem_shared>>
      tpu.enqueue_indirect_dma source(%arg11 : memref<80x128xf32, #tpu.memory_space<vmem>>) target(%dma_start3A_518 : memref<10000x128xf32, #tpu.memory_space<vmem_shared>>) offsets(%dma_start3A_515 : memref<80xi32, #tpu.memory_space<vmem>>) semaphore(%arg18 : memref<!tpu.dma_semaphore, #tpu.memory_space<semaphore_mem>>) {add = true}
      %add3A_519 = arith.constant 2 : i32
      %add3A_520 = arith.addi %add3A_389, %add3A_519 : i32
      %mul3A_521 = arith.constant 80 : i32
      %mul3A_522 = arith.muli %add3A_520, %mul3A_521 : i32
      %add3A_523 = arith.constant 0 : i32
      %add3A_524 = arith.addi %mul3A_522, %add3A_523 : i32
      %get3A_525 = arith.index_cast %add3A_524 : i32 to index
      %get3A_526 = tpu.vector_load %arg10[%get3A_525] {strides = array<i32>} : memref<2000xi32, #tpu.memory_space<vmem>>, vector<16xi32>,
      tpu.vector_store_idx %arg14[%get3A_526], %broadcast_in_dim3A_3 {add = true} : memref<10000xf32, #tpu.memory_space<vmem>>[vector<16xi32>], vector<16xf32>,
      %mul3A_527 = arith.constant 80 : i32
      %mul3A_528 = arith.muli %add3A_520, %mul3A_527 : i32
      %add3A_529 = arith.constant 16 : i32
      %add3A_530 = arith.addi %mul3A_528, %add3A_529 : i32
      %get3A_531 = arith.index_cast %add3A_530 : i32 to index
      %get3A_532 = tpu.vector_load %arg10[%get3A_531] {strides = array<i32>} : memref<2000xi32, #tpu.memory_space<vmem>>, vector<16xi32>,
      tpu.vector_store_idx %arg14[%get3A_532], %broadcast_in_dim3A_3 {add = true} : memref<10000xf32, #tpu.memory_space<vmem>>[vector<16xi32>], vector<16xf32>,
      %mul3A_533 = arith.constant 80 : i32
      %mul3A_534 = arith.muli %add3A_520, %mul3A_533 : i32
      %add3A_535 = arith.constant 32 : i32
      %add3A_536 = arith.addi %mul3A_534, %add3A_535 : i32
      %get3A_537 = arith.index_cast %add3A_536 : i32 to index
      %get3A_538 = tpu.vector_load %arg10[%get3A_537] {strides = array<i32>} : memref<2000xi32, #tpu.memory_space<vmem>>, vector<16xi32>,
      tpu.vector_store_idx %arg14[%get3A_538], %broadcast_in_dim3A_3 {add = true} : memref<10000xf32, #tpu.memory_space<vmem>>[vector<16xi32>], vector<16xf32>,
      %mul3A_539 = arith.constant 80 : i32
      %mul3A_540 = arith.muli %add3A_520, %mul3A_539 : i32
      %add3A_541 = arith.constant 48 : i32
      %add3A_542 = arith.addi %mul3A_540, %add3A_541 : i32
      %get3A_543 = arith.index_cast %add3A_542 : i32 to index
      %get3A_544 = tpu.vector_load %arg10[%get3A_543] {strides = array<i32>} : memref<2000xi32, #tpu.memory_space<vmem>>, vector<16xi32>,
      tpu.vector_store_idx %arg14[%get3A_544], %broadcast_in_dim3A_3 {add = true} : memref<10000xf32, #tpu.memory_space<vmem>>[vector<16xi32>], vector<16xf32>,
      %mul3A_545 = arith.constant 80 : i32
      %mul3A_546 = arith.muli %add3A_520, %mul3A_545 : i32
      %add3A_547 = arith.constant 64 : i32
      %add3A_548 = arith.addi %mul3A_546, %add3A_547 : i32
      %get3A_549 = arith.index_cast %add3A_548 : i32 to index
      %get3A_550 = tpu.vector_load %arg10[%get3A_549] {strides = array<i32>} : memref<2000xi32, #tpu.memory_space<vmem>>, vector<16xi32>,
      tpu.vector_store_idx %arg14[%get3A_550], %broadcast_in_dim3A_3 {add = true} : memref<10000xf32, #tpu.memory_space<vmem>>[vector<16xi32>], vector<16xf32>,
      %add3A_551 = arith.constant 1 : i32
      %add3A_552 = arith.addi %add3A_389, %add3A_551 : i32
      %mul3A_553 = arith.constant 80 : i32
      %mul3A_554 = arith.muli %add3A_552, %mul3A_553 : i32
      %dma_wait3A_555 = tpu.memref_slice %arg10[%mul3A_554] : memref<2000xi32, #tpu.memory_space<vmem>> -> memref<80xi32, #tpu.memory_space<vmem>>
      %dma_wait3A_556 = arith.constant 0 : i32
      %dma_wait3A_557 = arith.constant 0 : i32
      %dma_wait3A_558 = tpu.memref_slice %arg22[%dma_wait3A_556, %dma_wait3A_557] : memref<10000x128xf32, #tpu.memory_space<vmem_shared>> -> memref<10000x128xf32, #tpu.memory_space<vmem_shared>>
      tpu.wait_indirect_dma semaphore(%arg20 : memref<!tpu.dma_semaphore, #tpu.memory_space<semaphore_mem>>) src(%arg13 : memref<80x128xf32, #tpu.memory_space<vmem>>) dst(%dma_wait3A_558 : memref<10000x128xf32, #tpu.memory_space<vmem_shared>>)
      %le3A_559 = arith.constant 20 : i32
      %le3A_560 = arith.cmpi sle, %add3A_389, %le3A_559 : i32
      %convert_element_type3A_561 = arith.extui %le3A_560 : i1 to i32
      %cond3A_562 = arith.constant 0 : i32
      %cond3A_563 = arith.cmpi ne, %convert_element_type3A_561, %cond3A_562 : i32
      scf.if %cond3A_563 {
        %add3A_564 = arith.constant 4 : i32
        %add3A_565 = arith.addi %add3A_389, %add3A_564 : i32
        %mul3A_566 = arith.constant 80 : i32
        %mul3A_567 = arith.muli %add3A_565, %mul3A_566 : i32
        %dma_start3A_568 = tpu.memref_slice %arg9[%mul3A_567] : memref<2000xi32, #tpu.memory_space<vmem>> -> memref<80xi32, #tpu.memory_space<vmem>>
        %dma_start3A_569 = arith.constant 0 : i32
        %dma_start3A_570 = arith.constant 0 : i32
        %dma_start3A_571 = tpu.memref_slice %arg2[%dma_start3A_569, %dma_start3A_570] : memref<10000x128xf32, #tpu.memory_space<hbm>> -> memref<10000x128xf32, #tpu.memory_space<hbm>>
        tpu.enqueue_indirect_dma source(%dma_start3A_571 : memref<10000x128xf32, #tpu.memory_space<hbm>>) target(%arg13 : memref<80x128xf32, #tpu.memory_space<vmem>>) offsets(%dma_start3A_568 : memref<80xi32, #tpu.memory_space<vmem>>) semaphore(%arg17 : memref<!tpu.dma_semaphore, #tpu.memory_space<semaphore_mem>>)
      } else {
      }
    }
    %scan3A_165 = arith.constant 8 : i32
    %dma_wait3A_166 = arith.constant 1920 : i32
    %dma_wait3A_167 = tpu.memref_slice %arg10[%dma_wait3A_166] : memref<2000xi32, #tpu.memory_space<vmem>> -> memref<80xi32, #tpu.memory_space<vmem>>
    %dma_wait3A_168 = arith.constant 0 : i32
    %dma_wait3A_169 = arith.constant 0 : i32
    %dma_wait3A_170 = tpu.memref_slice %arg22[%dma_wait3A_168, %dma_wait3A_169] : memref<10000x128xf32, #tpu.memory_space<vmem_shared>> -> memref<10000x128xf32, #tpu.memory_space<vmem_shared>>
    tpu.wait_indirect_dma semaphore(%arg18 : memref<!tpu.dma_semaphore, #tpu.memory_space<semaphore_mem>>) src(%arg11 : memref<80x128xf32, #tpu.memory_space<vmem>>) dst(%dma_wait3A_170 : memref<10000x128xf32, #tpu.memory_space<vmem_shared>>)
    %add3A_171 = arith.constant 4000 : i32
    %add3A_172 = arith.addi %mul3A_2, %add3A_171 : i32
    %dma_wait3A_173 = arith.constant 1 : i32
    %dma_wait3A_174 = tpu.memref_slice %arg3[%dma_wait3A_173, %add3A_172] : memref<2x320000xi32, #tpu.memory_space<hbm>> -> memref<1x2000xi32, #tpu.memory_space<hbm>>
    %dma_wait3A_175 = tpu.memref_squeeze %dma_wait3A_174 : memref<1x2000xi32, #tpu.memory_space<hbm>> -> memref<2000xi32, #tpu.memory_space<hbm>>
    %dma_wait3A_176 = tpu.memref_slice %arg3[%dma_wait3A_173, %add3A_172] : memref<2x320000xi32, #tpu.memory_space<hbm>> -> memref<1x2000xi32, #tpu.memory_space<hbm>>
    %dma_wait3A_177 = tpu.memref_squeeze %dma_wait3A_176 : memref<1x2000xi32, #tpu.memory_space<hbm>> -> memref<2000xi32, #tpu.memory_space<hbm>>
    tpu.wait_dma2 semaphore(%arg21 : memref<!tpu.dma_semaphore, #tpu.memory_space<semaphore_mem>>) src(%dma_wait3A_177 : memref<2000xi32, #tpu.memory_space<hbm>>) dst(%arg7 : memref<2000xi32, #tpu.memory_space<vmem>>)
    %add3A_178 = arith.constant 4000 : i32
    %add3A_179 = arith.addi %mul3A_2, %add3A_178 : i32
    %dma_wait3A_180 = arith.constant 0 : i32
    %dma_wait3A_181 = tpu.memref_slice %arg3[%dma_wait3A_180, %add3A_179] : memref<2x320000xi32, #tpu.memory_space<hbm>> -> memref<1x2000xi32, #tpu.memory_space<hbm>>
    %dma_wait3A_182 = tpu.memref_squeeze %dma_wait3A_181 : memref<1x2000xi32, #tpu.memory_space<hbm>> -> memref<2000xi32, #tpu.memory_space<hbm>>
    %dma_wait3A_183 = tpu.memref_slice %arg3[%dma_wait3A_180, %add3A_179] : memref<2x320000xi32, #tpu.memory_space<hbm>> -> memref<1x2000xi32, #tpu.memory_space<hbm>>
    %dma_wait3A_184 = tpu.memref_squeeze %dma_wait3A_183 : memref<1x2000xi32, #tpu.memory_space<hbm>> -> memref<2000xi32, #tpu.memory_space<hbm>>
    tpu.wait_dma2 semaphore(%arg21 : memref<!tpu.dma_semaphore, #tpu.memory_space<semaphore_mem>>) src(%dma_wait3A_184 : memref<2000xi32, #tpu.memory_space<hbm>>) dst(%arg8 : memref<2000xi32, #tpu.memory_space<vmem>>)
    %dma_start3A_185 = arith.constant 0 : i32
    %dma_start3A_186 = tpu.memref_slice %arg7[%dma_start3A_185] : memref<2000xi32, #tpu.memory_space<vmem>> -> memref<80xi32, #tpu.memory_space<vmem>>
    %dma_start3A_187 = arith.constant 0 : i32
    %dma_start3A_188 = arith.constant 0 : i32
    %dma_start3A_189 = tpu.memref_slice %arg2[%dma_start3A_187, %dma_start3A_188] : memref<10000x128xf32, #tpu.memory_space<hbm>> -> memref<10000x128xf32, #tpu.memory_space<hbm>>
    tpu.enqueue_indirect_dma source(%dma_start3A_189 : memref<10000x128xf32, #tpu.memory_space<hbm>>) target(%arg11 : memref<80x128xf32, #tpu.memory_space<vmem>>) offsets(%dma_start3A_186 : memref<80xi32, #tpu.memory_space<vmem>>) semaphore(%arg15 : memref<!tpu.dma_semaphore, #tpu.memory_space<semaphore_mem>>)
    %dma_start3A_190 = arith.constant 80 : i32
    %dma_start3A_191 = tpu.memref_slice %arg7[%dma_start3A_190] : memref<2000xi32, #tpu.memory_space<vmem>> -> memref<80xi32, #tpu.memory_space<vmem>>
    %dma_start3A_192 = arith.constant 0 : i32
    %dma_start3A_193 = arith.constant 0 : i32
    %dma_start3A_194 = tpu.memref_slice %arg2[%dma_start3A_192, %dma_start3A_193] : memref<10000x128xf32, #tpu.memory_space<hbm>> -> memref<10000x128xf32, #tpu.memory_space<hbm>>
    tpu.enqueue_indirect_dma source(%dma_start3A_194 : memref<10000x128xf32, #tpu.memory_space<hbm>>) target(%arg12 : memref<80x128xf32, #tpu.memory_space<vmem>>) offsets(%dma_start3A_191 : memref<80xi32, #tpu.memory_space<vmem>>) semaphore(%arg16 : memref<!tpu.dma_semaphore, #tpu.memory_space<semaphore_mem>>)
    %add3A_195 = arith.constant 6000 : i32
    %add3A_196 = arith.addi %mul3A_2, %add3A_195 : i32
    %dma_start3A_197 = arith.constant 1 : i32
    %dma_start3A_198 = tpu.memref_slice %arg3[%dma_start3A_197, %add3A_196] : memref<2x320000xi32, #tpu.memory_space<hbm>> -> memref<1x2000xi32, #tpu.memory_space<hbm>>
    %dma_start3A_199 = tpu.memref_squeeze %dma_start3A_198 : memref<1x2000xi32, #tpu.memory_space<hbm>> -> memref<2000xi32, #tpu.memory_space<hbm>>
    %dma_start3A_200 = tpu.memref_slice %arg3[%dma_start3A_197, %add3A_196] : memref<2x320000xi32, #tpu.memory_space<hbm>> -> memref<1x2000xi32, #tpu.memory_space<hbm>>
    %dma_start3A_201 = tpu.memref_squeeze %dma_start3A_200 : memref<1x2000xi32, #tpu.memory_space<hbm>> -> memref<2000xi32, #tpu.memory_space<hbm>>
    tpu.enqueue_dma source(%dma_start3A_201 : memref<2000xi32, #tpu.memory_space<hbm>>) target(%arg9 : memref<2000xi32, #tpu.memory_space<vmem>>) target_semaphore(%arg21 : memref<!tpu.dma_semaphore, #tpu.memory_space<semaphore_mem>>)
    %add3A_202 = arith.constant 6000 : i32
    %add3A_203 = arith.addi %mul3A_2, %add3A_202 : i32
    %dma_start3A_204 = arith.constant 0 : i32
    %dma_start3A_205 = tpu.memref_slice %arg3[%dma_start3A_204, %add3A_203] : memref<2x320000xi32, #tpu.memory_space<hbm>> -> memref<1x2000xi32, #tpu.memory_space<hbm>>
    %dma_start3A_206 = tpu.memref_squeeze %dma_start3A_205 : memref<1x2000xi32, #tpu.memory_space<hbm>> -> memref<2000xi32, #tpu.memory_space<hbm>>
    %dma_start3A_207 = tpu.memref_slice %arg3[%dma_start3A_204, %add3A_203] : memref<2x320000xi32, #tpu.memory_space<hbm>> -> memref<1x2000xi32, #tpu.memory_space<hbm>>
    %dma_start3A_208 = tpu.memref_squeeze %dma_start3A_207 : memref<1x2000xi32, #tpu.memory_space<hbm>> -> memref<2000xi32, #tpu.memory_space<hbm>>
    tpu.enqueue_dma source(%dma_start3A_208 : memref<2000xi32, #tpu.memory_space<hbm>>) target(%arg10 : memref<2000xi32, #tpu.memory_space<vmem>>) target_semaphore(%arg21 : memref<!tpu.dma_semaphore, #tpu.memory_space<semaphore_mem>>)
    %dma_wait3A_209 = arith.constant 0 : i32
    %dma_wait3A_210 = tpu.memref_slice %arg7[%dma_wait3A_209] : memref<2000xi32, #tpu.memory_space<vmem>> -> memref<80xi32, #tpu.memory_space<vmem>>
    %dma_wait3A_211 = arith.constant 0 : i32
    %dma_wait3A_212 = arith.constant 0 : i32
    %dma_wait3A_213 = tpu.memref_slice %arg2[%dma_wait3A_211, %dma_wait3A_212] : memref<10000x128xf32, #tpu.memory_space<hbm>> -> memref<10000x128xf32, #tpu.memory_space<hbm>>
    tpu.wait_indirect_dma semaphore(%arg15 : memref<!tpu.dma_semaphore, #tpu.memory_space<semaphore_mem>>) src(%dma_wait3A_213 : memref<10000x128xf32, #tpu.memory_space<hbm>>) dst(%arg11 : memref<80x128xf32, #tpu.memory_space<vmem>>)
    %dma_start3A_214 = arith.constant 0 : i32
    %dma_start3A_215 = tpu.memref_slice %arg8[%dma_start3A_214] : memref<2000xi32, #tpu.memory_space<vmem>> -> memref<80xi32, #tpu.memory_space<vmem>>
    %dma_start3A_216 = arith.constant 0 : i32
    %dma_start3A_217 = arith.constant 0 : i32
    %dma_start3A_218 = tpu.memref_slice %arg22[%dma_start3A_216, %dma_start3A_217] : memref<10000x128xf32, #tpu.memory_space<vmem_shared>> -> memref<10000x128xf32, #tpu.memory_space<vmem_shared>>
    tpu.enqueue_indirect_dma source(%arg11 : memref<80x128xf32, #tpu.memory_space<vmem>>) target(%dma_start3A_218 : memref<10000x128xf32, #tpu.memory_space<vmem_shared>>) offsets(%dma_start3A_215 : memref<80xi32, #tpu.memory_space<vmem>>) semaphore(%arg18 : memref<!tpu.dma_semaphore, #tpu.memory_space<semaphore_mem>>) {add = true}
    %get3A_219 = arith.constant 0 : index
    %get3A_220 = tpu.vector_load %arg8[%get3A_219] {strides = array<i32>} : memref<2000xi32, #tpu.memory_space<vmem>>, vector<16xi32>,
    tpu.vector_store_idx %arg14[%get3A_220], %broadcast_in_dim3A_3 {add = true} : memref<10000xf32, #tpu.memory_space<vmem>>[vector<16xi32>], vector<16xf32>,
    %get3A_221 = arith.constant 16 : index
    %get3A_222 = tpu.vector_load %arg8[%get3A_221] {strides = array<i32>} : memref<2000xi32, #tpu.memory_space<vmem>>, vector<16xi32>,
    tpu.vector_store_idx %arg14[%get3A_222], %broadcast_in_dim3A_3 {add = true} : memref<10000xf32, #tpu.memory_space<vmem>>[vector<16xi32>], vector<16xf32>,
    %get3A_223 = arith.constant 32 : index
    %get3A_224 = tpu.vector_load %arg8[%get3A_223] {strides = array<i32>} : memref<2000xi32, #tpu.memory_space<vmem>>, vector<16xi32>,
    tpu.vector_store_idx %arg14[%get3A_224], %broadcast_in_dim3A_3 {add = true} : memref<10000xf32, #tpu.memory_space<vmem>>[vector<16xi32>], vector<16xf32>,
    %get3A_225 = arith.constant 48 : index
    %get3A_226 = tpu.vector_load %arg8[%get3A_225] {strides = array<i32>} : memref<2000xi32, #tpu.memory_space<vmem>>, vector<16xi32>,
    tpu.vector_store_idx %arg14[%get3A_226], %broadcast_in_dim3A_3 {add = true} : memref<10000xf32, #tpu.memory_space<vmem>>[vector<16xi32>], vector<16xf32>,
    %get3A_227 = arith.constant 64 : index
    %get3A_228 = tpu.vector_load %arg8[%get3A_227] {strides = array<i32>} : memref<2000xi32, #tpu.memory_space<vmem>>, vector<16xi32>,
    tpu.vector_store_idx %arg14[%get3A_228], %broadcast_in_dim3A_3 {add = true} : memref<10000xf32, #tpu.memory_space<vmem>>[vector<16xi32>], vector<16xf32>,
    %dma_start3A_229 = arith.constant 160 : i32
    %dma_start3A_230 = tpu.memref_slice %arg7[%dma_start3A_229] : memref<2000xi32, #tpu.memory_space<vmem>> -> memref<80xi32, #tpu.memory_space<vmem>>
    %dma_start3A_231 = arith.constant 0 : i32
    %dma_start3A_232 = arith.constant 0 : i32
    %dma_start3A_233 = tpu.memref_slice %arg2[%dma_start3A_231, %dma_start3A_232] : memref<10000x128xf32, #tpu.memory_space<hbm>> -> memref<10000x128xf32, #tpu.memory_space<hbm>>
    tpu.enqueue_indirect_dma source(%dma_start3A_233 : memref<10000x128xf32, #tpu.memory_space<hbm>>) target(%arg13 : memref<80x128xf32, #tpu.memory_space<vmem>>) offsets(%dma_start3A_230 : memref<80xi32, #tpu.memory_space<vmem>>) semaphore(%arg17 : memref<!tpu.dma_semaphore, #tpu.memory_space<semaphore_mem>>)
    %scan3A_234 = arith.constant 0 : i32
    %scan3A_235 = arith.constant 8 : i32
    %scan3A_236 = arith.addi %scan3A_234, %scan3A_235 : i32
    %scan3A_237 = arith.constant 1 : i32
    scf.for %scan3A_385 = %scan3A_234 to %scan3A_236 step %scan3A_237  : i32 {
      %mul3A_386 = arith.constant 3 : i32
      %mul3A_387 = arith.muli %scan3A_385, %mul3A_386 : i32
      %add3A_388 = arith.constant 1 : i32
      %add3A_389 = arith.addi %add3A_388, %mul3A_387 : i32
      %mul3A_390 = arith.constant 80 : i32
      %mul3A_391 = arith.muli %add3A_389, %mul3A_390 : i32
      %dma_wait3A_392 = tpu.memref_slice %arg7[%mul3A_391] : memref<2000xi32, #tpu.memory_space<vmem>> -> memref<80xi32, #tpu.memory_space<vmem>>
      %dma_wait3A_393 = arith.constant 0 : i32
      %dma_wait3A_394 = arith.constant 0 : i32
      %dma_wait3A_395 = tpu.memref_slice %arg2[%dma_wait3A_393, %dma_wait3A_394] : memref<10000x128xf32, #tpu.memory_space<hbm>> -> memref<10000x128xf32, #tpu.memory_space<hbm>>
      tpu.wait_indirect_dma semaphore(%arg16 : memref<!tpu.dma_semaphore, #tpu.memory_space<semaphore_mem>>) src(%dma_wait3A_395 : memref<10000x128xf32, #tpu.memory_space<hbm>>) dst(%arg12 : memref<80x128xf32, #tpu.memory_space<vmem>>)
      %mul3A_396 = arith.constant 80 : i32
      %mul3A_397 = arith.muli %add3A_389, %mul3A_396 : i32
      %dma_start3A_398 = tpu.memref_slice %arg8[%mul3A_397] : memref<2000xi32, #tpu.memory_space<vmem>> -> memref<80xi32, #tpu.memory_space<vmem>>
      %dma_start3A_399 = arith.constant 0 : i32
      %dma_start3A_400 = arith.constant 0 : i32
      %dma_start3A_401 = tpu.memref_slice %arg22[%dma_start3A_399, %dma_start3A_400] : memref<10000x128xf32, #tpu.memory_space<vmem_shared>> -> memref<10000x128xf32, #tpu.memory_space<vmem_shared>>
      tpu.enqueue_indirect_dma source(%arg12 : memref<80x128xf32, #tpu.memory_space<vmem>>) target(%dma_start3A_401 : memref<10000x128xf32, #tpu.memory_space<vmem_shared>>) offsets(%dma_start3A_398 : memref<80xi32, #tpu.memory_space<vmem>>) semaphore(%arg19 : memref<!tpu.dma_semaphore, #tpu.memory_space<semaphore_mem>>) {add = true}
      %mul3A_402 = arith.constant 80 : i32
      %mul3A_403 = arith.muli %add3A_389, %mul3A_402 : i32
      %add3A_404 = arith.constant 0 : i32
      %add3A_405 = arith.addi %mul3A_403, %add3A_404 : i32
      %get3A_406 = arith.index_cast %add3A_405 : i32 to index
      %get3A_407 = tpu.vector_load %arg8[%get3A_406] {strides = array<i32>} : memref<2000xi32, #tpu.memory_space<vmem>>, vector<16xi32>,
      tpu.vector_store_idx %arg14[%get3A_407], %broadcast_in_dim3A_3 {add = true} : memref<10000xf32, #tpu.memory_space<vmem>>[vector<16xi32>], vector<16xf32>,
      %mul3A_408 = arith.constant 80 : i32
      %mul3A_409 = arith.muli %add3A_389, %mul3A_408 : i32
      %add3A_410 = arith.constant 16 : i32
      %add3A_411 = arith.addi %mul3A_409, %add3A_410 : i32
      %get3A_412 = arith.index_cast %add3A_411 : i32 to index
      %get3A_413 = tpu.vector_load %arg8[%get3A_412] {strides = array<i32>} : memref<2000xi32, #tpu.memory_space<vmem>>, vector<16xi32>,
      tpu.vector_store_idx %arg14[%get3A_413], %broadcast_in_dim3A_3 {add = true} : memref<10000xf32, #tpu.memory_space<vmem>>[vector<16xi32>], vector<16xf32>,
      %mul3A_414 = arith.constant 80 : i32
      %mul3A_415 = arith.muli %add3A_389, %mul3A_414 : i32
      %add3A_416 = arith.constant 32 : i32
      %add3A_417 = arith.addi %mul3A_415, %add3A_416 : i32
      %get3A_418 = arith.index_cast %add3A_417 : i32 to index
      %get3A_419 = tpu.vector_load %arg8[%get3A_418] {strides = array<i32>} : memref<2000xi32, #tpu.memory_space<vmem>>, vector<16xi32>,
      tpu.vector_store_idx %arg14[%get3A_419], %broadcast_in_dim3A_3 {add = true} : memref<10000xf32, #tpu.memory_space<vmem>>[vector<16xi32>], vector<16xf32>,
      %mul3A_420 = arith.constant 80 : i32
      %mul3A_421 = arith.muli %add3A_389, %mul3A_420 : i32
      %add3A_422 = arith.constant 48 : i32
      %add3A_423 = arith.addi %mul3A_421, %add3A_422 : i32
      %get3A_424 = arith.index_cast %add3A_423 : i32 to index
      %get3A_425 = tpu.vector_load %arg8[%get3A_424] {strides = array<i32>} : memref<2000xi32, #tpu.memory_space<vmem>>, vector<16xi32>,
      tpu.vector_store_idx %arg14[%get3A_425], %broadcast_in_dim3A_3 {add = true} : memref<10000xf32, #tpu.memory_space<vmem>>[vector<16xi32>], vector<16xf32>,
      %mul3A_426 = arith.constant 80 : i32
      %mul3A_427 = arith.muli %add3A_389, %mul3A_426 : i32
      %add3A_428 = arith.constant 64 : i32
      %add3A_429 = arith.addi %mul3A_427, %add3A_428 : i32
      %get3A_430 = arith.index_cast %add3A_429 : i32 to index
      %get3A_431 = tpu.vector_load %arg8[%get3A_430] {strides = array<i32>} : memref<2000xi32, #tpu.memory_space<vmem>>, vector<16xi32>,
      tpu.vector_store_idx %arg14[%get3A_431], %broadcast_in_dim3A_3 {add = true} : memref<10000xf32, #tpu.memory_space<vmem>>[vector<16xi32>], vector<16xf32>,
      %sub3A = arith.constant 1 : i32
      %sub3A_432 = arith.subi %add3A_389, %sub3A : i32
      %mul3A_433 = arith.constant 80 : i32
      %mul3A_434 = arith.muli %sub3A_432, %mul3A_433 : i32
      %dma_wait3A_435 = tpu.memref_slice %arg8[%mul3A_434] : memref<2000xi32, #tpu.memory_space<vmem>> -> memref<80xi32, #tpu.memory_space<vmem>>
      %dma_wait3A_436 = arith.constant 0 : i32
      %dma_wait3A_437 = arith.constant 0 : i32
      %dma_wait3A_438 = tpu.memref_slice %arg22[%dma_wait3A_436, %dma_wait3A_437] : memref<10000x128xf32, #tpu.memory_space<vmem_shared>> -> memref<10000x128xf32, #tpu.memory_space<vmem_shared>>
      tpu.wait_indirect_dma semaphore(%arg18 : memref<!tpu.dma_semaphore, #tpu.memory_space<semaphore_mem>>) src(%arg11 : memref<80x128xf32, #tpu.memory_space<vmem>>) dst(%dma_wait3A_438 : memref<10000x128xf32, #tpu.memory_space<vmem_shared>>)
      %add3A_439 = arith.constant 2 : i32
      %add3A_440 = arith.addi %add3A_389, %add3A_439 : i32
      %mul3A_441 = arith.constant 80 : i32
      %mul3A_442 = arith.muli %add3A_440, %mul3A_441 : i32
      %dma_start3A_443 = tpu.memref_slice %arg7[%mul3A_442] : memref<2000xi32, #tpu.memory_space<vmem>> -> memref<80xi32, #tpu.memory_space<vmem>>
      %dma_start3A_444 = arith.constant 0 : i32
      %dma_start3A_445 = arith.constant 0 : i32
      %dma_start3A_446 = tpu.memref_slice %arg2[%dma_start3A_444, %dma_start3A_445] : memref<10000x128xf32, #tpu.memory_space<hbm>> -> memref<10000x128xf32, #tpu.memory_space<hbm>>
      tpu.enqueue_indirect_dma source(%dma_start3A_446 : memref<10000x128xf32, #tpu.memory_space<hbm>>) target(%arg11 : memref<80x128xf32, #tpu.memory_space<vmem>>) offsets(%dma_start3A_443 : memref<80xi32, #tpu.memory_space<vmem>>) semaphore(%arg15 : memref<!tpu.dma_semaphore, #tpu.memory_space<semaphore_mem>>)
      %add3A_447 = arith.constant 1 : i32
      %add3A_448 = arith.addi %add3A_389, %add3A_447 : i32
      %mul3A_449 = arith.constant 80 : i32
      %mul3A_450 = arith.muli %add3A_448, %mul3A_449 : i32
      %dma_wait3A_451 = tpu.memref_slice %arg7[%mul3A_450] : memref<2000xi32, #tpu.memory_space<vmem>> -> memref<80xi32, #tpu.memory_space<vmem>>
      %dma_wait3A_452 = arith.constant 0 : i32
      %dma_wait3A_453 = arith.constant 0 : i32
      %dma_wait3A_454 = tpu.memref_slice %arg2[%dma_wait3A_452, %dma_wait3A_453] : memref<10000x128xf32, #tpu.memory_space<hbm>> -> memref<10000x128xf32, #tpu.memory_space<hbm>>
      tpu.wait_indirect_dma semaphore(%arg17 : memref<!tpu.dma_semaphore, #tpu.memory_space<semaphore_mem>>) src(%dma_wait3A_454 : memref<10000x128xf32, #tpu.memory_space<hbm>>) dst(%arg13 : memref<80x128xf32, #tpu.memory_space<vmem>>)
      %add3A_455 = arith.constant 1 : i32
      %add3A_456 = arith.addi %add3A_389, %add3A_455 : i32
      %mul3A_457 = arith.constant 80 : i32
      %mul3A_458 = arith.muli %add3A_456, %mul3A_457 : i32
      %dma_start3A_459 = tpu.memref_slice %arg8[%mul3A_458] : memref<2000xi32, #tpu.memory_space<vmem>> -> memref<80xi32, #tpu.memory_space<vmem>>
      %dma_start3A_460 = arith.constant 0 : i32
      %dma_start3A_461 = arith.constant 0 : i32
      %dma_start3A_462 = tpu.memref_slice %arg22[%dma_start3A_460, %dma_start3A_461] : memref<10000x128xf32, #tpu.memory_space<vmem_shared>> -> memref<10000x128xf32, #tpu.memory_space<vmem_shared>>
      tpu.enqueue_indirect_dma source(%arg13 : memref<80x128xf32, #tpu.memory_space<vmem>>) target(%dma_start3A_462 : memref<10000x128xf32, #tpu.memory_space<vmem_shared>>) offsets(%dma_start3A_459 : memref<80xi32, #tpu.memory_space<vmem>>) semaphore(%arg20 : memref<!tpu.dma_semaphore, #tpu.memory_space<semaphore_mem>>) {add = true}
      %add3A_463 = arith.constant 1 : i32
      %add3A_464 = arith.addi %add3A_389, %add3A_463 : i32
      %mul3A_465 = arith.constant 80 : i32
      %mul3A_466 = arith.muli %add3A_464, %mul3A_465 : i32
      %add3A_467 = arith.constant 0 : i32
      %add3A_468 = arith.addi %mul3A_466, %add3A_467 : i32
      %get3A_469 = arith.index_cast %add3A_468 : i32 to index
      %get3A_470 = tpu.vector_load %arg8[%get3A_469] {strides = array<i32>} : memref<2000xi32, #tpu.memory_space<vmem>>, vector<16xi32>,
      tpu.vector_store_idx %arg14[%get3A_470], %broadcast_in_dim3A_3 {add = true} : memref<10000xf32, #tpu.memory_space<vmem>>[vector<16xi32>], vector<16xf32>,
      %mul3A_471 = arith.constant 80 : i32
      %mul3A_472 = arith.muli %add3A_464, %mul3A_471 : i32
      %add3A_473 = arith.constant 16 : i32
      %add3A_474 = arith.addi %mul3A_472, %add3A_473 : i32
      %get3A_475 = arith.index_cast %add3A_474 : i32 to index
      %get3A_476 = tpu.vector_load %arg8[%get3A_475] {strides = array<i32>} : memref<2000xi32, #tpu.memory_space<vmem>>, vector<16xi32>,
      tpu.vector_store_idx %arg14[%get3A_476], %broadcast_in_dim3A_3 {add = true} : memref<10000xf32, #tpu.memory_space<vmem>>[vector<16xi32>], vector<16xf32>,
      %mul3A_477 = arith.constant 80 : i32
      %mul3A_478 = arith.muli %add3A_464, %mul3A_477 : i32
      %add3A_479 = arith.constant 32 : i32
      %add3A_480 = arith.addi %mul3A_478, %add3A_479 : i32
      %get3A_481 = arith.index_cast %add3A_480 : i32 to index
      %get3A_482 = tpu.vector_load %arg8[%get3A_481] {strides = array<i32>} : memref<2000xi32, #tpu.memory_space<vmem>>, vector<16xi32>,
      tpu.vector_store_idx %arg14[%get3A_482], %broadcast_in_dim3A_3 {add = true} : memref<10000xf32, #tpu.memory_space<vmem>>[vector<16xi32>], vector<16xf32>,
      %mul3A_483 = arith.constant 80 : i32
      %mul3A_484 = arith.muli %add3A_464, %mul3A_483 : i32
      %add3A_485 = arith.constant 48 : i32
      %add3A_486 = arith.addi %mul3A_484, %add3A_485 : i32
      %get3A_487 = arith.index_cast %add3A_486 : i32 to index
      %get3A_488 = tpu.vector_load %arg8[%get3A_487] {strides = array<i32>} : memref<2000xi32, #tpu.memory_space<vmem>>, vector<16xi32>,
      tpu.vector_store_idx %arg14[%get3A_488], %broadcast_in_dim3A_3 {add = true} : memref<10000xf32, #tpu.memory_space<vmem>>[vector<16xi32>], vector<16xf32>,
      %mul3A_489 = arith.constant 80 : i32
      %mul3A_490 = arith.muli %add3A_464, %mul3A_489 : i32
      %add3A_491 = arith.constant 64 : i32
      %add3A_492 = arith.addi %mul3A_490, %add3A_491 : i32
      %get3A_493 = arith.index_cast %add3A_492 : i32 to index
      %get3A_494 = tpu.vector_load %arg8[%get3A_493] {strides = array<i32>} : memref<2000xi32, #tpu.memory_space<vmem>>, vector<16xi32>,
      tpu.vector_store_idx %arg14[%get3A_494], %broadcast_in_dim3A_3 {add = true} : memref<10000xf32, #tpu.memory_space<vmem>>[vector<16xi32>], vector<16xf32>,
      %mul3A_495 = arith.constant 80 : i32
      %mul3A_496 = arith.muli %add3A_389, %mul3A_495 : i32
      %dma_wait3A_497 = tpu.memref_slice %arg8[%mul3A_496] : memref<2000xi32, #tpu.memory_space<vmem>> -> memref<80xi32, #tpu.memory_space<vmem>>
      %dma_wait3A_498 = arith.constant 0 : i32
      %dma_wait3A_499 = arith.constant 0 : i32
      %dma_wait3A_500 = tpu.memref_slice %arg22[%dma_wait3A_498, %dma_wait3A_499] : memref<10000x128xf32, #tpu.memory_space<vmem_shared>> -> memref<10000x128xf32, #tpu.memory_space<vmem_shared>>
      tpu.wait_indirect_dma semaphore(%arg19 : memref<!tpu.dma_semaphore, #tpu.memory_space<semaphore_mem>>) src(%arg12 : memref<80x128xf32, #tpu.memory_space<vmem>>) dst(%dma_wait3A_500 : memref<10000x128xf32, #tpu.memory_space<vmem_shared>>)
      %le3A = arith.constant 21 : i32
      %le3A_501 = arith.cmpi sle, %add3A_389, %le3A : i32
      %convert_element_type3A = arith.extui %le3A_501 : i1 to i32
      %cond3A = arith.constant 0 : i32
      %cond3A_502 = arith.cmpi ne, %convert_element_type3A, %cond3A : i32
      scf.if %cond3A_502 {
        %add3A_564 = arith.constant 3 : i32
        %add3A_565 = arith.addi %add3A_389, %add3A_564 : i32
        %mul3A_566 = arith.constant 80 : i32
        %mul3A_567 = arith.muli %add3A_565, %mul3A_566 : i32
        %dma_start3A_568 = tpu.memref_slice %arg7[%mul3A_567] : memref<2000xi32, #tpu.memory_space<vmem>> -> memref<80xi32, #tpu.memory_space<vmem>>
        %dma_start3A_569 = arith.constant 0 : i32
        %dma_start3A_570 = arith.constant 0 : i32
        %dma_start3A_571 = tpu.memref_slice %arg2[%dma_start3A_569, %dma_start3A_570] : memref<10000x128xf32, #tpu.memory_space<hbm>> -> memref<10000x128xf32, #tpu.memory_space<hbm>>
        tpu.enqueue_indirect_dma source(%dma_start3A_571 : memref<10000x128xf32, #tpu.memory_space<hbm>>) target(%arg12 : memref<80x128xf32, #tpu.memory_space<vmem>>) offsets(%dma_start3A_568 : memref<80xi32, #tpu.memory_space<vmem>>) semaphore(%arg16 : memref<!tpu.dma_semaphore, #tpu.memory_space<semaphore_mem>>)
      } else {
      }
      %add3A_503 = arith.constant 2 : i32
      %add3A_504 = arith.addi %add3A_389, %add3A_503 : i32
      %mul3A_505 = arith.constant 80 : i32
      %mul3A_506 = arith.muli %add3A_504, %mul3A_505 : i32
      %dma_wait3A_507 = tpu.memref_slice %arg7[%mul3A_506] : memref<2000xi32, #tpu.memory_space<vmem>> -> memref<80xi32, #tpu.memory_space<vmem>>
      %dma_wait3A_508 = arith.constant 0 : i32
      %dma_wait3A_509 = arith.constant 0 : i32
      %dma_wait3A_510 = tpu.memref_slice %arg2[%dma_wait3A_508, %dma_wait3A_509] : memref<10000x128xf32, #tpu.memory_space<hbm>> -> memref<10000x128xf32, #tpu.memory_space<hbm>>
      tpu.wait_indirect_dma semaphore(%arg15 : memref<!tpu.dma_semaphore, #tpu.memory_space<semaphore_mem>>) src(%dma_wait3A_510 : memref<10000x128xf32, #tpu.memory_space<hbm>>) dst(%arg11 : memref<80x128xf32, #tpu.memory_space<vmem>>)
      %add3A_511 = arith.constant 2 : i32
      %add3A_512 = arith.addi %add3A_389, %add3A_511 : i32
      %mul3A_513 = arith.constant 80 : i32
      %mul3A_514 = arith.muli %add3A_512, %mul3A_513 : i32
      %dma_start3A_515 = tpu.memref_slice %arg8[%mul3A_514] : memref<2000xi32, #tpu.memory_space<vmem>> -> memref<80xi32, #tpu.memory_space<vmem>>
      %dma_start3A_516 = arith.constant 0 : i32
      %dma_start3A_517 = arith.constant 0 : i32
      %dma_start3A_518 = tpu.memref_slice %arg22[%dma_start3A_516, %dma_start3A_517] : memref<10000x128xf32, #tpu.memory_space<vmem_shared>> -> memref<10000x128xf32, #tpu.memory_space<vmem_shared>>
      tpu.enqueue_indirect_dma source(%arg11 : memref<80x128xf32, #tpu.memory_space<vmem>>) target(%dma_start3A_518 : memref<10000x128xf32, #tpu.memory_space<vmem_shared>>) offsets(%dma_start3A_515 : memref<80xi32, #tpu.memory_space<vmem>>) semaphore(%arg18 : memref<!tpu.dma_semaphore, #tpu.memory_space<semaphore_mem>>) {add = true}
      %add3A_519 = arith.constant 2 : i32
      %add3A_520 = arith.addi %add3A_389, %add3A_519 : i32
      %mul3A_521 = arith.constant 80 : i32
      %mul3A_522 = arith.muli %add3A_520, %mul3A_521 : i32
      %add3A_523 = arith.constant 0 : i32
      %add3A_524 = arith.addi %mul3A_522, %add3A_523 : i32
      %get3A_525 = arith.index_cast %add3A_524 : i32 to index
      %get3A_526 = tpu.vector_load %arg8[%get3A_525] {strides = array<i32>} : memref<2000xi32, #tpu.memory_space<vmem>>, vector<16xi32>,
      tpu.vector_store_idx %arg14[%get3A_526], %broadcast_in_dim3A_3 {add = true} : memref<10000xf32, #tpu.memory_space<vmem>>[vector<16xi32>], vector<16xf32>,
      %mul3A_527 = arith.constant 80 : i32
      %mul3A_528 = arith.muli %add3A_520, %mul3A_527 : i32
      %add3A_529 = arith.constant 16 : i32
      %add3A_530 = arith.addi %mul3A_528, %add3A_529 : i32
      %get3A_531 = arith.index_cast %add3A_530 : i32 to index
      %get3A_532 = tpu.vector_load %arg8[%get3A_531] {strides = array<i32>} : memref<2000xi32, #tpu.memory_space<vmem>>, vector<16xi32>,
      tpu.vector_store_idx %arg14[%get3A_532], %broadcast_in_dim3A_3 {add = true} : memref<10000xf32, #tpu.memory_space<vmem>>[vector<16xi32>], vector<16xf32>,
      %mul3A_533 = arith.constant 80 : i32
      %mul3A_534 = arith.muli %add3A_520, %mul3A_533 : i32
      %add3A_535 = arith.constant 32 : i32
      %add3A_536 = arith.addi %mul3A_534, %add3A_535 : i32
      %get3A_537 = arith.index_cast %add3A_536 : i32 to index
      %get3A_538 = tpu.vector_load %arg8[%get3A_537] {strides = array<i32>} : memref<2000xi32, #tpu.memory_space<vmem>>, vector<16xi32>,
      tpu.vector_store_idx %arg14[%get3A_538], %broadcast_in_dim3A_3 {add = true} : memref<10000xf32, #tpu.memory_space<vmem>>[vector<16xi32>], vector<16xf32>,
      %mul3A_539 = arith.constant 80 : i32
      %mul3A_540 = arith.muli %add3A_520, %mul3A_539 : i32
      %add3A_541 = arith.constant 48 : i32
      %add3A_542 = arith.addi %mul3A_540, %add3A_541 : i32
      %get3A_543 = arith.index_cast %add3A_542 : i32 to index
      %get3A_544 = tpu.vector_load %arg8[%get3A_543] {strides = array<i32>} : memref<2000xi32, #tpu.memory_space<vmem>>, vector<16xi32>,
      tpu.vector_store_idx %arg14[%get3A_544], %broadcast_in_dim3A_3 {add = true} : memref<10000xf32, #tpu.memory_space<vmem>>[vector<16xi32>], vector<16xf32>,
      %mul3A_545 = arith.constant 80 : i32
      %mul3A_546 = arith.muli %add3A_520, %mul3A_545 : i32
      %add3A_547 = arith.constant 64 : i32
      %add3A_548 = arith.addi %mul3A_546, %add3A_547 : i32
      %get3A_549 = arith.index_cast %add3A_548 : i32 to index
      %get3A_550 = tpu.vector_load %arg8[%get3A_549] {strides = array<i32>} : memref<2000xi32, #tpu.memory_space<vmem>>, vector<16xi32>,
      tpu.vector_store_idx %arg14[%get3A_550], %broadcast_in_dim3A_3 {add = true} : memref<10000xf32, #tpu.memory_space<vmem>>[vector<16xi32>], vector<16xf32>,
      %add3A_551 = arith.constant 1 : i32
      %add3A_552 = arith.addi %add3A_389, %add3A_551 : i32
      %mul3A_553 = arith.constant 80 : i32
      %mul3A_554 = arith.muli %add3A_552, %mul3A_553 : i32
      %dma_wait3A_555 = tpu.memref_slice %arg8[%mul3A_554] : memref<2000xi32, #tpu.memory_space<vmem>> -> memref<80xi32, #tpu.memory_space<vmem>>
      %dma_wait3A_556 = arith.constant 0 : i32
      %dma_wait3A_557 = arith.constant 0 : i32
      %dma_wait3A_558 = tpu.memref_slice %arg22[%dma_wait3A_556, %dma_wait3A_557] : memref<10000x128xf32, #tpu.memory_space<vmem_shared>> -> memref<10000x128xf32, #tpu.memory_space<vmem_shared>>
      tpu.wait_indirect_dma semaphore(%arg20 : memref<!tpu.dma_semaphore, #tpu.memory_space<semaphore_mem>>) src(%arg13 : memref<80x128xf32, #tpu.memory_space<vmem>>) dst(%dma_wait3A_558 : memref<10000x128xf32, #tpu.memory_space<vmem_shared>>)
      %le3A_559 = arith.constant 20 : i32
      %le3A_560 = arith.cmpi sle, %add3A_389, %le3A_559 : i32
      %convert_element_type3A_561 = arith.extui %le3A_560 : i1 to i32
      %cond3A_562 = arith.constant 0 : i32
      %cond3A_563 = arith.cmpi ne, %convert_element_type3A_561, %cond3A_562 : i32
      scf.if %cond3A_563 {
        %add3A_564 = arith.constant 4 : i32
        %add3A_565 = arith.addi %add3A_389, %add3A_564 : i32
        %mul3A_566 = arith.constant 80 : i32
        %mul3A_567 = arith.muli %add3A_565, %mul3A_566 : i32
        %dma_start3A_568 = tpu.memref_slice %arg7[%mul3A_567] : memref<2000xi32, #tpu.memory_space<vmem>> -> memref<80xi32, #tpu.memory_space<vmem>>
        %dma_start3A_569 = arith.constant 0 : i32
        %dma_start3A_570 = arith.constant 0 : i32
        %dma_start3A_571 = tpu.memref_slice %arg2[%dma_start3A_569, %dma_start3A_570] : memref<10000x128xf32, #tpu.memory_space<hbm>> -> memref<10000x128xf32, #tpu.memory_space<hbm>>
        tpu.enqueue_indirect_dma source(%dma_start3A_571 : memref<10000x128xf32, #tpu.memory_space<hbm>>) target(%arg13 : memref<80x128xf32, #tpu.memory_space<vmem>>) offsets(%dma_start3A_568 : memref<80xi32, #tpu.memory_space<vmem>>) semaphore(%arg17 : memref<!tpu.dma_semaphore, #tpu.memory_space<semaphore_mem>>)
      } else {
      }
    }
    %scan3A_238 = arith.constant 8 : i32
    %dma_wait3A_239 = arith.constant 1920 : i32
    %dma_wait3A_240 = tpu.memref_slice %arg8[%dma_wait3A_239] : memref<2000xi32, #tpu.memory_space<vmem>> -> memref<80xi32, #tpu.memory_space<vmem>>
    %dma_wait3A_241 = arith.constant 0 : i32
    %dma_wait3A_242 = arith.constant 0 : i32
    %dma_wait3A_243 = tpu.memref_slice %arg22[%dma_wait3A_241, %dma_wait3A_242] : memref<10000x128xf32, #tpu.memory_space<vmem_shared>> -> memref<10000x128xf32, #tpu.memory_space<vmem_shared>>
    tpu.wait_indirect_dma semaphore(%arg18 : memref<!tpu.dma_semaphore, #tpu.memory_space<semaphore_mem>>) src(%arg11 : memref<80x128xf32, #tpu.memory_space<vmem>>) dst(%dma_wait3A_243 : memref<10000x128xf32, #tpu.memory_space<vmem_shared>>)
    %add3A_244 = arith.constant 6000 : i32
    %add3A_245 = arith.addi %mul3A_2, %add3A_244 : i32
    %dma_wait3A_246 = arith.constant 1 : i32
    %dma_wait3A_247 = tpu.memref_slice %arg3[%dma_wait3A_246, %add3A_245] : memref<2x320000xi32, #tpu.memory_space<hbm>> -> memref<1x2000xi32, #tpu.memory_space<hbm>>
    %dma_wait3A_248 = tpu.memref_squeeze %dma_wait3A_247 : memref<1x2000xi32, #tpu.memory_space<hbm>> -> memref<2000xi32, #tpu.memory_space<hbm>>
    %dma_wait3A_249 = tpu.memref_slice %arg3[%dma_wait3A_246, %add3A_245] : memref<2x320000xi32, #tpu.memory_space<hbm>> -> memref<1x2000xi32, #tpu.memory_space<hbm>>
    %dma_wait3A_250 = tpu.memref_squeeze %dma_wait3A_249 : memref<1x2000xi32, #tpu.memory_space<hbm>> -> memref<2000xi32, #tpu.memory_space<hbm>>
    tpu.wait_dma2 semaphore(%arg21 : memref<!tpu.dma_semaphore, #tpu.memory_space<semaphore_mem>>) src(%dma_wait3A_250 : memref<2000xi32, #tpu.memory_space<hbm>>) dst(%arg9 : memref<2000xi32, #tpu.memory_space<vmem>>)
    %add3A_251 = arith.constant 6000 : i32
    %add3A_252 = arith.addi %mul3A_2, %add3A_251 : i32
    %dma_wait3A_253 = arith.constant 0 : i32
    %dma_wait3A_254 = tpu.memref_slice %arg3[%dma_wait3A_253, %add3A_252] : memref<2x320000xi32, #tpu.memory_space<hbm>> -> memref<1x2000xi32, #tpu.memory_space<hbm>>
    %dma_wait3A_255 = tpu.memref_squeeze %dma_wait3A_254 : memref<1x2000xi32, #tpu.memory_space<hbm>> -> memref<2000xi32, #tpu.memory_space<hbm>>
    %dma_wait3A_256 = tpu.memref_slice %arg3[%dma_wait3A_253, %add3A_252] : memref<2x320000xi32, #tpu.memory_space<hbm>> -> memref<1x2000xi32, #tpu.memory_space<hbm>>
    %dma_wait3A_257 = tpu.memref_squeeze %dma_wait3A_256 : memref<1x2000xi32, #tpu.memory_space<hbm>> -> memref<2000xi32, #tpu.memory_space<hbm>>
    tpu.wait_dma2 semaphore(%arg21 : memref<!tpu.dma_semaphore, #tpu.memory_space<semaphore_mem>>) src(%dma_wait3A_257 : memref<2000xi32, #tpu.memory_space<hbm>>) dst(%arg10 : memref<2000xi32, #tpu.memory_space<vmem>>)
    %dma_start3A_258 = arith.constant 0 : i32
    %dma_start3A_259 = tpu.memref_slice %arg9[%dma_start3A_258] : memref<2000xi32, #tpu.memory_space<vmem>> -> memref<80xi32, #tpu.memory_space<vmem>>
    %dma_start3A_260 = arith.constant 0 : i32
    %dma_start3A_261 = arith.constant 0 : i32
    %dma_start3A_262 = tpu.memref_slice %arg2[%dma_start3A_260, %dma_start3A_261] : memref<10000x128xf32, #tpu.memory_space<hbm>> -> memref<10000x128xf32, #tpu.memory_space<hbm>>
    tpu.enqueue_indirect_dma source(%dma_start3A_262 : memref<10000x128xf32, #tpu.memory_space<hbm>>) target(%arg11 : memref<80x128xf32, #tpu.memory_space<vmem>>) offsets(%dma_start3A_259 : memref<80xi32, #tpu.memory_space<vmem>>) semaphore(%arg15 : memref<!tpu.dma_semaphore, #tpu.memory_space<semaphore_mem>>)
    %dma_start3A_263 = arith.constant 80 : i32
    %dma_start3A_264 = tpu.memref_slice %arg9[%dma_start3A_263] : memref<2000xi32, #tpu.memory_space<vmem>> -> memref<80xi32, #tpu.memory_space<vmem>>
    %dma_start3A_265 = arith.constant 0 : i32
    %dma_start3A_266 = arith.constant 0 : i32
    %dma_start3A_267 = tpu.memref_slice %arg2[%dma_start3A_265, %dma_start3A_266] : memref<10000x128xf32, #tpu.memory_space<hbm>> -> memref<10000x128xf32, #tpu.memory_space<hbm>>
    tpu.enqueue_indirect_dma source(%dma_start3A_267 : memref<10000x128xf32, #tpu.memory_space<hbm>>) target(%arg12 : memref<80x128xf32, #tpu.memory_space<vmem>>) offsets(%dma_start3A_264 : memref<80xi32, #tpu.memory_space<vmem>>) semaphore(%arg16 : memref<!tpu.dma_semaphore, #tpu.memory_space<semaphore_mem>>)
    %add3A_268 = arith.constant 8000 : i32
    %add3A_269 = arith.addi %mul3A_2, %add3A_268 : i32
    %dma_start3A_270 = arith.constant 1 : i32
    %dma_start3A_271 = tpu.memref_slice %arg3[%dma_start3A_270, %add3A_269] : memref<2x320000xi32, #tpu.memory_space<hbm>> -> memref<1x2000xi32, #tpu.memory_space<hbm>>
    %dma_start3A_272 = tpu.memref_squeeze %dma_start3A_271 : memref<1x2000xi32, #tpu.memory_space<hbm>> -> memref<2000xi32, #tpu.memory_space<hbm>>
    %dma_start3A_273 = tpu.memref_slice %arg3[%dma_start3A_270, %add3A_269] : memref<2x320000xi32, #tpu.memory_space<hbm>> -> memref<1x2000xi32, #tpu.memory_space<hbm>>
    %dma_start3A_274 = tpu.memref_squeeze %dma_start3A_273 : memref<1x2000xi32, #tpu.memory_space<hbm>> -> memref<2000xi32, #tpu.memory_space<hbm>>
    tpu.enqueue_dma source(%dma_start3A_274 : memref<2000xi32, #tpu.memory_space<hbm>>) target(%arg7 : memref<2000xi32, #tpu.memory_space<vmem>>) target_semaphore(%arg21 : memref<!tpu.dma_semaphore, #tpu.memory_space<semaphore_mem>>)
    %add3A_275 = arith.constant 8000 : i32
    %add3A_276 = arith.addi %mul3A_2, %add3A_275 : i32
    %dma_start3A_277 = arith.constant 0 : i32
    %dma_start3A_278 = tpu.memref_slice %arg3[%dma_start3A_277, %add3A_276] : memref<2x320000xi32, #tpu.memory_space<hbm>> -> memref<1x2000xi32, #tpu.memory_space<hbm>>
    %dma_start3A_279 = tpu.memref_squeeze %dma_start3A_278 : memref<1x2000xi32, #tpu.memory_space<hbm>> -> memref<2000xi32, #tpu.memory_space<hbm>>
    %dma_start3A_280 = tpu.memref_slice %arg3[%dma_start3A_277, %add3A_276] : memref<2x320000xi32, #tpu.memory_space<hbm>> -> memref<1x2000xi32, #tpu.memory_space<hbm>>
    %dma_start3A_281 = tpu.memref_squeeze %dma_start3A_280 : memref<1x2000xi32, #tpu.memory_space<hbm>> -> memref<2000xi32, #tpu.memory_space<hbm>>
    tpu.enqueue_dma source(%dma_start3A_281 : memref<2000xi32, #tpu.memory_space<hbm>>) target(%arg8 : memref<2000xi32, #tpu.memory_space<vmem>>) target_semaphore(%arg21 : memref<!tpu.dma_semaphore, #tpu.memory_space<semaphore_mem>>)
    %dma_wait3A_282 = arith.constant 0 : i32
    %dma_wait3A_283 = tpu.memref_slice %arg9[%dma_wait3A_282] : memref<2000xi32, #tpu.memory_space<vmem>> -> memref<80xi32, #tpu.memory_space<vmem>>
    %dma_wait3A_284 = arith.constant 0 : i32
    %dma_wait3A_285 = arith.constant 0 : i32
    %dma_wait3A_286 = tpu.memref_slice %arg2[%dma_wait3A_284, %dma_wait3A_285] : memref<10000x128xf32, #tpu.memory_space<hbm>> -> memref<10000x128xf32, #tpu.memory_space<hbm>>
    tpu.wait_indirect_dma semaphore(%arg15 : memref<!tpu.dma_semaphore, #tpu.memory_space<semaphore_mem>>) src(%dma_wait3A_286 : memref<10000x128xf32, #tpu.memory_space<hbm>>) dst(%arg11 : memref<80x128xf32, #tpu.memory_space<vmem>>)
    %dma_start3A_287 = arith.constant 0 : i32
    %dma_start3A_288 = tpu.memref_slice %arg10[%dma_start3A_287] : memref<2000xi32, #tpu.memory_space<vmem>> -> memref<80xi32, #tpu.memory_space<vmem>>
    %dma_start3A_289 = arith.constant 0 : i32
    %dma_start3A_290 = arith.constant 0 : i32
    %dma_start3A_291 = tpu.memref_slice %arg22[%dma_start3A_289, %dma_start3A_290] : memref<10000x128xf32, #tpu.memory_space<vmem_shared>> -> memref<10000x128xf32, #tpu.memory_space<vmem_shared>>
    tpu.enqueue_indirect_dma source(%arg11 : memref<80x128xf32, #tpu.memory_space<vmem>>) target(%dma_start3A_291 : memref<10000x128xf32, #tpu.memory_space<vmem_shared>>) offsets(%dma_start3A_288 : memref<80xi32, #tpu.memory_space<vmem>>) semaphore(%arg18 : memref<!tpu.dma_semaphore, #tpu.memory_space<semaphore_mem>>) {add = true}
    %get3A_292 = arith.constant 0 : index
    %get3A_293 = tpu.vector_load %arg10[%get3A_292] {strides = array<i32>} : memref<2000xi32, #tpu.memory_space<vmem>>, vector<16xi32>,
    tpu.vector_store_idx %arg14[%get3A_293], %broadcast_in_dim3A_3 {add = true} : memref<10000xf32, #tpu.memory_space<vmem>>[vector<16xi32>], vector<16xf32>,
    %get3A_294 = arith.constant 16 : index
    %get3A_295 = tpu.vector_load %arg10[%get3A_294] {strides = array<i32>} : memref<2000xi32, #tpu.memory_space<vmem>>, vector<16xi32>,
    tpu.vector_store_idx %arg14[%get3A_295], %broadcast_in_dim3A_3 {add = true} : memref<10000xf32, #tpu.memory_space<vmem>>[vector<16xi32>], vector<16xf32>,
    %get3A_296 = arith.constant 32 : index
    %get3A_297 = tpu.vector_load %arg10[%get3A_296] {strides = array<i32>} : memref<2000xi32, #tpu.memory_space<vmem>>, vector<16xi32>,
    tpu.vector_store_idx %arg14[%get3A_297], %broadcast_in_dim3A_3 {add = true} : memref<10000xf32, #tpu.memory_space<vmem>>[vector<16xi32>], vector<16xf32>,
    %get3A_298 = arith.constant 48 : index
    %get3A_299 = tpu.vector_load %arg10[%get3A_298] {strides = array<i32>} : memref<2000xi32, #tpu.memory_space<vmem>>, vector<16xi32>,
    tpu.vector_store_idx %arg14[%get3A_299], %broadcast_in_dim3A_3 {add = true} : memref<10000xf32, #tpu.memory_space<vmem>>[vector<16xi32>], vector<16xf32>,
    %get3A_300 = arith.constant 64 : index
    %get3A_301 = tpu.vector_load %arg10[%get3A_300] {strides = array<i32>} : memref<2000xi32, #tpu.memory_space<vmem>>, vector<16xi32>,
    tpu.vector_store_idx %arg14[%get3A_301], %broadcast_in_dim3A_3 {add = true} : memref<10000xf32, #tpu.memory_space<vmem>>[vector<16xi32>], vector<16xf32>,
    %dma_start3A_302 = arith.constant 160 : i32
    %dma_start3A_303 = tpu.memref_slice %arg9[%dma_start3A_302] : memref<2000xi32, #tpu.memory_space<vmem>> -> memref<80xi32, #tpu.memory_space<vmem>>
    %dma_start3A_304 = arith.constant 0 : i32
    %dma_start3A_305 = arith.constant 0 : i32
    %dma_start3A_306 = tpu.memref_slice %arg2[%dma_start3A_304, %dma_start3A_305] : memref<10000x128xf32, #tpu.memory_space<hbm>> -> memref<10000x128xf32, #tpu.memory_space<hbm>>
    tpu.enqueue_indirect_dma source(%dma_start3A_306 : memref<10000x128xf32, #tpu.memory_space<hbm>>) target(%arg13 : memref<80x128xf32, #tpu.memory_space<vmem>>) offsets(%dma_start3A_303 : memref<80xi32, #tpu.memory_space<vmem>>) semaphore(%arg17 : memref<!tpu.dma_semaphore, #tpu.memory_space<semaphore_mem>>)
    %scan3A_307 = arith.constant 0 : i32
    %scan3A_308 = arith.constant 8 : i32
    %scan3A_309 = arith.addi %scan3A_307, %scan3A_308 : i32
    %scan3A_310 = arith.constant 1 : i32
    scf.for %scan3A_385 = %scan3A_307 to %scan3A_309 step %scan3A_310  : i32 {
      %mul3A_386 = arith.constant 3 : i32
      %mul3A_387 = arith.muli %scan3A_385, %mul3A_386 : i32
      %add3A_388 = arith.constant 1 : i32
      %add3A_389 = arith.addi %add3A_388, %mul3A_387 : i32
      %mul3A_390 = arith.constant 80 : i32
      %mul3A_391 = arith.muli %add3A_389, %mul3A_390 : i32
      %dma_wait3A_392 = tpu.memref_slice %arg9[%mul3A_391] : memref<2000xi32, #tpu.memory_space<vmem>> -> memref<80xi32, #tpu.memory_space<vmem>>
      %dma_wait3A_393 = arith.constant 0 : i32
      %dma_wait3A_394 = arith.constant 0 : i32
      %dma_wait3A_395 = tpu.memref_slice %arg2[%dma_wait3A_393, %dma_wait3A_394] : memref<10000x128xf32, #tpu.memory_space<hbm>> -> memref<10000x128xf32, #tpu.memory_space<hbm>>
      tpu.wait_indirect_dma semaphore(%arg16 : memref<!tpu.dma_semaphore, #tpu.memory_space<semaphore_mem>>) src(%dma_wait3A_395 : memref<10000x128xf32, #tpu.memory_space<hbm>>) dst(%arg12 : memref<80x128xf32, #tpu.memory_space<vmem>>)
      %mul3A_396 = arith.constant 80 : i32
      %mul3A_397 = arith.muli %add3A_389, %mul3A_396 : i32
      %dma_start3A_398 = tpu.memref_slice %arg10[%mul3A_397] : memref<2000xi32, #tpu.memory_space<vmem>> -> memref<80xi32, #tpu.memory_space<vmem>>
      %dma_start3A_399 = arith.constant 0 : i32
      %dma_start3A_400 = arith.constant 0 : i32
      %dma_start3A_401 = tpu.memref_slice %arg22[%dma_start3A_399, %dma_start3A_400] : memref<10000x128xf32, #tpu.memory_space<vmem_shared>> -> memref<10000x128xf32, #tpu.memory_space<vmem_shared>>
      tpu.enqueue_indirect_dma source(%arg12 : memref<80x128xf32, #tpu.memory_space<vmem>>) target(%dma_start3A_401 : memref<10000x128xf32, #tpu.memory_space<vmem_shared>>) offsets(%dma_start3A_398 : memref<80xi32, #tpu.memory_space<vmem>>) semaphore(%arg19 : memref<!tpu.dma_semaphore, #tpu.memory_space<semaphore_mem>>) {add = true}
      %mul3A_402 = arith.constant 80 : i32
      %mul3A_403 = arith.muli %add3A_389, %mul3A_402 : i32
      %add3A_404 = arith.constant 0 : i32
      %add3A_405 = arith.addi %mul3A_403, %add3A_404 : i32
      %get3A_406 = arith.index_cast %add3A_405 : i32 to index
      %get3A_407 = tpu.vector_load %arg10[%get3A_406] {strides = array<i32>} : memref<2000xi32, #tpu.memory_space<vmem>>, vector<16xi32>,
      tpu.vector_store_idx %arg14[%get3A_407], %broadcast_in_dim3A_3 {add = true} : memref<10000xf32, #tpu.memory_space<vmem>>[vector<16xi32>], vector<16xf32>,
      %mul3A_408 = arith.constant 80 : i32
      %mul3A_409 = arith.muli %add3A_389, %mul3A_408 : i32
      %add3A_410 = arith.constant 16 : i32
      %add3A_411 = arith.addi %mul3A_409, %add3A_410 : i32
      %get3A_412 = arith.index_cast %add3A_411 : i32 to index
      %get3A_413 = tpu.vector_load %arg10[%get3A_412] {strides = array<i32>} : memref<2000xi32, #tpu.memory_space<vmem>>, vector<16xi32>,
      tpu.vector_store_idx %arg14[%get3A_413], %broadcast_in_dim3A_3 {add = true} : memref<10000xf32, #tpu.memory_space<vmem>>[vector<16xi32>], vector<16xf32>,
      %mul3A_414 = arith.constant 80 : i32
      %mul3A_415 = arith.muli %add3A_389, %mul3A_414 : i32
      %add3A_416 = arith.constant 32 : i32
      %add3A_417 = arith.addi %mul3A_415, %add3A_416 : i32
      %get3A_418 = arith.index_cast %add3A_417 : i32 to index
      %get3A_419 = tpu.vector_load %arg10[%get3A_418] {strides = array<i32>} : memref<2000xi32, #tpu.memory_space<vmem>>, vector<16xi32>,
      tpu.vector_store_idx %arg14[%get3A_419], %broadcast_in_dim3A_3 {add = true} : memref<10000xf32, #tpu.memory_space<vmem>>[vector<16xi32>], vector<16xf32>,
      %mul3A_420 = arith.constant 80 : i32
      %mul3A_421 = arith.muli %add3A_389, %mul3A_420 : i32
      %add3A_422 = arith.constant 48 : i32
      %add3A_423 = arith.addi %mul3A_421, %add3A_422 : i32
      %get3A_424 = arith.index_cast %add3A_423 : i32 to index
      %get3A_425 = tpu.vector_load %arg10[%get3A_424] {strides = array<i32>} : memref<2000xi32, #tpu.memory_space<vmem>>, vector<16xi32>,
      tpu.vector_store_idx %arg14[%get3A_425], %broadcast_in_dim3A_3 {add = true} : memref<10000xf32, #tpu.memory_space<vmem>>[vector<16xi32>], vector<16xf32>,
      %mul3A_426 = arith.constant 80 : i32
      %mul3A_427 = arith.muli %add3A_389, %mul3A_426 : i32
      %add3A_428 = arith.constant 64 : i32
      %add3A_429 = arith.addi %mul3A_427, %add3A_428 : i32
      %get3A_430 = arith.index_cast %add3A_429 : i32 to index
      %get3A_431 = tpu.vector_load %arg10[%get3A_430] {strides = array<i32>} : memref<2000xi32, #tpu.memory_space<vmem>>, vector<16xi32>,
      tpu.vector_store_idx %arg14[%get3A_431], %broadcast_in_dim3A_3 {add = true} : memref<10000xf32, #tpu.memory_space<vmem>>[vector<16xi32>], vector<16xf32>,
      %sub3A = arith.constant 1 : i32
      %sub3A_432 = arith.subi %add3A_389, %sub3A : i32
      %mul3A_433 = arith.constant 80 : i32
      %mul3A_434 = arith.muli %sub3A_432, %mul3A_433 : i32
      %dma_wait3A_435 = tpu.memref_slice %arg10[%mul3A_434] : memref<2000xi32, #tpu.memory_space<vmem>> -> memref<80xi32, #tpu.memory_space<vmem>>
      %dma_wait3A_436 = arith.constant 0 : i32
      %dma_wait3A_437 = arith.constant 0 : i32
      %dma_wait3A_438 = tpu.memref_slice %arg22[%dma_wait3A_436, %dma_wait3A_437] : memref<10000x128xf32, #tpu.memory_space<vmem_shared>> -> memref<10000x128xf32, #tpu.memory_space<vmem_shared>>
      tpu.wait_indirect_dma semaphore(%arg18 : memref<!tpu.dma_semaphore, #tpu.memory_space<semaphore_mem>>) src(%arg11 : memref<80x128xf32, #tpu.memory_space<vmem>>) dst(%dma_wait3A_438 : memref<10000x128xf32, #tpu.memory_space<vmem_shared>>)
      %add3A_439 = arith.constant 2 : i32
      %add3A_440 = arith.addi %add3A_389, %add3A_439 : i32
      %mul3A_441 = arith.constant 80 : i32
      %mul3A_442 = arith.muli %add3A_440, %mul3A_441 : i32
      %dma_start3A_443 = tpu.memref_slice %arg9[%mul3A_442] : memref<2000xi32, #tpu.memory_space<vmem>> -> memref<80xi32, #tpu.memory_space<vmem>>
      %dma_start3A_444 = arith.constant 0 : i32
      %dma_start3A_445 = arith.constant 0 : i32
      %dma_start3A_446 = tpu.memref_slice %arg2[%dma_start3A_444, %dma_start3A_445] : memref<10000x128xf32, #tpu.memory_space<hbm>> -> memref<10000x128xf32, #tpu.memory_space<hbm>>
      tpu.enqueue_indirect_dma source(%dma_start3A_446 : memref<10000x128xf32, #tpu.memory_space<hbm>>) target(%arg11 : memref<80x128xf32, #tpu.memory_space<vmem>>) offsets(%dma_start3A_443 : memref<80xi32, #tpu.memory_space<vmem>>) semaphore(%arg15 : memref<!tpu.dma_semaphore, #tpu.memory_space<semaphore_mem>>)
      %add3A_447 = arith.constant 1 : i32
      %add3A_448 = arith.addi %add3A_389, %add3A_447 : i32
      %mul3A_449 = arith.constant 80 : i32
      %mul3A_450 = arith.muli %add3A_448, %mul3A_449 : i32
      %dma_wait3A_451 = tpu.memref_slice %arg9[%mul3A_450] : memref<2000xi32, #tpu.memory_space<vmem>> -> memref<80xi32, #tpu.memory_space<vmem>>
      %dma_wait3A_452 = arith.constant 0 : i32
      %dma_wait3A_453 = arith.constant 0 : i32
      %dma_wait3A_454 = tpu.memref_slice %arg2[%dma_wait3A_452, %dma_wait3A_453] : memref<10000x128xf32, #tpu.memory_space<hbm>> -> memref<10000x128xf32, #tpu.memory_space<hbm>>
      tpu.wait_indirect_dma semaphore(%arg17 : memref<!tpu.dma_semaphore, #tpu.memory_space<semaphore_mem>>) src(%dma_wait3A_454 : memref<10000x128xf32, #tpu.memory_space<hbm>>) dst(%arg13 : memref<80x128xf32, #tpu.memory_space<vmem>>)
      %add3A_455 = arith.constant 1 : i32
      %add3A_456 = arith.addi %add3A_389, %add3A_455 : i32
      %mul3A_457 = arith.constant 80 : i32
      %mul3A_458 = arith.muli %add3A_456, %mul3A_457 : i32
      %dma_start3A_459 = tpu.memref_slice %arg10[%mul3A_458] : memref<2000xi32, #tpu.memory_space<vmem>> -> memref<80xi32, #tpu.memory_space<vmem>>
      %dma_start3A_460 = arith.constant 0 : i32
      %dma_start3A_461 = arith.constant 0 : i32
      %dma_start3A_462 = tpu.memref_slice %arg22[%dma_start3A_460, %dma_start3A_461] : memref<10000x128xf32, #tpu.memory_space<vmem_shared>> -> memref<10000x128xf32, #tpu.memory_space<vmem_shared>>
      tpu.enqueue_indirect_dma source(%arg13 : memref<80x128xf32, #tpu.memory_space<vmem>>) target(%dma_start3A_462 : memref<10000x128xf32, #tpu.memory_space<vmem_shared>>) offsets(%dma_start3A_459 : memref<80xi32, #tpu.memory_space<vmem>>) semaphore(%arg20 : memref<!tpu.dma_semaphore, #tpu.memory_space<semaphore_mem>>) {add = true}
      %add3A_463 = arith.constant 1 : i32
      %add3A_464 = arith.addi %add3A_389, %add3A_463 : i32
      %mul3A_465 = arith.constant 80 : i32
      %mul3A_466 = arith.muli %add3A_464, %mul3A_465 : i32
      %add3A_467 = arith.constant 0 : i32
      %add3A_468 = arith.addi %mul3A_466, %add3A_467 : i32
      %get3A_469 = arith.index_cast %add3A_468 : i32 to index
      %get3A_470 = tpu.vector_load %arg10[%get3A_469] {strides = array<i32>} : memref<2000xi32, #tpu.memory_space<vmem>>, vector<16xi32>,
      tpu.vector_store_idx %arg14[%get3A_470], %broadcast_in_dim3A_3 {add = true} : memref<10000xf32, #tpu.memory_space<vmem>>[vector<16xi32>], vector<16xf32>,
      %mul3A_471 = arith.constant 80 : i32
      %mul3A_472 = arith.muli %add3A_464, %mul3A_471 : i32
      %add3A_473 = arith.constant 16 : i32
      %add3A_474 = arith.addi %mul3A_472, %add3A_473 : i32
      %get3A_475 = arith.index_cast %add3A_474 : i32 to index
      %get3A_476 = tpu.vector_load %arg10[%get3A_475] {strides = array<i32>} : memref<2000xi32, #tpu.memory_space<vmem>>, vector<16xi32>,
      tpu.vector_store_idx %arg14[%get3A_476], %broadcast_in_dim3A_3 {add = true} : memref<10000xf32, #tpu.memory_space<vmem>>[vector<16xi32>], vector<16xf32>,
      %mul3A_477 = arith.constant 80 : i32
      %mul3A_478 = arith.muli %add3A_464, %mul3A_477 : i32
      %add3A_479 = arith.constant 32 : i32
      %add3A_480 = arith.addi %mul3A_478, %add3A_479 : i32
      %get3A_481 = arith.index_cast %add3A_480 : i32 to index
      %get3A_482 = tpu.vector_load %arg10[%get3A_481] {strides = array<i32>} : memref<2000xi32, #tpu.memory_space<vmem>>, vector<16xi32>,
      tpu.vector_store_idx %arg14[%get3A_482], %broadcast_in_dim3A_3 {add = true} : memref<10000xf32, #tpu.memory_space<vmem>>[vector<16xi32>], vector<16xf32>,
      %mul3A_483 = arith.constant 80 : i32
      %mul3A_484 = arith.muli %add3A_464, %mul3A_483 : i32
      %add3A_485 = arith.constant 48 : i32
      %add3A_486 = arith.addi %mul3A_484, %add3A_485 : i32
      %get3A_487 = arith.index_cast %add3A_486 : i32 to index
      %get3A_488 = tpu.vector_load %arg10[%get3A_487] {strides = array<i32>} : memref<2000xi32, #tpu.memory_space<vmem>>, vector<16xi32>,
      tpu.vector_store_idx %arg14[%get3A_488], %broadcast_in_dim3A_3 {add = true} : memref<10000xf32, #tpu.memory_space<vmem>>[vector<16xi32>], vector<16xf32>,
      %mul3A_489 = arith.constant 80 : i32
      %mul3A_490 = arith.muli %add3A_464, %mul3A_489 : i32
      %add3A_491 = arith.constant 64 : i32
      %add3A_492 = arith.addi %mul3A_490, %add3A_491 : i32
      %get3A_493 = arith.index_cast %add3A_492 : i32 to index
      %get3A_494 = tpu.vector_load %arg10[%get3A_493] {strides = array<i32>} : memref<2000xi32, #tpu.memory_space<vmem>>, vector<16xi32>,
      tpu.vector_store_idx %arg14[%get3A_494], %broadcast_in_dim3A_3 {add = true} : memref<10000xf32, #tpu.memory_space<vmem>>[vector<16xi32>], vector<16xf32>,
      %mul3A_495 = arith.constant 80 : i32
      %mul3A_496 = arith.muli %add3A_389, %mul3A_495 : i32
      %dma_wait3A_497 = tpu.memref_slice %arg10[%mul3A_496] : memref<2000xi32, #tpu.memory_space<vmem>> -> memref<80xi32, #tpu.memory_space<vmem>>
      %dma_wait3A_498 = arith.constant 0 : i32
      %dma_wait3A_499 = arith.constant 0 : i32
      %dma_wait3A_500 = tpu.memref_slice %arg22[%dma_wait3A_498, %dma_wait3A_499] : memref<10000x128xf32, #tpu.memory_space<vmem_shared>> -> memref<10000x128xf32, #tpu.memory_space<vmem_shared>>
      tpu.wait_indirect_dma semaphore(%arg19 : memref<!tpu.dma_semaphore, #tpu.memory_space<semaphore_mem>>) src(%arg12 : memref<80x128xf32, #tpu.memory_space<vmem>>) dst(%dma_wait3A_500 : memref<10000x128xf32, #tpu.memory_space<vmem_shared>>)
      %le3A = arith.constant 21 : i32
      %le3A_501 = arith.cmpi sle, %add3A_389, %le3A : i32
      %convert_element_type3A = arith.extui %le3A_501 : i1 to i32
      %cond3A = arith.constant 0 : i32
      %cond3A_502 = arith.cmpi ne, %convert_element_type3A, %cond3A : i32
      scf.if %cond3A_502 {
        %add3A_564 = arith.constant 3 : i32
        %add3A_565 = arith.addi %add3A_389, %add3A_564 : i32
        %mul3A_566 = arith.constant 80 : i32
        %mul3A_567 = arith.muli %add3A_565, %mul3A_566 : i32
        %dma_start3A_568 = tpu.memref_slice %arg9[%mul3A_567] : memref<2000xi32, #tpu.memory_space<vmem>> -> memref<80xi32, #tpu.memory_space<vmem>>
        %dma_start3A_569 = arith.constant 0 : i32
        %dma_start3A_570 = arith.constant 0 : i32
        %dma_start3A_571 = tpu.memref_slice %arg2[%dma_start3A_569, %dma_start3A_570] : memref<10000x128xf32, #tpu.memory_space<hbm>> -> memref<10000x128xf32, #tpu.memory_space<hbm>>
        tpu.enqueue_indirect_dma source(%dma_start3A_571 : memref<10000x128xf32, #tpu.memory_space<hbm>>) target(%arg12 : memref<80x128xf32, #tpu.memory_space<vmem>>) offsets(%dma_start3A_568 : memref<80xi32, #tpu.memory_space<vmem>>) semaphore(%arg16 : memref<!tpu.dma_semaphore, #tpu.memory_space<semaphore_mem>>)
      } else {
      }
      %add3A_503 = arith.constant 2 : i32
      %add3A_504 = arith.addi %add3A_389, %add3A_503 : i32
      %mul3A_505 = arith.constant 80 : i32
      %mul3A_506 = arith.muli %add3A_504, %mul3A_505 : i32
      %dma_wait3A_507 = tpu.memref_slice %arg9[%mul3A_506] : memref<2000xi32, #tpu.memory_space<vmem>> -> memref<80xi32, #tpu.memory_space<vmem>>
      %dma_wait3A_508 = arith.constant 0 : i32
      %dma_wait3A_509 = arith.constant 0 : i32
      %dma_wait3A_510 = tpu.memref_slice %arg2[%dma_wait3A_508, %dma_wait3A_509] : memref<10000x128xf32, #tpu.memory_space<hbm>> -> memref<10000x128xf32, #tpu.memory_space<hbm>>
      tpu.wait_indirect_dma semaphore(%arg15 : memref<!tpu.dma_semaphore, #tpu.memory_space<semaphore_mem>>) src(%dma_wait3A_510 : memref<10000x128xf32, #tpu.memory_space<hbm>>) dst(%arg11 : memref<80x128xf32, #tpu.memory_space<vmem>>)
      %add3A_511 = arith.constant 2 : i32
      %add3A_512 = arith.addi %add3A_389, %add3A_511 : i32
      %mul3A_513 = arith.constant 80 : i32
      %mul3A_514 = arith.muli %add3A_512, %mul3A_513 : i32
      %dma_start3A_515 = tpu.memref_slice %arg10[%mul3A_514] : memref<2000xi32, #tpu.memory_space<vmem>> -> memref<80xi32, #tpu.memory_space<vmem>>
      %dma_start3A_516 = arith.constant 0 : i32
      %dma_start3A_517 = arith.constant 0 : i32
      %dma_start3A_518 = tpu.memref_slice %arg22[%dma_start3A_516, %dma_start3A_517] : memref<10000x128xf32, #tpu.memory_space<vmem_shared>> -> memref<10000x128xf32, #tpu.memory_space<vmem_shared>>
      tpu.enqueue_indirect_dma source(%arg11 : memref<80x128xf32, #tpu.memory_space<vmem>>) target(%dma_start3A_518 : memref<10000x128xf32, #tpu.memory_space<vmem_shared>>) offsets(%dma_start3A_515 : memref<80xi32, #tpu.memory_space<vmem>>) semaphore(%arg18 : memref<!tpu.dma_semaphore, #tpu.memory_space<semaphore_mem>>) {add = true}
      %add3A_519 = arith.constant 2 : i32
      %add3A_520 = arith.addi %add3A_389, %add3A_519 : i32
      %mul3A_521 = arith.constant 80 : i32
      %mul3A_522 = arith.muli %add3A_520, %mul3A_521 : i32
      %add3A_523 = arith.constant 0 : i32
      %add3A_524 = arith.addi %mul3A_522, %add3A_523 : i32
      %get3A_525 = arith.index_cast %add3A_524 : i32 to index
      %get3A_526 = tpu.vector_load %arg10[%get3A_525] {strides = array<i32>} : memref<2000xi32, #tpu.memory_space<vmem>>, vector<16xi32>,
      tpu.vector_store_idx %arg14[%get3A_526], %broadcast_in_dim3A_3 {add = true} : memref<10000xf32, #tpu.memory_space<vmem>>[vector<16xi32>], vector<16xf32>,
      %mul3A_527 = arith.constant 80 : i32
      %mul3A_528 = arith.muli %add3A_520, %mul3A_527 : i32
      %add3A_529 = arith.constant 16 : i32
      %add3A_530 = arith.addi %mul3A_528, %add3A_529 : i32
      %get3A_531 = arith.index_cast %add3A_530 : i32 to index
      %get3A_532 = tpu.vector_load %arg10[%get3A_531] {strides = array<i32>} : memref<2000xi32, #tpu.memory_space<vmem>>, vector<16xi32>,
      tpu.vector_store_idx %arg14[%get3A_532], %broadcast_in_dim3A_3 {add = true} : memref<10000xf32, #tpu.memory_space<vmem>>[vector<16xi32>], vector<16xf32>,
      %mul3A_533 = arith.constant 80 : i32
      %mul3A_534 = arith.muli %add3A_520, %mul3A_533 : i32
      %add3A_535 = arith.constant 32 : i32
      %add3A_536 = arith.addi %mul3A_534, %add3A_535 : i32
      %get3A_537 = arith.index_cast %add3A_536 : i32 to index
      %get3A_538 = tpu.vector_load %arg10[%get3A_537] {strides = array<i32>} : memref<2000xi32, #tpu.memory_space<vmem>>, vector<16xi32>,
      tpu.vector_store_idx %arg14[%get3A_538], %broadcast_in_dim3A_3 {add = true} : memref<10000xf32, #tpu.memory_space<vmem>>[vector<16xi32>], vector<16xf32>,
      %mul3A_539 = arith.constant 80 : i32
      %mul3A_540 = arith.muli %add3A_520, %mul3A_539 : i32
      %add3A_541 = arith.constant 48 : i32
      %add3A_542 = arith.addi %mul3A_540, %add3A_541 : i32
      %get3A_543 = arith.index_cast %add3A_542 : i32 to index
      %get3A_544 = tpu.vector_load %arg10[%get3A_543] {strides = array<i32>} : memref<2000xi32, #tpu.memory_space<vmem>>, vector<16xi32>,
      tpu.vector_store_idx %arg14[%get3A_544], %broadcast_in_dim3A_3 {add = true} : memref<10000xf32, #tpu.memory_space<vmem>>[vector<16xi32>], vector<16xf32>,
      %mul3A_545 = arith.constant 80 : i32
      %mul3A_546 = arith.muli %add3A_520, %mul3A_545 : i32
      %add3A_547 = arith.constant 64 : i32
      %add3A_548 = arith.addi %mul3A_546, %add3A_547 : i32
      %get3A_549 = arith.index_cast %add3A_548 : i32 to index
      %get3A_550 = tpu.vector_load %arg10[%get3A_549] {strides = array<i32>} : memref<2000xi32, #tpu.memory_space<vmem>>, vector<16xi32>,
      tpu.vector_store_idx %arg14[%get3A_550], %broadcast_in_dim3A_3 {add = true} : memref<10000xf32, #tpu.memory_space<vmem>>[vector<16xi32>], vector<16xf32>,
      %add3A_551 = arith.constant 1 : i32
      %add3A_552 = arith.addi %add3A_389, %add3A_551 : i32
      %mul3A_553 = arith.constant 80 : i32
      %mul3A_554 = arith.muli %add3A_552, %mul3A_553 : i32
      %dma_wait3A_555 = tpu.memref_slice %arg10[%mul3A_554] : memref<2000xi32, #tpu.memory_space<vmem>> -> memref<80xi32, #tpu.memory_space<vmem>>
      %dma_wait3A_556 = arith.constant 0 : i32
      %dma_wait3A_557 = arith.constant 0 : i32
      %dma_wait3A_558 = tpu.memref_slice %arg22[%dma_wait3A_556, %dma_wait3A_557] : memref<10000x128xf32, #tpu.memory_space<vmem_shared>> -> memref<10000x128xf32, #tpu.memory_space<vmem_shared>>
      tpu.wait_indirect_dma semaphore(%arg20 : memref<!tpu.dma_semaphore, #tpu.memory_space<semaphore_mem>>) src(%arg13 : memref<80x128xf32, #tpu.memory_space<vmem>>) dst(%dma_wait3A_558 : memref<10000x128xf32, #tpu.memory_space<vmem_shared>>)
      %le3A_559 = arith.constant 20 : i32
      %le3A_560 = arith.cmpi sle, %add3A_389, %le3A_559 : i32
      %convert_element_type3A_561 = arith.extui %le3A_560 : i1 to i32
      %cond3A_562 = arith.constant 0 : i32
      %cond3A_563 = arith.cmpi ne, %convert_element_type3A_561, %cond3A_562 : i32
      scf.if %cond3A_563 {
        %add3A_564 = arith.constant 4 : i32
        %add3A_565 = arith.addi %add3A_389, %add3A_564 : i32
        %mul3A_566 = arith.constant 80 : i32
        %mul3A_567 = arith.muli %add3A_565, %mul3A_566 : i32
        %dma_start3A_568 = tpu.memref_slice %arg9[%mul3A_567] : memref<2000xi32, #tpu.memory_space<vmem>> -> memref<80xi32, #tpu.memory_space<vmem>>
        %dma_start3A_569 = arith.constant 0 : i32
        %dma_start3A_570 = arith.constant 0 : i32
        %dma_start3A_571 = tpu.memref_slice %arg2[%dma_start3A_569, %dma_start3A_570] : memref<10000x128xf32, #tpu.memory_space<hbm>> -> memref<10000x128xf32, #tpu.memory_space<hbm>>
        tpu.enqueue_indirect_dma source(%dma_start3A_571 : memref<10000x128xf32, #tpu.memory_space<hbm>>) target(%arg13 : memref<80x128xf32, #tpu.memory_space<vmem>>) offsets(%dma_start3A_568 : memref<80xi32, #tpu.memory_space<vmem>>) semaphore(%arg17 : memref<!tpu.dma_semaphore, #tpu.memory_space<semaphore_mem>>)
      } else {
      }
    }
    %scan3A_311 = arith.constant 8 : i32
    %dma_wait3A_312 = arith.constant 1920 : i32
    %dma_wait3A_313 = tpu.memref_slice %arg10[%dma_wait3A_312] : memref<2000xi32, #tpu.memory_space<vmem>> -> memref<80xi32, #tpu.memory_space<vmem>>
    %dma_wait3A_314 = arith.constant 0 : i32
    %dma_wait3A_315 = arith.constant 0 : i32
    %dma_wait3A_316 = tpu.memref_slice %arg22[%dma_wait3A_314, %dma_wait3A_315] : memref<10000x128xf32, #tpu.memory_space<vmem_shared>> -> memref<10000x128xf32, #tpu.memory_space<vmem_shared>>
    tpu.wait_indirect_dma semaphore(%arg18 : memref<!tpu.dma_semaphore, #tpu.memory_space<semaphore_mem>>) src(%arg11 : memref<80x128xf32, #tpu.memory_space<vmem>>) dst(%dma_wait3A_316 : memref<10000x128xf32, #tpu.memory_space<vmem_shared>>)
    %add3A_317 = arith.constant 8000 : i32
    %add3A_318 = arith.addi %mul3A_2, %add3A_317 : i32
    %dma_wait3A_319 = arith.constant 1 : i32
    %dma_wait3A_320 = tpu.memref_slice %arg3[%dma_wait3A_319, %add3A_318] : memref<2x320000xi32, #tpu.memory_space<hbm>> -> memref<1x2000xi32, #tpu.memory_space<hbm>>
    %dma_wait3A_321 = tpu.memref_squeeze %dma_wait3A_320 : memref<1x2000xi32, #tpu.memory_space<hbm>> -> memref<2000xi32, #tpu.memory_space<hbm>>
    %dma_wait3A_322 = tpu.memref_slice %arg3[%dma_wait3A_319, %add3A_318] : memref<2x320000xi32, #tpu.memory_space<hbm>> -> memref<1x2000xi32, #tpu.memory_space<hbm>>
    %dma_wait3A_323 = tpu.memref_squeeze %dma_wait3A_322 : memref<1x2000xi32, #tpu.memory_space<hbm>> -> memref<2000xi32, #tpu.memory_space<hbm>>
    tpu.wait_dma2 semaphore(%arg21 : memref<!tpu.dma_semaphore, #tpu.memory_space<semaphore_mem>>) src(%dma_wait3A_323 : memref<2000xi32, #tpu.memory_space<hbm>>) dst(%arg7 : memref<2000xi32, #tpu.memory_space<vmem>>)
    %add3A_324 = arith.constant 8000 : i32
    %add3A_325 = arith.addi %mul3A_2, %add3A_324 : i32
    %dma_wait3A_326 = arith.constant 0 : i32
    %dma_wait3A_327 = tpu.memref_slice %arg3[%dma_wait3A_326, %add3A_325] : memref<2x320000xi32, #tpu.memory_space<hbm>> -> memref<1x2000xi32, #tpu.memory_space<hbm>>
    %dma_wait3A_328 = tpu.memref_squeeze %dma_wait3A_327 : memref<1x2000xi32, #tpu.memory_space<hbm>> -> memref<2000xi32, #tpu.memory_space<hbm>>
    %dma_wait3A_329 = tpu.memref_slice %arg3[%dma_wait3A_326, %add3A_325] : memref<2x320000xi32, #tpu.memory_space<hbm>> -> memref<1x2000xi32, #tpu.memory_space<hbm>>
    %dma_wait3A_330 = tpu.memref_squeeze %dma_wait3A_329 : memref<1x2000xi32, #tpu.memory_space<hbm>> -> memref<2000xi32, #tpu.memory_space<hbm>>
    tpu.wait_dma2 semaphore(%arg21 : memref<!tpu.dma_semaphore, #tpu.memory_space<semaphore_mem>>) src(%dma_wait3A_330 : memref<2000xi32, #tpu.memory_space<hbm>>) dst(%arg8 : memref<2000xi32, #tpu.memory_space<vmem>>)
    %dma_start3A_331 = arith.constant 0 : i32
    %dma_start3A_332 = tpu.memref_slice %arg7[%dma_start3A_331] : memref<2000xi32, #tpu.memory_space<vmem>> -> memref<80xi32, #tpu.memory_space<vmem>>
    %dma_start3A_333 = arith.constant 0 : i32
    %dma_start3A_334 = arith.constant 0 : i32
    %dma_start3A_335 = tpu.memref_slice %arg2[%dma_start3A_333, %dma_start3A_334] : memref<10000x128xf32, #tpu.memory_space<hbm>> -> memref<10000x128xf32, #tpu.memory_space<hbm>>
    tpu.enqueue_indirect_dma source(%dma_start3A_335 : memref<10000x128xf32, #tpu.memory_space<hbm>>) target(%arg11 : memref<80x128xf32, #tpu.memory_space<vmem>>) offsets(%dma_start3A_332 : memref<80xi32, #tpu.memory_space<vmem>>) semaphore(%arg15 : memref<!tpu.dma_semaphore, #tpu.memory_space<semaphore_mem>>)
    %dma_start3A_336 = arith.constant 80 : i32
    %dma_start3A_337 = tpu.memref_slice %arg7[%dma_start3A_336] : memref<2000xi32, #tpu.memory_space<vmem>> -> memref<80xi32, #tpu.memory_space<vmem>>
    %dma_start3A_338 = arith.constant 0 : i32
    %dma_start3A_339 = arith.constant 0 : i32
    %dma_start3A_340 = tpu.memref_slice %arg2[%dma_start3A_338, %dma_start3A_339] : memref<10000x128xf32, #tpu.memory_space<hbm>> -> memref<10000x128xf32, #tpu.memory_space<hbm>>
    tpu.enqueue_indirect_dma source(%dma_start3A_340 : memref<10000x128xf32, #tpu.memory_space<hbm>>) target(%arg12 : memref<80x128xf32, #tpu.memory_space<vmem>>) offsets(%dma_start3A_337 : memref<80xi32, #tpu.memory_space<vmem>>) semaphore(%arg16 : memref<!tpu.dma_semaphore, #tpu.memory_space<semaphore_mem>>)
    %dma_wait3A_341 = arith.constant 0 : i32
    %dma_wait3A_342 = tpu.memref_slice %arg7[%dma_wait3A_341] : memref<2000xi32, #tpu.memory_space<vmem>> -> memref<80xi32, #tpu.memory_space<vmem>>
    %dma_wait3A_343 = arith.constant 0 : i32
    %dma_wait3A_344 = arith.constant 0 : i32
    %dma_wait3A_345 = tpu.memref_slice %arg2[%dma_wait3A_343, %dma_wait3A_344] : memref<10000x128xf32, #tpu.memory_space<hbm>> -> memref<10000x128xf32, #tpu.memory_space<hbm>>
    tpu.wait_indirect_dma semaphore(%arg15 : memref<!tpu.dma_semaphore, #tpu.memory_space<semaphore_mem>>) src(%dma_wait3A_345 : memref<10000x128xf32, #tpu.memory_space<hbm>>) dst(%arg11 : memref<80x128xf32, #tpu.memory_space<vmem>>)
    %dma_start3A_346 = arith.constant 0 : i32
    %dma_start3A_347 = tpu.memref_slice %arg8[%dma_start3A_346] : memref<2000xi32, #tpu.memory_space<vmem>> -> memref<80xi32, #tpu.memory_space<vmem>>
    %dma_start3A_348 = arith.constant 0 : i32
    %dma_start3A_349 = arith.constant 0 : i32
    %dma_start3A_350 = tpu.memref_slice %arg22[%dma_start3A_348, %dma_start3A_349] : memref<10000x128xf32, #tpu.memory_space<vmem_shared>> -> memref<10000x128xf32, #tpu.memory_space<vmem_shared>>
    tpu.enqueue_indirect_dma source(%arg11 : memref<80x128xf32, #tpu.memory_space<vmem>>) target(%dma_start3A_350 : memref<10000x128xf32, #tpu.memory_space<vmem_shared>>) offsets(%dma_start3A_347 : memref<80xi32, #tpu.memory_space<vmem>>) semaphore(%arg18 : memref<!tpu.dma_semaphore, #tpu.memory_space<semaphore_mem>>) {add = true}
    %get3A_351 = arith.constant 0 : index
    %get3A_352 = tpu.vector_load %arg8[%get3A_351] {strides = array<i32>} : memref<2000xi32, #tpu.memory_space<vmem>>, vector<16xi32>,
    tpu.vector_store_idx %arg14[%get3A_352], %broadcast_in_dim3A_3 {add = true} : memref<10000xf32, #tpu.memory_space<vmem>>[vector<16xi32>], vector<16xf32>,
    %get3A_353 = arith.constant 16 : index
    %get3A_354 = tpu.vector_load %arg8[%get3A_353] {strides = array<i32>} : memref<2000xi32, #tpu.memory_space<vmem>>, vector<16xi32>,
    tpu.vector_store_idx %arg14[%get3A_354], %broadcast_in_dim3A_3 {add = true} : memref<10000xf32, #tpu.memory_space<vmem>>[vector<16xi32>], vector<16xf32>,
    %get3A_355 = arith.constant 32 : index
    %get3A_356 = tpu.vector_load %arg8[%get3A_355] {strides = array<i32>} : memref<2000xi32, #tpu.memory_space<vmem>>, vector<16xi32>,
    tpu.vector_store_idx %arg14[%get3A_356], %broadcast_in_dim3A_3 {add = true} : memref<10000xf32, #tpu.memory_space<vmem>>[vector<16xi32>], vector<16xf32>,
    %get3A_357 = arith.constant 48 : index
    %get3A_358 = tpu.vector_load %arg8[%get3A_357] {strides = array<i32>} : memref<2000xi32, #tpu.memory_space<vmem>>, vector<16xi32>,
    tpu.vector_store_idx %arg14[%get3A_358], %broadcast_in_dim3A_3 {add = true} : memref<10000xf32, #tpu.memory_space<vmem>>[vector<16xi32>], vector<16xf32>,
    %get3A_359 = arith.constant 64 : index
    %get3A_360 = tpu.vector_load %arg8[%get3A_359] {strides = array<i32>} : memref<2000xi32, #tpu.memory_space<vmem>>, vector<16xi32>,
    tpu.vector_store_idx %arg14[%get3A_360], %broadcast_in_dim3A_3 {add = true} : memref<10000xf32, #tpu.memory_space<vmem>>[vector<16xi32>], vector<16xf32>,
    %dma_start3A_361 = arith.constant 160 : i32
    %dma_start3A_362 = tpu.memref_slice %arg7[%dma_start3A_361] : memref<2000xi32, #tpu.memory_space<vmem>> -> memref<80xi32, #tpu.memory_space<vmem>>
    %dma_start3A_363 = arith.constant 0 : i32
    %dma_start3A_364 = arith.constant 0 : i32
    %dma_start3A_365 = tpu.memref_slice %arg2[%dma_start3A_363, %dma_start3A_364] : memref<10000x128xf32, #tpu.memory_space<hbm>> -> memref<10000x128xf32, #tpu.memory_space<hbm>>
    tpu.enqueue_indirect_dma source(%dma_start3A_365 : memref<10000x128xf32, #tpu.memory_space<hbm>>) target(%arg13 : memref<80x128xf32, #tpu.memory_space<vmem>>) offsets(%dma_start3A_362 : memref<80xi32, #tpu.memory_space<vmem>>) semaphore(%arg17 : memref<!tpu.dma_semaphore, #tpu.memory_space<semaphore_mem>>)
    %scan3A_366 = arith.constant 0 : i32
    %scan3A_367 = arith.constant 8 : i32
    %scan3A_368 = arith.addi %scan3A_366, %scan3A_367 : i32
    %scan3A_369 = arith.constant 1 : i32
    scf.for %scan3A_385 = %scan3A_366 to %scan3A_368 step %scan3A_369  : i32 {
      %mul3A_386 = arith.constant 3 : i32
      %mul3A_387 = arith.muli %scan3A_385, %mul3A_386 : i32
      %add3A_388 = arith.constant 1 : i32
      %add3A_389 = arith.addi %add3A_388, %mul3A_387 : i32
      %mul3A_390 = arith.constant 80 : i32
      %mul3A_391 = arith.muli %add3A_389, %mul3A_390 : i32
      %dma_wait3A_392 = tpu.memref_slice %arg7[%mul3A_391] : memref<2000xi32, #tpu.memory_space<vmem>> -> memref<80xi32, #tpu.memory_space<vmem>>
      %dma_wait3A_393 = arith.constant 0 : i32
      %dma_wait3A_394 = arith.constant 0 : i32
      %dma_wait3A_395 = tpu.memref_slice %arg2[%dma_wait3A_393, %dma_wait3A_394] : memref<10000x128xf32, #tpu.memory_space<hbm>> -> memref<10000x128xf32, #tpu.memory_space<hbm>>
      tpu.wait_indirect_dma semaphore(%arg16 : memref<!tpu.dma_semaphore, #tpu.memory_space<semaphore_mem>>) src(%dma_wait3A_395 : memref<10000x128xf32, #tpu.memory_space<hbm>>) dst(%arg12 : memref<80x128xf32, #tpu.memory_space<vmem>>)
      %mul3A_396 = arith.constant 80 : i32
      %mul3A_397 = arith.muli %add3A_389, %mul3A_396 : i32
      %dma_start3A_398 = tpu.memref_slice %arg8[%mul3A_397] : memref<2000xi32, #tpu.memory_space<vmem>> -> memref<80xi32, #tpu.memory_space<vmem>>
      %dma_start3A_399 = arith.constant 0 : i32
      %dma_start3A_400 = arith.constant 0 : i32
      %dma_start3A_401 = tpu.memref_slice %arg22[%dma_start3A_399, %dma_start3A_400] : memref<10000x128xf32, #tpu.memory_space<vmem_shared>> -> memref<10000x128xf32, #tpu.memory_space<vmem_shared>>
      tpu.enqueue_indirect_dma source(%arg12 : memref<80x128xf32, #tpu.memory_space<vmem>>) target(%dma_start3A_401 : memref<10000x128xf32, #tpu.memory_space<vmem_shared>>) offsets(%dma_start3A_398 : memref<80xi32, #tpu.memory_space<vmem>>) semaphore(%arg19 : memref<!tpu.dma_semaphore, #tpu.memory_space<semaphore_mem>>) {add = true}
      %mul3A_402 = arith.constant 80 : i32
      %mul3A_403 = arith.muli %add3A_389, %mul3A_402 : i32
      %add3A_404 = arith.constant 0 : i32
      %add3A_405 = arith.addi %mul3A_403, %add3A_404 : i32
      %get3A_406 = arith.index_cast %add3A_405 : i32 to index
      %get3A_407 = tpu.vector_load %arg8[%get3A_406] {strides = array<i32>} : memref<2000xi32, #tpu.memory_space<vmem>>, vector<16xi32>,
      tpu.vector_store_idx %arg14[%get3A_407], %broadcast_in_dim3A_3 {add = true} : memref<10000xf32, #tpu.memory_space<vmem>>[vector<16xi32>], vector<16xf32>,
      %mul3A_408 = arith.constant 80 : i32
      %mul3A_409 = arith.muli %add3A_389, %mul3A_408 : i32
      %add3A_410 = arith.constant 16 : i32
      %add3A_411 = arith.addi %mul3A_409, %add3A_410 : i32
      %get3A_412 = arith.index_cast %add3A_411 : i32 to index
      %get3A_413 = tpu.vector_load %arg8[%get3A_412] {strides = array<i32>} : memref<2000xi32, #tpu.memory_space<vmem>>, vector<16xi32>,
      tpu.vector_store_idx %arg14[%get3A_413], %broadcast_in_dim3A_3 {add = true} : memref<10000xf32, #tpu.memory_space<vmem>>[vector<16xi32>], vector<16xf32>,
      %mul3A_414 = arith.constant 80 : i32
      %mul3A_415 = arith.muli %add3A_389, %mul3A_414 : i32
      %add3A_416 = arith.constant 32 : i32
      %add3A_417 = arith.addi %mul3A_415, %add3A_416 : i32
      %get3A_418 = arith.index_cast %add3A_417 : i32 to index
      %get3A_419 = tpu.vector_load %arg8[%get3A_418] {strides = array<i32>} : memref<2000xi32, #tpu.memory_space<vmem>>, vector<16xi32>,
      tpu.vector_store_idx %arg14[%get3A_419], %broadcast_in_dim3A_3 {add = true} : memref<10000xf32, #tpu.memory_space<vmem>>[vector<16xi32>], vector<16xf32>,
      %mul3A_420 = arith.constant 80 : i32
      %mul3A_421 = arith.muli %add3A_389, %mul3A_420 : i32
      %add3A_422 = arith.constant 48 : i32
      %add3A_423 = arith.addi %mul3A_421, %add3A_422 : i32
      %get3A_424 = arith.index_cast %add3A_423 : i32 to index
      %get3A_425 = tpu.vector_load %arg8[%get3A_424] {strides = array<i32>} : memref<2000xi32, #tpu.memory_space<vmem>>, vector<16xi32>,
      tpu.vector_store_idx %arg14[%get3A_425], %broadcast_in_dim3A_3 {add = true} : memref<10000xf32, #tpu.memory_space<vmem>>[vector<16xi32>], vector<16xf32>,
      %mul3A_426 = arith.constant 80 : i32
      %mul3A_427 = arith.muli %add3A_389, %mul3A_426 : i32
      %add3A_428 = arith.constant 64 : i32
      %add3A_429 = arith.addi %mul3A_427, %add3A_428 : i32
      %get3A_430 = arith.index_cast %add3A_429 : i32 to index
      %get3A_431 = tpu.vector_load %arg8[%get3A_430] {strides = array<i32>} : memref<2000xi32, #tpu.memory_space<vmem>>, vector<16xi32>,
      tpu.vector_store_idx %arg14[%get3A_431], %broadcast_in_dim3A_3 {add = true} : memref<10000xf32, #tpu.memory_space<vmem>>[vector<16xi32>], vector<16xf32>,
      %sub3A = arith.constant 1 : i32
      %sub3A_432 = arith.subi %add3A_389, %sub3A : i32
      %mul3A_433 = arith.constant 80 : i32
      %mul3A_434 = arith.muli %sub3A_432, %mul3A_433 : i32
      %dma_wait3A_435 = tpu.memref_slice %arg8[%mul3A_434] : memref<2000xi32, #tpu.memory_space<vmem>> -> memref<80xi32, #tpu.memory_space<vmem>>
      %dma_wait3A_436 = arith.constant 0 : i32
      %dma_wait3A_437 = arith.constant 0 : i32
      %dma_wait3A_438 = tpu.memref_slice %arg22[%dma_wait3A_436, %dma_wait3A_437] : memref<10000x128xf32, #tpu.memory_space<vmem_shared>> -> memref<10000x128xf32, #tpu.memory_space<vmem_shared>>
      tpu.wait_indirect_dma semaphore(%arg18 : memref<!tpu.dma_semaphore, #tpu.memory_space<semaphore_mem>>) src(%arg11 : memref<80x128xf32, #tpu.memory_space<vmem>>) dst(%dma_wait3A_438 : memref<10000x128xf32, #tpu.memory_space<vmem_shared>>)
      %add3A_439 = arith.constant 2 : i32
      %add3A_440 = arith.addi %add3A_389, %add3A_439 : i32
      %mul3A_441 = arith.constant 80 : i32
      %mul3A_442 = arith.muli %add3A_440, %mul3A_441 : i32
      %dma_start3A_443 = tpu.memref_slice %arg7[%mul3A_442] : memref<2000xi32, #tpu.memory_space<vmem>> -> memref<80xi32, #tpu.memory_space<vmem>>
      %dma_start3A_444 = arith.constant 0 : i32
      %dma_start3A_445 = arith.constant 0 : i32
      %dma_start3A_446 = tpu.memref_slice %arg2[%dma_start3A_444, %dma_start3A_445] : memref<10000x128xf32, #tpu.memory_space<hbm>> -> memref<10000x128xf32, #tpu.memory_space<hbm>>
      tpu.enqueue_indirect_dma source(%dma_start3A_446 : memref<10000x128xf32, #tpu.memory_space<hbm>>) target(%arg11 : memref<80x128xf32, #tpu.memory_space<vmem>>) offsets(%dma_start3A_443 : memref<80xi32, #tpu.memory_space<vmem>>) semaphore(%arg15 : memref<!tpu.dma_semaphore, #tpu.memory_space<semaphore_mem>>)
      %add3A_447 = arith.constant 1 : i32
      %add3A_448 = arith.addi %add3A_389, %add3A_447 : i32
      %mul3A_449 = arith.constant 80 : i32
      %mul3A_450 = arith.muli %add3A_448, %mul3A_449 : i32
      %dma_wait3A_451 = tpu.memref_slice %arg7[%mul3A_450] : memref<2000xi32, #tpu.memory_space<vmem>> -> memref<80xi32, #tpu.memory_space<vmem>>
      %dma_wait3A_452 = arith.constant 0 : i32
      %dma_wait3A_453 = arith.constant 0 : i32
      %dma_wait3A_454 = tpu.memref_slice %arg2[%dma_wait3A_452, %dma_wait3A_453] : memref<10000x128xf32, #tpu.memory_space<hbm>> -> memref<10000x128xf32, #tpu.memory_space<hbm>>
      tpu.wait_indirect_dma semaphore(%arg17 : memref<!tpu.dma_semaphore, #tpu.memory_space<semaphore_mem>>) src(%dma_wait3A_454 : memref<10000x128xf32, #tpu.memory_space<hbm>>) dst(%arg13 : memref<80x128xf32, #tpu.memory_space<vmem>>)
      %add3A_455 = arith.constant 1 : i32
      %add3A_456 = arith.addi %add3A_389, %add3A_455 : i32
      %mul3A_457 = arith.constant 80 : i32
      %mul3A_458 = arith.muli %add3A_456, %mul3A_457 : i32
      %dma_start3A_459 = tpu.memref_slice %arg8[%mul3A_458] : memref<2000xi32, #tpu.memory_space<vmem>> -> memref<80xi32, #tpu.memory_space<vmem>>
      %dma_start3A_460 = arith.constant 0 : i32
      %dma_start3A_461 = arith.constant 0 : i32
      %dma_start3A_462 = tpu.memref_slice %arg22[%dma_start3A_460, %dma_start3A_461] : memref<10000x128xf32, #tpu.memory_space<vmem_shared>> -> memref<10000x128xf32, #tpu.memory_space<vmem_shared>>
      tpu.enqueue_indirect_dma source(%arg13 : memref<80x128xf32, #tpu.memory_space<vmem>>) target(%dma_start3A_462 : memref<10000x128xf32, #tpu.memory_space<vmem_shared>>) offsets(%dma_start3A_459 : memref<80xi32, #tpu.memory_space<vmem>>) semaphore(%arg20 : memref<!tpu.dma_semaphore, #tpu.memory_space<semaphore_mem>>) {add = true}
      %add3A_463 = arith.constant 1 : i32
      %add3A_464 = arith.addi %add3A_389, %add3A_463 : i32
      %mul3A_465 = arith.constant 80 : i32
      %mul3A_466 = arith.muli %add3A_464, %mul3A_465 : i32
      %add3A_467 = arith.constant 0 : i32
      %add3A_468 = arith.addi %mul3A_466, %add3A_467 : i32
      %get3A_469 = arith.index_cast %add3A_468 : i32 to index
      %get3A_470 = tpu.vector_load %arg8[%get3A_469] {strides = array<i32>} : memref<2000xi32, #tpu.memory_space<vmem>>, vector<16xi32>,
      tpu.vector_store_idx %arg14[%get3A_470], %broadcast_in_dim3A_3 {add = true} : memref<10000xf32, #tpu.memory_space<vmem>>[vector<16xi32>], vector<16xf32>,
      %mul3A_471 = arith.constant 80 : i32
      %mul3A_472 = arith.muli %add3A_464, %mul3A_471 : i32
      %add3A_473 = arith.constant 16 : i32
      %add3A_474 = arith.addi %mul3A_472, %add3A_473 : i32
      %get3A_475 = arith.index_cast %add3A_474 : i32 to index
      %get3A_476 = tpu.vector_load %arg8[%get3A_475] {strides = array<i32>} : memref<2000xi32, #tpu.memory_space<vmem>>, vector<16xi32>,
      tpu.vector_store_idx %arg14[%get3A_476], %broadcast_in_dim3A_3 {add = true} : memref<10000xf32, #tpu.memory_space<vmem>>[vector<16xi32>], vector<16xf32>,
      %mul3A_477 = arith.constant 80 : i32
      %mul3A_478 = arith.muli %add3A_464, %mul3A_477 : i32
      %add3A_479 = arith.constant 32 : i32
      %add3A_480 = arith.addi %mul3A_478, %add3A_479 : i32
      %get3A_481 = arith.index_cast %add3A_480 : i32 to index
      %get3A_482 = tpu.vector_load %arg8[%get3A_481] {strides = array<i32>} : memref<2000xi32, #tpu.memory_space<vmem>>, vector<16xi32>,
      tpu.vector_store_idx %arg14[%get3A_482], %broadcast_in_dim3A_3 {add = true} : memref<10000xf32, #tpu.memory_space<vmem>>[vector<16xi32>], vector<16xf32>,
      %mul3A_483 = arith.constant 80 : i32
      %mul3A_484 = arith.muli %add3A_464, %mul3A_483 : i32
      %add3A_485 = arith.constant 48 : i32
      %add3A_486 = arith.addi %mul3A_484, %add3A_485 : i32
      %get3A_487 = arith.index_cast %add3A_486 : i32 to index
      %get3A_488 = tpu.vector_load %arg8[%get3A_487] {strides = array<i32>} : memref<2000xi32, #tpu.memory_space<vmem>>, vector<16xi32>,
      tpu.vector_store_idx %arg14[%get3A_488], %broadcast_in_dim3A_3 {add = true} : memref<10000xf32, #tpu.memory_space<vmem>>[vector<16xi32>], vector<16xf32>,
      %mul3A_489 = arith.constant 80 : i32
      %mul3A_490 = arith.muli %add3A_464, %mul3A_489 : i32
      %add3A_491 = arith.constant 64 : i32
      %add3A_492 = arith.addi %mul3A_490, %add3A_491 : i32
      %get3A_493 = arith.index_cast %add3A_492 : i32 to index
      %get3A_494 = tpu.vector_load %arg8[%get3A_493] {strides = array<i32>} : memref<2000xi32, #tpu.memory_space<vmem>>, vector<16xi32>,
      tpu.vector_store_idx %arg14[%get3A_494], %broadcast_in_dim3A_3 {add = true} : memref<10000xf32, #tpu.memory_space<vmem>>[vector<16xi32>], vector<16xf32>,
      %mul3A_495 = arith.constant 80 : i32
      %mul3A_496 = arith.muli %add3A_389, %mul3A_495 : i32
      %dma_wait3A_497 = tpu.memref_slice %arg8[%mul3A_496] : memref<2000xi32, #tpu.memory_space<vmem>> -> memref<80xi32, #tpu.memory_space<vmem>>
      %dma_wait3A_498 = arith.constant 0 : i32
      %dma_wait3A_499 = arith.constant 0 : i32
      %dma_wait3A_500 = tpu.memref_slice %arg22[%dma_wait3A_498, %dma_wait3A_499] : memref<10000x128xf32, #tpu.memory_space<vmem_shared>> -> memref<10000x128xf32, #tpu.memory_space<vmem_shared>>
      tpu.wait_indirect_dma semaphore(%arg19 : memref<!tpu.dma_semaphore, #tpu.memory_space<semaphore_mem>>) src(%arg12 : memref<80x128xf32, #tpu.memory_space<vmem>>) dst(%dma_wait3A_500 : memref<10000x128xf32, #tpu.memory_space<vmem_shared>>)
      %le3A = arith.constant 21 : i32
      %le3A_501 = arith.cmpi sle, %add3A_389, %le3A : i32
      %convert_element_type3A = arith.extui %le3A_501 : i1 to i32
      %cond3A = arith.constant 0 : i32
      %cond3A_502 = arith.cmpi ne, %convert_element_type3A, %cond3A : i32
      scf.if %cond3A_502 {
        %add3A_564 = arith.constant 3 : i32
        %add3A_565 = arith.addi %add3A_389, %add3A_564 : i32
        %mul3A_566 = arith.constant 80 : i32
        %mul3A_567 = arith.muli %add3A_565, %mul3A_566 : i32
        %dma_start3A_568 = tpu.memref_slice %arg7[%mul3A_567] : memref<2000xi32, #tpu.memory_space<vmem>> -> memref<80xi32, #tpu.memory_space<vmem>>
        %dma_start3A_569 = arith.constant 0 : i32
        %dma_start3A_570 = arith.constant 0 : i32
        %dma_start3A_571 = tpu.memref_slice %arg2[%dma_start3A_569, %dma_start3A_570] : memref<10000x128xf32, #tpu.memory_space<hbm>> -> memref<10000x128xf32, #tpu.memory_space<hbm>>
        tpu.enqueue_indirect_dma source(%dma_start3A_571 : memref<10000x128xf32, #tpu.memory_space<hbm>>) target(%arg12 : memref<80x128xf32, #tpu.memory_space<vmem>>) offsets(%dma_start3A_568 : memref<80xi32, #tpu.memory_space<vmem>>) semaphore(%arg16 : memref<!tpu.dma_semaphore, #tpu.memory_space<semaphore_mem>>)
      } else {
      }
      %add3A_503 = arith.constant 2 : i32
      %add3A_504 = arith.addi %add3A_389, %add3A_503 : i32
      %mul3A_505 = arith.constant 80 : i32
      %mul3A_506 = arith.muli %add3A_504, %mul3A_505 : i32
      %dma_wait3A_507 = tpu.memref_slice %arg7[%mul3A_506] : memref<2000xi32, #tpu.memory_space<vmem>> -> memref<80xi32, #tpu.memory_space<vmem>>
      %dma_wait3A_508 = arith.constant 0 : i32
      %dma_wait3A_509 = arith.constant 0 : i32
      %dma_wait3A_510 = tpu.memref_slice %arg2[%dma_wait3A_508, %dma_wait3A_509] : memref<10000x128xf32, #tpu.memory_space<hbm>> -> memref<10000x128xf32, #tpu.memory_space<hbm>>
      tpu.wait_indirect_dma semaphore(%arg15 : memref<!tpu.dma_semaphore, #tpu.memory_space<semaphore_mem>>) src(%dma_wait3A_510 : memref<10000x128xf32, #tpu.memory_space<hbm>>) dst(%arg11 : memref<80x128xf32, #tpu.memory_space<vmem>>)
      %add3A_511 = arith.constant 2 : i32
      %add3A_512 = arith.addi %add3A_389, %add3A_511 : i32
      %mul3A_513 = arith.constant 80 : i32
      %mul3A_514 = arith.muli %add3A_512, %mul3A_513 : i32
      %dma_start3A_515 = tpu.memref_slice %arg8[%mul3A_514] : memref<2000xi32, #tpu.memory_space<vmem>> -> memref<80xi32, #tpu.memory_space<vmem>>
      %dma_start3A_516 = arith.constant 0 : i32
      %dma_start3A_517 = arith.constant 0 : i32
      %dma_start3A_518 = tpu.memref_slice %arg22[%dma_start3A_516, %dma_start3A_517] : memref<10000x128xf32, #tpu.memory_space<vmem_shared>> -> memref<10000x128xf32, #tpu.memory_space<vmem_shared>>
      tpu.enqueue_indirect_dma source(%arg11 : memref<80x128xf32, #tpu.memory_space<vmem>>) target(%dma_start3A_518 : memref<10000x128xf32, #tpu.memory_space<vmem_shared>>) offsets(%dma_start3A_515 : memref<80xi32, #tpu.memory_space<vmem>>) semaphore(%arg18 : memref<!tpu.dma_semaphore, #tpu.memory_space<semaphore_mem>>) {add = true}
      %add3A_519 = arith.constant 2 : i32
      %add3A_520 = arith.addi %add3A_389, %add3A_519 : i32
      %mul3A_521 = arith.constant 80 : i32
      %mul3A_522 = arith.muli %add3A_520, %mul3A_521 : i32
      %add3A_523 = arith.constant 0 : i32
      %add3A_524 = arith.addi %mul3A_522, %add3A_523 : i32
      %get3A_525 = arith.index_cast %add3A_524 : i32 to index
      %get3A_526 = tpu.vector_load %arg8[%get3A_525] {strides = array<i32>} : memref<2000xi32, #tpu.memory_space<vmem>>, vector<16xi32>,
      tpu.vector_store_idx %arg14[%get3A_526], %broadcast_in_dim3A_3 {add = true} : memref<10000xf32, #tpu.memory_space<vmem>>[vector<16xi32>], vector<16xf32>,
      %mul3A_527 = arith.constant 80 : i32
      %mul3A_528 = arith.muli %add3A_520, %mul3A_527 : i32
      %add3A_529 = arith.constant 16 : i32
      %add3A_530 = arith.addi %mul3A_528, %add3A_529 : i32
      %get3A_531 = arith.index_cast %add3A_530 : i32 to index
      %get3A_532 = tpu.vector_load %arg8[%get3A_531] {strides = array<i32>} : memref<2000xi32, #tpu.memory_space<vmem>>, vector<16xi32>,
      tpu.vector_store_idx %arg14[%get3A_532], %broadcast_in_dim3A_3 {add = true} : memref<10000xf32, #tpu.memory_space<vmem>>[vector<16xi32>], vector<16xf32>,
      %mul3A_533 = arith.constant 80 : i32
      %mul3A_534 = arith.muli %add3A_520, %mul3A_533 : i32
      %add3A_535 = arith.constant 32 : i32
      %add3A_536 = arith.addi %mul3A_534, %add3A_535 : i32
      %get3A_537 = arith.index_cast %add3A_536 : i32 to index
      %get3A_538 = tpu.vector_load %arg8[%get3A_537] {strides = array<i32>} : memref<2000xi32, #tpu.memory_space<vmem>>, vector<16xi32>,
      tpu.vector_store_idx %arg14[%get3A_538], %broadcast_in_dim3A_3 {add = true} : memref<10000xf32, #tpu.memory_space<vmem>>[vector<16xi32>], vector<16xf32>,
      %mul3A_539 = arith.constant 80 : i32
      %mul3A_540 = arith.muli %add3A_520, %mul3A_539 : i32
      %add3A_541 = arith.constant 48 : i32
      %add3A_542 = arith.addi %mul3A_540, %add3A_541 : i32
      %get3A_543 = arith.index_cast %add3A_542 : i32 to index
      %get3A_544 = tpu.vector_load %arg8[%get3A_543] {strides = array<i32>} : memref<2000xi32, #tpu.memory_space<vmem>>, vector<16xi32>,
      tpu.vector_store_idx %arg14[%get3A_544], %broadcast_in_dim3A_3 {add = true} : memref<10000xf32, #tpu.memory_space<vmem>>[vector<16xi32>], vector<16xf32>,
      %mul3A_545 = arith.constant 80 : i32
      %mul3A_546 = arith.muli %add3A_520, %mul3A_545 : i32
      %add3A_547 = arith.constant 64 : i32
      %add3A_548 = arith.addi %mul3A_546, %add3A_547 : i32
      %get3A_549 = arith.index_cast %add3A_548 : i32 to index
      %get3A_550 = tpu.vector_load %arg8[%get3A_549] {strides = array<i32>} : memref<2000xi32, #tpu.memory_space<vmem>>, vector<16xi32>,
      tpu.vector_store_idx %arg14[%get3A_550], %broadcast_in_dim3A_3 {add = true} : memref<10000xf32, #tpu.memory_space<vmem>>[vector<16xi32>], vector<16xf32>,
      %add3A_551 = arith.constant 1 : i32
      %add3A_552 = arith.addi %add3A_389, %add3A_551 : i32
      %mul3A_553 = arith.constant 80 : i32
      %mul3A_554 = arith.muli %add3A_552, %mul3A_553 : i32
      %dma_wait3A_555 = tpu.memref_slice %arg8[%mul3A_554] : memref<2000xi32, #tpu.memory_space<vmem>> -> memref<80xi32, #tpu.memory_space<vmem>>
      %dma_wait3A_556 = arith.constant 0 : i32
      %dma_wait3A_557 = arith.constant 0 : i32
      %dma_wait3A_558 = tpu.memref_slice %arg22[%dma_wait3A_556, %dma_wait3A_557] : memref<10000x128xf32, #tpu.memory_space<vmem_shared>> -> memref<10000x128xf32, #tpu.memory_space<vmem_shared>>
      tpu.wait_indirect_dma semaphore(%arg20 : memref<!tpu.dma_semaphore, #tpu.memory_space<semaphore_mem>>) src(%arg13 : memref<80x128xf32, #tpu.memory_space<vmem>>) dst(%dma_wait3A_558 : memref<10000x128xf32, #tpu.memory_space<vmem_shared>>)
      %le3A_559 = arith.constant 20 : i32
      %le3A_560 = arith.cmpi sle, %add3A_389, %le3A_559 : i32
      %convert_element_type3A_561 = arith.extui %le3A_560 : i1 to i32
      %cond3A_562 = arith.constant 0 : i32
      %cond3A_563 = arith.cmpi ne, %convert_element_type3A_561, %cond3A_562 : i32
      scf.if %cond3A_563 {
        %add3A_564 = arith.constant 4 : i32
        %add3A_565 = arith.addi %add3A_389, %add3A_564 : i32
        %mul3A_566 = arith.constant 80 : i32
        %mul3A_567 = arith.muli %add3A_565, %mul3A_566 : i32
        %dma_start3A_568 = tpu.memref_slice %arg7[%mul3A_567] : memref<2000xi32, #tpu.memory_space<vmem>> -> memref<80xi32, #tpu.memory_space<vmem>>
        %dma_start3A_569 = arith.constant 0 : i32
        %dma_start3A_570 = arith.constant 0 : i32
        %dma_start3A_571 = tpu.memref_slice %arg2[%dma_start3A_569, %dma_start3A_570] : memref<10000x128xf32, #tpu.memory_space<hbm>> -> memref<10000x128xf32, #tpu.memory_space<hbm>>
        tpu.enqueue_indirect_dma source(%dma_start3A_571 : memref<10000x128xf32, #tpu.memory_space<hbm>>) target(%arg13 : memref<80x128xf32, #tpu.memory_space<vmem>>) offsets(%dma_start3A_568 : memref<80xi32, #tpu.memory_space<vmem>>) semaphore(%arg17 : memref<!tpu.dma_semaphore, #tpu.memory_space<semaphore_mem>>)
      } else {
      }
    }
    %scan3A_370 = arith.constant 8 : i32
    %dma_wait3A_371 = arith.constant 1920 : i32
    %dma_wait3A_372 = tpu.memref_slice %arg8[%dma_wait3A_371] : memref<2000xi32, #tpu.memory_space<vmem>> -> memref<80xi32, #tpu.memory_space<vmem>>
    %dma_wait3A_373 = arith.constant 0 : i32
    %dma_wait3A_374 = arith.constant 0 : i32
    %dma_wait3A_375 = tpu.memref_slice %arg22[%dma_wait3A_373, %dma_wait3A_374] : memref<10000x128xf32, #tpu.memory_space<vmem_shared>> -> memref<10000x128xf32, #tpu.memory_space<vmem_shared>>
    tpu.wait_indirect_dma semaphore(%arg18 : memref<!tpu.dma_semaphore, #tpu.memory_space<semaphore_mem>>) src(%arg11 : memref<80x128xf32, #tpu.memory_space<vmem>>) dst(%dma_wait3A_375 : memref<10000x128xf32, #tpu.memory_space<vmem_shared>>)
    %barrier3A_376 = arith.constant 0 : index
    tpu.barrier barrier_id(%barrier3A_376)
    %mul3A_377 = arith.constant 625 : i32
    %mul3A_378 = arith.muli %arg1, %mul3A_377 : i32
    %mul3A_379 = arith.constant 625 : i32
    %mul3A_380 = arith.muli %arg1, %mul3A_379 : i32
    "tpu.region"() ({
      %run_scoped3A_385 = tpu.sem_alloc : memref<!tpu.dma_semaphore, #tpu.memory_space<semaphore_mem>>
      %dma_start3A_386 = arith.constant 0 : i32
      %dma_start3A_387 = tpu.memref_slice %arg5[%arg0, %mul3A_380, %dma_start3A_386] : memref<2x10000x128xf32, #tpu.memory_space<hbm>> -> memref<1x625x128xf32, #tpu.memory_space<hbm>>
      %dma_start3A_388 = tpu.memref_squeeze %dma_start3A_387 : memref<1x625x128xf32, #tpu.memory_space<hbm>> -> memref<625x128xf32, #tpu.memory_space<hbm>>
      %dma_start3A_389 = arith.constant 0 : i32
      %dma_start3A_390 = tpu.memref_slice %arg22[%mul3A_378, %dma_start3A_389] : memref<10000x128xf32, #tpu.memory_space<vmem_shared>> -> memref<625x128xf32, #tpu.memory_space<vmem_shared>>
      tpu.enqueue_dma source(%dma_start3A_390 : memref<625x128xf32, #tpu.memory_space<vmem_shared>>) target(%dma_start3A_388 : memref<625x128xf32, #tpu.memory_space<hbm>>) target_semaphore(%run_scoped3A_385 : memref<!tpu.dma_semaphore, #tpu.memory_space<semaphore_mem>>)
      %dma_wait3A_391 = arith.constant 0 : i32
      %dma_wait3A_392 = tpu.memref_slice %arg5[%arg0, %mul3A_380, %dma_wait3A_391] : memref<2x10000x128xf32, #tpu.memory_space<hbm>> -> memref<1x625x128xf32, #tpu.memory_space<hbm>>
      %dma_wait3A_393 = tpu.memref_squeeze %dma_wait3A_392 : memref<1x625x128xf32, #tpu.memory_space<hbm>> -> memref<625x128xf32, #tpu.memory_space<hbm>>
      %dma_wait3A_394 = arith.constant 0 : i32
      %dma_wait3A_395 = tpu.memref_slice %arg22[%mul3A_378, %dma_wait3A_394] : memref<10000x128xf32, #tpu.memory_space<vmem_shared>> -> memref<625x128xf32, #tpu.memory_space<vmem_shared>>
      tpu.wait_dma2 semaphore(%run_scoped3A_385 : memref<!tpu.dma_semaphore, #tpu.memory_space<semaphore_mem>>) src(%dma_wait3A_395 : memref<625x128xf32, #tpu.memory_space<vmem_shared>>) dst(%dma_wait3A_393 : memref<625x128xf32, #tpu.memory_space<hbm>>)
      tpu.yield
    }) : () -> ()
    %run_scoped3A = arith.constant 0 : i32
    "tpu.region"() ({
      %run_scoped3A_385 = tpu.sem_alloc : memref<!tpu.dma_semaphore, #tpu.memory_space<semaphore_mem>>
      %dma_start3A_386 = arith.constant 0 : i32
      %dma_start3A_387 = tpu.memref_slice %arg14[%dma_start3A_386] : memref<10000xf32, #tpu.memory_space<vmem>> -> memref<2000xf32, #tpu.memory_space<vmem>>
      %dma_start3A_388 = arith.constant 0 : i32
      %dma_start3A_389 = tpu.memref_slice %arg6[%run_scoped3A, %add3A, %dma_start3A_388] : memref<5x32x2000xf32, #tpu.memory_space<hbm>> -> memref<1x1x2000xf32, #tpu.memory_space<hbm>>
      %dma_start3A_390 = tpu.memref_squeeze %dma_start3A_389 : memref<1x1x2000xf32, #tpu.memory_space<hbm>> -> memref<2000xf32, #tpu.memory_space<hbm>>
      %dma_start3A_391 = arith.constant 0 : i32
      %dma_start3A_392 = tpu.memref_slice %arg6[%run_scoped3A, %add3A, %dma_start3A_391] : memref<5x32x2000xf32, #tpu.memory_space<hbm>> -> memref<1x1x2000xf32, #tpu.memory_space<hbm>>
      %dma_start3A_393 = tpu.memref_squeeze %dma_start3A_392 : memref<1x1x2000xf32, #tpu.memory_space<hbm>> -> memref<2000xf32, #tpu.memory_space<hbm>>
      %dma_start3A_394 = arith.constant 0 : i32
      %dma_start3A_395 = tpu.memref_slice %arg14[%dma_start3A_394] : memref<10000xf32, #tpu.memory_space<vmem>> -> memref<2000xf32, #tpu.memory_space<vmem>>
      tpu.enqueue_dma source(%dma_start3A_395 : memref<2000xf32, #tpu.memory_space<vmem>>) target(%dma_start3A_393 : memref<2000xf32, #tpu.memory_space<hbm>>) target_semaphore(%run_scoped3A_385 : memref<!tpu.dma_semaphore, #tpu.memory_space<semaphore_mem>>)
      %dma_wait3A_396 = arith.constant 0 : i32
      %dma_wait3A_397 = tpu.memref_slice %arg14[%dma_wait3A_396] : memref<10000xf32, #tpu.memory_space<vmem>> -> memref<2000xf32, #tpu.memory_space<vmem>>
      %dma_wait3A_398 = arith.constant 0 : i32
      %dma_wait3A_399 = tpu.memref_slice %arg6[%run_scoped3A, %add3A, %dma_wait3A_398] : memref<5x32x2000xf32, #tpu.memory_space<hbm>> -> memref<1x1x2000xf32, #tpu.memory_space<hbm>>
      %dma_wait3A_400 = tpu.memref_squeeze %dma_wait3A_399 : memref<1x1x2000xf32, #tpu.memory_space<hbm>> -> memref<2000xf32, #tpu.memory_space<hbm>>
      %dma_wait3A_401 = arith.constant 0 : i32
      %dma_wait3A_402 = tpu.memref_slice %arg6[%run_scoped3A, %add3A, %dma_wait3A_401] : memref<5x32x2000xf32, #tpu.memory_space<hbm>> -> memref<1x1x2000xf32, #tpu.memory_space<hbm>>
      %dma_wait3A_403 = tpu.memref_squeeze %dma_wait3A_402 : memref<1x1x2000xf32, #tpu.memory_space<hbm>> -> memref<2000xf32, #tpu.memory_space<hbm>>
      %dma_wait3A_404 = arith.constant 0 : i32
      %dma_wait3A_405 = tpu.memref_slice %arg14[%dma_wait3A_404] : memref<10000xf32, #tpu.memory_space<vmem>> -> memref<2000xf32, #tpu.memory_space<vmem>>
      tpu.wait_dma2 semaphore(%run_scoped3A_385 : memref<!tpu.dma_semaphore, #tpu.memory_space<semaphore_mem>>) src(%dma_wait3A_405 : memref<2000xf32, #tpu.memory_space<vmem>>) dst(%dma_wait3A_403 : memref<2000xf32, #tpu.memory_space<hbm>>)
      tpu.yield
    }) : () -> ()
    %run_scoped3A_381 = arith.constant 1 : i32
    "tpu.region"() ({
      %run_scoped3A_385 = tpu.sem_alloc : memref<!tpu.dma_semaphore, #tpu.memory_space<semaphore_mem>>
      %dma_start3A_386 = arith.constant 2000 : i32
      %dma_start3A_387 = tpu.memref_slice %arg14[%dma_start3A_386] : memref<10000xf32, #tpu.memory_space<vmem>> -> memref<2000xf32, #tpu.memory_space<vmem>>
      %dma_start3A_388 = arith.constant 0 : i32
      %dma_start3A_389 = tpu.memref_slice %arg6[%run_scoped3A_381, %add3A, %dma_start3A_388] : memref<5x32x2000xf32, #tpu.memory_space<hbm>> -> memref<1x1x2000xf32, #tpu.memory_space<hbm>>
      %dma_start3A_390 = tpu.memref_squeeze %dma_start3A_389 : memref<1x1x2000xf32, #tpu.memory_space<hbm>> -> memref<2000xf32, #tpu.memory_space<hbm>>
      %dma_start3A_391 = arith.constant 0 : i32
      %dma_start3A_392 = tpu.memref_slice %arg6[%run_scoped3A_381, %add3A, %dma_start3A_391] : memref<5x32x2000xf32, #tpu.memory_space<hbm>> -> memref<1x1x2000xf32, #tpu.memory_space<hbm>>
      %dma_start3A_393 = tpu.memref_squeeze %dma_start3A_392 : memref<1x1x2000xf32, #tpu.memory_space<hbm>> -> memref<2000xf32, #tpu.memory_space<hbm>>
      %dma_start3A_394 = arith.constant 2000 : i32
      %dma_start3A_395 = tpu.memref_slice %arg14[%dma_start3A_394] : memref<10000xf32, #tpu.memory_space<vmem>> -> memref<2000xf32, #tpu.memory_space<vmem>>
      tpu.enqueue_dma source(%dma_start3A_395 : memref<2000xf32, #tpu.memory_space<vmem>>) target(%dma_start3A_393 : memref<2000xf32, #tpu.memory_space<hbm>>) target_semaphore(%run_scoped3A_385 : memref<!tpu.dma_semaphore, #tpu.memory_space<semaphore_mem>>)
      %dma_wait3A_396 = arith.constant 2000 : i32
      %dma_wait3A_397 = tpu.memref_slice %arg14[%dma_wait3A_396] : memref<10000xf32, #tpu.memory_space<vmem>> -> memref<2000xf32, #tpu.memory_space<vmem>>
      %dma_wait3A_398 = arith.constant 0 : i32
      %dma_wait3A_399 = tpu.memref_slice %arg6[%run_scoped3A_381, %add3A, %dma_wait3A_398] : memref<5x32x2000xf32, #tpu.memory_space<hbm>> -> memref<1x1x2000xf32, #tpu.memory_space<hbm>>
      %dma_wait3A_400 = tpu.memref_squeeze %dma_wait3A_399 : memref<1x1x2000xf32, #tpu.memory_space<hbm>> -> memref<2000xf32, #tpu.memory_space<hbm>>
      %dma_wait3A_401 = arith.constant 0 : i32
      %dma_wait3A_402 = tpu.memref_slice %arg6[%run_scoped3A_381, %add3A, %dma_wait3A_401] : memref<5x32x2000xf32, #tpu.memory_space<hbm>> -> memref<1x1x2000xf32, #tpu.memory_space<hbm>>
      %dma_wait3A_403 = tpu.memref_squeeze %dma_wait3A_402 : memref<1x1x2000xf32, #tpu.memory_space<hbm>> -> memref<2000xf32, #tpu.memory_space<hbm>>
      %dma_wait3A_404 = arith.constant 2000 : i32
      %dma_wait3A_405 = tpu.memref_slice %arg14[%dma_wait3A_404] : memref<10000xf32, #tpu.memory_space<vmem>> -> memref<2000xf32, #tpu.memory_space<vmem>>
      tpu.wait_dma2 semaphore(%run_scoped3A_385 : memref<!tpu.dma_semaphore, #tpu.memory_space<semaphore_mem>>) src(%dma_wait3A_405 : memref<2000xf32, #tpu.memory_space<vmem>>) dst(%dma_wait3A_403 : memref<2000xf32, #tpu.memory_space<hbm>>)
      tpu.yield
    }) : () -> ()
    %run_scoped3A_382 = arith.constant 2 : i32
    "tpu.region"() ({
      %run_scoped3A_385 = tpu.sem_alloc : memref<!tpu.dma_semaphore, #tpu.memory_space<semaphore_mem>>
      %dma_start3A_386 = arith.constant 4000 : i32
      %dma_start3A_387 = tpu.memref_slice %arg14[%dma_start3A_386] : memref<10000xf32, #tpu.memory_space<vmem>> -> memref<2000xf32, #tpu.memory_space<vmem>>
      %dma_start3A_388 = arith.constant 0 : i32
      %dma_start3A_389 = tpu.memref_slice %arg6[%run_scoped3A_382, %add3A, %dma_start3A_388] : memref<5x32x2000xf32, #tpu.memory_space<hbm>> -> memref<1x1x2000xf32, #tpu.memory_space<hbm>>
      %dma_start3A_390 = tpu.memref_squeeze %dma_start3A_389 : memref<1x1x2000xf32, #tpu.memory_space<hbm>> -> memref<2000xf32, #tpu.memory_space<hbm>>
      %dma_start3A_391 = arith.constant 0 : i32
      %dma_start3A_392 = tpu.memref_slice %arg6[%run_scoped3A_382, %add3A, %dma_start3A_391] : memref<5x32x2000xf32, #tpu.memory_space<hbm>> -> memref<1x1x2000xf32, #tpu.memory_space<hbm>>
      %dma_start3A_393 = tpu.memref_squeeze %dma_start3A_392 : memref<1x1x2000xf32, #tpu.memory_space<hbm>> -> memref<2000xf32, #tpu.memory_space<hbm>>
      %dma_start3A_394 = arith.constant 4000 : i32
      %dma_start3A_395 = tpu.memref_slice %arg14[%dma_start3A_394] : memref<10000xf32, #tpu.memory_space<vmem>> -> memref<2000xf32, #tpu.memory_space<vmem>>
      tpu.enqueue_dma source(%dma_start3A_395 : memref<2000xf32, #tpu.memory_space<vmem>>) target(%dma_start3A_393 : memref<2000xf32, #tpu.memory_space<hbm>>) target_semaphore(%run_scoped3A_385 : memref<!tpu.dma_semaphore, #tpu.memory_space<semaphore_mem>>)
      %dma_wait3A_396 = arith.constant 4000 : i32
      %dma_wait3A_397 = tpu.memref_slice %arg14[%dma_wait3A_396] : memref<10000xf32, #tpu.memory_space<vmem>> -> memref<2000xf32, #tpu.memory_space<vmem>>
      %dma_wait3A_398 = arith.constant 0 : i32
      %dma_wait3A_399 = tpu.memref_slice %arg6[%run_scoped3A_382, %add3A, %dma_wait3A_398] : memref<5x32x2000xf32, #tpu.memory_space<hbm>> -> memref<1x1x2000xf32, #tpu.memory_space<hbm>>
      %dma_wait3A_400 = tpu.memref_squeeze %dma_wait3A_399 : memref<1x1x2000xf32, #tpu.memory_space<hbm>> -> memref<2000xf32, #tpu.memory_space<hbm>>
      %dma_wait3A_401 = arith.constant 0 : i32
      %dma_wait3A_402 = tpu.memref_slice %arg6[%run_scoped3A_382, %add3A, %dma_wait3A_401] : memref<5x32x2000xf32, #tpu.memory_space<hbm>> -> memref<1x1x2000xf32, #tpu.memory_space<hbm>>
      %dma_wait3A_403 = tpu.memref_squeeze %dma_wait3A_402 : memref<1x1x2000xf32, #tpu.memory_space<hbm>> -> memref<2000xf32, #tpu.memory_space<hbm>>
      %dma_wait3A_404 = arith.constant 4000 : i32
      %dma_wait3A_405 = tpu.memref_slice %arg14[%dma_wait3A_404] : memref<10000xf32, #tpu.memory_space<vmem>> -> memref<2000xf32, #tpu.memory_space<vmem>>
      tpu.wait_dma2 semaphore(%run_scoped3A_385 : memref<!tpu.dma_semaphore, #tpu.memory_space<semaphore_mem>>) src(%dma_wait3A_405 : memref<2000xf32, #tpu.memory_space<vmem>>) dst(%dma_wait3A_403 : memref<2000xf32, #tpu.memory_space<hbm>>)
      tpu.yield
    }) : () -> ()
    %run_scoped3A_383 = arith.constant 3 : i32
    "tpu.region"() ({
      %run_scoped3A_385 = tpu.sem_alloc : memref<!tpu.dma_semaphore, #tpu.memory_space<semaphore_mem>>
      %dma_start3A_386 = arith.constant 6000 : i32
      %dma_start3A_387 = tpu.memref_slice %arg14[%dma_start3A_386] : memref<10000xf32, #tpu.memory_space<vmem>> -> memref<2000xf32, #tpu.memory_space<vmem>>
      %dma_start3A_388 = arith.constant 0 : i32
      %dma_start3A_389 = tpu.memref_slice %arg6[%run_scoped3A_383, %add3A, %dma_start3A_388] : memref<5x32x2000xf32, #tpu.memory_space<hbm>> -> memref<1x1x2000xf32, #tpu.memory_space<hbm>>
      %dma_start3A_390 = tpu.memref_squeeze %dma_start3A_389 : memref<1x1x2000xf32, #tpu.memory_space<hbm>> -> memref<2000xf32, #tpu.memory_space<hbm>>
      %dma_start3A_391 = arith.constant 0 : i32
      %dma_start3A_392 = tpu.memref_slice %arg6[%run_scoped3A_383, %add3A, %dma_start3A_391] : memref<5x32x2000xf32, #tpu.memory_space<hbm>> -> memref<1x1x2000xf32, #tpu.memory_space<hbm>>
      %dma_start3A_393 = tpu.memref_squeeze %dma_start3A_392 : memref<1x1x2000xf32, #tpu.memory_space<hbm>> -> memref<2000xf32, #tpu.memory_space<hbm>>
      %dma_start3A_394 = arith.constant 6000 : i32
      %dma_start3A_395 = tpu.memref_slice %arg14[%dma_start3A_394] : memref<10000xf32, #tpu.memory_space<vmem>> -> memref<2000xf32, #tpu.memory_space<vmem>>
      tpu.enqueue_dma source(%dma_start3A_395 : memref<2000xf32, #tpu.memory_space<vmem>>) target(%dma_start3A_393 : memref<2000xf32, #tpu.memory_space<hbm>>) target_semaphore(%run_scoped3A_385 : memref<!tpu.dma_semaphore, #tpu.memory_space<semaphore_mem>>)
      %dma_wait3A_396 = arith.constant 6000 : i32
      %dma_wait3A_397 = tpu.memref_slice %arg14[%dma_wait3A_396] : memref<10000xf32, #tpu.memory_space<vmem>> -> memref<2000xf32, #tpu.memory_space<vmem>>
      %dma_wait3A_398 = arith.constant 0 : i32
      %dma_wait3A_399 = tpu.memref_slice %arg6[%run_scoped3A_383, %add3A, %dma_wait3A_398] : memref<5x32x2000xf32, #tpu.memory_space<hbm>> -> memref<1x1x2000xf32, #tpu.memory_space<hbm>>
      %dma_wait3A_400 = tpu.memref_squeeze %dma_wait3A_399 : memref<1x1x2000xf32, #tpu.memory_space<hbm>> -> memref<2000xf32, #tpu.memory_space<hbm>>
      %dma_wait3A_401 = arith.constant 0 : i32
      %dma_wait3A_402 = tpu.memref_slice %arg6[%run_scoped3A_383, %add3A, %dma_wait3A_401] : memref<5x32x2000xf32, #tpu.memory_space<hbm>> -> memref<1x1x2000xf32, #tpu.memory_space<hbm>>
      %dma_wait3A_403 = tpu.memref_squeeze %dma_wait3A_402 : memref<1x1x2000xf32, #tpu.memory_space<hbm>> -> memref<2000xf32, #tpu.memory_space<hbm>>
      %dma_wait3A_404 = arith.constant 6000 : i32
      %dma_wait3A_405 = tpu.memref_slice %arg14[%dma_wait3A_404] : memref<10000xf32, #tpu.memory_space<vmem>> -> memref<2000xf32, #tpu.memory_space<vmem>>
      tpu.wait_dma2 semaphore(%run_scoped3A_385 : memref<!tpu.dma_semaphore, #tpu.memory_space<semaphore_mem>>) src(%dma_wait3A_405 : memref<2000xf32, #tpu.memory_space<vmem>>) dst(%dma_wait3A_403 : memref<2000xf32, #tpu.memory_space<hbm>>)
      tpu.yield
    }) : () -> ()
    %run_scoped3A_384 = arith.constant 4 : i32
    "tpu.region"() ({
      %run_scoped3A_385 = tpu.sem_alloc : memref<!tpu.dma_semaphore, #tpu.memory_space<semaphore_mem>>
      %dma_start3A_386 = arith.constant 8000 : i32
      %dma_start3A_387 = tpu.memref_slice %arg14[%dma_start3A_386] : memref<10000xf32, #tpu.memory_space<vmem>> -> memref<2000xf32, #tpu.memory_space<vmem>>
      %dma_start3A_388 = arith.constant 0 : i32
      %dma_start3A_389 = tpu.memref_slice %arg6[%run_scoped3A_384, %add3A, %dma_start3A_388] : memref<5x32x2000xf32, #tpu.memory_space<hbm>> -> memref<1x1x2000xf32, #tpu.memory_space<hbm>>
      %dma_start3A_390 = tpu.memref_squeeze %dma_start3A_389 : memref<1x1x2000xf32, #tpu.memory_space<hbm>> -> memref<2000xf32, #tpu.memory_space<hbm>>
      %dma_start3A_391 = arith.constant 0 : i32
      %dma_start3A_392 = tpu.memref_slice %arg6[%run_scoped3A_384, %add3A, %dma_start3A_391] : memref<5x32x2000xf32, #tpu.memory_space<hbm>> -> memref<1x1x2000xf32, #tpu.memory_space<hbm>>
      %dma_start3A_393 = tpu.memref_squeeze %dma_start3A_392 : memref<1x1x2000xf32, #tpu.memory_space<hbm>> -> memref<2000xf32, #tpu.memory_space<hbm>>
      %dma_start3A_394 = arith.constant 8000 : i32
      %dma_start3A_395 = tpu.memref_slice %arg14[%dma_start3A_394] : memref<10000xf32, #tpu.memory_space<vmem>> -> memref<2000xf32, #tpu.memory_space<vmem>>
      tpu.enqueue_dma source(%dma_start3A_395 : memref<2000xf32, #tpu.memory_space<vmem>>) target(%dma_start3A_393 : memref<2000xf32, #tpu.memory_space<hbm>>) target_semaphore(%run_scoped3A_385 : memref<!tpu.dma_semaphore, #tpu.memory_space<semaphore_mem>>)
      %dma_wait3A_396 = arith.constant 8000 : i32
      %dma_wait3A_397 = tpu.memref_slice %arg14[%dma_wait3A_396] : memref<10000xf32, #tpu.memory_space<vmem>> -> memref<2000xf32, #tpu.memory_space<vmem>>
      %dma_wait3A_398 = arith.constant 0 : i32
      %dma_wait3A_399 = tpu.memref_slice %arg6[%run_scoped3A_384, %add3A, %dma_wait3A_398] : memref<5x32x2000xf32, #tpu.memory_space<hbm>> -> memref<1x1x2000xf32, #tpu.memory_space<hbm>>
      %dma_wait3A_400 = tpu.memref_squeeze %dma_wait3A_399 : memref<1x1x2000xf32, #tpu.memory_space<hbm>> -> memref<2000xf32, #tpu.memory_space<hbm>>
      %dma_wait3A_401 = arith.constant 0 : i32
      %dma_wait3A_402 = tpu.memref_slice %arg6[%run_scoped3A_384, %add3A, %dma_wait3A_401] : memref<5x32x2000xf32, #tpu.memory_space<hbm>> -> memref<1x1x2000xf32, #tpu.memory_space<hbm>>
      %dma_wait3A_403 = tpu.memref_squeeze %dma_wait3A_402 : memref<1x1x2000xf32, #tpu.memory_space<hbm>> -> memref<2000xf32, #tpu.memory_space<hbm>>
      %dma_wait3A_404 = arith.constant 8000 : i32
      %dma_wait3A_405 = tpu.memref_slice %arg14[%dma_wait3A_404] : memref<10000xf32, #tpu.memory_space<vmem>> -> memref<2000xf32, #tpu.memory_space<vmem>>
      tpu.wait_dma2 semaphore(%run_scoped3A_385 : memref<!tpu.dma_semaphore, #tpu.memory_space<semaphore_mem>>) src(%dma_wait3A_405 : memref<2000xf32, #tpu.memory_space<vmem>>) dst(%dma_wait3A_403 : memref<2000xf32, #tpu.memory_space<hbm>>)
      tpu.yield
    }) : () -> ()
    return
  }
}

module attributes {stable_mosaic.version = 14 : i64} {
  func.func @_tc_pre_body(%arg0: i32, %arg1: memref<2000x128xf32, #tpu.memory_space<vmem>>, %arg2: memref<128x128xf32, #tpu.memory_space<vmem>>, %arg3: memref<2000x128xf32, #tpu.memory_space<vmem>>) attributes {dimension_semantics = [#tpu.dimension_semantics<arbitrary>], iteration_bounds = array<i64: 5>, scalar_prefetch = 0 : i64, scratch_operands = 0 : i64, tpu.core_type = #tpu.core_type<tc>, window_params = [{transform_indices = @transform_0, window_bounds = array<i64: 2000, 128>}, {pipeline_mode = #tpu.pipeline_mode<synchronous>, transform_indices = @transform_1, window_bounds = array<i64: 128, 128>}, {transform_indices = @transform_2, window_bounds = array<i64: 2000, 128>}]} {
    %get3A = arith.constant 0 : index
    %get3A_0 = arith.constant 0 : index
    %get3A_1 = vector.load %arg1[%get3A, %get3A_0] : memref<2000x128xf32, #tpu.memory_space<vmem>>, vector<2000x128xf32>
    %get3A_2 = arith.constant 0 : index
    %get3A_3 = arith.constant 0 : index
    %get3A_4 = vector.load %arg2[%get3A_2, %get3A_3] : memref<128x128xf32, #tpu.memory_space<vmem>>, vector<128x128xf32>
    %dot_general3A = arith.constant dense<0.000000e+00> : vector<2000x128xf32>
    %dot_general3A_5 = tpu.matmul %get3A_1, %get3A_4, %dot_general3A {dimension_numbers = #tpu.dot_dimension_numbers<[1], [0], [0], [1], [0, 0, 1, 1], [], []>, transpose_lhs_hint = false} : vector<2000x128xf32>, vector<128x128xf32>, vector<2000x128xf32> -> vector<2000x128xf32>
    %swap3A = arith.constant 0 : index
    %swap3A_6 = arith.constant 0 : index
    %swap3A_7 = vector.load %arg3[%swap3A, %swap3A_6] : memref<2000x128xf32, #tpu.memory_space<vmem>>, vector<2000x128xf32>
    tpu.vector_store %arg3[%swap3A, %swap3A_6], %dot_general3A_5 {strides = array<i32>} : memref<2000x128xf32, #tpu.memory_space<vmem>>, vector<2000x128xf32>,
    return
  }
  func.func @transform_0(%arg0: i32) -> (i32, i32) {
    %c0_i32 = arith.constant 0 : i32
    %c0_i32_0 = arith.constant 0 : i32
    return %arg0, %c0_i32 : i32, i32
  }
  func.func @transform_1(%arg0: i32) -> (i32, i32) {
    %c0_i32 = arith.constant 0 : i32
    %c0_i32_0 = arith.constant 0 : i32
    %c0_i32_1 = arith.constant 0 : i32
    return %c0_i32, %c0_i32_0 : i32, i32
  }
  func.func @transform_2(%arg0: i32) -> (i32, i32) {
    %c0_i32 = arith.constant 0 : i32
    %c0_i32_0 = arith.constant 0 : i32
    return %arg0, %c0_i32 : i32, i32
  }
}

module attributes {stable_mosaic.version = 14 : i64} {
  func.func @_tc_mid_body(%arg0: i32, %arg1: memref<2x2000x128xf32, #tpu.memory_space<vmem>>, %arg2: memref<1x32x2000xf32, #tpu.memory_space<vmem>>, %arg3: memref<2000x128xf32, #tpu.memory_space<vmem>>) attributes {dimension_semantics = [#tpu.dimension_semantics<arbitrary>], iteration_bounds = array<i64: 5>, scalar_prefetch = 0 : i64, scratch_operands = 0 : i64, tpu.core_type = #tpu.core_type<tc>, window_params = [{transform_indices = @transform_0, window_bounds = array<i64: 2, 2000, 128>}, {transform_indices = @transform_1, window_bounds = array<i64: 1, 32, 2000>}, {transform_indices = @transform_2, window_bounds = array<i64: 2000, 128>}]} {
    %get3A = arith.constant 0 : index
    %get3A_0 = arith.constant 0 : index
    %get3A_1 = arith.constant 0 : index
    %get3A_2 = vector.load %arg1[%get3A, %get3A_0, %get3A_1] : memref<2x2000x128xf32, #tpu.memory_space<vmem>>, vector<1x2000x128xf32>
    %get3A_3 = vector.shape_cast %get3A_2 : vector<1x2000x128xf32> to vector<2000x128xf32>
    %get3A_4 = arith.constant 1 : index
    %get3A_5 = arith.constant 0 : index
    %get3A_6 = arith.constant 0 : index
    %get3A_7 = vector.load %arg1[%get3A_4, %get3A_5, %get3A_6] : memref<2x2000x128xf32, #tpu.memory_space<vmem>>, vector<1x2000x128xf32>
    %get3A_8 = vector.shape_cast %get3A_7 : vector<1x2000x128xf32> to vector<2000x128xf32>
    %add3A = arith.addf %get3A_3, %get3A_8 : vector<2000x128xf32>
    %get3A_9 = arith.constant 0 : index
    %get3A_10 = arith.constant 0 : index
    %get3A_11 = arith.constant 0 : index
    %get3A_12 = vector.load %arg2[%get3A_9, %get3A_10, %get3A_11] : memref<1x32x2000xf32, #tpu.memory_space<vmem>>, vector<1x32x2000xf32>
    %get3A_13 = vector.shape_cast %get3A_12 : vector<1x32x2000xf32> to vector<32x2000xf32>
    %reduce_sum3A = arith.constant dense<0.000000e+00> : vector<2000xf32>
    %reduce_sum3A_14 = vector.multi_reduction <add>, %get3A_13, %reduce_sum3A [0] : vector<32x2000xf32> to vector<2000xf32>
    %gt3A = arith.constant 0.000000e+00 : f32
    %gt3A_15 = vector.broadcast %gt3A : f32 to vector<2000xf32>
    %gt3A_16 = arith.cmpf ogt, %reduce_sum3A_14, %gt3A_15 : vector<2000xf32>
    %div3A = arith.constant 1.000000e+00 : f32
    %div3A_17 = vector.broadcast %div3A : f32 to vector<2000xf32>
    %div3A_18 = arith.divf %div3A_17, %reduce_sum3A_14 : vector<2000xf32>
    %jit3A = arith.constant 0.000000e+00 : f32
    %broadcast_in_dim3A = vector.broadcast %jit3A : f32 to vector<2000xf32>
    %select_n3A = arith.select %gt3A_16, %div3A_18, %broadcast_in_dim3A : vector<2000xi1>, vector<2000xf32>
    %broadcast_in_dim3A_19 = vector.shape_cast %select_n3A : vector<2000xf32> to vector<2000x1xf32>
    %mul3A = vector.broadcast %broadcast_in_dim3A_19 : vector<2000x1xf32> to vector<2000x128xf32>
    %mul3A_20 = arith.mulf %add3A, %mul3A : vector<2000x128xf32>
    %swap3A = arith.constant 0 : index
    %swap3A_21 = arith.constant 0 : index
    %swap3A_22 = vector.load %arg3[%swap3A, %swap3A_21] : memref<2000x128xf32, #tpu.memory_space<vmem>>, vector<2000x128xf32>
    tpu.vector_store %arg3[%swap3A, %swap3A_21], %mul3A_20 {strides = array<i32>} : memref<2000x128xf32, #tpu.memory_space<vmem>>, vector<2000x128xf32>,
    return
  }
  func.func @transform_0(%arg0: i32) -> (i32, i32, i32) {
    %c0_i32 = arith.constant 0 : i32
    %c0_i32_0 = arith.constant 0 : i32
    %c0_i32_1 = arith.constant 0 : i32
    return %c0_i32, %arg0, %c0_i32_0 : i32, i32, i32
  }
  func.func @transform_1(%arg0: i32) -> (i32, i32, i32) {
    %c0_i32 = arith.constant 0 : i32
    %c0_i32_0 = arith.constant 0 : i32
    %c0_i32_1 = arith.constant 0 : i32
    return %arg0, %c0_i32, %c0_i32_0 : i32, i32, i32
  }
  func.func @transform_2(%arg0: i32) -> (i32, i32) {
    %c0_i32 = arith.constant 0 : i32
    %c0_i32_0 = arith.constant 0 : i32
    return %arg0, %c0_i32 : i32, i32
  }
}

module attributes {stable_mosaic.version = 14 : i64} {
  func.func @_tc_final_body(%arg0: i32, %arg1: memref<2x2000x128xf32, #tpu.memory_space<vmem>>, %arg2: memref<1x32x2000xf32, #tpu.memory_space<vmem>>, %arg3: memref<1x128xf32, #tpu.memory_space<vmem>>, %arg4: memref<2000x128xf32, #tpu.memory_space<vmem>>) attributes {dimension_semantics = [#tpu.dimension_semantics<arbitrary>], iteration_bounds = array<i64: 5>, scalar_prefetch = 0 : i64, scratch_operands = 0 : i64, tpu.core_type = #tpu.core_type<tc>, window_params = [{transform_indices = @transform_0, window_bounds = array<i64: 2, 2000, 128>}, {transform_indices = @transform_1, window_bounds = array<i64: 1, 32, 2000>}, {pipeline_mode = #tpu.pipeline_mode<synchronous>, transform_indices = @transform_2, window_bounds = array<i64: 1, 128>}, {transform_indices = @transform_3, window_bounds = array<i64: 2000, 128>}]} {
    %get3A = arith.constant 0 : index
    %get3A_0 = arith.constant 0 : index
    %get3A_1 = arith.constant 0 : index
    %get3A_2 = vector.load %arg1[%get3A, %get3A_0, %get3A_1] : memref<2x2000x128xf32, #tpu.memory_space<vmem>>, vector<1x2000x128xf32>
    %get3A_3 = vector.shape_cast %get3A_2 : vector<1x2000x128xf32> to vector<2000x128xf32>
    %get3A_4 = arith.constant 1 : index
    %get3A_5 = arith.constant 0 : index
    %get3A_6 = arith.constant 0 : index
    %get3A_7 = vector.load %arg1[%get3A_4, %get3A_5, %get3A_6] : memref<2x2000x128xf32, #tpu.memory_space<vmem>>, vector<1x2000x128xf32>
    %get3A_8 = vector.shape_cast %get3A_7 : vector<1x2000x128xf32> to vector<2000x128xf32>
    %add3A = arith.addf %get3A_3, %get3A_8 : vector<2000x128xf32>
    %get3A_9 = arith.constant 0 : index
    %get3A_10 = arith.constant 0 : index
    %get3A_11 = arith.constant 0 : index
    %get3A_12 = vector.load %arg2[%get3A_9, %get3A_10, %get3A_11] : memref<1x32x2000xf32, #tpu.memory_space<vmem>>, vector<1x32x2000xf32>
    %get3A_13 = vector.shape_cast %get3A_12 : vector<1x32x2000xf32> to vector<32x2000xf32>
    %reduce_sum3A = arith.constant dense<0.000000e+00> : vector<2000xf32>
    %reduce_sum3A_14 = vector.multi_reduction <add>, %get3A_13, %reduce_sum3A [0] : vector<32x2000xf32> to vector<2000xf32>
    %gt3A = arith.constant 0.000000e+00 : f32
    %gt3A_15 = vector.broadcast %gt3A : f32 to vector<2000xf32>
    %gt3A_16 = arith.cmpf ogt, %reduce_sum3A_14, %gt3A_15 : vector<2000xf32>
    %div3A = arith.constant 1.000000e+00 : f32
    %div3A_17 = vector.broadcast %div3A : f32 to vector<2000xf32>
    %div3A_18 = arith.divf %div3A_17, %reduce_sum3A_14 : vector<2000xf32>
    %jit3A = arith.constant 0.000000e+00 : f32
    %broadcast_in_dim3A = vector.broadcast %jit3A : f32 to vector<2000xf32>
    %select_n3A = arith.select %gt3A_16, %div3A_18, %broadcast_in_dim3A : vector<2000xi1>, vector<2000xf32>
    %broadcast_in_dim3A_19 = vector.shape_cast %select_n3A : vector<2000xf32> to vector<2000x1xf32>
    %mul3A = vector.broadcast %broadcast_in_dim3A_19 : vector<2000x1xf32> to vector<2000x128xf32>
    %mul3A_20 = arith.mulf %add3A, %mul3A : vector<2000x128xf32>
    %get3A_21 = arith.constant 0 : index
    %get3A_22 = arith.constant 0 : index
    %get3A_23 = vector.load %arg3[%get3A_21, %get3A_22] : memref<1x128xf32, #tpu.memory_space<vmem>>, vector<1x128xf32>
    %add3A_24 = vector.broadcast %get3A_23 : vector<1x128xf32> to vector<2000x128xf32>
    %add3A_25 = arith.addf %mul3A_20, %add3A_24 : vector<2000x128xf32>
    %swap3A = arith.constant 0 : index
    %swap3A_26 = arith.constant 0 : index
    %swap3A_27 = vector.load %arg4[%swap3A, %swap3A_26] : memref<2000x128xf32, #tpu.memory_space<vmem>>, vector<2000x128xf32>
    tpu.vector_store %arg4[%swap3A, %swap3A_26], %add3A_25 {strides = array<i32>} : memref<2000x128xf32, #tpu.memory_space<vmem>>, vector<2000x128xf32>,
    return
  }
  func.func @transform_0(%arg0: i32) -> (i32, i32, i32) {
    %c0_i32 = arith.constant 0 : i32
    %c0_i32_0 = arith.constant 0 : i32
    %c0_i32_1 = arith.constant 0 : i32
    return %c0_i32, %arg0, %c0_i32_0 : i32, i32, i32
  }
  func.func @transform_1(%arg0: i32) -> (i32, i32, i32) {
    %c0_i32 = arith.constant 0 : i32
    %c0_i32_0 = arith.constant 0 : i32
    %c0_i32_1 = arith.constant 0 : i32
    return %arg0, %c0_i32, %c0_i32_0 : i32, i32, i32
  }
  func.func @transform_2(%arg0: i32) -> (i32, i32) {
    %c0_i32 = arith.constant 0 : i32
    %c0_i32_0 = arith.constant 0 : i32
    %c0_i32_1 = arith.constant 0 : i32
    return %c0_i32, %c0_i32_0 : i32, i32
  }
  func.func @transform_3(%arg0: i32) -> (i32, i32) {
    %c0_i32 = arith.constant 0 : i32
    %c0_i32_0 = arith.constant 0 : i32
    return %arg0, %c0_i32 : i32, i32
  }
}

</mosaic_0001>

<sc_bundles>
// kernel: kernel.10.cloned.1.call-start
scs
__scs_entry_jumppad:
0x0: {  	(pc) =	sbr.rel $0x88, $3  }
0x1: {  	(tag) =	ssettag $0x0;
	lr =	simm.s32 $0x1  }
0x2: {  	[smem:$0x3F9D] =	sst lr;
	_ =	strace $0xD0000000  }
0x3: {  	_ = 	snop  }
0x4: {  	_ = 	snop  }
0x5: {  	_ = 	snop  }
0x6: {  	_ = 	snop  }
0x7: {  	_ = 	snop  }
__scs_overlays_trampoline_lowered:
0x8: {  	[smem:$0x3FAC] =	sst s0  }
0x9: {  	[smem:$0x3FAD] =	sst s1  }
0xa: {  	[smem:$0x3FAE] =	sst s2  }
0xb: {  	[smem:$0x3FAF] =	sst s3  }
0xc: {  	[smem:$0x3FB0] =	sst s4  }
0xd: {  	[smem:$0x3FB1] =	sst s5  }
0xe: {  	[smem:$0x3FB2] =	sst s6  }
0xf: {  	[smem:$0x3FB3] =	sst s7  }
0x10: {  	[smem:$0x3FB4] =	sst s8  }
0x11: {  	[smem:$0x3FB5] =	sst s9;
	s0 =	simm.s32 @!p0 $0x0  }
0x12: {  	s1 =	sld [smem:$0x3F9B];
	s0 =	simm.s32 @p0 $0x1  }
0x13: {  	[smem:$0x3FB6] =	sst s0;
	s0 =	simm.s32 @!p1 $0x0  }
0x14: {  	s2 =	sld [smem:$0x3F9A];
	s0 =	simm.s32 @p1 $0x1  }
0x15: {  	[smem:$0x3FB7] =	sst s0;
	s0 =	simm.s32 @!p2 $0x0  }
0x16: {  	s3 =	sld [smem:$0x3FDB];
	s0 =	simm.s32 @p2 $0x1  }
0x17: {  	s4 =	simm.s32 $0x1BF5;
	[smem:$0x3FB9] =	sst s0  }
0x18: {  	s0 =	sld [smem:$0x3F9C];
	_ =	swait.ge [sflag:s4], $0x0  }
0x19: {  	s7 =	sld [smem:$0x3F9D]  }
0x1a: {  	s8 =	sadd.s32 $0xFFFFE003, lr  }
0x1b: {  	s9 =	sadd.s32 $0xFFFFFEF7, lr;
	s5 =	simm.s32 $0xFFFFFFFF;
	p2 =	slt.u32 s8, $0xFFFFF086  }
0x1c: {  	p1 =	slt.u32 s9, $0xF7A;
	s5 =	simm.s32 @!p2 $0x0  }
0x1d: {  	s5 =	simm.s32 @p1 $0x1;
	p0 =	seq.s32 s7, s2  }
0x1e: {  	s7 =	smul.u32 @!p0 $0xF7A, s2;
	p2 =	seq.s32 @!p0 s5, $0x0  }
0x1f: {  	s9 =	smul.u32 $0xF7A, s1;
	s8 =	simm.s32 @!p0 $0x1BF5;
	p2 =	por !p2, p0  }
0x20: {  	[sflag:s8] =	ssyncset.s32 @!p0 $0xFFFFF086;
	s6 =	sadd.s32 @!p0 s3, s7;
	s7 =	simm.s32 @!p0 $0x108  }
0x21: {  	s3 =	sadd.s32 s3, s9;
	s6 =	sadd.s32 @!p0 $0x88, s6;
	s7 =	simm.s32 @p2 $0x1082  }
0x22: {  	[simem:s7], [sflag:s8] =	dma.local @!p0 [hbm:s6], $0xF7A  }
0x23: {  	s9 =	sor.u32 $0xD0000000, s2;
	s6 =	simm.s32 $0x108;
	_ =	swait.ge @!p0 [sflag:s8], $0x0  }
0x24: {  	s3 =	sadd.s32 $0x88, s3;
	s6 =	simm.s32 @!p1 $0x1082;
	[sflag:s4] =	ssyncset.s32 $0xFFFFF086  }
0x25: {  	[simem:s6], [sflag:s4] =	dma.local [hbm:s3], $0xF7A  }
0x26: {  	[smem:$0x3F9D] =	sst s1;
	(tag) =	ssettag s2;
	_ =	strace s9  }
0x27: {  	s1 =	sld [smem:$0x3FAD]  }
0x28: {  	s2 =	sld [smem:$0x3FAE]  }
0x29: {  	s4 =	sld [smem:$0x3FB0]  }
0x2a: {  	p0 =	seq.s32 s5, $0x0;
	s5 =	sld [smem:$0x3FB1]  }
0x2b: {  	s6 =	sld [smem:$0x3FB2]  }
0x2c: {  	s7 =	sld [smem:$0x3FB3]  }
0x2d: {  	s3 =	simm.s32 $0x108;
	s8 =	sld [smem:$0x3FB4]  }
0x2e: {  	s3 =	simm.s32 @!p0 $0x1082;
	s9 =	sld [smem:$0x3FB5]  }
0x2f: {  	lr =	sadd.s32 s0, s3;
	s0 =	sld [smem:$0x3FAC]  }
0x30: {  	s3 =	sld [smem:$0x3FAF]  }
0x31: {  	[smem:$0x3FB8] =	sst s10  }
0x32: {  	s10 =	sld [smem:$0x3FB6];
	_ =	sdelay $0x3  }
0x33: {  	p0 =	seq.s32 s10, $0x1;
	s10 =	sld [smem:$0x3FB8];
	_ =	sdelay $0x3  }
0x34: {  	[smem:$0x3FB8] =	sst s10  }
0x35: {  	s10 =	sld [smem:$0x3FB7];
	_ =	sdelay $0x3  }
0x36: {  	p1 =	seq.s32 s10, $0x1;
	s10 =	sld [smem:$0x3FB8];
	_ =	sdelay $0x3  }
0x37: {  	[smem:$0x3FB8] =	sst s10  }
0x38: {  	s10 =	sld [smem:$0x3FB9]  }
0x39: {  	_ = 	snop;
	(pc) =	sbr.ind lr, $3  }
0x3a: {  	_ = 	snop  }
0x3b: {  	_ = 	snop  }
0x3c: {  	p2 =	seq.s32 s10, $0x1;
	s10 =	sld [smem:$0x3FB8]  }
0x3d: {  	_ =	shalt  }
0x3e: {  	_ =	shalt  }
0x3f: {  	_ =	shalt  }
0x40: {  	_ =	shalt  }
0x41: {  	_ =	shalt  }
0x42: {  	_ =	shalt  }
0x43: {  	_ =	shalt  }
0x44: {  	_ =	shalt  }
0x45: {  	_ =	shalt  }
0x46: {  	_ =	shalt  }
0x47: {  	_ =	shalt  }
0x48: {  	_ =	shalt  }
0x49: {  	_ =	shalt  }
0x4a: {  	_ =	shalt  }
0x4b: {  	_ =	shalt  }
0x4c: {  	_ =	shalt  }
0x4d: {  	_ =	shalt  }
0x4e: {  	_ =	shalt  }
0x4f: {  	_ =	shalt  }
0x50: {  	_ =	shalt  }
0x51: {  	_ =	shalt  }
0x52: {  	_ =	shalt  }
0x53: {  	_ =	shalt  }
0x54: {  	_ =	shalt  }
0x55: {  	_ =	shalt  }
0x56: {  	_ =	shalt  }
0x57: {  	_ =	shalt  }
0x58: {  	_ =	shalt  }
0x59: {  	_ =	shalt  }
0x5a: {  	_ =	shalt  }
0x5b: {  	_ =	shalt  }
0x5c: {  	_ =	shalt  }
0x5d: {  	_ =	shalt  }
0x5e: {  	_ =	shalt  }
0x5f: {  	_ =	shalt  }
0x60: {  	_ =	shalt  }
0x61: {  	_ =	shalt  }
0x62: {  	_ =	shalt  }
0x63: {  	_ =	shalt  }
0x64: {  	_ =	shalt  }
0x65: {  	_ =	shalt  }
0x66: {  	_ =	shalt  }
0x67: {  	_ =	shalt  }
0x68: {  	_ =	shalt  }
0x69: {  	_ =	shalt  }
0x6a: {  	_ =	shalt  }
0x6b: {  	_ =	shalt  }
0x6c: {  	_ =	shalt  }
0x6d: {  	_ =	shalt  }
0x6e: {  	_ =	shalt  }
0x6f: {  	_ =	shalt  }
0x70: {  	_ =	shalt  }
0x71: {  	_ =	shalt  }
0x72: {  	_ =	shalt  }
0x73: {  	_ =	shalt  }
0x74: {  	_ =	shalt  }
0x75: {  	_ =	shalt  }
0x76: {  	_ =	shalt  }
0x77: {  	_ =	shalt  }
0x78: {  	_ =	shalt  }
0x79: {  	_ =	shalt  }
0x7a: {  	_ =	shalt  }
0x7b: {  	_ =	shalt  }
0x7c: {  	_ =	shalt  }
0x7d: {  	_ =	shalt  }
0x7e: {  	_ =	shalt  }
0x7f: {  	_ =	shalt  }
0x80: {  	_ =	shalt  }
0x81: {  	_ =	shalt  }
0x82: {  	_ =	shalt  }
0x83: {  	_ =	shalt  }
0x84: {  	_ =	shalt  }
0x85: {  	_ =	shalt  }
0x86: {  	_ =	shalt  }
0x87: {  	_ =	shalt  }
.Lfunc_end0:
.L_simem_size_0:
called_computation.1_lowered:
.L_overlay_start_0:
0x88: {  	s2 =	sld [smem:$0x3FD9]  }
0x89: {  	s3 =	sld [smem:$0x3FFE];
	_ =	sdelay $0x1  }
0x8a: {  	s1 =	srdreg.scid  }
0x8b: {  	s0 =	sand.u32 $0x1, s1  }
0x8c: {  	s17 =	sshll.u32 s0, $0xA;
	s2 =	sadd.s32 s3, s2  }
0x8d: {  	s2 =	sadd.s32 s2, s17  }
0x8e: {  	[smem:$0x3FC4] =	sst s2  }
0x8f: {  	_ = 	snop  }
0x90: {  	s2 =	sld [smem:$0x3FD0];
	(tm) =	ssettm $0x1  }
0x91: {  	s18 =	sld [smem:$0x3FFB];
	_ =	sdelay $0x3  }
0x92: {  	_ =	strace s18  }
0x93: {  	s3 =	sld [smem:$0x3FFC];
	_ =	sdelay $0x3  }
0x94: {  	_ =	strace s3  }
0x95: {  	s3 =	sld [smem:$0x3FFD];
	_ =	sdelay $0x3  }
0x96: {  	_ =	strace s3  }
0x97: {  	_ =	strace $0x8FFFFFFF  }
0x98: {  	s19 =	sld [smem:$0x3FDB];
	_ =	sdelay $0x1  }
0x99: {  	s4 =	simm.s32 $_scs_section_size  }
0x9a: {  	s5 =	simm.s32 $_size__tile_overlayer_lowered;
	s6 =	simm.s32 $_tile_overlayer_lowered  }
0x9b: {  	s22 =	simm.s32 $0x1BFF;
	s21 =	sshll.u32 s6, $0x1;
	s3 =	sadd.s32 s4, s19  }
0x9c: {  	s7 =	simm.s32 $0x0;
	s20 =	sshll.u32 s5, $0x1;
	s5 =	sadd.s32 s21, s3  }
0x9d: {  	[timem:s7], [sflag:s22] =	dma.local [hbm:s5], s20  }
0x9e: {  	_ =	swait.ge [sflag:s22], s20  }
0x9f: {  	s4 =	ssub.s32 $0x0, s20;
	[sflag:s22] =	ssyncset.done $0x0  }
0xa0: {  	[sflag:s22] =	ssyncadd.s32 s4;
	_ =	sdelay $0x1  }
0xa1: {  	s23 =	simm.s32 $0x1B8B  }
0xa2: {  	_ =	swait.ge [sflag:s23], $0x1  }
0xa3: {  	[sflag:s23] =	ssyncset.done $0x0  }
0xa4: {  	s25 =	simm.s32 $0x1B8E;
	s24 =	sld [smem:$0x3FFE];
	[sflag:s23] =	ssyncadd.s32 $0xFFFFFFFF  }
0xa5: {  	s26 =	simm.s32 $execute0_lowered;
	[smem:$0x3FD2] =	sst s25  }
0xa6: {  	s5 =	sshll.u32 s26, $0x1;
	_ =	strace $0x80000049;
	[dreg:$0x1] =	wrdreg $0xFFFFFFFF  }
0xa7: {  	s28 =	simm.s32 $_size_execute0_lowered;
	s3 =	sadd.s32 s3, s5;
	[dreg:$0x0] =	wrdreg $0x0  }
0xa8: {  	s5 =	sshll.u32 s28, $0x1;
	[dreg:$0x2] =	wrdreg s3  }
0xa9: {  	[dreg:$0x3] =	wrdreg s5  }
0xaa: {  	[dreg:$0x4] =	wrdreg $0xC0  }
0xab: {  	_ =	task [dreg:s7], $0x5FFFF  }
0xac: {  	[dreg:$0x1] =	wrdreg $0xFFFFFFFF  }
0xad: {  	[dreg:$0x0] =	wrdreg $0x60  }
0xae: {  	[dreg:$0x2] =	wrdreg s2  }
0xaf: {  	[dreg:$0x3] =	wrdreg s24  }
0xb0: {  	[dreg:$0x4] =	wrdreg $0xBE500  }
0xb1: {  	[dreg:$0x5] =	wrdreg $0x9  }
0xb2: {  	_ =	task.clear_ibuf [dreg:s7], $0x6FFFF;
	_ =	strace $0x90000049  }
0xb3: {  	s29 =	simm.s32 $0x9;
	_ =	strace $0x8000004B  }
0xb4: {  	_ =	swait.ge [sflag:s29], $0x1  }
0xb5: {  	[sflag:s29] =	ssyncadd.s32 $0xFFFFFFFF  }
0xb6: {  	_ =	strace $0x9000004B  }
0xb7: {  	_ =	sfence  }
0xb8: {  	s30 =	sld [smem:$0x0];
	_ =	sdelay $0x2  }
0xb9: {  	s31 =	sshll.u32 s1, $0xD;
	s1 =	sshrl.u32 s1, $0x2  }
0xba: {  	s3 =	sand.u32 $0x4000, s31;
	s1 =	sadd.s32 s1, s30  }
0xbb: {  	s0 =	sor.u32 s3, s0;
	s1 =	sshll.u32 s1, $0x11  }
0xbc: {  	s0 =	sor.u32 s1, s0  }
0xbd: {  	s0 =	sadd.s32 $0x8F2B, s0  }
0xbe: {  	[sflag:s0] =	ssyncadd.remote.s32 $0x1  }
0xbf: {  	_ =	sfence.sel $0xFFFF  }
0xc0: {  	[dreg:$0x0] =	wrdreg $0xFFFFFFFF;
	(pc) =	sbr.abs _section_cstart, $3  }
0xc1: {  	[dreg:$0x1] =	wrdreg $0xFFFFFFFF  }
0xc2: {  	_ =	task.clear_ibuf [dreg:s7], $0x2FFFF;
	_ =	strace $0x9FFFFFFF  }
0xc3: {  	(tm) =	ssettm $0x7FFFFFFF  }
tec
execute0_lowered:
.L_overlay_start_1:
0x0: {  	(tag) =	ssettag $0x1  }
0x1: {  	s1 =	rddreg [dreg:$0x0]  }
0x2: {  	s0 =	srdreg.scid;
	s2 =	rddreg [dreg:$0x1]  }
0x3: {  	s10 =	stileid.u32;
	s3 =	rddreg [dreg:$0x2];
	s28 =	simm.s32 $0x7  }
0x4: {  	s29 =	simm.s32 $0x50;
	s30 =	simm.s32 $0x1F40;
	s31 =	simm.s32 $0x4740  }
0x5: {  	s0 =	sand.u32 $0x1, s0;
	s4 =	sshll.u32 s10, $0x1;
	s7 =	smul.u32 $0x13880, s10  }
0x6: {  	s13 =	sshll.u32 s10, $0x6;
	s10 =	simm.s32 $0x2;
	s5 =	sor.u32 s0, s4  }
0x7: {  	s4 =	simm.s32 $0x0;
	s8 =	smul.u32 $0x138800, s0;
	s0 =	ssub.s32 $0x2, s0  }
0x8: {  	s6 =	smul.u32 $0x2710, s5;
	[smem:$0x7FF] =	sst s4;
	s9 =	sshrl.u32 s7, $0x3  }
0x9: {  	s5 =	smul.u32 $0x7D0, s5;
	s24 =	sshrl.u32 s0, $0x1;
	s11 =	sadd.s32 s7, s3  }
0xa: {  	_ =	strace $0x8000004A;
	s9 =	sadd.s32 s9, s2;
	s0 =	ssub.s32 s0, s24  }
0xb: {  	[dreg:$0x6] =	wrdreg s11;
	s6 =	sshrl.u32 s6, $0x3;
	s12 =	sadd.s32 $0x15800, s9  }
0xc: {  	s0 =	smax.u32 s0, $0x1;
	s6 =	sadd.s32 s6, s2;
	[dreg:$0x7] =	wrdreg s12  }
0xd: {  	s8 =	sadd.s32 s7, s8;
	[dreg:$0x16] =	wrdreg s0;
	s25 =	sadd.s32 $0xBA40, s6  }
0xe: {  	s7 =	simm.s32 $0xA0;
	s26 =	sadd.s32 $0x1E00, s6;
	[dreg:$0x4] =	wrdreg s25  }
0xf: {  	s11 =	simm.s32 $0x4;
	s14 =	sadd.s32 $0xBB3A, s6;
	[dreg:$0x5] =	wrdreg s26  }
0x10: {  	s8 =	sshrl.u32 s8, $0x3;
	s15 =	sadd.s32 $0x1EFA, s6;
	[dreg:$0x8] =	wrdreg s14  }
0x11: {  	s5 =	sshrl.u32 s5, $0x3;
	s16 =	sadd.s32 $0xBC34, s6;
	[dreg:$0x9] =	wrdreg s15  }
0x12: {  	s9 =	sor.u32 $0x1C08, s13;
	s17 =	sadd.s32 $0x1FF4, s6;
	[dreg:$0xa] =	wrdreg s16  }
0x13: {  	s13 =	simm.s32 $0x5;
	s18 =	sadd.s32 $0xBD2E, s6;
	[dreg:$0xb] =	wrdreg s17  }
0x14: {  	s8 =	sadd.s32 s8, s2;
	s19 =	sadd.s32 $0x20EE, s6;
	[dreg:$0xc] =	wrdreg s18  }
0x15: {  	s2 =	sadd.s32 s5, s2;
	s20 =	sadd.s32 $0xBE28, s6;
	[dreg:$0xd] =	wrdreg s19  }
0x16: {  	s0 =	simm.s32 $0x1770;
	s21 =	sadd.s32 $0x21E8, s6;
	[dreg:$0xe] =	wrdreg s20  }
0x17: {  	s5 =	simm.s32 $0x1;
	s22 =	sadd.s32 $0x46800, s8;
	[dreg:$0xf] =	wrdreg s21  }
0x18: {  	s12 =	simm.s32 $0x3;
	s23 =	sadd.s32 $0x3CA00, s2;
	[dreg:$0x10] =	wrdreg s22  }
0x19: {  	s24 =	sadd.s32 $0x3E940, s2;
	s6 =	simm.s32 $0x9740;
	[dreg:$0x11] =	wrdreg s23  }
0x1a: {  	s8 =	simm.s32 $0x6F40;
	[dreg:$0x12] =	wrdreg s24;
	s25 =	sadd.s32 $0x40880, s2  }
0x1b: {  	s26 =	sadd.s32 $0x427C0, s2;
	s2 =	sadd.s32 $0x44700, s2;
	s14 =	simm.s32 $0x6  }
0x1c: {  	s15 =	simm.s32 $0xEB0;
	s16 =	simm.s32 $0x780;
	[dreg:$0x13] =	wrdreg s25  }
0x1d: {  	s17 =	simm.s32 $0xF00;
	s18 =	simm.s32 $0xF50;
	[dreg:$0x14] =	wrdreg s26  }
0x1e: {  	s24 =	simm.s32 $0x1EF0;
	s19 =	simm.s32 $0x0;
	[dreg:$0x15] =	wrdreg s2  }
0x1f: {  	v0 =	vimm.f32 $0.0e+00;
	v1 =	vimm.f32 $1.000000000e+00;
	s25 =	simm.s32 $0x7D0;
	s26 =	simm.s32 $0x8;
	s2 =	simm.s32 $0xFA0  }
.LBB2_1:
0x20: {  	s20 =	rddreg [dreg:$0x4]  }
0x21: {  	s22 =	rddreg [dreg:$0x5]  }
0x22: {  	s23 =	rddreg [dreg:$0x6]  }
0x23: {  	[tilespmem:s4], [sflag:$0x7] =	stream.linear.gather [hbm4b:s20+s4], $0x7D0, $0x38;
	[tilespmem:$0x1F6D0] =	vst v63  }
0x24: {  	s21 =	rddreg [dreg:$0x7];
	s20 =	sshrl.u32 s23, $0x3  }
0x25: {  	[tilespmem:s25], [sflag:$0x7] =	stream.linear.gather [hbm4b:s22+s4], $0x7D0, $0x38;
	[tilespmem:$0x1F6D0] =	vst v63  }
0x26: {  	[spmem:s20], [sflag:s9] =	dma.local [hbm:s21], $0x2710  }
0x27: {  	_ =	swait.ge [sflag:s26], $0x2710  }
0x28: {  	[sflag:s26] =	ssyncset.done $0x0  }
0x29: {  	s22 =	simm.s32 $0x0;
	s21 =	simm.s32 $0x40;
	[sflag:s26] =	ssyncadd.s32 $0xFFFFD8F0  }
.LBB2_2:
0x2a: {  	p0 =	sne.s32 s21, $0x9C00;
	[tilespmem:s22+$0x9740] =	vst v0;
	s22 =	smov.u32 s21;
	s21 =	sadd.s32 $0x40, s21  }
.Ltmp0:
0x2b: {  	(pc) =	sbr.rel @p0 .LBB2_2-.Ltmp0, $2  }
0x2c: {  	_ =	sdelay $0x2  }
0x2d: {  	s22 =	sshra.s32 s22, $0x2  }
0x2e: {  	[tilespmem:s22+$0x9740] =	vst v0  }
0x2f: {  	_ =	swait.ge [sflag:s28], $0x7D0  }
0x30: {  	[sflag:s28] =	ssyncset.done $0x0  }
0x31: {  	[sflag:s28] =	ssyncadd.s32 $0xFFFFF830  }
0x32: {  	_ =	swait.ge [sflag:s28], $0x7D0  }
0x33: {  	[sflag:s28] =	ssyncset.done $0x0  }
0x34: {  	s21 =	simm.s32 $0x0;
	[sflag:s28] =	ssyncadd.s32 $0xFFFFF830  }
0x35: {  	[tilespmem:s30], [sflag:$0x1] =	stream.indirect.gather [hbm4b:s1+s29], $0x80, s21, s29, $0xb8;
	[tilespmem:$0x1F6D0] =	vst v63  }
0x36: {  	_ = 	snop  }
0x37: {  	[tilespmem:s31], [sflag:$0x2] =	stream.indirect.gather [hbm4b:s1+s29], $0x80, s29, s29, $0xb8;
	[tilespmem:$0x1F6D0] =	vst v63  }
0x38: {  	[bflag:$0x0] =	sbarrier.arrive $0xFFFF  }
0x39: {  	s23 =	rddreg [dreg:$0x8]  }
0x3a: {  	[tilespmem:s2], [sflag:$0x7] =	stream.linear.gather [hbm4b:s23+s21], $0x7D0, $0x38;
	[tilespmem:$0x1F6D0] =	vst v63  }
0x3b: {  	s23 =	rddreg [dreg:$0x9]  }
0x3c: {  	[tilespmem:s0], [sflag:$0x7] =	stream.linear.gather [hbm4b:s23+s21], $0x7D0, $0x38;
	[tilespmem:$0x1F6D0] =	vst v63  }
0x3d: {  	_ =	swait.ge [sflag:s5], $0x2800  }
0x3e: {  	[sflag:s5] =	ssyncset.done $0x0  }
0x3f: {  	[sflag:s5] =	ssyncadd.s32 $0xFFFFD800  }
0x40: {  	[spmem:s3] =	stream.indirect.scatter.add.f32 [tilespmem:s30], [sflag:$0x4], $0x80, s25, s29, $0xb8;
	[tilespmem:$0x1F6D0] =	vst v63  }
0x41: {  	v2 =	vld [tilespmem:$0x7D0];
	_ =	sdelay $0x7  }
0x42: {  	[tilespmem:v2+s6+$0x0] =	vst.idx.add.f32.msk $0xffff, v1  }
0x43: {  	v2 =	vld [tilespmem:$0x7E0];
	_ =	sdelay $0x7  }
0x44: {  	[tilespmem:v2+s6+$0x0] =	vst.idx.add.f32.msk $0xffff, v1  }
0x45: {  	v2 =	vld [tilespmem:$0x7F0];
	_ =	sdelay $0x7  }
0x46: {  	[tilespmem:v2+s6+$0x0] =	vst.idx.add.f32.msk $0xffff, v1  }
0x47: {  	v2 =	vld [tilespmem:$0x800];
	_ =	sdelay $0x7  }
0x48: {  	[tilespmem:v2+s6+$0x0] =	vst.idx.add.f32.msk $0xffff, v1  }
0x49: {  	v2 =	vld [tilespmem:$0x810];
	_ =	sdelay $0x7  }
0x4a: {  	[tilespmem:v2+s6+$0x0] =	vst.idx.add.f32.msk $0xffff, v1  }
0x4b: {  	[tilespmem:s8], [sflag:$0x3] =	stream.indirect.gather [hbm4b:s1+s29], $0x80, s7, s29, $0xb8;
	[tilespmem:$0x1F6D0] =	vst v63  }
.LBB2_4:
0x4c: {  	_ =	swait.ge [sflag:s10], $0x2800  }
0x4d: {  	s22 =	sshra.s32 s21, $0x2;
	[sflag:s10] =	ssyncset.done $0x0  }
0x4e: {  	s23 =	sadd.s32 $0x820, s22;
	[sflag:s10] =	ssyncadd.s32 $0xFFFFD800  }
0x4f: {  	[spmem:s3] =	stream.indirect.scatter.add.f32 [tilespmem:s31], [sflag:$0x5], $0x80, s23, s29, $0xb8;
	[tilespmem:$0x1F6D0] =	vst v63  }
0x50: {  	v2 =	vld [tilespmem:s22+$0x820];
	_ =	sdelay $0x7  }
0x51: {  	[tilespmem:v2+s6+$0x0] =	vst.idx.add.f32.msk $0xffff, v1  }
0x52: {  	v2 =	vld [tilespmem:s22+$0x830];
	_ =	sdelay $0x7  }
0x53: {  	[tilespmem:v2+s6+$0x0] =	vst.idx.add.f32.msk $0xffff, v1  }
0x54: {  	v2 =	vld [tilespmem:s22+$0x840];
	_ =	sdelay $0x7  }
0x55: {  	[tilespmem:v2+s6+$0x0] =	vst.idx.add.f32.msk $0xffff, v1  }
0x56: {  	v2 =	vld [tilespmem:s22+$0x850];
	_ =	sdelay $0x7  }
0x57: {  	[tilespmem:v2+s6+$0x0] =	vst.idx.add.f32.msk $0xffff, v1  }
0x58: {  	v2 =	vld [tilespmem:s22+$0x860];
	_ =	sdelay $0x7  }
0x59: {  	[tilespmem:v2+s6+$0x0] =	vst.idx.add.f32.msk $0xffff, v1  }
0x5a: {  	_ =	swait.ge [sflag:s11], $0x2800  }
0x5b: {  	[sflag:s11] =	ssyncset.done $0x0  }
0x5c: {  	s23 =	sadd.s32 $0xF0, s22;
	[sflag:s11] =	ssyncadd.s32 $0xFFFFD800  }
0x5d: {  	[tilespmem:s30], [sflag:$0x1] =	stream.indirect.gather [hbm4b:s1+s29], $0x80, s23, s29, $0xb8;
	[tilespmem:$0x1F6D0] =	vst v63  }
0x5e: {  	_ =	swait.ge [sflag:s12], $0x2800  }
0x5f: {  	[sflag:s12] =	ssyncset.done $0x0  }
0x60: {  	s23 =	sadd.s32 $0x870, s22;
	[sflag:s12] =	ssyncadd.s32 $0xFFFFD800  }
0x61: {  	[spmem:s3] =	stream.indirect.scatter.add.f32 [tilespmem:s8], [sflag:$0x6], $0x80, s23, s29, $0xb8;
	[tilespmem:$0x1F6D0] =	vst v63  }
0x62: {  	v2 =	vld [tilespmem:s22+$0x870];
	_ =	sdelay $0x7  }
0x63: {  	[tilespmem:v2+s6+$0x0] =	vst.idx.add.f32.msk $0xffff, v1  }
0x64: {  	v2 =	vld [tilespmem:s22+$0x880];
	_ =	sdelay $0x7  }
0x65: {  	[tilespmem:v2+s6+$0x0] =	vst.idx.add.f32.msk $0xffff, v1  }
0x66: {  	v2 =	vld [tilespmem:s22+$0x890];
	_ =	sdelay $0x7  }
0x67: {  	[tilespmem:v2+s6+$0x0] =	vst.idx.add.f32.msk $0xffff, v1  }
0x68: {  	v2 =	vld [tilespmem:s22+$0x8A0];
	_ =	sdelay $0x7  }
0x69: {  	[tilespmem:v2+s6+$0x0] =	vst.idx.add.f32.msk $0xffff, v1  }
0x6a: {  	v2 =	vld [tilespmem:s22+$0x8B0];
	_ =	sdelay $0x7  }
0x6b: {  	[tilespmem:v2+s6+$0x0] =	vst.idx.add.f32.msk $0xffff, v1  }
0x6c: {  	_ =	swait.ge [sflag:s13], $0x2800  }
0x6d: {  	[sflag:s13] =	ssyncset.done $0x0  }
0x6e: {  	s23 =	sadd.s32 $0x140, s22;
	[sflag:s13] =	ssyncadd.s32 $0xFFFFD800  }
0x6f: {  	[tilespmem:s31], [sflag:$0x2] =	stream.indirect.gather [hbm4b:s1+s29], $0x80, s23, s29, $0xb8;
	[tilespmem:$0x1F6D0] =	vst v63  }
0x70: {  	_ =	swait.ge [sflag:s5], $0x2800  }
0x71: {  	[sflag:s5] =	ssyncset.done $0x0  }
0x72: {  	s23 =	sadd.s32 $0x8C0, s22;
	[sflag:s5] =	ssyncadd.s32 $0xFFFFD800  }
0x73: {  	[spmem:s3] =	stream.indirect.scatter.add.f32 [tilespmem:s30], [sflag:$0x4], $0x80, s23, s29, $0xb8;
	[tilespmem:$0x1F6D0] =	vst v63  }
0x74: {  	v2 =	vld [tilespmem:s22+$0x8C0];
	_ =	sdelay $0x7  }
0x75: {  	[tilespmem:v2+s6+$0x0] =	vst.idx.add.f32.msk $0xffff, v1  }
0x76: {  	v2 =	vld [tilespmem:s22+$0x8D0];
	_ =	sdelay $0x7  }
0x77: {  	[tilespmem:v2+s6+$0x0] =	vst.idx.add.f32.msk $0xffff, v1  }
0x78: {  	v2 =	vld [tilespmem:s22+$0x8E0];
	_ =	sdelay $0x7  }
0x79: {  	[tilespmem:v2+s6+$0x0] =	vst.idx.add.f32.msk $0xffff, v1  }
0x7a: {  	v2 =	vld [tilespmem:s22+$0x8F0];
	_ =	sdelay $0x7  }
0x7b: {  	[tilespmem:v2+s6+$0x0] =	vst.idx.add.f32.msk $0xffff, v1  }
0x7c: {  	v2 =	vld [tilespmem:s22+$0x900];
	_ =	sdelay $0x6  }
0x7d: {  	p0 =	sne.s32 s21, $0x1680  }
.Ltmp1:
0x7e: {  	[tilespmem:v2+s6+$0x0] =	vst.idx.add.f32.msk $0xffff, v1;
	(pc) =	sbr.rel @p0 .LBB2_4-.Ltmp1, $4  }
0x7f: {  	_ =	swait.ge [sflag:s14], $0x2800  }
0x80: {  	[sflag:s14] =	ssyncset.done $0x0  }
0x81: {  	s21 =	sadd.s32 $0x3C0, s21;
	s22 =	sadd.s32 $0x190, s22;
	[sflag:s14] =	ssyncadd.s32 $0xFFFFD800  }
0x82: {  	[tilespmem:s8], [sflag:$0x3] =	stream.indirect.gather [hbm4b:s1+s29], $0x80, s22, s29, $0xb8;
	[tilespmem:$0x1F6D0] =	vst v63  }
0x83: {  	_ =	swait.ge [sflag:s10], $0x2800  }
0x84: {  	[sflag:s10] =	ssyncset.done $0x0  }
0x85: {  	[sflag:s10] =	ssyncadd.s32 $0xFFFFD800  }
0x86: {  	[spmem:s3] =	stream.indirect.scatter.add.f32 [tilespmem:s31], [sflag:$0x5], $0x80, s15, s29, $0xb8;
	[tilespmem:$0x1F6D0] =	vst v63  }
0x87: {  	v2 =	vld [tilespmem:$0xEB0];
	_ =	sdelay $0x7  }
0x88: {  	[tilespmem:v2+s6+$0x0] =	vst.idx.add.f32.msk $0xffff, v1  }
0x89: {  	v2 =	vld [tilespmem:$0xEC0];
	_ =	sdelay $0x7  }
0x8a: {  	[tilespmem:v2+s6+$0x0] =	vst.idx.add.f32.msk $0xffff, v1  }
0x8b: {  	v2 =	vld [tilespmem:$0xED0];
	_ =	sdelay $0x7  }
0x8c: {  	[tilespmem:v2+s6+$0x0] =	vst.idx.add.f32.msk $0xffff, v1  }
0x8d: {  	v2 =	vld [tilespmem:$0xEE0];
	_ =	sdelay $0x7  }
0x8e: {  	[tilespmem:v2+s6+$0x0] =	vst.idx.add.f32.msk $0xffff, v1  }
0x8f: {  	v2 =	vld [tilespmem:$0xEF0];
	_ =	sdelay $0x7  }
0x90: {  	[tilespmem:v2+s6+$0x0] =	vst.idx.add.f32.msk $0xffff, v1  }
0x91: {  	_ =	swait.ge [sflag:s11], $0x2800  }
0x92: {  	[sflag:s11] =	ssyncset.done $0x0  }
0x93: {  	[sflag:s11] =	ssyncadd.s32 $0xFFFFD800  }
0x94: {  	[tilespmem:s30], [sflag:$0x1] =	stream.indirect.gather [hbm4b:s1+s29], $0x80, s16, s29, $0xb8;
	[tilespmem:$0x1F6D0] =	vst v63  }
0x95: {  	_ =	swait.ge [sflag:s12], $0x2800  }
0x96: {  	[sflag:s12] =	ssyncset.done $0x0  }
0x97: {  	[sflag:s12] =	ssyncadd.s32 $0xFFFFD800  }
0x98: {  	[spmem:s3] =	stream.indirect.scatter.add.f32 [tilespmem:s8], [sflag:$0x6], $0x80, s17, s29, $0xb8;
	[tilespmem:$0x1F6D0] =	vst v63  }
0x99: {  	v2 =	vld [tilespmem:$0xF00];
	_ =	sdelay $0x7  }
0x9a: {  	[tilespmem:v2+s6+$0x0] =	vst.idx.add.f32.msk $0xffff, v1  }
0x9b: {  	v2 =	vld [tilespmem:$0xF10];
	_ =	sdelay $0x7  }
0x9c: {  	[tilespmem:v2+s6+$0x0] =	vst.idx.add.f32.msk $0xffff, v1  }
0x9d: {  	v2 =	vld [tilespmem:$0xF20];
	_ =	sdelay $0x7  }
0x9e: {  	[tilespmem:v2+s6+$0x0] =	vst.idx.add.f32.msk $0xffff, v1  }
0x9f: {  	v2 =	vld [tilespmem:$0xF30];
	_ =	sdelay $0x7  }
0xa0: {  	[tilespmem:v2+s6+$0x0] =	vst.idx.add.f32.msk $0xffff, v1  }
0xa1: {  	v2 =	vld [tilespmem:$0xF40];
	_ =	sdelay $0x7  }
0xa2: {  	[tilespmem:v2+s6+$0x0] =	vst.idx.add.f32.msk $0xffff, v1  }
0xa3: {  	_ =	swait.ge [sflag:s13], $0x2800  }
0xa4: {  	[sflag:s13] =	ssyncset.done $0x0  }
0xa5: {  	[sflag:s13] =	ssyncadd.s32 $0xFFFFD800  }
0xa6: {  	_ =	swait.ge [sflag:s5], $0x2800  }
0xa7: {  	[sflag:s5] =	ssyncset.done $0x0  }
0xa8: {  	[sflag:s5] =	ssyncadd.s32 $0xFFFFD800  }
0xa9: {  	[spmem:s3] =	stream.indirect.scatter.add.f32 [tilespmem:s30], [sflag:$0x4], $0x80, s18, s29, $0xb8;
	[tilespmem:$0x1F6D0] =	vst v63  }
0xaa: {  	v2 =	vld [tilespmem:$0xF50];
	_ =	sdelay $0x7  }
0xab: {  	[tilespmem:v2+s6+$0x0] =	vst.idx.add.f32.msk $0xffff, v1  }
0xac: {  	v2 =	vld [tilespmem:$0xF60];
	_ =	sdelay $0x7  }
0xad: {  	[tilespmem:v2+s6+$0x0] =	vst.idx.add.f32.msk $0xffff, v1  }
0xae: {  	v2 =	vld [tilespmem:$0xF70];
	_ =	sdelay $0x7  }
0xaf: {  	[tilespmem:v2+s6+$0x0] =	vst.idx.add.f32.msk $0xffff, v1  }
0xb0: {  	v2 =	vld [tilespmem:$0xF80];
	_ =	sdelay $0x7  }
0xb1: {  	[tilespmem:v2+s6+$0x0] =	vst.idx.add.f32.msk $0xffff, v1  }
0xb2: {  	v2 =	vld [tilespmem:$0xF90];
	_ =	sdelay $0x7  }
0xb3: {  	[tilespmem:v2+s6+$0x0] =	vst.idx.add.f32.msk $0xffff, v1  }
0xb4: {  	_ =	swait.ge [sflag:s14], $0x2800  }
0xb5: {  	[sflag:s14] =	ssyncset.done $0x0  }
0xb6: {  	[sflag:s14] =	ssyncadd.s32 $0xFFFFD800  }
0xb7: {  	_ =	swait.ge [sflag:s11], $0x2800  }
0xb8: {  	[sflag:s11] =	ssyncset.done $0x0  }
0xb9: {  	[sflag:s11] =	ssyncadd.s32 $0xFFFFD800  }
0xba: {  	_ =	swait.ge [sflag:s28], $0x7D0  }
0xbb: {  	[sflag:s28] =	ssyncset.done $0x0  }
0xbc: {  	[sflag:s28] =	ssyncadd.s32 $0xFFFFF830  }
0xbd: {  	_ =	swait.ge [sflag:s28], $0x7D0  }
0xbe: {  	[sflag:s28] =	ssyncset.done $0x0  }
0xbf: {  	[sflag:s28] =	ssyncadd.s32 $0xFFFFF830  }
0xc0: {  	[tilespmem:s30], [sflag:$0x1] =	stream.indirect.gather [hbm4b:s1+s29], $0x80, s2, s29, $0xb8;
	[tilespmem:$0x1F6D0] =	vst v63  }
0xc1: {  	s21 =	simm.s32 $0xFF0  }
0xc2: {  	[tilespmem:s31], [sflag:$0x2] =	stream.indirect.gather [hbm4b:s1+s29], $0x80, s21, s29, $0xb8;
	[tilespmem:$0x1F6D0] =	vst v63  }
0xc3: {  	s22 =	rddreg [dreg:$0xa];
	s21 =	simm.s32 $0x0  }
0xc4: {  	[tilespmem:s21], [sflag:$0x7] =	stream.linear.gather [hbm4b:s22+s21], $0x7D0, $0x38;
	[tilespmem:$0x1F6D0] =	vst v63  }
0xc5: {  	s23 =	rddreg [dreg:$0xb]  }
0xc6: {  	[tilespmem:s25], [sflag:$0x7] =	stream.linear.gather [hbm4b:s23+s21], $0x7D0, $0x38;
	[tilespmem:$0x1F6D0] =	vst v63  }
0xc7: {  	_ =	swait.ge [sflag:s5], $0x2800  }
0xc8: {  	[sflag:s5] =	ssyncset.done $0x0  }
0xc9: {  	[sflag:s5] =	ssyncadd.s32 $0xFFFFD800  }
0xca: {  	[spmem:s3] =	stream.indirect.scatter.add.f32 [tilespmem:s30], [sflag:$0x4], $0x80, s0, s29, $0xb8;
	[tilespmem:$0x1F6D0] =	vst v63  }
0xcb: {  	v2 =	vld [tilespmem:$0x1770];
	_ =	sdelay $0x7  }
0xcc: {  	[tilespmem:v2+s6+$0x0] =	vst.idx.add.f32.msk $0xffff, v1  }
0xcd: {  	v2 =	vld [tilespmem:$0x1780];
	_ =	sdelay $0x7  }
0xce: {  	[tilespmem:v2+s6+$0x0] =	vst.idx.add.f32.msk $0xffff, v1  }
0xcf: {  	v2 =	vld [tilespmem:$0x1790];
	_ =	sdelay $0x7  }
0xd0: {  	[tilespmem:v2+s6+$0x0] =	vst.idx.add.f32.msk $0xffff, v1  }
0xd1: {  	v2 =	vld [tilespmem:$0x17A0];
	_ =	sdelay $0x7  }
0xd2: {  	[tilespmem:v2+s6+$0x0] =	vst.idx.add.f32.msk $0xffff, v1  }
0xd3: {  	v2 =	vld [tilespmem:$0x17B0];
	_ =	sdelay $0x7  }
0xd4: {  	s23 =	simm.s32 $0x1040;
	[tilespmem:v2+s6+$0x0] =	vst.idx.add.f32.msk $0xffff, v1  }
0xd5: {  	[tilespmem:s8], [sflag:$0x3] =	stream.indirect.gather [hbm4b:s1+s29], $0x80, s23, s29, $0xb8;
	[tilespmem:$0x1F6D0] =	vst v63  }
.LBB2_6:
0xd6: {  	_ =	swait.ge [sflag:s10], $0x2800  }
0xd7: {  	s22 =	sshra.s32 s21, $0x2;
	[sflag:s10] =	ssyncset.done $0x0  }
0xd8: {  	s23 =	sadd.s32 $0x17C0, s22;
	[sflag:s10] =	ssyncadd.s32 $0xFFFFD800  }
0xd9: {  	[spmem:s3] =	stream.indirect.scatter.add.f32 [tilespmem:s31], [sflag:$0x5], $0x80, s23, s29, $0xb8;
	[tilespmem:$0x1F6D0] =	vst v63  }
0xda: {  	v2 =	vld [tilespmem:s22+$0x17C0];
	_ =	sdelay $0x7  }
0xdb: {  	[tilespmem:v2+s6+$0x0] =	vst.idx.add.f32.msk $0xffff, v1  }
0xdc: {  	v2 =	vld [tilespmem:s22+$0x17D0];
	_ =	sdelay $0x7  }
0xdd: {  	[tilespmem:v2+s6+$0x0] =	vst.idx.add.f32.msk $0xffff, v1  }
0xde: {  	v2 =	vld [tilespmem:s22+$0x17E0];
	_ =	sdelay $0x7  }
0xdf: {  	[tilespmem:v2+s6+$0x0] =	vst.idx.add.f32.msk $0xffff, v1  }
0xe0: {  	v2 =	vld [tilespmem:s22+$0x17F0];
	_ =	sdelay $0x7  }
0xe1: {  	[tilespmem:v2+s6+$0x0] =	vst.idx.add.f32.msk $0xffff, v1  }
0xe2: {  	v2 =	vld [tilespmem:s22+$0x1800];
	_ =	sdelay $0x7  }
0xe3: {  	[tilespmem:v2+s6+$0x0] =	vst.idx.add.f32.msk $0xffff, v1  }
0xe4: {  	_ =	swait.ge [sflag:s11], $0x2800  }
0xe5: {  	[sflag:s11] =	ssyncset.done $0x0  }
0xe6: {  	s23 =	sadd.s32 $0x1090, s22;
	[sflag:s11] =	ssyncadd.s32 $0xFFFFD800  }
0xe7: {  	[tilespmem:s30], [sflag:$0x1] =	stream.indirect.gather [hbm4b:s1+s29], $0x80, s23, s29, $0xb8;
	[tilespmem:$0x1F6D0] =	vst v63  }
0xe8: {  	_ =	swait.ge [sflag:s12], $0x2800  }
0xe9: {  	[sflag:s12] =	ssyncset.done $0x0  }
0xea: {  	s23 =	sadd.s32 $0x1810, s22;
	[sflag:s12] =	ssyncadd.s32 $0xFFFFD800  }
0xeb: {  	[spmem:s3] =	stream.indirect.scatter.add.f32 [tilespmem:s8], [sflag:$0x6], $0x80, s23, s29, $0xb8;
	[tilespmem:$0x1F6D0] =	vst v63  }
0xec: {  	v2 =	vld [tilespmem:s22+$0x1810];
	_ =	sdelay $0x7  }
0xed: {  	[tilespmem:v2+s6+$0x0] =	vst.idx.add.f32.msk $0xffff, v1  }
0xee: {  	v2 =	vld [tilespmem:s22+$0x1820];
	_ =	sdelay $0x7  }
0xef: {  	[tilespmem:v2+s6+$0x0] =	vst.idx.add.f32.msk $0xffff, v1  }
0xf0: {  	v2 =	vld [tilespmem:s22+$0x1830];
	_ =	sdelay $0x7  }
0xf1: {  	[tilespmem:v2+s6+$0x0] =	vst.idx.add.f32.msk $0xffff, v1  }
0xf2: {  	v2 =	vld [tilespmem:s22+$0x1840];
	_ =	sdelay $0x7  }
0xf3: {  	[tilespmem:v2+s6+$0x0] =	vst.idx.add.f32.msk $0xffff, v1  }
0xf4: {  	v2 =	vld [tilespmem:s22+$0x1850];
	_ =	sdelay $0x7  }
0xf5: {  	[tilespmem:v2+s6+$0x0] =	vst.idx.add.f32.msk $0xffff, v1  }
0xf6: {  	_ =	swait.ge [sflag:s13], $0x2800  }
0xf7: {  	[sflag:s13] =	ssyncset.done $0x0  }
0xf8: {  	s23 =	sadd.s32 $0x10E0, s22;
	[sflag:s13] =	ssyncadd.s32 $0xFFFFD800  }
0xf9: {  	[tilespmem:s31], [sflag:$0x2] =	stream.indirect.gather [hbm4b:s1+s29], $0x80, s23, s29, $0xb8;
	[tilespmem:$0x1F6D0] =	vst v63  }
0xfa: {  	_ =	swait.ge [sflag:s5], $0x2800  }
0xfb: {  	[sflag:s5] =	ssyncset.done $0x0  }
0xfc: {  	s23 =	sadd.s32 $0x1860, s22;
	[sflag:s5] =	ssyncadd.s32 $0xFFFFD800  }
0xfd: {  	[spmem:s3] =	stream.indirect.scatter.add.f32 [tilespmem:s30], [sflag:$0x4], $0x80, s23, s29, $0xb8;
	[tilespmem:$0x1F6D0] =	vst v63  }
0xfe: {  	v2 =	vld [tilespmem:s22+$0x1860];
	_ =	sdelay $0x7  }
0xff: {  	[tilespmem:v2+s6+$0x0] =	vst.idx.add.f32.msk $0xffff, v1  }
0x100: {  	v2 =	vld [tilespmem:s22+$0x1870];
	_ =	sdelay $0x7  }
0x101: {  	[tilespmem:v2+s6+$0x0] =	vst.idx.add.f32.msk $0xffff, v1  }
0x102: {  	v2 =	vld [tilespmem:s22+$0x1880];
	_ =	sdelay $0x7  }
0x103: {  	[tilespmem:v2+s6+$0x0] =	vst.idx.add.f32.msk $0xffff, v1  }
0x104: {  	v2 =	vld [tilespmem:s22+$0x1890];
	_ =	sdelay $0x7  }
0x105: {  	[tilespmem:v2+s6+$0x0] =	vst.idx.add.f32.msk $0xffff, v1  }
0x106: {  	v2 =	vld [tilespmem:s22+$0x18A0];
	_ =	sdelay $0x6  }
0x107: {  	p0 =	sne.s32 s21, $0x1680  }
.Ltmp2:
0x108: {  	[tilespmem:v2+s6+$0x0] =	vst.idx.add.f32.msk $0xffff, v1;
	(pc) =	sbr.rel @p0 .LBB2_6-.Ltmp2, $4  }
0x109: {  	_ =	swait.ge [sflag:s14], $0x2800  }
0x10a: {  	[sflag:s14] =	ssyncset.done $0x0  }
0x10b: {  	s21 =	sadd.s32 $0x3C0, s21;
	s22 =	sadd.s32 $0x1130, s22;
	[sflag:s14] =	ssyncadd.s32 $0xFFFFD800  }
0x10c: {  	[tilespmem:s8], [sflag:$0x3] =	stream.indirect.gather [hbm4b:s1+s29], $0x80, s22, s29, $0xb8;
	[tilespmem:$0x1F6D0] =	vst v63  }
0x10d: {  	_ =	swait.ge [sflag:s10], $0x2800  }
0x10e: {  	[sflag:s10] =	ssyncset.done $0x0  }
0x10f: {  	s21 =	simm.s32 $0x1E50;
	[sflag:s10] =	ssyncadd.s32 $0xFFFFD800  }
0x110: {  	[spmem:s3] =	stream.indirect.scatter.add.f32 [tilespmem:s31], [sflag:$0x5], $0x80, s21, s29, $0xb8;
	[tilespmem:$0x1F6D0] =	vst v63  }
0x111: {  	v2 =	vld [tilespmem:$0x1E50];
	_ =	sdelay $0x7  }
0x112: {  	[tilespmem:v2+s6+$0x0] =	vst.idx.add.f32.msk $0xffff, v1  }
0x113: {  	v2 =	vld [tilespmem:$0x1E60];
	_ =	sdelay $0x7  }
0x114: {  	[tilespmem:v2+s6+$0x0] =	vst.idx.add.f32.msk $0xffff, v1  }
0x115: {  	v2 =	vld [tilespmem:$0x1E70];
	_ =	sdelay $0x7  }
0x116: {  	[tilespmem:v2+s6+$0x0] =	vst.idx.add.f32.msk $0xffff, v1  }
0x117: {  	v2 =	vld [tilespmem:$0x1E80];
	_ =	sdelay $0x7  }
0x118: {  	[tilespmem:v2+s6+$0x0] =	vst.idx.add.f32.msk $0xffff, v1  }
0x119: {  	v2 =	vld [tilespmem:$0x1E90];
	_ =	sdelay $0x7  }
0x11a: {  	[tilespmem:v2+s6+$0x0] =	vst.idx.add.f32.msk $0xffff, v1  }
0x11b: {  	_ =	swait.ge [sflag:s11], $0x2800  }
0x11c: {  	[sflag:s11] =	ssyncset.done $0x0  }
0x11d: {  	s23 =	simm.s32 $0x1720;
	[sflag:s11] =	ssyncadd.s32 $0xFFFFD800  }
0x11e: {  	[tilespmem:s30], [sflag:$0x1] =	stream.indirect.gather [hbm4b:s1+s29], $0x80, s23, s29, $0xb8;
	[tilespmem:$0x1F6D0] =	vst v63  }
0x11f: {  	_ =	swait.ge [sflag:s12], $0x2800  }
0x120: {  	[sflag:s12] =	ssyncset.done $0x0  }
0x121: {  	s22 =	simm.s32 $0x1EA0;
	[sflag:s12] =	ssyncadd.s32 $0xFFFFD800  }
0x122: {  	[spmem:s3] =	stream.indirect.scatter.add.f32 [tilespmem:s8], [sflag:$0x6], $0x80, s22, s29, $0xb8;
	[tilespmem:$0x1F6D0] =	vst v63  }
0x123: {  	v2 =	vld [tilespmem:$0x1EA0];
	_ =	sdelay $0x7  }
0x124: {  	[tilespmem:v2+s6+$0x0] =	vst.idx.add.f32.msk $0xffff, v1  }
0x125: {  	v2 =	vld [tilespmem:$0x1EB0];
	_ =	sdelay $0x7  }
0x126: {  	[tilespmem:v2+s6+$0x0] =	vst.idx.add.f32.msk $0xffff, v1  }
0x127: {  	v2 =	vld [tilespmem:$0x1EC0];
	_ =	sdelay $0x7  }
0x128: {  	[tilespmem:v2+s6+$0x0] =	vst.idx.add.f32.msk $0xffff, v1  }
0x129: {  	v2 =	vld [tilespmem:$0x1ED0];
	_ =	sdelay $0x7  }
0x12a: {  	[tilespmem:v2+s6+$0x0] =	vst.idx.add.f32.msk $0xffff, v1  }
0x12b: {  	v2 =	vld [tilespmem:$0x1EE0];
	_ =	sdelay $0x7  }
0x12c: {  	[tilespmem:v2+s6+$0x0] =	vst.idx.add.f32.msk $0xffff, v1  }
0x12d: {  	_ =	swait.ge [sflag:s13], $0x2800  }
0x12e: {  	[sflag:s13] =	ssyncset.done $0x0  }
0x12f: {  	[sflag:s13] =	ssyncadd.s32 $0xFFFFD800  }
0x130: {  	_ =	swait.ge [sflag:s5], $0x2800  }
0x131: {  	[sflag:s5] =	ssyncset.done $0x0  }
0x132: {  	[sflag:s5] =	ssyncadd.s32 $0xFFFFD800  }
0x133: {  	[spmem:s3] =	stream.indirect.scatter.add.f32 [tilespmem:s30], [sflag:$0x4], $0x80, s24, s29, $0xb8;
	[tilespmem:$0x1F6D0] =	vst v63  }
0x134: {  	v2 =	vld [tilespmem:$0x1EF0];
	_ =	sdelay $0x7  }
0x135: {  	[tilespmem:v2+s6+$0x0] =	vst.idx.add.f32.msk $0xffff, v1  }
0x136: {  	v2 =	vld [tilespmem:$0x1F00];
	_ =	sdelay $0x7  }
0x137: {  	[tilespmem:v2+s6+$0x0] =	vst.idx.add.f32.msk $0xffff, v1  }
0x138: {  	v2 =	vld [tilespmem:$0x1F10];
	_ =	sdelay $0x7  }
0x139: {  	[tilespmem:v2+s6+$0x0] =	vst.idx.add.f32.msk $0xffff, v1  }
0x13a: {  	v2 =	vld [tilespmem:$0x1F20];
	_ =	sdelay $0x7  }
0x13b: {  	[tilespmem:v2+s6+$0x0] =	vst.idx.add.f32.msk $0xffff, v1  }
0x13c: {  	v2 =	vld [tilespmem:$0x1F30];
	_ =	sdelay $0x7  }
0x13d: {  	[tilespmem:v2+s6+$0x0] =	vst.idx.add.f32.msk $0xffff, v1  }
0x13e: {  	_ =	swait.ge [sflag:s14], $0x2800  }
0x13f: {  	[sflag:s14] =	ssyncset.done $0x0  }
0x140: {  	[sflag:s14] =	ssyncadd.s32 $0xFFFFD800  }
0x141: {  	_ =	swait.ge [sflag:s11], $0x2800  }
0x142: {  	[sflag:s11] =	ssyncset.done $0x0  }
0x143: {  	[sflag:s11] =	ssyncadd.s32 $0xFFFFD800  }
0x144: {  	_ =	swait.ge [sflag:s28], $0x7D0  }
0x145: {  	[sflag:s28] =	ssyncset.done $0x0  }
0x146: {  	[sflag:s28] =	ssyncadd.s32 $0xFFFFF830  }
0x147: {  	_ =	swait.ge [sflag:s28], $0x7D0  }
0x148: {  	[sflag:s28] =	ssyncset.done $0x0  }
0x149: {  	s21 =	simm.s32 $0x0;
	[sflag:s28] =	ssyncadd.s32 $0xFFFFF830  }
0x14a: {  	[tilespmem:s30], [sflag:$0x1] =	stream.indirect.gather [hbm4b:s1+s29], $0x80, s21, s29, $0xb8;
	[tilespmem:$0x1F6D0] =	vst v63  }
0x14b: {  	_ = 	snop  }
0x14c: {  	[tilespmem:s31], [sflag:$0x2] =	stream.indirect.gather [hbm4b:s1+s29], $0x80, s29, s29, $0xb8;
	[tilespmem:$0x1F6D0] =	vst v63  }
0x14d: {  	s22 =	rddreg [dreg:$0xc]  }
0x14e: {  	[tilespmem:s2], [sflag:$0x7] =	stream.linear.gather [hbm4b:s22+s21], $0x7D0, $0x38;
	[tilespmem:$0x1F6D0] =	vst v63  }
0x14f: {  	s23 =	rddreg [dreg:$0xd]  }
0x150: {  	[tilespmem:s0], [sflag:$0x7] =	stream.linear.gather [hbm4b:s23+s21], $0x7D0, $0x38;
	[tilespmem:$0x1F6D0] =	vst v63  }
0x151: {  	_ =	swait.ge [sflag:s5], $0x2800  }
0x152: {  	[sflag:s5] =	ssyncset.done $0x0  }
0x153: {  	[sflag:s5] =	ssyncadd.s32 $0xFFFFD800  }
0x154: {  	[spmem:s3] =	stream.indirect.scatter.add.f32 [tilespmem:s30], [sflag:$0x4], $0x80, s25, s29, $0xb8;
	[tilespmem:$0x1F6D0] =	vst v63  }
0x155: {  	v2 =	vld [tilespmem:$0x7D0];
	_ =	sdelay $0x7  }
0x156: {  	[tilespmem:v2+s6+$0x0] =	vst.idx.add.f32.msk $0xffff, v1  }
0x157: {  	v2 =	vld [tilespmem:$0x7E0];
	_ =	sdelay $0x7  }
0x158: {  	[tilespmem:v2+s6+$0x0] =	vst.idx.add.f32.msk $0xffff, v1  }
0x159: {  	v2 =	vld [tilespmem:$0x7F0];
	_ =	sdelay $0x7  }
0x15a: {  	[tilespmem:v2+s6+$0x0] =	vst.idx.add.f32.msk $0xffff, v1  }
0x15b: {  	v2 =	vld [tilespmem:$0x800];
	_ =	sdelay $0x7  }
0x15c: {  	[tilespmem:v2+s6+$0x0] =	vst.idx.add.f32.msk $0xffff, v1  }
0x15d: {  	v2 =	vld [tilespmem:$0x810];
	_ =	sdelay $0x7  }
0x15e: {  	[tilespmem:v2+s6+$0x0] =	vst.idx.add.f32.msk $0xffff, v1  }
0x15f: {  	[tilespmem:s8], [sflag:$0x3] =	stream.indirect.gather [hbm4b:s1+s29], $0x80, s7, s29, $0xb8;
	[tilespmem:$0x1F6D0] =	vst v63  }
.LBB2_8:
0x160: {  	_ =	swait.ge [sflag:s10], $0x2800  }
0x161: {  	s22 =	sshra.s32 s21, $0x2;
	[sflag:s10] =	ssyncset.done $0x0  }
0x162: {  	s23 =	sadd.s32 $0x820, s22;
	[sflag:s10] =	ssyncadd.s32 $0xFFFFD800  }
0x163: {  	[spmem:s3] =	stream.indirect.scatter.add.f32 [tilespmem:s31], [sflag:$0x5], $0x80, s23, s29, $0xb8;
	[tilespmem:$0x1F6D0] =	vst v63  }
0x164: {  	v2 =	vld [tilespmem:s22+$0x820];
	_ =	sdelay $0x7  }
0x165: {  	[tilespmem:v2+s6+$0x0] =	vst.idx.add.f32.msk $0xffff, v1  }
0x166: {  	v2 =	vld [tilespmem:s22+$0x830];
	_ =	sdelay $0x7  }
0x167: {  	[tilespmem:v2+s6+$0x0] =	vst.idx.add.f32.msk $0xffff, v1  }
0x168: {  	v2 =	vld [tilespmem:s22+$0x840];
	_ =	sdelay $0x7  }
0x169: {  	[tilespmem:v2+s6+$0x0] =	vst.idx.add.f32.msk $0xffff, v1  }
0x16a: {  	v2 =	vld [tilespmem:s22+$0x850];
	_ =	sdelay $0x7  }
0x16b: {  	[tilespmem:v2+s6+$0x0] =	vst.idx.add.f32.msk $0xffff, v1  }
0x16c: {  	v2 =	vld [tilespmem:s22+$0x860];
	_ =	sdelay $0x7  }
0x16d: {  	[tilespmem:v2+s6+$0x0] =	vst.idx.add.f32.msk $0xffff, v1  }
0x16e: {  	_ =	swait.ge [sflag:s11], $0x2800  }
0x16f: {  	[sflag:s11] =	ssyncset.done $0x0  }
0x170: {  	s23 =	sadd.s32 $0xF0, s22;
	[sflag:s11] =	ssyncadd.s32 $0xFFFFD800  }
0x171: {  	[tilespmem:s30], [sflag:$0x1] =	stream.indirect.gather [hbm4b:s1+s29], $0x80, s23, s29, $0xb8;
	[tilespmem:$0x1F6D0] =	vst v63  }
0x172: {  	_ =	swait.ge [sflag:s12], $0x2800  }
0x173: {  	[sflag:s12] =	ssyncset.done $0x0  }
0x174: {  	s23 =	sadd.s32 $0x870, s22;
	[sflag:s12] =	ssyncadd.s32 $0xFFFFD800  }
0x175: {  	[spmem:s3] =	stream.indirect.scatter.add.f32 [tilespmem:s8], [sflag:$0x6], $0x80, s23, s29, $0xb8;
	[tilespmem:$0x1F6D0] =	vst v63  }
0x176: {  	v2 =	vld [tilespmem:s22+$0x870];
	_ =	sdelay $0x7  }
0x177: {  	[tilespmem:v2+s6+$0x0] =	vst.idx.add.f32.msk $0xffff, v1  }
0x178: {  	v2 =	vld [tilespmem:s22+$0x880];
	_ =	sdelay $0x7  }
0x179: {  	[tilespmem:v2+s6+$0x0] =	vst.idx.add.f32.msk $0xffff, v1  }
0x17a: {  	v2 =	vld [tilespmem:s22+$0x890];
	_ =	sdelay $0x7  }
0x17b: {  	[tilespmem:v2+s6+$0x0] =	vst.idx.add.f32.msk $0xffff, v1  }
0x17c: {  	v2 =	vld [tilespmem:s22+$0x8A0];
	_ =	sdelay $0x7  }
0x17d: {  	[tilespmem:v2+s6+$0x0] =	vst.idx.add.f32.msk $0xffff, v1  }
0x17e: {  	v2 =	vld [tilespmem:s22+$0x8B0];
	_ =	sdelay $0x7  }
0x17f: {  	[tilespmem:v2+s6+$0x0] =	vst.idx.add.f32.msk $0xffff, v1  }
0x180: {  	_ =	swait.ge [sflag:s13], $0x2800  }
0x181: {  	[sflag:s13] =	ssyncset.done $0x0  }
0x182: {  	s23 =	sadd.s32 $0x140, s22;
	[sflag:s13] =	ssyncadd.s32 $0xFFFFD800  }
0x183: {  	[tilespmem:s31], [sflag:$0x2] =	stream.indirect.gather [hbm4b:s1+s29], $0x80, s23, s29, $0xb8;
	[tilespmem:$0x1F6D0] =	vst v63  }
0x184: {  	_ =	swait.ge [sflag:s5], $0x2800  }
0x185: {  	[sflag:s5] =	ssyncset.done $0x0  }
0x186: {  	s23 =	sadd.s32 $0x8C0, s22;
	[sflag:s5] =	ssyncadd.s32 $0xFFFFD800  }
0x187: {  	[spmem:s3] =	stream.indirect.scatter.add.f32 [tilespmem:s30], [sflag:$0x4], $0x80, s23, s29, $0xb8;
	[tilespmem:$0x1F6D0] =	vst v63  }
0x188: {  	v2 =	vld [tilespmem:s22+$0x8C0];
	_ =	sdelay $0x7  }
0x189: {  	[tilespmem:v2+s6+$0x0] =	vst.idx.add.f32.msk $0xffff, v1  }
0x18a: {  	v2 =	vld [tilespmem:s22+$0x8D0];
	_ =	sdelay $0x7  }
0x18b: {  	[tilespmem:v2+s6+$0x0] =	vst.idx.add.f32.msk $0xffff, v1  }
0x18c: {  	v2 =	vld [tilespmem:s22+$0x8E0];
	_ =	sdelay $0x7  }
0x18d: {  	[tilespmem:v2+s6+$0x0] =	vst.idx.add.f32.msk $0xffff, v1  }
0x18e: {  	v2 =	vld [tilespmem:s22+$0x8F0];
	_ =	sdelay $0x7  }
0x18f: {  	[tilespmem:v2+s6+$0x0] =	vst.idx.add.f32.msk $0xffff, v1  }
0x190: {  	v2 =	vld [tilespmem:s22+$0x900];
	_ =	sdelay $0x6  }
0x191: {  	p0 =	sne.s32 s21, $0x1680  }
.Ltmp3:
0x192: {  	[tilespmem:v2+s6+$0x0] =	vst.idx.add.f32.msk $0xffff, v1;
	(pc) =	sbr.rel @p0 .LBB2_8-.Ltmp3, $4  }
0x193: {  	_ =	swait.ge [sflag:s14], $0x2800  }
0x194: {  	[sflag:s14] =	ssyncset.done $0x0  }
0x195: {  	s21 =	sadd.s32 $0x3C0, s21;
	s22 =	sadd.s32 $0x190, s22;
	[sflag:s14] =	ssyncadd.s32 $0xFFFFD800  }
0x196: {  	[tilespmem:s8], [sflag:$0x3] =	stream.indirect.gather [hbm4b:s1+s29], $0x80, s22, s29, $0xb8;
	[tilespmem:$0x1F6D0] =	vst v63  }
0x197: {  	_ =	swait.ge [sflag:s10], $0x2800  }
0x198: {  	[sflag:s10] =	ssyncset.done $0x0  }
0x199: {  	[sflag:s10] =	ssyncadd.s32 $0xFFFFD800  }
0x19a: {  	[spmem:s3] =	stream.indirect.scatter.add.f32 [tilespmem:s31], [sflag:$0x5], $0x80, s15, s29, $0xb8;
	[tilespmem:$0x1F6D0] =	vst v63  }
0x19b: {  	v2 =	vld [tilespmem:$0xEB0];
	_ =	sdelay $0x7  }
0x19c: {  	[tilespmem:v2+s6+$0x0] =	vst.idx.add.f32.msk $0xffff, v1  }
0x19d: {  	v2 =	vld [tilespmem:$0xEC0];
	_ =	sdelay $0x7  }
0x19e: {  	[tilespmem:v2+s6+$0x0] =	vst.idx.add.f32.msk $0xffff, v1  }
0x19f: {  	v2 =	vld [tilespmem:$0xED0];
	_ =	sdelay $0x7  }
0x1a0: {  	[tilespmem:v2+s6+$0x0] =	vst.idx.add.f32.msk $0xffff, v1  }
0x1a1: {  	v2 =	vld [tilespmem:$0xEE0];
	_ =	sdelay $0x7  }
0x1a2: {  	[tilespmem:v2+s6+$0x0] =	vst.idx.add.f32.msk $0xffff, v1  }
0x1a3: {  	v2 =	vld [tilespmem:$0xEF0];
	_ =	sdelay $0x7  }
0x1a4: {  	[tilespmem:v2+s6+$0x0] =	vst.idx.add.f32.msk $0xffff, v1  }
0x1a5: {  	_ =	swait.ge [sflag:s11], $0x2800  }
0x1a6: {  	[sflag:s11] =	ssyncset.done $0x0  }
0x1a7: {  	[sflag:s11] =	ssyncadd.s32 $0xFFFFD800  }
0x1a8: {  	[tilespmem:s30], [sflag:$0x1] =	stream.indirect.gather [hbm4b:s1+s29], $0x80, s16, s29, $0xb8;
	[tilespmem:$0x1F6D0] =	vst v63  }
0x1a9: {  	_ =	swait.ge [sflag:s12], $0x2800  }
0x1aa: {  	[sflag:s12] =	ssyncset.done $0x0  }
0x1ab: {  	[sflag:s12] =	ssyncadd.s32 $0xFFFFD800  }
0x1ac: {  	[spmem:s3] =	stream.indirect.scatter.add.f32 [tilespmem:s8], [sflag:$0x6], $0x80, s17, s29, $0xb8;
	[tilespmem:$0x1F6D0] =	vst v63  }
0x1ad: {  	v2 =	vld [tilespmem:$0xF00];
	_ =	sdelay $0x7  }
0x1ae: {  	[tilespmem:v2+s6+$0x0] =	vst.idx.add.f32.msk $0xffff, v1  }
0x1af: {  	v2 =	vld [tilespmem:$0xF10];
	_ =	sdelay $0x7  }
0x1b0: {  	[tilespmem:v2+s6+$0x0] =	vst.idx.add.f32.msk $0xffff, v1  }
0x1b1: {  	v2 =	vld [tilespmem:$0xF20];
	_ =	sdelay $0x7  }
0x1b2: {  	[tilespmem:v2+s6+$0x0] =	vst.idx.add.f32.msk $0xffff, v1  }
0x1b3: {  	v2 =	vld [tilespmem:$0xF30];
	_ =	sdelay $0x7  }
0x1b4: {  	[tilespmem:v2+s6+$0x0] =	vst.idx.add.f32.msk $0xffff, v1  }
0x1b5: {  	v2 =	vld [tilespmem:$0xF40];
	_ =	sdelay $0x7  }
0x1b6: {  	[tilespmem:v2+s6+$0x0] =	vst.idx.add.f32.msk $0xffff, v1  }
0x1b7: {  	_ =	swait.ge [sflag:s13], $0x2800  }
0x1b8: {  	[sflag:s13] =	ssyncset.done $0x0  }
0x1b9: {  	[sflag:s13] =	ssyncadd.s32 $0xFFFFD800  }
0x1ba: {  	_ =	swait.ge [sflag:s5], $0x2800  }
0x1bb: {  	[sflag:s5] =	ssyncset.done $0x0  }
0x1bc: {  	[sflag:s5] =	ssyncadd.s32 $0xFFFFD800  }
0x1bd: {  	[spmem:s3] =	stream.indirect.scatter.add.f32 [tilespmem:s30], [sflag:$0x4], $0x80, s18, s29, $0xb8;
	[tilespmem:$0x1F6D0] =	vst v63  }
0x1be: {  	v2 =	vld [tilespmem:$0xF50];
	_ =	sdelay $0x7  }
0x1bf: {  	[tilespmem:v2+s6+$0x0] =	vst.idx.add.f32.msk $0xffff, v1  }
0x1c0: {  	v2 =	vld [tilespmem:$0xF60];
	_ =	sdelay $0x7  }
0x1c1: {  	[tilespmem:v2+s6+$0x0] =	vst.idx.add.f32.msk $0xffff, v1  }
0x1c2: {  	v2 =	vld [tilespmem:$0xF70];
	_ =	sdelay $0x7  }
0x1c3: {  	[tilespmem:v2+s6+$0x0] =	vst.idx.add.f32.msk $0xffff, v1  }
0x1c4: {  	v2 =	vld [tilespmem:$0xF80];
	_ =	sdelay $0x7  }
0x1c5: {  	[tilespmem:v2+s6+$0x0] =	vst.idx.add.f32.msk $0xffff, v1  }
0x1c6: {  	v2 =	vld [tilespmem:$0xF90];
	_ =	sdelay $0x7  }
0x1c7: {  	[tilespmem:v2+s6+$0x0] =	vst.idx.add.f32.msk $0xffff, v1  }
0x1c8: {  	_ =	swait.ge [sflag:s14], $0x2800  }
0x1c9: {  	[sflag:s14] =	ssyncset.done $0x0  }
0x1ca: {  	[sflag:s14] =	ssyncadd.s32 $0xFFFFD800  }
0x1cb: {  	_ =	swait.ge [sflag:s11], $0x2800  }
0x1cc: {  	[sflag:s11] =	ssyncset.done $0x0  }
0x1cd: {  	[sflag:s11] =	ssyncadd.s32 $0xFFFFD800  }
0x1ce: {  	_ =	swait.ge [sflag:s28], $0x7D0  }
0x1cf: {  	[sflag:s28] =	ssyncset.done $0x0  }
0x1d0: {  	[sflag:s28] =	ssyncadd.s32 $0xFFFFF830  }
0x1d1: {  	_ =	swait.ge [sflag:s28], $0x7D0  }
0x1d2: {  	[sflag:s28] =	ssyncset.done $0x0  }
0x1d3: {  	[sflag:s28] =	ssyncadd.s32 $0xFFFFF830  }
0x1d4: {  	[tilespmem:s30], [sflag:$0x1] =	stream.indirect.gather [hbm4b:s1+s29], $0x80, s2, s29, $0xb8;
	[tilespmem:$0x1F6D0] =	vst v63  }
0x1d5: {  	s21 =	simm.s32 $0xFF0  }
0x1d6: {  	[tilespmem:s31], [sflag:$0x2] =	stream.indirect.gather [hbm4b:s1+s29], $0x80, s21, s29, $0xb8;
	[tilespmem:$0x1F6D0] =	vst v63  }
0x1d7: {  	s22 =	rddreg [dreg:$0xe];
	s21 =	simm.s32 $0x0  }
0x1d8: {  	[tilespmem:s21], [sflag:$0x7] =	stream.linear.gather [hbm4b:s22+s21], $0x7D0, $0x38;
	[tilespmem:$0x1F6D0] =	vst v63  }
0x1d9: {  	s23 =	rddreg [dreg:$0xf]  }
0x1da: {  	[tilespmem:s25], [sflag:$0x7] =	stream.linear.gather [hbm4b:s23+s21], $0x7D0, $0x38;
	[tilespmem:$0x1F6D0] =	vst v63  }
0x1db: {  	_ =	swait.ge [sflag:s5], $0x2800  }
0x1dc: {  	[sflag:s5] =	ssyncset.done $0x0  }
0x1dd: {  	[sflag:s5] =	ssyncadd.s32 $0xFFFFD800  }
0x1de: {  	[spmem:s3] =	stream.indirect.scatter.add.f32 [tilespmem:s30], [sflag:$0x4], $0x80, s0, s29, $0xb8;
	[tilespmem:$0x1F6D0] =	vst v63  }
0x1df: {  	v2 =	vld [tilespmem:$0x1770];
	_ =	sdelay $0x7  }
0x1e0: {  	[tilespmem:v2+s6+$0x0] =	vst.idx.add.f32.msk $0xffff, v1  }
0x1e1: {  	v2 =	vld [tilespmem:$0x1780];
	_ =	sdelay $0x7  }
0x1e2: {  	[tilespmem:v2+s6+$0x0] =	vst.idx.add.f32.msk $0xffff, v1  }
0x1e3: {  	v2 =	vld [tilespmem:$0x1790];
	_ =	sdelay $0x7  }
0x1e4: {  	[tilespmem:v2+s6+$0x0] =	vst.idx.add.f32.msk $0xffff, v1  }
0x1e5: {  	v2 =	vld [tilespmem:$0x17A0];
	_ =	sdelay $0x7  }
0x1e6: {  	[tilespmem:v2+s6+$0x0] =	vst.idx.add.f32.msk $0xffff, v1  }
0x1e7: {  	v2 =	vld [tilespmem:$0x17B0];
	_ =	sdelay $0x7  }
0x1e8: {  	s23 =	simm.s32 $0x1040;
	[tilespmem:v2+s6+$0x0] =	vst.idx.add.f32.msk $0xffff, v1  }
0x1e9: {  	[tilespmem:s8], [sflag:$0x3] =	stream.indirect.gather [hbm4b:s1+s29], $0x80, s23, s29, $0xb8;
	[tilespmem:$0x1F6D0] =	vst v63  }
.LBB2_10:
0x1ea: {  	_ =	swait.ge [sflag:s10], $0x2800  }
0x1eb: {  	s22 =	sshra.s32 s21, $0x2;
	[sflag:s10] =	ssyncset.done $0x0  }
0x1ec: {  	s23 =	sadd.s32 $0x17C0, s22;
	[sflag:s10] =	ssyncadd.s32 $0xFFFFD800  }
0x1ed: {  	[spmem:s3] =	stream.indirect.scatter.add.f32 [tilespmem:s31], [sflag:$0x5], $0x80, s23, s29, $0xb8;
	[tilespmem:$0x1F6D0] =	vst v63  }
0x1ee: {  	v2 =	vld [tilespmem:s22+$0x17C0];
	_ =	sdelay $0x7  }
0x1ef: {  	[tilespmem:v2+s6+$0x0] =	vst.idx.add.f32.msk $0xffff, v1  }
0x1f0: {  	v2 =	vld [tilespmem:s22+$0x17D0];
	_ =	sdelay $0x7  }
0x1f1: {  	[tilespmem:v2+s6+$0x0] =	vst.idx.add.f32.msk $0xffff, v1  }
0x1f2: {  	v2 =	vld [tilespmem:s22+$0x17E0];
	_ =	sdelay $0x7  }
0x1f3: {  	[tilespmem:v2+s6+$0x0] =	vst.idx.add.f32.msk $0xffff, v1  }
0x1f4: {  	v2 =	vld [tilespmem:s22+$0x17F0];
	_ =	sdelay $0x7  }
0x1f5: {  	[tilespmem:v2+s6+$0x0] =	vst.idx.add.f32.msk $0xffff, v1  }
0x1f6: {  	v2 =	vld [tilespmem:s22+$0x1800];
	_ =	sdelay $0x7  }
0x1f7: {  	[tilespmem:v2+s6+$0x0] =	vst.idx.add.f32.msk $0xffff, v1  }
0x1f8: {  	_ =	swait.ge [sflag:s11], $0x2800  }
0x1f9: {  	[sflag:s11] =	ssyncset.done $0x0  }
0x1fa: {  	s23 =	sadd.s32 $0x1090, s22;
	[sflag:s11] =	ssyncadd.s32 $0xFFFFD800  }
0x1fb: {  	[tilespmem:s30], [sflag:$0x1] =	stream.indirect.gather [hbm4b:s1+s29], $0x80, s23, s29, $0xb8;
	[tilespmem:$0x1F6D0] =	vst v63  }
0x1fc: {  	_ =	swait.ge [sflag:s12], $0x2800  }
0x1fd: {  	[sflag:s12] =	ssyncset.done $0x0  }
0x1fe: {  	s23 =	sadd.s32 $0x1810, s22;
	[sflag:s12] =	ssyncadd.s32 $0xFFFFD800  }
0x1ff: {  	[spmem:s3] =	stream.indirect.scatter.add.f32 [tilespmem:s8], [sflag:$0x6], $0x80, s23, s29, $0xb8;
	[tilespmem:$0x1F6D0] =	vst v63  }
0x200: {  	v2 =	vld [tilespmem:s22+$0x1810];
	_ =	sdelay $0x7  }
0x201: {  	[tilespmem:v2+s6+$0x0] =	vst.idx.add.f32.msk $0xffff, v1  }
0x202: {  	v2 =	vld [tilespmem:s22+$0x1820];
	_ =	sdelay $0x7  }
0x203: {  	[tilespmem:v2+s6+$0x0] =	vst.idx.add.f32.msk $0xffff, v1  }
0x204: {  	v2 =	vld [tilespmem:s22+$0x1830];
	_ =	sdelay $0x7  }
0x205: {  	[tilespmem:v2+s6+$0x0] =	vst.idx.add.f32.msk $0xffff, v1  }
0x206: {  	v2 =	vld [tilespmem:s22+$0x1840];
	_ =	sdelay $0x7  }
0x207: {  	[tilespmem:v2+s6+$0x0] =	vst.idx.add.f32.msk $0xffff, v1  }
0x208: {  	v2 =	vld [tilespmem:s22+$0x1850];
	_ =	sdelay $0x7  }
0x209: {  	[tilespmem:v2+s6+$0x0] =	vst.idx.add.f32.msk $0xffff, v1  }
0x20a: {  	_ =	swait.ge [sflag:s13], $0x2800  }
0x20b: {  	[sflag:s13] =	ssyncset.done $0x0  }
0x20c: {  	s23 =	sadd.s32 $0x10E0, s22;
	[sflag:s13] =	ssyncadd.s32 $0xFFFFD800  }
0x20d: {  	[tilespmem:s31], [sflag:$0x2] =	stream.indirect.gather [hbm4b:s1+s29], $0x80, s23, s29, $0xb8;
	[tilespmem:$0x1F6D0] =	vst v63  }
0x20e: {  	_ =	swait.ge [sflag:s5], $0x2800  }
0x20f: {  	[sflag:s5] =	ssyncset.done $0x0  }
0x210: {  	s23 =	sadd.s32 $0x1860, s22;
	[sflag:s5] =	ssyncadd.s32 $0xFFFFD800  }
0x211: {  	[spmem:s3] =	stream.indirect.scatter.add.f32 [tilespmem:s30], [sflag:$0x4], $0x80, s23, s29, $0xb8;
	[tilespmem:$0x1F6D0] =	vst v63  }
0x212: {  	v2 =	vld [tilespmem:s22+$0x1860];
	_ =	sdelay $0x7  }
0x213: {  	[tilespmem:v2+s6+$0x0] =	vst.idx.add.f32.msk $0xffff, v1  }
0x214: {  	v2 =	vld [tilespmem:s22+$0x1870];
	_ =	sdelay $0x7  }
0x215: {  	[tilespmem:v2+s6+$0x0] =	vst.idx.add.f32.msk $0xffff, v1  }
0x216: {  	v2 =	vld [tilespmem:s22+$0x1880];
	_ =	sdelay $0x7  }
0x217: {  	[tilespmem:v2+s6+$0x0] =	vst.idx.add.f32.msk $0xffff, v1  }
0x218: {  	v2 =	vld [tilespmem:s22+$0x1890];
	_ =	sdelay $0x7  }
0x219: {  	[tilespmem:v2+s6+$0x0] =	vst.idx.add.f32.msk $0xffff, v1  }
0x21a: {  	v2 =	vld [tilespmem:s22+$0x18A0];
	_ =	sdelay $0x6  }
0x21b: {  	p0 =	sne.s32 s21, $0x1680  }
.Ltmp4:
0x21c: {  	[tilespmem:v2+s6+$0x0] =	vst.idx.add.f32.msk $0xffff, v1;
	(pc) =	sbr.rel @p0 .LBB2_10-.Ltmp4, $4  }
0x21d: {  	_ =	swait.ge [sflag:s14], $0x2800  }
0x21e: {  	[sflag:s14] =	ssyncset.done $0x0  }
0x21f: {  	s21 =	sadd.s32 $0x3C0, s21;
	s22 =	sadd.s32 $0x1130, s22;
	[sflag:s14] =	ssyncadd.s32 $0xFFFFD800  }
0x220: {  	[tilespmem:s8], [sflag:$0x3] =	stream.indirect.gather [hbm4b:s1+s29], $0x80, s22, s29, $0xb8;
	[tilespmem:$0x1F6D0] =	vst v63  }
0x221: {  	_ =	swait.ge [sflag:s10], $0x2800  }
0x222: {  	[sflag:s10] =	ssyncset.done $0x0  }
0x223: {  	s21 =	simm.s32 $0x1E50;
	[sflag:s10] =	ssyncadd.s32 $0xFFFFD800  }
0x224: {  	[spmem:s3] =	stream.indirect.scatter.add.f32 [tilespmem:s31], [sflag:$0x5], $0x80, s21, s29, $0xb8;
	[tilespmem:$0x1F6D0] =	vst v63  }
0x225: {  	v2 =	vld [tilespmem:$0x1E50];
	_ =	sdelay $0x7  }
0x226: {  	[tilespmem:v2+s6+$0x0] =	vst.idx.add.f32.msk $0xffff, v1  }
0x227: {  	v2 =	vld [tilespmem:$0x1E60];
	_ =	sdelay $0x7  }
0x228: {  	[tilespmem:v2+s6+$0x0] =	vst.idx.add.f32.msk $0xffff, v1  }
0x229: {  	v2 =	vld [tilespmem:$0x1E70];
	_ =	sdelay $0x7  }
0x22a: {  	[tilespmem:v2+s6+$0x0] =	vst.idx.add.f32.msk $0xffff, v1  }
0x22b: {  	v2 =	vld [tilespmem:$0x1E80];
	_ =	sdelay $0x7  }
0x22c: {  	[tilespmem:v2+s6+$0x0] =	vst.idx.add.f32.msk $0xffff, v1  }
0x22d: {  	v2 =	vld [tilespmem:$0x1E90];
	_ =	sdelay $0x7  }
0x22e: {  	[tilespmem:v2+s6+$0x0] =	vst.idx.add.f32.msk $0xffff, v1  }
0x22f: {  	_ =	swait.ge [sflag:s11], $0x2800  }
0x230: {  	[sflag:s11] =	ssyncset.done $0x0  }
0x231: {  	s22 =	simm.s32 $0x1720;
	[sflag:s11] =	ssyncadd.s32 $0xFFFFD800  }
0x232: {  	[tilespmem:s30], [sflag:$0x1] =	stream.indirect.gather [hbm4b:s1+s29], $0x80, s22, s29, $0xb8;
	[tilespmem:$0x1F6D0] =	vst v63  }
0x233: {  	_ =	swait.ge [sflag:s12], $0x2800  }
0x234: {  	[sflag:s12] =	ssyncset.done $0x0  }
0x235: {  	s23 =	simm.s32 $0x1EA0;
	[sflag:s12] =	ssyncadd.s32 $0xFFFFD800  }
0x236: {  	[spmem:s3] =	stream.indirect.scatter.add.f32 [tilespmem:s8], [sflag:$0x6], $0x80, s23, s29, $0xb8;
	[tilespmem:$0x1F6D0] =	vst v63  }
0x237: {  	v2 =	vld [tilespmem:$0x1EA0];
	_ =	sdelay $0x7  }
0x238: {  	[tilespmem:v2+s6+$0x0] =	vst.idx.add.f32.msk $0xffff, v1  }
0x239: {  	v2 =	vld [tilespmem:$0x1EB0];
	_ =	sdelay $0x7  }
0x23a: {  	[tilespmem:v2+s6+$0x0] =	vst.idx.add.f32.msk $0xffff, v1  }
0x23b: {  	v2 =	vld [tilespmem:$0x1EC0];
	_ =	sdelay $0x7  }
0x23c: {  	[tilespmem:v2+s6+$0x0] =	vst.idx.add.f32.msk $0xffff, v1  }
0x23d: {  	v2 =	vld [tilespmem:$0x1ED0];
	_ =	sdelay $0x7  }
0x23e: {  	[tilespmem:v2+s6+$0x0] =	vst.idx.add.f32.msk $0xffff, v1  }
0x23f: {  	v2 =	vld [tilespmem:$0x1EE0];
	_ =	sdelay $0x7  }
0x240: {  	[tilespmem:v2+s6+$0x0] =	vst.idx.add.f32.msk $0xffff, v1  }
0x241: {  	_ =	swait.ge [sflag:s13], $0x2800  }
0x242: {  	[sflag:s13] =	ssyncset.done $0x0  }
0x243: {  	[sflag:s13] =	ssyncadd.s32 $0xFFFFD800  }
0x244: {  	_ =	swait.ge [sflag:s5], $0x2800  }
0x245: {  	[sflag:s5] =	ssyncset.done $0x0  }
0x246: {  	[sflag:s5] =	ssyncadd.s32 $0xFFFFD800  }
0x247: {  	[spmem:s3] =	stream.indirect.scatter.add.f32 [tilespmem:s30], [sflag:$0x4], $0x80, s24, s29, $0xb8;
	[tilespmem:$0x1F6D0] =	vst v63  }
0x248: {  	v2 =	vld [tilespmem:$0x1EF0];
	_ =	sdelay $0x7  }
0x249: {  	[tilespmem:v2+s6+$0x0] =	vst.idx.add.f32.msk $0xffff, v1  }
0x24a: {  	v2 =	vld [tilespmem:$0x1F00];
	_ =	sdelay $0x7  }
0x24b: {  	[tilespmem:v2+s6+$0x0] =	vst.idx.add.f32.msk $0xffff, v1  }
0x24c: {  	v2 =	vld [tilespmem:$0x1F10];
	_ =	sdelay $0x7  }
0x24d: {  	[tilespmem:v2+s6+$0x0] =	vst.idx.add.f32.msk $0xffff, v1  }
0x24e: {  	v2 =	vld [tilespmem:$0x1F20];
	_ =	sdelay $0x7  }
0x24f: {  	[tilespmem:v2+s6+$0x0] =	vst.idx.add.f32.msk $0xffff, v1  }
0x250: {  	v2 =	vld [tilespmem:$0x1F30];
	_ =	sdelay $0x7  }
0x251: {  	[tilespmem:v2+s6+$0x0] =	vst.idx.add.f32.msk $0xffff, v1  }
0x252: {  	_ =	swait.ge [sflag:s14], $0x2800  }
0x253: {  	[sflag:s14] =	ssyncset.done $0x0  }
0x254: {  	[sflag:s14] =	ssyncadd.s32 $0xFFFFD800  }
0x255: {  	_ =	swait.ge [sflag:s11], $0x2800  }
0x256: {  	[sflag:s11] =	ssyncset.done $0x0  }
0x257: {  	[sflag:s11] =	ssyncadd.s32 $0xFFFFD800  }
0x258: {  	_ =	swait.ge [sflag:s28], $0x7D0  }
0x259: {  	[sflag:s28] =	ssyncset.done $0x0  }
0x25a: {  	[sflag:s28] =	ssyncadd.s32 $0xFFFFF830  }
0x25b: {  	_ =	swait.ge [sflag:s28], $0x7D0  }
0x25c: {  	[sflag:s28] =	ssyncset.done $0x0  }
0x25d: {  	s21 =	simm.s32 $0x0;
	[sflag:s28] =	ssyncadd.s32 $0xFFFFF830  }
0x25e: {  	[tilespmem:s30], [sflag:$0x1] =	stream.indirect.gather [hbm4b:s1+s29], $0x80, s21, s29, $0xb8;
	[tilespmem:$0x1F6D0] =	vst v63  }
0x25f: {  	_ = 	snop  }
0x260: {  	[tilespmem:s31], [sflag:$0x2] =	stream.indirect.gather [hbm4b:s1+s29], $0x80, s29, s29, $0xb8;
	[tilespmem:$0x1F6D0] =	vst v63  }
0x261: {  	_ =	swait.ge [sflag:s5], $0x2800  }
0x262: {  	[sflag:s5] =	ssyncset.done $0x0  }
0x263: {  	[sflag:s5] =	ssyncadd.s32 $0xFFFFD800  }
0x264: {  	[spmem:s3] =	stream.indirect.scatter.add.f32 [tilespmem:s30], [sflag:$0x4], $0x80, s25, s29, $0xb8;
	[tilespmem:$0x1F6D0] =	vst v63  }
0x265: {  	v2 =	vld [tilespmem:$0x7D0];
	_ =	sdelay $0x7  }
0x266: {  	[tilespmem:v2+s6+$0x0] =	vst.idx.add.f32.msk $0xffff, v1  }
0x267: {  	v2 =	vld [tilespmem:$0x7E0];
	_ =	sdelay $0x7  }
0x268: {  	[tilespmem:v2+s6+$0x0] =	vst.idx.add.f32.msk $0xffff, v1  }
0x269: {  	v2 =	vld [tilespmem:$0x7F0];
	_ =	sdelay $0x7  }
0x26a: {  	[tilespmem:v2+s6+$0x0] =	vst.idx.add.f32.msk $0xffff, v1  }
0x26b: {  	v2 =	vld [tilespmem:$0x800];
	_ =	sdelay $0x7  }
0x26c: {  	[tilespmem:v2+s6+$0x0] =	vst.idx.add.f32.msk $0xffff, v1  }
0x26d: {  	v2 =	vld [tilespmem:$0x810];
	_ =	sdelay $0x7  }
0x26e: {  	[tilespmem:v2+s6+$0x0] =	vst.idx.add.f32.msk $0xffff, v1  }
0x26f: {  	[tilespmem:s8], [sflag:$0x3] =	stream.indirect.gather [hbm4b:s1+s29], $0x80, s7, s29, $0xb8;
	[tilespmem:$0x1F6D0] =	vst v63  }
.LBB2_12:
0x270: {  	_ =	swait.ge [sflag:s10], $0x2800  }
0x271: {  	s22 =	sshra.s32 s21, $0x2;
	[sflag:s10] =	ssyncset.done $0x0  }
0x272: {  	s23 =	sadd.s32 $0x820, s22;
	[sflag:s10] =	ssyncadd.s32 $0xFFFFD800  }
0x273: {  	[spmem:s3] =	stream.indirect.scatter.add.f32 [tilespmem:s31], [sflag:$0x5], $0x80, s23, s29, $0xb8;
	[tilespmem:$0x1F6D0] =	vst v63  }
0x274: {  	v2 =	vld [tilespmem:s22+$0x820];
	_ =	sdelay $0x7  }
0x275: {  	[tilespmem:v2+s6+$0x0] =	vst.idx.add.f32.msk $0xffff, v1  }
0x276: {  	v2 =	vld [tilespmem:s22+$0x830];
	_ =	sdelay $0x7  }
0x277: {  	[tilespmem:v2+s6+$0x0] =	vst.idx.add.f32.msk $0xffff, v1  }
0x278: {  	v2 =	vld [tilespmem:s22+$0x840];
	_ =	sdelay $0x7  }
0x279: {  	[tilespmem:v2+s6+$0x0] =	vst.idx.add.f32.msk $0xffff, v1  }
0x27a: {  	v2 =	vld [tilespmem:s22+$0x850];
	_ =	sdelay $0x7  }
0x27b: {  	[tilespmem:v2+s6+$0x0] =	vst.idx.add.f32.msk $0xffff, v1  }
0x27c: {  	v2 =	vld [tilespmem:s22+$0x860];
	_ =	sdelay $0x7  }
0x27d: {  	[tilespmem:v2+s6+$0x0] =	vst.idx.add.f32.msk $0xffff, v1  }
0x27e: {  	_ =	swait.ge [sflag:s11], $0x2800  }
0x27f: {  	[sflag:s11] =	ssyncset.done $0x0  }
0x280: {  	s23 =	sadd.s32 $0xF0, s22;
	[sflag:s11] =	ssyncadd.s32 $0xFFFFD800  }
0x281: {  	[tilespmem:s30], [sflag:$0x1] =	stream.indirect.gather [hbm4b:s1+s29], $0x80, s23, s29, $0xb8;
	[tilespmem:$0x1F6D0] =	vst v63  }
0x282: {  	_ =	swait.ge [sflag:s12], $0x2800  }
0x283: {  	[sflag:s12] =	ssyncset.done $0x0  }
0x284: {  	s23 =	sadd.s32 $0x870, s22;
	[sflag:s12] =	ssyncadd.s32 $0xFFFFD800  }
0x285: {  	[spmem:s3] =	stream.indirect.scatter.add.f32 [tilespmem:s8], [sflag:$0x6], $0x80, s23, s29, $0xb8;
	[tilespmem:$0x1F6D0] =	vst v63  }
0x286: {  	v2 =	vld [tilespmem:s22+$0x870];
	_ =	sdelay $0x7  }
0x287: {  	[tilespmem:v2+s6+$0x0] =	vst.idx.add.f32.msk $0xffff, v1  }
0x288: {  	v2 =	vld [tilespmem:s22+$0x880];
	_ =	sdelay $0x7  }
0x289: {  	[tilespmem:v2+s6+$0x0] =	vst.idx.add.f32.msk $0xffff, v1  }
0x28a: {  	v2 =	vld [tilespmem:s22+$0x890];
	_ =	sdelay $0x7  }
0x28b: {  	[tilespmem:v2+s6+$0x0] =	vst.idx.add.f32.msk $0xffff, v1  }
0x28c: {  	v2 =	vld [tilespmem:s22+$0x8A0];
	_ =	sdelay $0x7  }
0x28d: {  	[tilespmem:v2+s6+$0x0] =	vst.idx.add.f32.msk $0xffff, v1  }
0x28e: {  	v2 =	vld [tilespmem:s22+$0x8B0];
	_ =	sdelay $0x7  }
0x28f: {  	[tilespmem:v2+s6+$0x0] =	vst.idx.add.f32.msk $0xffff, v1  }
0x290: {  	_ =	swait.ge [sflag:s13], $0x2800  }
0x291: {  	[sflag:s13] =	ssyncset.done $0x0  }
0x292: {  	s23 =	sadd.s32 $0x140, s22;
	[sflag:s13] =	ssyncadd.s32 $0xFFFFD800  }
0x293: {  	[tilespmem:s31], [sflag:$0x2] =	stream.indirect.gather [hbm4b:s1+s29], $0x80, s23, s29, $0xb8;
	[tilespmem:$0x1F6D0] =	vst v63  }
0x294: {  	_ =	swait.ge [sflag:s5], $0x2800  }
0x295: {  	[sflag:s5] =	ssyncset.done $0x0  }
0x296: {  	s23 =	sadd.s32 $0x8C0, s22;
	[sflag:s5] =	ssyncadd.s32 $0xFFFFD800  }
0x297: {  	[spmem:s3] =	stream.indirect.scatter.add.f32 [tilespmem:s30], [sflag:$0x4], $0x80, s23, s29, $0xb8;
	[tilespmem:$0x1F6D0] =	vst v63  }
0x298: {  	v2 =	vld [tilespmem:s22+$0x8C0];
	_ =	sdelay $0x7  }
0x299: {  	[tilespmem:v2+s6+$0x0] =	vst.idx.add.f32.msk $0xffff, v1  }
0x29a: {  	v2 =	vld [tilespmem:s22+$0x8D0];
	_ =	sdelay $0x7  }
0x29b: {  	[tilespmem:v2+s6+$0x0] =	vst.idx.add.f32.msk $0xffff, v1  }
0x29c: {  	v2 =	vld [tilespmem:s22+$0x8E0];
	_ =	sdelay $0x7  }
0x29d: {  	[tilespmem:v2+s6+$0x0] =	vst.idx.add.f32.msk $0xffff, v1  }
0x29e: {  	v2 =	vld [tilespmem:s22+$0x8F0];
	_ =	sdelay $0x7  }
0x29f: {  	[tilespmem:v2+s6+$0x0] =	vst.idx.add.f32.msk $0xffff, v1  }
0x2a0: {  	v2 =	vld [tilespmem:s22+$0x900];
	_ =	sdelay $0x6  }
0x2a1: {  	p0 =	sne.s32 s21, $0x1680  }
.Ltmp5:
0x2a2: {  	[tilespmem:v2+s6+$0x0] =	vst.idx.add.f32.msk $0xffff, v1;
	(pc) =	sbr.rel @p0 .LBB2_12-.Ltmp5, $4  }
0x2a3: {  	_ =	swait.ge [sflag:s14], $0x2800  }
0x2a4: {  	[sflag:s14] =	ssyncset.done $0x0  }
0x2a5: {  	s21 =	sadd.s32 $0x3C0, s21;
	s22 =	sadd.s32 $0x190, s22;
	[sflag:s14] =	ssyncadd.s32 $0xFFFFD800  }
0x2a6: {  	[tilespmem:s8], [sflag:$0x3] =	stream.indirect.gather [hbm4b:s1+s29], $0x80, s22, s29, $0xb8;
	[tilespmem:$0x1F6D0] =	vst v63  }
0x2a7: {  	_ =	swait.ge [sflag:s10], $0x2800  }
0x2a8: {  	[sflag:s10] =	ssyncset.done $0x0  }
0x2a9: {  	[sflag:s10] =	ssyncadd.s32 $0xFFFFD800  }
0x2aa: {  	[spmem:s3] =	stream.indirect.scatter.add.f32 [tilespmem:s31], [sflag:$0x5], $0x80, s15, s29, $0xb8;
	[tilespmem:$0x1F6D0] =	vst v63  }
0x2ab: {  	v2 =	vld [tilespmem:$0xEB0];
	_ =	sdelay $0x7  }
0x2ac: {  	[tilespmem:v2+s6+$0x0] =	vst.idx.add.f32.msk $0xffff, v1  }
0x2ad: {  	v2 =	vld [tilespmem:$0xEC0];
	_ =	sdelay $0x7  }
0x2ae: {  	[tilespmem:v2+s6+$0x0] =	vst.idx.add.f32.msk $0xffff, v1  }
0x2af: {  	v2 =	vld [tilespmem:$0xED0];
	_ =	sdelay $0x7  }
0x2b0: {  	[tilespmem:v2+s6+$0x0] =	vst.idx.add.f32.msk $0xffff, v1  }
0x2b1: {  	v2 =	vld [tilespmem:$0xEE0];
	_ =	sdelay $0x7  }
0x2b2: {  	[tilespmem:v2+s6+$0x0] =	vst.idx.add.f32.msk $0xffff, v1  }
0x2b3: {  	v2 =	vld [tilespmem:$0xEF0];
	_ =	sdelay $0x7  }
0x2b4: {  	[tilespmem:v2+s6+$0x0] =	vst.idx.add.f32.msk $0xffff, v1  }
0x2b5: {  	_ =	swait.ge [sflag:s11], $0x2800  }
0x2b6: {  	[sflag:s11] =	ssyncset.done $0x0  }
0x2b7: {  	[sflag:s11] =	ssyncadd.s32 $0xFFFFD800  }
0x2b8: {  	[tilespmem:s30], [sflag:$0x1] =	stream.indirect.gather [hbm4b:s1+s29], $0x80, s16, s29, $0xb8;
	[tilespmem:$0x1F6D0] =	vst v63  }
0x2b9: {  	_ =	swait.ge [sflag:s12], $0x2800  }
0x2ba: {  	[sflag:s12] =	ssyncset.done $0x0  }
0x2bb: {  	[sflag:s12] =	ssyncadd.s32 $0xFFFFD800  }
0x2bc: {  	[spmem:s3] =	stream.indirect.scatter.add.f32 [tilespmem:s8], [sflag:$0x6], $0x80, s17, s29, $0xb8;
	[tilespmem:$0x1F6D0] =	vst v63  }
0x2bd: {  	v2 =	vld [tilespmem:$0xF00];
	_ =	sdelay $0x7  }
0x2be: {  	[tilespmem:v2+s6+$0x0] =	vst.idx.add.f32.msk $0xffff, v1  }
0x2bf: {  	v2 =	vld [tilespmem:$0xF10];
	_ =	sdelay $0x7  }
0x2c0: {  	[tilespmem:v2+s6+$0x0] =	vst.idx.add.f32.msk $0xffff, v1  }
0x2c1: {  	v2 =	vld [tilespmem:$0xF20];
	_ =	sdelay $0x7  }
0x2c2: {  	[tilespmem:v2+s6+$0x0] =	vst.idx.add.f32.msk $0xffff, v1  }
0x2c3: {  	v2 =	vld [tilespmem:$0xF30];
	_ =	sdelay $0x7  }
0x2c4: {  	[tilespmem:v2+s6+$0x0] =	vst.idx.add.f32.msk $0xffff, v1  }
0x2c5: {  	v2 =	vld [tilespmem:$0xF40];
	_ =	sdelay $0x7  }
0x2c6: {  	[tilespmem:v2+s6+$0x0] =	vst.idx.add.f32.msk $0xffff, v1  }
0x2c7: {  	_ =	swait.ge [sflag:s13], $0x2800  }
0x2c8: {  	[sflag:s13] =	ssyncset.done $0x0  }
0x2c9: {  	[sflag:s13] =	ssyncadd.s32 $0xFFFFD800  }
0x2ca: {  	_ =	swait.ge [sflag:s5], $0x2800  }
0x2cb: {  	[sflag:s5] =	ssyncset.done $0x0  }
0x2cc: {  	[sflag:s5] =	ssyncadd.s32 $0xFFFFD800  }
0x2cd: {  	[spmem:s3] =	stream.indirect.scatter.add.f32 [tilespmem:s30], [sflag:$0x4], $0x80, s18, s29, $0xb8;
	[tilespmem:$0x1F6D0] =	vst v63  }
0x2ce: {  	v2 =	vld [tilespmem:$0xF50];
	_ =	sdelay $0x7  }
0x2cf: {  	[tilespmem:v2+s6+$0x0] =	vst.idx.add.f32.msk $0xffff, v1  }
0x2d0: {  	v2 =	vld [tilespmem:$0xF60];
	_ =	sdelay $0x7  }
0x2d1: {  	[tilespmem:v2+s6+$0x0] =	vst.idx.add.f32.msk $0xffff, v1  }
0x2d2: {  	v2 =	vld [tilespmem:$0xF70];
	_ =	sdelay $0x7  }
0x2d3: {  	[tilespmem:v2+s6+$0x0] =	vst.idx.add.f32.msk $0xffff, v1  }
0x2d4: {  	v2 =	vld [tilespmem:$0xF80];
	_ =	sdelay $0x7  }
0x2d5: {  	[tilespmem:v2+s6+$0x0] =	vst.idx.add.f32.msk $0xffff, v1  }
0x2d6: {  	v2 =	vld [tilespmem:$0xF90];
	_ =	sdelay $0x7  }
0x2d7: {  	[tilespmem:v2+s6+$0x0] =	vst.idx.add.f32.msk $0xffff, v1  }
0x2d8: {  	_ =	swait.ge [sflag:s14], $0x2800  }
0x2d9: {  	[sflag:s14] =	ssyncset.done $0x0  }
0x2da: {  	[sflag:s14] =	ssyncadd.s32 $0xFFFFD800  }
0x2db: {  	_ =	swait.ge [sflag:s11], $0x2800  }
0x2dc: {  	[sflag:s11] =	ssyncset.done $0x0  }
0x2dd: {  	[sflag:s11] =	ssyncadd.s32 $0xFFFFD800  }
0x2de: {  	[bflag:$0x0] =	sbarrier.arrive $0xFFFF  }
0x2df: {  	s21 =	rddreg [dreg:$0x10]  }
0x2e0: {  	[hbm:s21], [sflag:s9] =	dma.local [spmem:s20], $0x2710  }
0x2e1: {  	_ =	swait.ge [sflag:s26], $0x2710  }
0x2e2: {  	[sflag:s26] =	ssyncset.done $0x0  }
0x2e3: {  	s21 =	rddreg [dreg:$0x11];
	[sflag:s26] =	ssyncadd.s32 $0xFFFFD8F0  }
0x2e4: {  	[hbm4b:s21+s4] =	stream.linear.scatter [tilespmem:s6], [sflag:$0x8], $0x7D0, $0x38;
	[tilespmem:$0x1F6D0] =	vst v63  }
0x2e5: {  	_ =	swait.ge [sflag:s26], $0x7D0  }
0x2e6: {  	[sflag:s26] =	ssyncset.done $0x0  }
0x2e7: {  	s23 =	simm.s32 $0x9F10;
	s22 =	rddreg [dreg:$0x12];
	[sflag:s26] =	ssyncadd.s32 $0xFFFFF830  }
0x2e8: {  	[hbm4b:s22+s4] =	stream.linear.scatter [tilespmem:s23], [sflag:$0x8], $0x7D0, $0x38;
	[tilespmem:$0x1F6D0] =	vst v63  }
0x2e9: {  	_ =	swait.ge [sflag:s26], $0x7D0  }
0x2ea: {  	[sflag:s26] =	ssyncset.done $0x0  }
0x2eb: {  	s23 =	simm.s32 $0xA6E0;
	s22 =	rddreg [dreg:$0x13];
	[sflag:s26] =	ssyncadd.s32 $0xFFFFF830  }
0x2ec: {  	[hbm4b:s22+s4] =	stream.linear.scatter [tilespmem:s23], [sflag:$0x8], $0x7D0, $0x38;
	[tilespmem:$0x1F6D0] =	vst v63  }
0x2ed: {  	_ =	swait.ge [sflag:s26], $0x7D0  }
0x2ee: {  	[sflag:s26] =	ssyncset.done $0x0  }
0x2ef: {  	s23 =	simm.s32 $0xAEB0;
	s22 =	rddreg [dreg:$0x14];
	[sflag:s26] =	ssyncadd.s32 $0xFFFFF830  }
0x2f0: {  	[hbm4b:s22+s4] =	stream.linear.scatter [tilespmem:s23], [sflag:$0x8], $0x7D0, $0x38;
	[tilespmem:$0x1F6D0] =	vst v63  }
0x2f1: {  	_ =	swait.ge [sflag:s26], $0x7D0  }
0x2f2: {  	[sflag:s26] =	ssyncset.done $0x0  }
0x2f3: {  	s22 =	simm.s32 $0xB680;
	s21 =	rddreg [dreg:$0x15];
	[sflag:s26] =	ssyncadd.s32 $0xFFFFF830  }
0x2f4: {  	[hbm4b:s21+s4] =	stream.linear.scatter [tilespmem:s22], [sflag:$0x8], $0x7D0, $0x38;
	[tilespmem:$0x1F6D0] =	vst v63  }
0x2f5: {  	_ =	swait.ge [sflag:s26], $0x7D0  }
0x2f6: {  	s19 =	sadd.s32 $0x1, s19;
	s23 =	rddreg [dreg:$0x16]  }
0x2f7: {  	p0 =	sne.s32 s19, s23  }
.Ltmp6:
0x2f8: {  	_ = 	snop;
	(pc) =	sbr.rel @p0 .LBB2_1-.Ltmp6, $3  }
0x2f9: {  	_ =	sdelay $0x1  }
0x2fa: {  	[sflag:s26] =	ssyncset.done $0x0  }
0x2fb: {  	[sflag:s26] =	ssyncadd.s32 $0xFFFFF830  }
0x2fc: {  	_ =	sfence.sel $0x180000  }
0x2fd: {  	[bflag:$0x0] =	sbarrier.arrive $0xFFFF  }
0x2fe: {  	_ =	strace $0x9000004A  }
0x2ff: {  	s0 =	stileid.u32;
	[bflag:$0x2] =	sbarrier.arrive $0xFFFF  }
0x300: {  	p0 =	sne.s32 s0, $0x0;
	s0 =	rddreg [dreg:$0x3]  }
0x301: {  	s0 =	sadd.s32 @!p0 $0x100000, s0  }
0x302: {  	[sflag:s0] =	ssyncadd.tile.s32 @!p0 $0x1;
	_ =	shalt  }
.Lfunc_end2:
_tile_overlayer_lowered:
.L_overlay_start_2:
0x303: {  	(tag) =	ssettag $0x2  }
0x304: {  	s0 =	rddreg [dreg:$0x0];
	s2 =	stileid.u32  }
0x305: {  	s1 =	rddreg [dreg:$0x1];
	p0 =	sne.s32 s2, $0x0  }
0x306: {  	s3 =	rddreg [dreg:$0x2];
	[bflag:$0x3] =	sbarrier.arrive $0xFFFF;
	s2 =	simm.s32 @!p0 $0x1C08  }
0x307: {  	[timem:s3], [sflag:s2] =	dma.local @!p0 [hbm:s0], s1  }
0x308: {  	s0 =	simm.s32 @!p0 $0x8  }
0x309: {  	_ =	swait.ge @!p0 [sflag:s0], s1  }
0x30a: {  	s1 =	ssub.s32 @!p0 $0x0, s1;
	[sflag:s0] =	ssyncset.done @!p0 $0x0  }
0x30b: {  	[sflag:s0] =	ssyncadd.s32 @!p0 s1  }
0x30c: {  	[bflag:$0x3] =	sbarrier.arrive $0xFFFF  }
0x30d: {  	_ =	shalt  }

// kernel: kernel.7.cloned.1.call-start
scs
__scs_entry_jumppad:
0x0: {  	(pc) =	sbr.rel $0x88, $3  }
0x1: {  	(tag) =	ssettag $0x0;
	lr =	simm.s32 $0x1  }
0x2: {  	[smem:$0x3F9D] =	sst lr;
	_ =	strace $0xD0000000  }
0x3: {  	_ = 	snop  }
0x4: {  	_ = 	snop  }
0x5: {  	_ = 	snop  }
0x6: {  	_ = 	snop  }
0x7: {  	_ = 	snop  }
__scs_overlays_trampoline_lowered:
0x8: {  	[smem:$0x3FAC] =	sst s0  }
0x9: {  	[smem:$0x3FAD] =	sst s1  }
0xa: {  	[smem:$0x3FAE] =	sst s2  }
0xb: {  	[smem:$0x3FAF] =	sst s3  }
0xc: {  	[smem:$0x3FB0] =	sst s4  }
0xd: {  	[smem:$0x3FB1] =	sst s5  }
0xe: {  	[smem:$0x3FB2] =	sst s6  }
0xf: {  	[smem:$0x3FB3] =	sst s7  }
0x10: {  	[smem:$0x3FB4] =	sst s8  }
0x11: {  	[smem:$0x3FB5] =	sst s9;
	s0 =	simm.s32 @!p0 $0x0  }
0x12: {  	s1 =	sld [smem:$0x3F9B];
	s0 =	simm.s32 @p0 $0x1  }
0x13: {  	[smem:$0x3FB6] =	sst s0;
	s0 =	simm.s32 @!p1 $0x0  }
0x14: {  	s2 =	sld [smem:$0x3F9A];
	s0 =	simm.s32 @p1 $0x1  }
0x15: {  	[smem:$0x3FB7] =	sst s0;
	s0 =	simm.s32 @!p2 $0x0  }
0x16: {  	s3 =	sld [smem:$0x3FDB];
	s0 =	simm.s32 @p2 $0x1  }
0x17: {  	s4 =	simm.s32 $0x1BF5;
	[smem:$0x3FB9] =	sst s0  }
0x18: {  	s0 =	sld [smem:$0x3F9C];
	_ =	swait.ge [sflag:s4], $0x0  }
0x19: {  	s7 =	sld [smem:$0x3F9D]  }
0x1a: {  	s8 =	sadd.s32 $0xFFFFE003, lr  }
0x1b: {  	s9 =	sadd.s32 $0xFFFFFEF7, lr;
	s5 =	simm.s32 $0xFFFFFFFF;
	p2 =	slt.u32 s8, $0xFFFFF086  }
0x1c: {  	p1 =	slt.u32 s9, $0xF7A;
	s5 =	simm.s32 @!p2 $0x0  }
0x1d: {  	s5 =	simm.s32 @p1 $0x1;
	p0 =	seq.s32 s7, s2  }
0x1e: {  	s7 =	smul.u32 @!p0 $0xF7A, s2;
	p2 =	seq.s32 @!p0 s5, $0x0  }
0x1f: {  	s9 =	smul.u32 $0xF7A, s1;
	s8 =	simm.s32 @!p0 $0x1BF5;
	p2 =	por !p2, p0  }
0x20: {  	[sflag:s8] =	ssyncset.s32 @!p0 $0xFFFFF086;
	s6 =	sadd.s32 @!p0 s3, s7;
	s7 =	simm.s32 @!p0 $0x108  }
0x21: {  	s3 =	sadd.s32 s3, s9;
	s6 =	sadd.s32 @!p0 $0x88, s6;
	s7 =	simm.s32 @p2 $0x1082  }
0x22: {  	[simem:s7], [sflag:s8] =	dma.local @!p0 [hbm:s6], $0xF7A  }
0x23: {  	s9 =	sor.u32 $0xD0000000, s2;
	s6 =	simm.s32 $0x108;
	_ =	swait.ge @!p0 [sflag:s8], $0x0  }
0x24: {  	s3 =	sadd.s32 $0x88, s3;
	s6 =	simm.s32 @!p1 $0x1082;
	[sflag:s4] =	ssyncset.s32 $0xFFFFF086  }
0x25: {  	[simem:s6], [sflag:s4] =	dma.local [hbm:s3], $0xF7A  }
0x26: {  	[smem:$0x3F9D] =	sst s1;
	(tag) =	ssettag s2;
	_ =	strace s9  }
0x27: {  	s1 =	sld [smem:$0x3FAD]  }
0x28: {  	s2 =	sld [smem:$0x3FAE]  }
0x29: {  	s4 =	sld [smem:$0x3FB0]  }
0x2a: {  	p0 =	seq.s32 s5, $0x0;
	s5 =	sld [smem:$0x3FB1]  }
0x2b: {  	s6 =	sld [smem:$0x3FB2]  }
0x2c: {  	s7 =	sld [smem:$0x3FB3]  }
0x2d: {  	s3 =	simm.s32 $0x108;
	s8 =	sld [smem:$0x3FB4]  }
0x2e: {  	s3 =	simm.s32 @!p0 $0x1082;
	s9 =	sld [smem:$0x3FB5]  }
0x2f: {  	lr =	sadd.s32 s0, s3;
	s0 =	sld [smem:$0x3FAC]  }
0x30: {  	s3 =	sld [smem:$0x3FAF]  }
0x31: {  	[smem:$0x3FB8] =	sst s10  }
0x32: {  	s10 =	sld [smem:$0x3FB6];
	_ =	sdelay $0x3  }
0x33: {  	p0 =	seq.s32 s10, $0x1;
	s10 =	sld [smem:$0x3FB8];
	_ =	sdelay $0x3  }
0x34: {  	[smem:$0x3FB8] =	sst s10  }
0x35: {  	s10 =	sld [smem:$0x3FB7];
	_ =	sdelay $0x3  }
0x36: {  	p1 =	seq.s32 s10, $0x1;
	s10 =	sld [smem:$0x3FB8];
	_ =	sdelay $0x3  }
0x37: {  	[smem:$0x3FB8] =	sst s10  }
0x38: {  	s10 =	sld [smem:$0x3FB9]  }
0x39: {  	_ = 	snop;
	(pc) =	sbr.ind lr, $3  }
0x3a: {  	_ = 	snop  }
0x3b: {  	_ = 	snop  }
0x3c: {  	p2 =	seq.s32 s10, $0x1;
	s10 =	sld [smem:$0x3FB8]  }
0x3d: {  	_ =	shalt  }
0x3e: {  	_ =	shalt  }
0x3f: {  	_ =	shalt  }
0x40: {  	_ =	shalt  }
0x41: {  	_ =	shalt  }
0x42: {  	_ =	shalt  }
0x43: {  	_ =	shalt  }
0x44: {  	_ =	shalt  }
0x45: {  	_ =	shalt  }
0x46: {  	_ =	shalt  }
0x47: {  	_ =	shalt  }
0x48: {  	_ =	shalt  }
0x49: {  	_ =	shalt  }
0x4a: {  	_ =	shalt  }
0x4b: {  	_ =	shalt  }
0x4c: {  	_ =	shalt  }
0x4d: {  	_ =	shalt  }
0x4e: {  	_ =	shalt  }
0x4f: {  	_ =	shalt  }
0x50: {  	_ =	shalt  }
0x51: {  	_ =	shalt  }
0x52: {  	_ =	shalt  }
0x53: {  	_ =	shalt  }
0x54: {  	_ =	shalt  }
0x55: {  	_ =	shalt  }
0x56: {  	_ =	shalt  }
0x57: {  	_ =	shalt  }
0x58: {  	_ =	shalt  }
0x59: {  	_ =	shalt  }
0x5a: {  	_ =	shalt  }
0x5b: {  	_ =	shalt  }
0x5c: {  	_ =	shalt  }
0x5d: {  	_ =	shalt  }
0x5e: {  	_ =	shalt  }
0x5f: {  	_ =	shalt  }
0x60: {  	_ =	shalt  }
0x61: {  	_ =	shalt  }
0x62: {  	_ =	shalt  }
0x63: {  	_ =	shalt  }
0x64: {  	_ =	shalt  }
0x65: {  	_ =	shalt  }
0x66: {  	_ =	shalt  }
0x67: {  	_ =	shalt  }
0x68: {  	_ =	shalt  }
0x69: {  	_ =	shalt  }
0x6a: {  	_ =	shalt  }
0x6b: {  	_ =	shalt  }
0x6c: {  	_ =	shalt  }
0x6d: {  	_ =	shalt  }
0x6e: {  	_ =	shalt  }
0x6f: {  	_ =	shalt  }
0x70: {  	_ =	shalt  }
0x71: {  	_ =	shalt  }
0x72: {  	_ =	shalt  }
0x73: {  	_ =	shalt  }
0x74: {  	_ =	shalt  }
0x75: {  	_ =	shalt  }
0x76: {  	_ =	shalt  }
0x77: {  	_ =	shalt  }
0x78: {  	_ =	shalt  }
0x79: {  	_ =	shalt  }
0x7a: {  	_ =	shalt  }
0x7b: {  	_ =	shalt  }
0x7c: {  	_ =	shalt  }
0x7d: {  	_ =	shalt  }
0x7e: {  	_ =	shalt  }
0x7f: {  	_ =	shalt  }
0x80: {  	_ =	shalt  }
0x81: {  	_ =	shalt  }
0x82: {  	_ =	shalt  }
0x83: {  	_ =	shalt  }
0x84: {  	_ =	shalt  }
0x85: {  	_ =	shalt  }
0x86: {  	_ =	shalt  }
0x87: {  	_ =	shalt  }
.Lfunc_end0:
.L_simem_size_0:
called_computation_lowered:
.L_overlay_start_0:
0x88: {  	s2 =	sld [smem:$0x3FD9]  }
0x89: {  	s3 =	sld [smem:$0x3FFE];
	_ =	sdelay $0x1  }
0x8a: {  	s1 =	srdreg.scid  }
0x8b: {  	s0 =	sand.u32 $0x1, s1  }
0x8c: {  	s17 =	sshll.u32 s0, $0xA;
	s2 =	sadd.s32 s3, s2  }
0x8d: {  	s2 =	sadd.s32 s2, s17  }
0x8e: {  	[smem:$0x3FC4] =	sst s2  }
0x8f: {  	_ = 	snop  }
0x90: {  	s2 =	sld [smem:$0x3FD0];
	(tm) =	ssettm $0x1  }
0x91: {  	s18 =	sld [smem:$0x3FFB];
	_ =	sdelay $0x3  }
0x92: {  	_ =	strace s18  }
0x93: {  	s3 =	sld [smem:$0x3FFC];
	_ =	sdelay $0x3  }
0x94: {  	_ =	strace s3  }
0x95: {  	s3 =	sld [smem:$0x3FFD];
	_ =	sdelay $0x3  }
0x96: {  	_ =	strace s3  }
0x97: {  	_ =	strace $0x8FFFFFFF  }
0x98: {  	s19 =	sld [smem:$0x3FDB];
	_ =	sdelay $0x1  }
0x99: {  	s4 =	simm.s32 $_scs_section_size  }
0x9a: {  	s5 =	simm.s32 $_size__tile_overlayer_lowered;
	s6 =	simm.s32 $_tile_overlayer_lowered  }
0x9b: {  	s22 =	simm.s32 $0x1BFF;
	s21 =	sshll.u32 s6, $0x1;
	s3 =	sadd.s32 s4, s19  }
0x9c: {  	s7 =	simm.s32 $0x0;
	s20 =	sshll.u32 s5, $0x1;
	s5 =	sadd.s32 s21, s3  }
0x9d: {  	[timem:s7], [sflag:s22] =	dma.local [hbm:s5], s20  }
0x9e: {  	_ =	swait.ge [sflag:s22], s20  }
0x9f: {  	s4 =	ssub.s32 $0x0, s20;
	[sflag:s22] =	ssyncset.done $0x0  }
0xa0: {  	[sflag:s22] =	ssyncadd.s32 s4;
	_ =	sdelay $0x1  }
0xa1: {  	s23 =	simm.s32 $0x1B8B  }
0xa2: {  	_ =	swait.ge [sflag:s23], $0x1  }
0xa3: {  	[sflag:s23] =	ssyncset.done $0x0  }
0xa4: {  	s25 =	simm.s32 $0x1B8E;
	s24 =	sld [smem:$0x3FFE];
	[sflag:s23] =	ssyncadd.s32 $0xFFFFFFFF  }
0xa5: {  	s26 =	simm.s32 $execute0_lowered;
	[smem:$0x3FD2] =	sst s25  }
0xa6: {  	s5 =	sshll.u32 s26, $0x1;
	_ =	strace $0x80000046;
	[dreg:$0x1] =	wrdreg $0xFFFFFFFF  }
0xa7: {  	s28 =	simm.s32 $_size_execute0_lowered;
	s3 =	sadd.s32 s3, s5;
	[dreg:$0x0] =	wrdreg $0x0  }
0xa8: {  	s5 =	sshll.u32 s28, $0x1;
	[dreg:$0x2] =	wrdreg s3  }
0xa9: {  	[dreg:$0x3] =	wrdreg s5  }
0xaa: {  	[dreg:$0x4] =	wrdreg $0xC0  }
0xab: {  	_ =	task [dreg:s7], $0x5FFFF  }
0xac: {  	[dreg:$0x1] =	wrdreg $0xFFFFFFFF  }
0xad: {  	[dreg:$0x0] =	wrdreg $0x60  }
0xae: {  	[dreg:$0x2] =	wrdreg s2  }
0xaf: {  	[dreg:$0x3] =	wrdreg s24  }
0xb0: {  	[dreg:$0x4] =	wrdreg $0xBE500  }
0xb1: {  	[dreg:$0x5] =	wrdreg $0x9  }
0xb2: {  	_ =	task.clear_ibuf [dreg:s7], $0x6FFFF;
	_ =	strace $0x90000046  }
0xb3: {  	s29 =	simm.s32 $0x9;
	_ =	strace $0x80000048  }
0xb4: {  	_ =	swait.ge [sflag:s29], $0x1  }
0xb5: {  	[sflag:s29] =	ssyncadd.s32 $0xFFFFFFFF  }
0xb6: {  	_ =	strace $0x90000048  }
0xb7: {  	_ =	sfence  }
0xb8: {  	s30 =	sld [smem:$0x0];
	_ =	sdelay $0x2  }
0xb9: {  	s31 =	sshll.u32 s1, $0xD;
	s1 =	sshrl.u32 s1, $0x2  }
0xba: {  	s3 =	sand.u32 $0x4000, s31;
	s1 =	sadd.s32 s1, s30  }
0xbb: {  	s0 =	sor.u32 s3, s0;
	s1 =	sshll.u32 s1, $0x11  }
0xbc: {  	s0 =	sor.u32 s1, s0  }
0xbd: {  	s0 =	sadd.s32 $0x8F2B, s0  }
0xbe: {  	[sflag:s0] =	ssyncadd.remote.s32 $0x1  }
0xbf: {  	_ =	sfence.sel $0xFFFF  }
0xc0: {  	[dreg:$0x0] =	wrdreg $0xFFFFFFFF;
	(pc) =	sbr.abs _section_cstart, $3  }
0xc1: {  	[dreg:$0x1] =	wrdreg $0xFFFFFFFF  }
0xc2: {  	_ =	task.clear_ibuf [dreg:s7], $0x2FFFF;
	_ =	strace $0x9FFFFFFF  }
0xc3: {  	(tm) =	ssettm $0x7FFFFFFF  }
tec
execute0_lowered:
.L_overlay_start_1:
0x0: {  	(tag) =	ssettag $0x1  }
0x1: {  	s1 =	rddreg [dreg:$0x0]  }
0x2: {  	s0 =	srdreg.scid;
	s2 =	rddreg [dreg:$0x1]  }
0x3: {  	s10 =	stileid.u32;
	s3 =	rddreg [dreg:$0x2];
	s28 =	simm.s32 $0x7  }
0x4: {  	s29 =	simm.s32 $0x50;
	s30 =	simm.s32 $0x1F40;
	s31 =	simm.s32 $0x4740  }
0x5: {  	s0 =	sand.u32 $0x1, s0;
	s4 =	sshll.u32 s10, $0x1;
	s7 =	smul.u32 $0x13880, s10  }
0x6: {  	s13 =	sshll.u32 s10, $0x6;
	s10 =	simm.s32 $0x2;
	s5 =	sor.u32 s0, s4  }
0x7: {  	s4 =	simm.s32 $0x0;
	s8 =	smul.u32 $0x138800, s0;
	s0 =	ssub.s32 $0x2, s0  }
0x8: {  	s6 =	smul.u32 $0x2710, s5;
	[smem:$0x7FF] =	sst s4;
	s9 =	sshrl.u32 s7, $0x3  }
0x9: {  	s5 =	smul.u32 $0x7D0, s5;
	s24 =	sshrl.u32 s0, $0x1;
	s11 =	sadd.s32 s7, s3  }
0xa: {  	_ =	strace $0x80000047;
	s9 =	sadd.s32 s9, s2;
	s0 =	ssub.s32 s0, s24  }
0xb: {  	[dreg:$0x6] =	wrdreg s11;
	s6 =	sshrl.u32 s6, $0x3;
	s12 =	sadd.s32 $0x15800, s9  }
0xc: {  	s0 =	smax.u32 s0, $0x1;
	s6 =	sadd.s32 s6, s2;
	[dreg:$0x7] =	wrdreg s12  }
0xd: {  	s8 =	sadd.s32 s7, s8;
	[dreg:$0x16] =	wrdreg s0;
	s25 =	sadd.s32 $0x1E00, s6  }
0xe: {  	s7 =	simm.s32 $0xA0;
	s26 =	sadd.s32 $0xBA40, s6;
	[dreg:$0x4] =	wrdreg s25  }
0xf: {  	s11 =	simm.s32 $0x4;
	s14 =	sadd.s32 $0x1EFA, s6;
	[dreg:$0x5] =	wrdreg s26  }
0x10: {  	s8 =	sshrl.u32 s8, $0x3;
	s15 =	sadd.s32 $0xBB3A, s6;
	[dreg:$0x8] =	wrdreg s14  }
0x11: {  	s5 =	sshrl.u32 s5, $0x3;
	s16 =	sadd.s32 $0x1FF4, s6;
	[dreg:$0x9] =	wrdreg s15  }
0x12: {  	s9 =	sor.u32 $0x1C08, s13;
	s17 =	sadd.s32 $0xBC34, s6;
	[dreg:$0xa] =	wrdreg s16  }
0x13: {  	s13 =	simm.s32 $0x5;
	s18 =	sadd.s32 $0x20EE, s6;
	[dreg:$0xb] =	wrdreg s17  }
0x14: {  	s8 =	sadd.s32 s8, s2;
	s19 =	sadd.s32 $0xBD2E, s6;
	[dreg:$0xc] =	wrdreg s18  }
0x15: {  	s2 =	sadd.s32 s5, s2;
	s20 =	sadd.s32 $0x21E8, s6;
	[dreg:$0xd] =	wrdreg s19  }
0x16: {  	s0 =	simm.s32 $0x1770;
	s21 =	sadd.s32 $0xBE28, s6;
	[dreg:$0xe] =	wrdreg s20  }
0x17: {  	s5 =	simm.s32 $0x1;
	s22 =	sadd.s32 $0x46800, s8;
	[dreg:$0xf] =	wrdreg s21  }
0x18: {  	s12 =	simm.s32 $0x3;
	s23 =	sadd.s32 $0x3CA00, s2;
	[dreg:$0x10] =	wrdreg s22  }
0x19: {  	s24 =	sadd.s32 $0x3E940, s2;
	s6 =	simm.s32 $0x9740;
	[dreg:$0x11] =	wrdreg s23  }
0x1a: {  	s8 =	simm.s32 $0x6F40;
	[dreg:$0x12] =	wrdreg s24;
	s25 =	sadd.s32 $0x40880, s2  }
0x1b: {  	s26 =	sadd.s32 $0x427C0, s2;
	s2 =	sadd.s32 $0x44700, s2;
	s14 =	simm.s32 $0x6  }
0x1c: {  	s15 =	simm.s32 $0xEB0;
	s16 =	simm.s32 $0x780;
	[dreg:$0x13] =	wrdreg s25  }
0x1d: {  	s17 =	simm.s32 $0xF00;
	s18 =	simm.s32 $0xF50;
	[dreg:$0x14] =	wrdreg s26  }
0x1e: {  	s24 =	simm.s32 $0x1EF0;
	s19 =	simm.s32 $0x0;
	[dreg:$0x15] =	wrdreg s2  }
0x1f: {  	v0 =	vimm.f32 $0.0e+00;
	v1 =	vimm.f32 $1.000000000e+00;
	s25 =	simm.s32 $0x7D0;
	s26 =	simm.s32 $0x8;
	s2 =	simm.s32 $0xFA0  }
.LBB2_1:
0x20: {  	s20 =	rddreg [dreg:$0x4]  }
0x21: {  	s22 =	rddreg [dreg:$0x5]  }
0x22: {  	s23 =	rddreg [dreg:$0x6]  }
0x23: {  	[tilespmem:s4], [sflag:$0x7] =	stream.linear.gather [hbm4b:s20+s4], $0x7D0, $0x38;
	[tilespmem:$0x1F6D0] =	vst v63  }
0x24: {  	s21 =	rddreg [dreg:$0x7];
	s20 =	sshrl.u32 s23, $0x3  }
0x25: {  	[tilespmem:s25], [sflag:$0x7] =	stream.linear.gather [hbm4b:s22+s4], $0x7D0, $0x38;
	[tilespmem:$0x1F6D0] =	vst v63  }
0x26: {  	[spmem:s20], [sflag:s9] =	dma.local [hbm:s21], $0x2710  }
0x27: {  	_ =	swait.ge [sflag:s26], $0x2710  }
0x28: {  	[sflag:s26] =	ssyncset.done $0x0  }
0x29: {  	s22 =	simm.s32 $0x0;
	s21 =	simm.s32 $0x40;
	[sflag:s26] =	ssyncadd.s32 $0xFFFFD8F0  }
.LBB2_2:
0x2a: {  	p0 =	sne.s32 s21, $0x9C00;
	[tilespmem:s22+$0x9740] =	vst v0;
	s22 =	smov.u32 s21;
	s21 =	sadd.s32 $0x40, s21  }
.Ltmp0:
0x2b: {  	(pc) =	sbr.rel @p0 .LBB2_2-.Ltmp0, $2  }
0x2c: {  	_ =	sdelay $0x2  }
0x2d: {  	s22 =	sshra.s32 s22, $0x2  }
0x2e: {  	[tilespmem:s22+$0x9740] =	vst v0  }
0x2f: {  	_ =	swait.ge [sflag:s28], $0x7D0  }
0x30: {  	[sflag:s28] =	ssyncset.done $0x0  }
0x31: {  	[sflag:s28] =	ssyncadd.s32 $0xFFFFF830  }
0x32: {  	_ =	swait.ge [sflag:s28], $0x7D0  }
0x33: {  	[sflag:s28] =	ssyncset.done $0x0  }
0x34: {  	s21 =	simm.s32 $0x0;
	[sflag:s28] =	ssyncadd.s32 $0xFFFFF830  }
0x35: {  	[tilespmem:s30], [sflag:$0x1] =	stream.indirect.gather [hbm4b:s1+s29], $0x80, s21, s29, $0xb8;
	[tilespmem:$0x1F6D0] =	vst v63  }
0x36: {  	_ = 	snop  }
0x37: {  	[tilespmem:s31], [sflag:$0x2] =	stream.indirect.gather [hbm4b:s1+s29], $0x80, s29, s29, $0xb8;
	[tilespmem:$0x1F6D0] =	vst v63  }
0x38: {  	[bflag:$0x0] =	sbarrier.arrive $0xFFFF  }
0x39: {  	s23 =	rddreg [dreg:$0x8]  }
0x3a: {  	[tilespmem:s2], [sflag:$0x7] =	stream.linear.gather [hbm4b:s23+s21], $0x7D0, $0x38;
	[tilespmem:$0x1F6D0] =	vst v63  }
0x3b: {  	s23 =	rddreg [dreg:$0x9]  }
0x3c: {  	[tilespmem:s0], [sflag:$0x7] =	stream.linear.gather [hbm4b:s23+s21], $0x7D0, $0x38;
	[tilespmem:$0x1F6D0] =	vst v63  }
0x3d: {  	_ =	swait.ge [sflag:s5], $0x2800  }
0x3e: {  	[sflag:s5] =	ssyncset.done $0x0  }
0x3f: {  	[sflag:s5] =	ssyncadd.s32 $0xFFFFD800  }
0x40: {  	[spmem:s3] =	stream.indirect.scatter.add.f32 [tilespmem:s30], [sflag:$0x4], $0x80, s25, s29, $0xb8;
	[tilespmem:$0x1F6D0] =	vst v63  }
0x41: {  	v2 =	vld [tilespmem:$0x7D0];
	_ =	sdelay $0x7  }
0x42: {  	[tilespmem:v2+s6+$0x0] =	vst.idx.add.f32.msk $0xffff, v1  }
0x43: {  	v2 =	vld [tilespmem:$0x7E0];
	_ =	sdelay $0x7  }
0x44: {  	[tilespmem:v2+s6+$0x0] =	vst.idx.add.f32.msk $0xffff, v1  }
0x45: {  	v2 =	vld [tilespmem:$0x7F0];
	_ =	sdelay $0x7  }
0x46: {  	[tilespmem:v2+s6+$0x0] =	vst.idx.add.f32.msk $0xffff, v1  }
0x47: {  	v2 =	vld [tilespmem:$0x800];
	_ =	sdelay $0x7  }
0x48: {  	[tilespmem:v2+s6+$0x0] =	vst.idx.add.f32.msk $0xffff, v1  }
0x49: {  	v2 =	vld [tilespmem:$0x810];
	_ =	sdelay $0x7  }
0x4a: {  	[tilespmem:v2+s6+$0x0] =	vst.idx.add.f32.msk $0xffff, v1  }
0x4b: {  	[tilespmem:s8], [sflag:$0x3] =	stream.indirect.gather [hbm4b:s1+s29], $0x80, s7, s29, $0xb8;
	[tilespmem:$0x1F6D0] =	vst v63  }
.LBB2_4:
0x4c: {  	_ =	swait.ge [sflag:s10], $0x2800  }
0x4d: {  	s22 =	sshra.s32 s21, $0x2;
	[sflag:s10] =	ssyncset.done $0x0  }
0x4e: {  	s23 =	sadd.s32 $0x820, s22;
	[sflag:s10] =	ssyncadd.s32 $0xFFFFD800  }
0x4f: {  	[spmem:s3] =	stream.indirect.scatter.add.f32 [tilespmem:s31], [sflag:$0x5], $0x80, s23, s29, $0xb8;
	[tilespmem:$0x1F6D0] =	vst v63  }
0x50: {  	v2 =	vld [tilespmem:s22+$0x820];
	_ =	sdelay $0x7  }
0x51: {  	[tilespmem:v2+s6+$0x0] =	vst.idx.add.f32.msk $0xffff, v1  }
0x52: {  	v2 =	vld [tilespmem:s22+$0x830];
	_ =	sdelay $0x7  }
0x53: {  	[tilespmem:v2+s6+$0x0] =	vst.idx.add.f32.msk $0xffff, v1  }
0x54: {  	v2 =	vld [tilespmem:s22+$0x840];
	_ =	sdelay $0x7  }
0x55: {  	[tilespmem:v2+s6+$0x0] =	vst.idx.add.f32.msk $0xffff, v1  }
0x56: {  	v2 =	vld [tilespmem:s22+$0x850];
	_ =	sdelay $0x7  }
0x57: {  	[tilespmem:v2+s6+$0x0] =	vst.idx.add.f32.msk $0xffff, v1  }
0x58: {  	v2 =	vld [tilespmem:s22+$0x860];
	_ =	sdelay $0x7  }
0x59: {  	[tilespmem:v2+s6+$0x0] =	vst.idx.add.f32.msk $0xffff, v1  }
0x5a: {  	_ =	swait.ge [sflag:s11], $0x2800  }
0x5b: {  	[sflag:s11] =	ssyncset.done $0x0  }
0x5c: {  	s23 =	sadd.s32 $0xF0, s22;
	[sflag:s11] =	ssyncadd.s32 $0xFFFFD800  }
0x5d: {  	[tilespmem:s30], [sflag:$0x1] =	stream.indirect.gather [hbm4b:s1+s29], $0x80, s23, s29, $0xb8;
	[tilespmem:$0x1F6D0] =	vst v63  }
0x5e: {  	_ =	swait.ge [sflag:s12], $0x2800  }
0x5f: {  	[sflag:s12] =	ssyncset.done $0x0  }
0x60: {  	s23 =	sadd.s32 $0x870, s22;
	[sflag:s12] =	ssyncadd.s32 $0xFFFFD800  }
0x61: {  	[spmem:s3] =	stream.indirect.scatter.add.f32 [tilespmem:s8], [sflag:$0x6], $0x80, s23, s29, $0xb8;
	[tilespmem:$0x1F6D0] =	vst v63  }
0x62: {  	v2 =	vld [tilespmem:s22+$0x870];
	_ =	sdelay $0x7  }
0x63: {  	[tilespmem:v2+s6+$0x0] =	vst.idx.add.f32.msk $0xffff, v1  }
0x64: {  	v2 =	vld [tilespmem:s22+$0x880];
	_ =	sdelay $0x7  }
0x65: {  	[tilespmem:v2+s6+$0x0] =	vst.idx.add.f32.msk $0xffff, v1  }
0x66: {  	v2 =	vld [tilespmem:s22+$0x890];
	_ =	sdelay $0x7  }
0x67: {  	[tilespmem:v2+s6+$0x0] =	vst.idx.add.f32.msk $0xffff, v1  }
0x68: {  	v2 =	vld [tilespmem:s22+$0x8A0];
	_ =	sdelay $0x7  }
0x69: {  	[tilespmem:v2+s6+$0x0] =	vst.idx.add.f32.msk $0xffff, v1  }
0x6a: {  	v2 =	vld [tilespmem:s22+$0x8B0];
	_ =	sdelay $0x7  }
0x6b: {  	[tilespmem:v2+s6+$0x0] =	vst.idx.add.f32.msk $0xffff, v1  }
0x6c: {  	_ =	swait.ge [sflag:s13], $0x2800  }
0x6d: {  	[sflag:s13] =	ssyncset.done $0x0  }
0x6e: {  	s23 =	sadd.s32 $0x140, s22;
	[sflag:s13] =	ssyncadd.s32 $0xFFFFD800  }
0x6f: {  	[tilespmem:s31], [sflag:$0x2] =	stream.indirect.gather [hbm4b:s1+s29], $0x80, s23, s29, $0xb8;
	[tilespmem:$0x1F6D0] =	vst v63  }
0x70: {  	_ =	swait.ge [sflag:s5], $0x2800  }
0x71: {  	[sflag:s5] =	ssyncset.done $0x0  }
0x72: {  	s23 =	sadd.s32 $0x8C0, s22;
	[sflag:s5] =	ssyncadd.s32 $0xFFFFD800  }
0x73: {  	[spmem:s3] =	stream.indirect.scatter.add.f32 [tilespmem:s30], [sflag:$0x4], $0x80, s23, s29, $0xb8;
	[tilespmem:$0x1F6D0] =	vst v63  }
0x74: {  	v2 =	vld [tilespmem:s22+$0x8C0];
	_ =	sdelay $0x7  }
0x75: {  	[tilespmem:v2+s6+$0x0] =	vst.idx.add.f32.msk $0xffff, v1  }
0x76: {  	v2 =	vld [tilespmem:s22+$0x8D0];
	_ =	sdelay $0x7  }
0x77: {  	[tilespmem:v2+s6+$0x0] =	vst.idx.add.f32.msk $0xffff, v1  }
0x78: {  	v2 =	vld [tilespmem:s22+$0x8E0];
	_ =	sdelay $0x7  }
0x79: {  	[tilespmem:v2+s6+$0x0] =	vst.idx.add.f32.msk $0xffff, v1  }
0x7a: {  	v2 =	vld [tilespmem:s22+$0x8F0];
	_ =	sdelay $0x7  }
0x7b: {  	[tilespmem:v2+s6+$0x0] =	vst.idx.add.f32.msk $0xffff, v1  }
0x7c: {  	v2 =	vld [tilespmem:s22+$0x900];
	_ =	sdelay $0x6  }
0x7d: {  	p0 =	sne.s32 s21, $0x1680  }
.Ltmp1:
0x7e: {  	[tilespmem:v2+s6+$0x0] =	vst.idx.add.f32.msk $0xffff, v1;
	(pc) =	sbr.rel @p0 .LBB2_4-.Ltmp1, $4  }
0x7f: {  	_ =	swait.ge [sflag:s14], $0x2800  }
0x80: {  	[sflag:s14] =	ssyncset.done $0x0  }
0x81: {  	s21 =	sadd.s32 $0x3C0, s21;
	s22 =	sadd.s32 $0x190, s22;
	[sflag:s14] =	ssyncadd.s32 $0xFFFFD800  }
0x82: {  	[tilespmem:s8], [sflag:$0x3] =	stream.indirect.gather [hbm4b:s1+s29], $0x80, s22, s29, $0xb8;
	[tilespmem:$0x1F6D0] =	vst v63  }
0x83: {  	_ =	swait.ge [sflag:s10], $0x2800  }
0x84: {  	[sflag:s10] =	ssyncset.done $0x0  }
0x85: {  	[sflag:s10] =	ssyncadd.s32 $0xFFFFD800  }
0x86: {  	[spmem:s3] =	stream.indirect.scatter.add.f32 [tilespmem:s31], [sflag:$0x5], $0x80, s15, s29, $0xb8;
	[tilespmem:$0x1F6D0] =	vst v63  }
0x87: {  	v2 =	vld [tilespmem:$0xEB0];
	_ =	sdelay $0x7  }
0x88: {  	[tilespmem:v2+s6+$0x0] =	vst.idx.add.f32.msk $0xffff, v1  }
0x89: {  	v2 =	vld [tilespmem:$0xEC0];
	_ =	sdelay $0x7  }
0x8a: {  	[tilespmem:v2+s6+$0x0] =	vst.idx.add.f32.msk $0xffff, v1  }
0x8b: {  	v2 =	vld [tilespmem:$0xED0];
	_ =	sdelay $0x7  }
0x8c: {  	[tilespmem:v2+s6+$0x0] =	vst.idx.add.f32.msk $0xffff, v1  }
0x8d: {  	v2 =	vld [tilespmem:$0xEE0];
	_ =	sdelay $0x7  }
0x8e: {  	[tilespmem:v2+s6+$0x0] =	vst.idx.add.f32.msk $0xffff, v1  }
0x8f: {  	v2 =	vld [tilespmem:$0xEF0];
	_ =	sdelay $0x7  }
0x90: {  	[tilespmem:v2+s6+$0x0] =	vst.idx.add.f32.msk $0xffff, v1  }
0x91: {  	_ =	swait.ge [sflag:s11], $0x2800  }
0x92: {  	[sflag:s11] =	ssyncset.done $0x0  }
0x93: {  	[sflag:s11] =	ssyncadd.s32 $0xFFFFD800  }
0x94: {  	[tilespmem:s30], [sflag:$0x1] =	stream.indirect.gather [hbm4b:s1+s29], $0x80, s16, s29, $0xb8;
	[tilespmem:$0x1F6D0] =	vst v63  }
0x95: {  	_ =	swait.ge [sflag:s12], $0x2800  }
0x96: {  	[sflag:s12] =	ssyncset.done $0x0  }
0x97: {  	[sflag:s12] =	ssyncadd.s32 $0xFFFFD800  }
0x98: {  	[spmem:s3] =	stream.indirect.scatter.add.f32 [tilespmem:s8], [sflag:$0x6], $0x80, s17, s29, $0xb8;
	[tilespmem:$0x1F6D0] =	vst v63  }
0x99: {  	v2 =	vld [tilespmem:$0xF00];
	_ =	sdelay $0x7  }
0x9a: {  	[tilespmem:v2+s6+$0x0] =	vst.idx.add.f32.msk $0xffff, v1  }
0x9b: {  	v2 =	vld [tilespmem:$0xF10];
	_ =	sdelay $0x7  }
0x9c: {  	[tilespmem:v2+s6+$0x0] =	vst.idx.add.f32.msk $0xffff, v1  }
0x9d: {  	v2 =	vld [tilespmem:$0xF20];
	_ =	sdelay $0x7  }
0x9e: {  	[tilespmem:v2+s6+$0x0] =	vst.idx.add.f32.msk $0xffff, v1  }
0x9f: {  	v2 =	vld [tilespmem:$0xF30];
	_ =	sdelay $0x7  }
0xa0: {  	[tilespmem:v2+s6+$0x0] =	vst.idx.add.f32.msk $0xffff, v1  }
0xa1: {  	v2 =	vld [tilespmem:$0xF40];
	_ =	sdelay $0x7  }
0xa2: {  	[tilespmem:v2+s6+$0x0] =	vst.idx.add.f32.msk $0xffff, v1  }
0xa3: {  	_ =	swait.ge [sflag:s13], $0x2800  }
0xa4: {  	[sflag:s13] =	ssyncset.done $0x0  }
0xa5: {  	[sflag:s13] =	ssyncadd.s32 $0xFFFFD800  }
0xa6: {  	_ =	swait.ge [sflag:s5], $0x2800  }
0xa7: {  	[sflag:s5] =	ssyncset.done $0x0  }
0xa8: {  	[sflag:s5] =	ssyncadd.s32 $0xFFFFD800  }
0xa9: {  	[spmem:s3] =	stream.indirect.scatter.add.f32 [tilespmem:s30], [sflag:$0x4], $0x80, s18, s29, $0xb8;
	[tilespmem:$0x1F6D0] =	vst v63  }
0xaa: {  	v2 =	vld [tilespmem:$0xF50];
	_ =	sdelay $0x7  }
0xab: {  	[tilespmem:v2+s6+$0x0] =	vst.idx.add.f32.msk $0xffff, v1  }
0xac: {  	v2 =	vld [tilespmem:$0xF60];
	_ =	sdelay $0x7  }
0xad: {  	[tilespmem:v2+s6+$0x0] =	vst.idx.add.f32.msk $0xffff, v1  }
0xae: {  	v2 =	vld [tilespmem:$0xF70];
	_ =	sdelay $0x7  }
0xaf: {  	[tilespmem:v2+s6+$0x0] =	vst.idx.add.f32.msk $0xffff, v1  }
0xb0: {  	v2 =	vld [tilespmem:$0xF80];
	_ =	sdelay $0x7  }
0xb1: {  	[tilespmem:v2+s6+$0x0] =	vst.idx.add.f32.msk $0xffff, v1  }
0xb2: {  	v2 =	vld [tilespmem:$0xF90];
	_ =	sdelay $0x7  }
0xb3: {  	[tilespmem:v2+s6+$0x0] =	vst.idx.add.f32.msk $0xffff, v1  }
0xb4: {  	_ =	swait.ge [sflag:s14], $0x2800  }
0xb5: {  	[sflag:s14] =	ssyncset.done $0x0  }
0xb6: {  	[sflag:s14] =	ssyncadd.s32 $0xFFFFD800  }
0xb7: {  	_ =	swait.ge [sflag:s11], $0x2800  }
0xb8: {  	[sflag:s11] =	ssyncset.done $0x0  }
0xb9: {  	[sflag:s11] =	ssyncadd.s32 $0xFFFFD800  }
0xba: {  	_ =	swait.ge [sflag:s28], $0x7D0  }
0xbb: {  	[sflag:s28] =	ssyncset.done $0x0  }
0xbc: {  	[sflag:s28] =	ssyncadd.s32 $0xFFFFF830  }
0xbd: {  	_ =	swait.ge [sflag:s28], $0x7D0  }
0xbe: {  	[sflag:s28] =	ssyncset.done $0x0  }
0xbf: {  	[sflag:s28] =	ssyncadd.s32 $0xFFFFF830  }
0xc0: {  	[tilespmem:s30], [sflag:$0x1] =	stream.indirect.gather [hbm4b:s1+s29], $0x80, s2, s29, $0xb8;
	[tilespmem:$0x1F6D0] =	vst v63  }
0xc1: {  	s21 =	simm.s32 $0xFF0  }
0xc2: {  	[tilespmem:s31], [sflag:$0x2] =	stream.indirect.gather [hbm4b:s1+s29], $0x80, s21, s29, $0xb8;
	[tilespmem:$0x1F6D0] =	vst v63  }
0xc3: {  	s22 =	rddreg [dreg:$0xa];
	s21 =	simm.s32 $0x0  }
0xc4: {  	[tilespmem:s21], [sflag:$0x7] =	stream.linear.gather [hbm4b:s22+s21], $0x7D0, $0x38;
	[tilespmem:$0x1F6D0] =	vst v63  }
0xc5: {  	s23 =	rddreg [dreg:$0xb]  }
0xc6: {  	[tilespmem:s25], [sflag:$0x7] =	stream.linear.gather [hbm4b:s23+s21], $0x7D0, $0x38;
	[tilespmem:$0x1F6D0] =	vst v63  }
0xc7: {  	_ =	swait.ge [sflag:s5], $0x2800  }
0xc8: {  	[sflag:s5] =	ssyncset.done $0x0  }
0xc9: {  	[sflag:s5] =	ssyncadd.s32 $0xFFFFD800  }
0xca: {  	[spmem:s3] =	stream.indirect.scatter.add.f32 [tilespmem:s30], [sflag:$0x4], $0x80, s0, s29, $0xb8;
	[tilespmem:$0x1F6D0] =	vst v63  }
0xcb: {  	v2 =	vld [tilespmem:$0x1770];
	_ =	sdelay $0x7  }
0xcc: {  	[tilespmem:v2+s6+$0x0] =	vst.idx.add.f32.msk $0xffff, v1  }
0xcd: {  	v2 =	vld [tilespmem:$0x1780];
	_ =	sdelay $0x7  }
0xce: {  	[tilespmem:v2+s6+$0x0] =	vst.idx.add.f32.msk $0xffff, v1  }
0xcf: {  	v2 =	vld [tilespmem:$0x1790];
	_ =	sdelay $0x7  }
0xd0: {  	[tilespmem:v2+s6+$0x0] =	vst.idx.add.f32.msk $0xffff, v1  }
0xd1: {  	v2 =	vld [tilespmem:$0x17A0];
	_ =	sdelay $0x7  }
0xd2: {  	[tilespmem:v2+s6+$0x0] =	vst.idx.add.f32.msk $0xffff, v1  }
0xd3: {  	v2 =	vld [tilespmem:$0x17B0];
	_ =	sdelay $0x7  }
0xd4: {  	s23 =	simm.s32 $0x1040;
	[tilespmem:v2+s6+$0x0] =	vst.idx.add.f32.msk $0xffff, v1  }
0xd5: {  	[tilespmem:s8], [sflag:$0x3] =	stream.indirect.gather [hbm4b:s1+s29], $0x80, s23, s29, $0xb8;
	[tilespmem:$0x1F6D0] =	vst v63  }
.LBB2_6:
0xd6: {  	_ =	swait.ge [sflag:s10], $0x2800  }
0xd7: {  	s22 =	sshra.s32 s21, $0x2;
	[sflag:s10] =	ssyncset.done $0x0  }
0xd8: {  	s23 =	sadd.s32 $0x17C0, s22;
	[sflag:s10] =	ssyncadd.s32 $0xFFFFD800  }
0xd9: {  	[spmem:s3] =	stream.indirect.scatter.add.f32 [tilespmem:s31], [sflag:$0x5], $0x80, s23, s29, $0xb8;
	[tilespmem:$0x1F6D0] =	vst v63  }
0xda: {  	v2 =	vld [tilespmem:s22+$0x17C0];
	_ =	sdelay $0x7  }
0xdb: {  	[tilespmem:v2+s6+$0x0] =	vst.idx.add.f32.msk $0xffff, v1  }
0xdc: {  	v2 =	vld [tilespmem:s22+$0x17D0];
	_ =	sdelay $0x7  }
0xdd: {  	[tilespmem:v2+s6+$0x0] =	vst.idx.add.f32.msk $0xffff, v1  }
0xde: {  	v2 =	vld [tilespmem:s22+$0x17E0];
	_ =	sdelay $0x7  }
0xdf: {  	[tilespmem:v2+s6+$0x0] =	vst.idx.add.f32.msk $0xffff, v1  }
0xe0: {  	v2 =	vld [tilespmem:s22+$0x17F0];
	_ =	sdelay $0x7  }
0xe1: {  	[tilespmem:v2+s6+$0x0] =	vst.idx.add.f32.msk $0xffff, v1  }
0xe2: {  	v2 =	vld [tilespmem:s22+$0x1800];
	_ =	sdelay $0x7  }
0xe3: {  	[tilespmem:v2+s6+$0x0] =	vst.idx.add.f32.msk $0xffff, v1  }
0xe4: {  	_ =	swait.ge [sflag:s11], $0x2800  }
0xe5: {  	[sflag:s11] =	ssyncset.done $0x0  }
0xe6: {  	s23 =	sadd.s32 $0x1090, s22;
	[sflag:s11] =	ssyncadd.s32 $0xFFFFD800  }
0xe7: {  	[tilespmem:s30], [sflag:$0x1] =	stream.indirect.gather [hbm4b:s1+s29], $0x80, s23, s29, $0xb8;
	[tilespmem:$0x1F6D0] =	vst v63  }
0xe8: {  	_ =	swait.ge [sflag:s12], $0x2800  }
0xe9: {  	[sflag:s12] =	ssyncset.done $0x0  }
0xea: {  	s23 =	sadd.s32 $0x1810, s22;
	[sflag:s12] =	ssyncadd.s32 $0xFFFFD800  }
0xeb: {  	[spmem:s3] =	stream.indirect.scatter.add.f32 [tilespmem:s8], [sflag:$0x6], $0x80, s23, s29, $0xb8;
	[tilespmem:$0x1F6D0] =	vst v63  }
0xec: {  	v2 =	vld [tilespmem:s22+$0x1810];
	_ =	sdelay $0x7  }
0xed: {  	[tilespmem:v2+s6+$0x0] =	vst.idx.add.f32.msk $0xffff, v1  }
0xee: {  	v2 =	vld [tilespmem:s22+$0x1820];
	_ =	sdelay $0x7  }
0xef: {  	[tilespmem:v2+s6+$0x0] =	vst.idx.add.f32.msk $0xffff, v1  }
0xf0: {  	v2 =	vld [tilespmem:s22+$0x1830];
	_ =	sdelay $0x7  }
0xf1: {  	[tilespmem:v2+s6+$0x0] =	vst.idx.add.f32.msk $0xffff, v1  }
0xf2: {  	v2 =	vld [tilespmem:s22+$0x1840];
	_ =	sdelay $0x7  }
0xf3: {  	[tilespmem:v2+s6+$0x0] =	vst.idx.add.f32.msk $0xffff, v1  }
0xf4: {  	v2 =	vld [tilespmem:s22+$0x1850];
	_ =	sdelay $0x7  }
0xf5: {  	[tilespmem:v2+s6+$0x0] =	vst.idx.add.f32.msk $0xffff, v1  }
0xf6: {  	_ =	swait.ge [sflag:s13], $0x2800  }
0xf7: {  	[sflag:s13] =	ssyncset.done $0x0  }
0xf8: {  	s23 =	sadd.s32 $0x10E0, s22;
	[sflag:s13] =	ssyncadd.s32 $0xFFFFD800  }
0xf9: {  	[tilespmem:s31], [sflag:$0x2] =	stream.indirect.gather [hbm4b:s1+s29], $0x80, s23, s29, $0xb8;
	[tilespmem:$0x1F6D0] =	vst v63  }
0xfa: {  	_ =	swait.ge [sflag:s5], $0x2800  }
0xfb: {  	[sflag:s5] =	ssyncset.done $0x0  }
0xfc: {  	s23 =	sadd.s32 $0x1860, s22;
	[sflag:s5] =	ssyncadd.s32 $0xFFFFD800  }
0xfd: {  	[spmem:s3] =	stream.indirect.scatter.add.f32 [tilespmem:s30], [sflag:$0x4], $0x80, s23, s29, $0xb8;
	[tilespmem:$0x1F6D0] =	vst v63  }
0xfe: {  	v2 =	vld [tilespmem:s22+$0x1860];
	_ =	sdelay $0x7  }
0xff: {  	[tilespmem:v2+s6+$0x0] =	vst.idx.add.f32.msk $0xffff, v1  }
0x100: {  	v2 =	vld [tilespmem:s22+$0x1870];
	_ =	sdelay $0x7  }
0x101: {  	[tilespmem:v2+s6+$0x0] =	vst.idx.add.f32.msk $0xffff, v1  }
0x102: {  	v2 =	vld [tilespmem:s22+$0x1880];
	_ =	sdelay $0x7  }
0x103: {  	[tilespmem:v2+s6+$0x0] =	vst.idx.add.f32.msk $0xffff, v1  }
0x104: {  	v2 =	vld [tilespmem:s22+$0x1890];
	_ =	sdelay $0x7  }
0x105: {  	[tilespmem:v2+s6+$0x0] =	vst.idx.add.f32.msk $0xffff, v1  }
0x106: {  	v2 =	vld [tilespmem:s22+$0x18A0];
	_ =	sdelay $0x6  }
0x107: {  	p0 =	sne.s32 s21, $0x1680  }
.Ltmp2:
0x108: {  	[tilespmem:v2+s6+$0x0] =	vst.idx.add.f32.msk $0xffff, v1;
	(pc) =	sbr.rel @p0 .LBB2_6-.Ltmp2, $4  }
0x109: {  	_ =	swait.ge [sflag:s14], $0x2800  }
0x10a: {  	[sflag:s14] =	ssyncset.done $0x0  }
0x10b: {  	s21 =	sadd.s32 $0x3C0, s21;
	s22 =	sadd.s32 $0x1130, s22;
	[sflag:s14] =	ssyncadd.s32 $0xFFFFD800  }
0x10c: {  	[tilespmem:s8], [sflag:$0x3] =	stream.indirect.gather [hbm4b:s1+s29], $0x80, s22, s29, $0xb8;
	[tilespmem:$0x1F6D0] =	vst v63  }
0x10d: {  	_ =	swait.ge [sflag:s10], $0x2800  }
0x10e: {  	[sflag:s10] =	ssyncset.done $0x0  }
0x10f: {  	s21 =	simm.s32 $0x1E50;
	[sflag:s10] =	ssyncadd.s32 $0xFFFFD800  }
0x110: {  	[spmem:s3] =	stream.indirect.scatter.add.f32 [tilespmem:s31], [sflag:$0x5], $0x80, s21, s29, $0xb8;
	[tilespmem:$0x1F6D0] =	vst v63  }
0x111: {  	v2 =	vld [tilespmem:$0x1E50];
	_ =	sdelay $0x7  }
0x112: {  	[tilespmem:v2+s6+$0x0] =	vst.idx.add.f32.msk $0xffff, v1  }
0x113: {  	v2 =	vld [tilespmem:$0x1E60];
	_ =	sdelay $0x7  }
0x114: {  	[tilespmem:v2+s6+$0x0] =	vst.idx.add.f32.msk $0xffff, v1  }
0x115: {  	v2 =	vld [tilespmem:$0x1E70];
	_ =	sdelay $0x7  }
0x116: {  	[tilespmem:v2+s6+$0x0] =	vst.idx.add.f32.msk $0xffff, v1  }
0x117: {  	v2 =	vld [tilespmem:$0x1E80];
	_ =	sdelay $0x7  }
0x118: {  	[tilespmem:v2+s6+$0x0] =	vst.idx.add.f32.msk $0xffff, v1  }
0x119: {  	v2 =	vld [tilespmem:$0x1E90];
	_ =	sdelay $0x7  }
0x11a: {  	[tilespmem:v2+s6+$0x0] =	vst.idx.add.f32.msk $0xffff, v1  }
0x11b: {  	_ =	swait.ge [sflag:s11], $0x2800  }
0x11c: {  	[sflag:s11] =	ssyncset.done $0x0  }
0x11d: {  	s23 =	simm.s32 $0x1720;
	[sflag:s11] =	ssyncadd.s32 $0xFFFFD800  }
0x11e: {  	[tilespmem:s30], [sflag:$0x1] =	stream.indirect.gather [hbm4b:s1+s29], $0x80, s23, s29, $0xb8;
	[tilespmem:$0x1F6D0] =	vst v63  }
0x11f: {  	_ =	swait.ge [sflag:s12], $0x2800  }
0x120: {  	[sflag:s12] =	ssyncset.done $0x0  }
0x121: {  	s22 =	simm.s32 $0x1EA0;
	[sflag:s12] =	ssyncadd.s32 $0xFFFFD800  }
0x122: {  	[spmem:s3] =	stream.indirect.scatter.add.f32 [tilespmem:s8], [sflag:$0x6], $0x80, s22, s29, $0xb8;
	[tilespmem:$0x1F6D0] =	vst v63  }
0x123: {  	v2 =	vld [tilespmem:$0x1EA0];
	_ =	sdelay $0x7  }
0x124: {  	[tilespmem:v2+s6+$0x0] =	vst.idx.add.f32.msk $0xffff, v1  }
0x125: {  	v2 =	vld [tilespmem:$0x1EB0];
	_ =	sdelay $0x7  }
0x126: {  	[tilespmem:v2+s6+$0x0] =	vst.idx.add.f32.msk $0xffff, v1  }
0x127: {  	v2 =	vld [tilespmem:$0x1EC0];
	_ =	sdelay $0x7  }
0x128: {  	[tilespmem:v2+s6+$0x0] =	vst.idx.add.f32.msk $0xffff, v1  }
0x129: {  	v2 =	vld [tilespmem:$0x1ED0];
	_ =	sdelay $0x7  }
0x12a: {  	[tilespmem:v2+s6+$0x0] =	vst.idx.add.f32.msk $0xffff, v1  }
0x12b: {  	v2 =	vld [tilespmem:$0x1EE0];
	_ =	sdelay $0x7  }
0x12c: {  	[tilespmem:v2+s6+$0x0] =	vst.idx.add.f32.msk $0xffff, v1  }
0x12d: {  	_ =	swait.ge [sflag:s13], $0x2800  }
0x12e: {  	[sflag:s13] =	ssyncset.done $0x0  }
0x12f: {  	[sflag:s13] =	ssyncadd.s32 $0xFFFFD800  }
0x130: {  	_ =	swait.ge [sflag:s5], $0x2800  }
0x131: {  	[sflag:s5] =	ssyncset.done $0x0  }
0x132: {  	[sflag:s5] =	ssyncadd.s32 $0xFFFFD800  }
0x133: {  	[spmem:s3] =	stream.indirect.scatter.add.f32 [tilespmem:s30], [sflag:$0x4], $0x80, s24, s29, $0xb8;
	[tilespmem:$0x1F6D0] =	vst v63  }
0x134: {  	v2 =	vld [tilespmem:$0x1EF0];
	_ =	sdelay $0x7  }
0x135: {  	[tilespmem:v2+s6+$0x0] =	vst.idx.add.f32.msk $0xffff, v1  }
0x136: {  	v2 =	vld [tilespmem:$0x1F00];
	_ =	sdelay $0x7  }
0x137: {  	[tilespmem:v2+s6+$0x0] =	vst.idx.add.f32.msk $0xffff, v1  }
0x138: {  	v2 =	vld [tilespmem:$0x1F10];
	_ =	sdelay $0x7  }
0x139: {  	[tilespmem:v2+s6+$0x0] =	vst.idx.add.f32.msk $0xffff, v1  }
0x13a: {  	v2 =	vld [tilespmem:$0x1F20];
	_ =	sdelay $0x7  }
0x13b: {  	[tilespmem:v2+s6+$0x0] =	vst.idx.add.f32.msk $0xffff, v1  }
0x13c: {  	v2 =	vld [tilespmem:$0x1F30];
	_ =	sdelay $0x7  }
0x13d: {  	[tilespmem:v2+s6+$0x0] =	vst.idx.add.f32.msk $0xffff, v1  }
0x13e: {  	_ =	swait.ge [sflag:s14], $0x2800  }
0x13f: {  	[sflag:s14] =	ssyncset.done $0x0  }
0x140: {  	[sflag:s14] =	ssyncadd.s32 $0xFFFFD800  }
0x141: {  	_ =	swait.ge [sflag:s11], $0x2800  }
0x142: {  	[sflag:s11] =	ssyncset.done $0x0  }
0x143: {  	[sflag:s11] =	ssyncadd.s32 $0xFFFFD800  }
0x144: {  	_ =	swait.ge [sflag:s28], $0x7D0  }
0x145: {  	[sflag:s28] =	ssyncset.done $0x0  }
0x146: {  	[sflag:s28] =	ssyncadd.s32 $0xFFFFF830  }
0x147: {  	_ =	swait.ge [sflag:s28], $0x7D0  }
0x148: {  	[sflag:s28] =	ssyncset.done $0x0  }
0x149: {  	s21 =	simm.s32 $0x0;
	[sflag:s28] =	ssyncadd.s32 $0xFFFFF830  }
0x14a: {  	[tilespmem:s30], [sflag:$0x1] =	stream.indirect.gather [hbm4b:s1+s29], $0x80, s21, s29, $0xb8;
	[tilespmem:$0x1F6D0] =	vst v63  }
0x14b: {  	_ = 	snop  }
0x14c: {  	[tilespmem:s31], [sflag:$0x2] =	stream.indirect.gather [hbm4b:s1+s29], $0x80, s29, s29, $0xb8;
	[tilespmem:$0x1F6D0] =	vst v63  }
0x14d: {  	s22 =	rddreg [dreg:$0xc]  }
0x14e: {  	[tilespmem:s2], [sflag:$0x7] =	stream.linear.gather [hbm4b:s22+s21], $0x7D0, $0x38;
	[tilespmem:$0x1F6D0] =	vst v63  }
0x14f: {  	s23 =	rddreg [dreg:$0xd]  }
0x150: {  	[tilespmem:s0], [sflag:$0x7] =	stream.linear.gather [hbm4b:s23+s21], $0x7D0, $0x38;
	[tilespmem:$0x1F6D0] =	vst v63  }
0x151: {  	_ =	swait.ge [sflag:s5], $0x2800  }
0x152: {  	[sflag:s5] =	ssyncset.done $0x0  }
0x153: {  	[sflag:s5] =	ssyncadd.s32 $0xFFFFD800  }
0x154: {  	[spmem:s3] =	stream.indirect.scatter.add.f32 [tilespmem:s30], [sflag:$0x4], $0x80, s25, s29, $0xb8;
	[tilespmem:$0x1F6D0] =	vst v63  }
0x155: {  	v2 =	vld [tilespmem:$0x7D0];
	_ =	sdelay $0x7  }
0x156: {  	[tilespmem:v2+s6+$0x0] =	vst.idx.add.f32.msk $0xffff, v1  }
0x157: {  	v2 =	vld [tilespmem:$0x7E0];
	_ =	sdelay $0x7  }
0x158: {  	[tilespmem:v2+s6+$0x0] =	vst.idx.add.f32.msk $0xffff, v1  }
0x159: {  	v2 =	vld [tilespmem:$0x7F0];
	_ =	sdelay $0x7  }
0x15a: {  	[tilespmem:v2+s6+$0x0] =	vst.idx.add.f32.msk $0xffff, v1  }
0x15b: {  	v2 =	vld [tilespmem:$0x800];
	_ =	sdelay $0x7  }
0x15c: {  	[tilespmem:v2+s6+$0x0] =	vst.idx.add.f32.msk $0xffff, v1  }
0x15d: {  	v2 =	vld [tilespmem:$0x810];
	_ =	sdelay $0x7  }
0x15e: {  	[tilespmem:v2+s6+$0x0] =	vst.idx.add.f32.msk $0xffff, v1  }
0x15f: {  	[tilespmem:s8], [sflag:$0x3] =	stream.indirect.gather [hbm4b:s1+s29], $0x80, s7, s29, $0xb8;
	[tilespmem:$0x1F6D0] =	vst v63  }
.LBB2_8:
0x160: {  	_ =	swait.ge [sflag:s10], $0x2800  }
0x161: {  	s22 =	sshra.s32 s21, $0x2;
	[sflag:s10] =	ssyncset.done $0x0  }
0x162: {  	s23 =	sadd.s32 $0x820, s22;
	[sflag:s10] =	ssyncadd.s32 $0xFFFFD800  }
0x163: {  	[spmem:s3] =	stream.indirect.scatter.add.f32 [tilespmem:s31], [sflag:$0x5], $0x80, s23, s29, $0xb8;
	[tilespmem:$0x1F6D0] =	vst v63  }
0x164: {  	v2 =	vld [tilespmem:s22+$0x820];
	_ =	sdelay $0x7  }
0x165: {  	[tilespmem:v2+s6+$0x0] =	vst.idx.add.f32.msk $0xffff, v1  }
0x166: {  	v2 =	vld [tilespmem:s22+$0x830];
	_ =	sdelay $0x7  }
0x167: {  	[tilespmem:v2+s6+$0x0] =	vst.idx.add.f32.msk $0xffff, v1  }
0x168: {  	v2 =	vld [tilespmem:s22+$0x840];
	_ =	sdelay $0x7  }
0x169: {  	[tilespmem:v2+s6+$0x0] =	vst.idx.add.f32.msk $0xffff, v1  }
0x16a: {  	v2 =	vld [tilespmem:s22+$0x850];
	_ =	sdelay $0x7  }
0x16b: {  	[tilespmem:v2+s6+$0x0] =	vst.idx.add.f32.msk $0xffff, v1  }
0x16c: {  	v2 =	vld [tilespmem:s22+$0x860];
	_ =	sdelay $0x7  }
0x16d: {  	[tilespmem:v2+s6+$0x0] =	vst.idx.add.f32.msk $0xffff, v1  }
0x16e: {  	_ =	swait.ge [sflag:s11], $0x2800  }
0x16f: {  	[sflag:s11] =	ssyncset.done $0x0  }
0x170: {  	s23 =	sadd.s32 $0xF0, s22;
	[sflag:s11] =	ssyncadd.s32 $0xFFFFD800  }
0x171: {  	[tilespmem:s30], [sflag:$0x1] =	stream.indirect.gather [hbm4b:s1+s29], $0x80, s23, s29, $0xb8;
	[tilespmem:$0x1F6D0] =	vst v63  }
0x172: {  	_ =	swait.ge [sflag:s12], $0x2800  }
0x173: {  	[sflag:s12] =	ssyncset.done $0x0  }
0x174: {  	s23 =	sadd.s32 $0x870, s22;
	[sflag:s12] =	ssyncadd.s32 $0xFFFFD800  }
0x175: {  	[spmem:s3] =	stream.indirect.scatter.add.f32 [tilespmem:s8], [sflag:$0x6], $0x80, s23, s29, $0xb8;
	[tilespmem:$0x1F6D0] =	vst v63  }
0x176: {  	v2 =	vld [tilespmem:s22+$0x870];
	_ =	sdelay $0x7  }
0x177: {  	[tilespmem:v2+s6+$0x0] =	vst.idx.add.f32.msk $0xffff, v1  }
0x178: {  	v2 =	vld [tilespmem:s22+$0x880];
	_ =	sdelay $0x7  }
0x179: {  	[tilespmem:v2+s6+$0x0] =	vst.idx.add.f32.msk $0xffff, v1  }
0x17a: {  	v2 =	vld [tilespmem:s22+$0x890];
	_ =	sdelay $0x7  }
0x17b: {  	[tilespmem:v2+s6+$0x0] =	vst.idx.add.f32.msk $0xffff, v1  }
0x17c: {  	v2 =	vld [tilespmem:s22+$0x8A0];
	_ =	sdelay $0x7  }
0x17d: {  	[tilespmem:v2+s6+$0x0] =	vst.idx.add.f32.msk $0xffff, v1  }
0x17e: {  	v2 =	vld [tilespmem:s22+$0x8B0];
	_ =	sdelay $0x7  }
0x17f: {  	[tilespmem:v2+s6+$0x0] =	vst.idx.add.f32.msk $0xffff, v1  }
0x180: {  	_ =	swait.ge [sflag:s13], $0x2800  }
0x181: {  	[sflag:s13] =	ssyncset.done $0x0  }
0x182: {  	s23 =	sadd.s32 $0x140, s22;
	[sflag:s13] =	ssyncadd.s32 $0xFFFFD800  }
0x183: {  	[tilespmem:s31], [sflag:$0x2] =	stream.indirect.gather [hbm4b:s1+s29], $0x80, s23, s29, $0xb8;
	[tilespmem:$0x1F6D0] =	vst v63  }
0x184: {  	_ =	swait.ge [sflag:s5], $0x2800  }
0x185: {  	[sflag:s5] =	ssyncset.done $0x0  }
0x186: {  	s23 =	sadd.s32 $0x8C0, s22;
	[sflag:s5] =	ssyncadd.s32 $0xFFFFD800  }
0x187: {  	[spmem:s3] =	stream.indirect.scatter.add.f32 [tilespmem:s30], [sflag:$0x4], $0x80, s23, s29, $0xb8;
	[tilespmem:$0x1F6D0] =	vst v63  }
0x188: {  	v2 =	vld [tilespmem:s22+$0x8C0];
	_ =	sdelay $0x7  }
0x189: {  	[tilespmem:v2+s6+$0x0] =	vst.idx.add.f32.msk $0xffff, v1  }
0x18a: {  	v2 =	vld [tilespmem:s22+$0x8D0];
	_ =	sdelay $0x7  }
0x18b: {  	[tilespmem:v2+s6+$0x0] =	vst.idx.add.f32.msk $0xffff, v1  }
0x18c: {  	v2 =	vld [tilespmem:s22+$0x8E0];
	_ =	sdelay $0x7  }
0x18d: {  	[tilespmem:v2+s6+$0x0] =	vst.idx.add.f32.msk $0xffff, v1  }
0x18e: {  	v2 =	vld [tilespmem:s22+$0x8F0];
	_ =	sdelay $0x7  }
0x18f: {  	[tilespmem:v2+s6+$0x0] =	vst.idx.add.f32.msk $0xffff, v1  }
0x190: {  	v2 =	vld [tilespmem:s22+$0x900];
	_ =	sdelay $0x6  }
0x191: {  	p0 =	sne.s32 s21, $0x1680  }
.Ltmp3:
0x192: {  	[tilespmem:v2+s6+$0x0] =	vst.idx.add.f32.msk $0xffff, v1;
	(pc) =	sbr.rel @p0 .LBB2_8-.Ltmp3, $4  }
0x193: {  	_ =	swait.ge [sflag:s14], $0x2800  }
0x194: {  	[sflag:s14] =	ssyncset.done $0x0  }
0x195: {  	s21 =	sadd.s32 $0x3C0, s21;
	s22 =	sadd.s32 $0x190, s22;
	[sflag:s14] =	ssyncadd.s32 $0xFFFFD800  }
0x196: {  	[tilespmem:s8], [sflag:$0x3] =	stream.indirect.gather [hbm4b:s1+s29], $0x80, s22, s29, $0xb8;
	[tilespmem:$0x1F6D0] =	vst v63  }
0x197: {  	_ =	swait.ge [sflag:s10], $0x2800  }
0x198: {  	[sflag:s10] =	ssyncset.done $0x0  }
0x199: {  	[sflag:s10] =	ssyncadd.s32 $0xFFFFD800  }
0x19a: {  	[spmem:s3] =	stream.indirect.scatter.add.f32 [tilespmem:s31], [sflag:$0x5], $0x80, s15, s29, $0xb8;
	[tilespmem:$0x1F6D0] =	vst v63  }
0x19b: {  	v2 =	vld [tilespmem:$0xEB0];
	_ =	sdelay $0x7  }
0x19c: {  	[tilespmem:v2+s6+$0x0] =	vst.idx.add.f32.msk $0xffff, v1  }
0x19d: {  	v2 =	vld [tilespmem:$0xEC0];
	_ =	sdelay $0x7  }
0x19e: {  	[tilespmem:v2+s6+$0x0] =	vst.idx.add.f32.msk $0xffff, v1  }
0x19f: {  	v2 =	vld [tilespmem:$0xED0];
	_ =	sdelay $0x7  }
0x1a0: {  	[tilespmem:v2+s6+$0x0] =	vst.idx.add.f32.msk $0xffff, v1  }
0x1a1: {  	v2 =	vld [tilespmem:$0xEE0];
	_ =	sdelay $0x7  }
0x1a2: {  	[tilespmem:v2+s6+$0x0] =	vst.idx.add.f32.msk $0xffff, v1  }
0x1a3: {  	v2 =	vld [tilespmem:$0xEF0];
	_ =	sdelay $0x7  }
0x1a4: {  	[tilespmem:v2+s6+$0x0] =	vst.idx.add.f32.msk $0xffff, v1  }
0x1a5: {  	_ =	swait.ge [sflag:s11], $0x2800  }
0x1a6: {  	[sflag:s11] =	ssyncset.done $0x0  }
0x1a7: {  	[sflag:s11] =	ssyncadd.s32 $0xFFFFD800  }
0x1a8: {  	[tilespmem:s30], [sflag:$0x1] =	stream.indirect.gather [hbm4b:s1+s29], $0x80, s16, s29, $0xb8;
	[tilespmem:$0x1F6D0] =	vst v63  }
0x1a9: {  	_ =	swait.ge [sflag:s12], $0x2800  }
0x1aa: {  	[sflag:s12] =	ssyncset.done $0x0  }
0x1ab: {  	[sflag:s12] =	ssyncadd.s32 $0xFFFFD800  }
0x1ac: {  	[spmem:s3] =	stream.indirect.scatter.add.f32 [tilespmem:s8], [sflag:$0x6], $0x80, s17, s29, $0xb8;
	[tilespmem:$0x1F6D0] =	vst v63  }
0x1ad: {  	v2 =	vld [tilespmem:$0xF00];
	_ =	sdelay $0x7  }
0x1ae: {  	[tilespmem:v2+s6+$0x0] =	vst.idx.add.f32.msk $0xffff, v1  }
0x1af: {  	v2 =	vld [tilespmem:$0xF10];
	_ =	sdelay $0x7  }
0x1b0: {  	[tilespmem:v2+s6+$0x0] =	vst.idx.add.f32.msk $0xffff, v1  }
0x1b1: {  	v2 =	vld [tilespmem:$0xF20];
	_ =	sdelay $0x7  }
0x1b2: {  	[tilespmem:v2+s6+$0x0] =	vst.idx.add.f32.msk $0xffff, v1  }
0x1b3: {  	v2 =	vld [tilespmem:$0xF30];
	_ =	sdelay $0x7  }
0x1b4: {  	[tilespmem:v2+s6+$0x0] =	vst.idx.add.f32.msk $0xffff, v1  }
0x1b5: {  	v2 =	vld [tilespmem:$0xF40];
	_ =	sdelay $0x7  }
0x1b6: {  	[tilespmem:v2+s6+$0x0] =	vst.idx.add.f32.msk $0xffff, v1  }
0x1b7: {  	_ =	swait.ge [sflag:s13], $0x2800  }
0x1b8: {  	[sflag:s13] =	ssyncset.done $0x0  }
0x1b9: {  	[sflag:s13] =	ssyncadd.s32 $0xFFFFD800  }
0x1ba: {  	_ =	swait.ge [sflag:s5], $0x2800  }
0x1bb: {  	[sflag:s5] =	ssyncset.done $0x0  }
0x1bc: {  	[sflag:s5] =	ssyncadd.s32 $0xFFFFD800  }
0x1bd: {  	[spmem:s3] =	stream.indirect.scatter.add.f32 [tilespmem:s30], [sflag:$0x4], $0x80, s18, s29, $0xb8;
	[tilespmem:$0x1F6D0] =	vst v63  }
0x1be: {  	v2 =	vld [tilespmem:$0xF50];
	_ =	sdelay $0x7  }
0x1bf: {  	[tilespmem:v2+s6+$0x0] =	vst.idx.add.f32.msk $0xffff, v1  }
0x1c0: {  	v2 =	vld [tilespmem:$0xF60];
	_ =	sdelay $0x7  }
0x1c1: {  	[tilespmem:v2+s6+$0x0] =	vst.idx.add.f32.msk $0xffff, v1  }
0x1c2: {  	v2 =	vld [tilespmem:$0xF70];
	_ =	sdelay $0x7  }
0x1c3: {  	[tilespmem:v2+s6+$0x0] =	vst.idx.add.f32.msk $0xffff, v1  }
0x1c4: {  	v2 =	vld [tilespmem:$0xF80];
	_ =	sdelay $0x7  }
0x1c5: {  	[tilespmem:v2+s6+$0x0] =	vst.idx.add.f32.msk $0xffff, v1  }
0x1c6: {  	v2 =	vld [tilespmem:$0xF90];
	_ =	sdelay $0x7  }
0x1c7: {  	[tilespmem:v2+s6+$0x0] =	vst.idx.add.f32.msk $0xffff, v1  }
0x1c8: {  	_ =	swait.ge [sflag:s14], $0x2800  }
0x1c9: {  	[sflag:s14] =	ssyncset.done $0x0  }
0x1ca: {  	[sflag:s14] =	ssyncadd.s32 $0xFFFFD800  }
0x1cb: {  	_ =	swait.ge [sflag:s11], $0x2800  }
0x1cc: {  	[sflag:s11] =	ssyncset.done $0x0  }
0x1cd: {  	[sflag:s11] =	ssyncadd.s32 $0xFFFFD800  }
0x1ce: {  	_ =	swait.ge [sflag:s28], $0x7D0  }
0x1cf: {  	[sflag:s28] =	ssyncset.done $0x0  }
0x1d0: {  	[sflag:s28] =	ssyncadd.s32 $0xFFFFF830  }
0x1d1: {  	_ =	swait.ge [sflag:s28], $0x7D0  }
0x1d2: {  	[sflag:s28] =	ssyncset.done $0x0  }
0x1d3: {  	[sflag:s28] =	ssyncadd.s32 $0xFFFFF830  }
0x1d4: {  	[tilespmem:s30], [sflag:$0x1] =	stream.indirect.gather [hbm4b:s1+s29], $0x80, s2, s29, $0xb8;
	[tilespmem:$0x1F6D0] =	vst v63  }
0x1d5: {  	s21 =	simm.s32 $0xFF0  }
0x1d6: {  	[tilespmem:s31], [sflag:$0x2] =	stream.indirect.gather [hbm4b:s1+s29], $0x80, s21, s29, $0xb8;
	[tilespmem:$0x1F6D0] =	vst v63  }
0x1d7: {  	s22 =	rddreg [dreg:$0xe];
	s21 =	simm.s32 $0x0  }
0x1d8: {  	[tilespmem:s21], [sflag:$0x7] =	stream.linear.gather [hbm4b:s22+s21], $0x7D0, $0x38;
	[tilespmem:$0x1F6D0] =	vst v63  }
0x1d9: {  	s23 =	rddreg [dreg:$0xf]  }
0x1da: {  	[tilespmem:s25], [sflag:$0x7] =	stream.linear.gather [hbm4b:s23+s21], $0x7D0, $0x38;
	[tilespmem:$0x1F6D0] =	vst v63  }
0x1db: {  	_ =	swait.ge [sflag:s5], $0x2800  }
0x1dc: {  	[sflag:s5] =	ssyncset.done $0x0  }
0x1dd: {  	[sflag:s5] =	ssyncadd.s32 $0xFFFFD800  }
0x1de: {  	[spmem:s3] =	stream.indirect.scatter.add.f32 [tilespmem:s30], [sflag:$0x4], $0x80, s0, s29, $0xb8;
	[tilespmem:$0x1F6D0] =	vst v63  }
0x1df: {  	v2 =	vld [tilespmem:$0x1770];
	_ =	sdelay $0x7  }
0x1e0: {  	[tilespmem:v2+s6+$0x0] =	vst.idx.add.f32.msk $0xffff, v1  }
0x1e1: {  	v2 =	vld [tilespmem:$0x1780];
	_ =	sdelay $0x7  }
0x1e2: {  	[tilespmem:v2+s6+$0x0] =	vst.idx.add.f32.msk $0xffff, v1  }
0x1e3: {  	v2 =	vld [tilespmem:$0x1790];
	_ =	sdelay $0x7  }
0x1e4: {  	[tilespmem:v2+s6+$0x0] =	vst.idx.add.f32.msk $0xffff, v1  }
0x1e5: {  	v2 =	vld [tilespmem:$0x17A0];
	_ =	sdelay $0x7  }
0x1e6: {  	[tilespmem:v2+s6+$0x0] =	vst.idx.add.f32.msk $0xffff, v1  }
0x1e7: {  	v2 =	vld [tilespmem:$0x17B0];
	_ =	sdelay $0x7  }
0x1e8: {  	s23 =	simm.s32 $0x1040;
	[tilespmem:v2+s6+$0x0] =	vst.idx.add.f32.msk $0xffff, v1  }
0x1e9: {  	[tilespmem:s8], [sflag:$0x3] =	stream.indirect.gather [hbm4b:s1+s29], $0x80, s23, s29, $0xb8;
	[tilespmem:$0x1F6D0] =	vst v63  }
.LBB2_10:
0x1ea: {  	_ =	swait.ge [sflag:s10], $0x2800  }
0x1eb: {  	s22 =	sshra.s32 s21, $0x2;
	[sflag:s10] =	ssyncset.done $0x0  }
0x1ec: {  	s23 =	sadd.s32 $0x17C0, s22;
	[sflag:s10] =	ssyncadd.s32 $0xFFFFD800  }
0x1ed: {  	[spmem:s3] =	stream.indirect.scatter.add.f32 [tilespmem:s31], [sflag:$0x5], $0x80, s23, s29, $0xb8;
	[tilespmem:$0x1F6D0] =	vst v63  }
0x1ee: {  	v2 =	vld [tilespmem:s22+$0x17C0];
	_ =	sdelay $0x7  }
0x1ef: {  	[tilespmem:v2+s6+$0x0] =	vst.idx.add.f32.msk $0xffff, v1  }
0x1f0: {  	v2 =	vld [tilespmem:s22+$0x17D0];
	_ =	sdelay $0x7  }
0x1f1: {  	[tilespmem:v2+s6+$0x0] =	vst.idx.add.f32.msk $0xffff, v1  }
0x1f2: {  	v2 =	vld [tilespmem:s22+$0x17E0];
	_ =	sdelay $0x7  }
0x1f3: {  	[tilespmem:v2+s6+$0x0] =	vst.idx.add.f32.msk $0xffff, v1  }
0x1f4: {  	v2 =	vld [tilespmem:s22+$0x17F0];
	_ =	sdelay $0x7  }
0x1f5: {  	[tilespmem:v2+s6+$0x0] =	vst.idx.add.f32.msk $0xffff, v1  }
0x1f6: {  	v2 =	vld [tilespmem:s22+$0x1800];
	_ =	sdelay $0x7  }
0x1f7: {  	[tilespmem:v2+s6+$0x0] =	vst.idx.add.f32.msk $0xffff, v1  }
0x1f8: {  	_ =	swait.ge [sflag:s11], $0x2800  }
0x1f9: {  	[sflag:s11] =	ssyncset.done $0x0  }
0x1fa: {  	s23 =	sadd.s32 $0x1090, s22;
	[sflag:s11] =	ssyncadd.s32 $0xFFFFD800  }
0x1fb: {  	[tilespmem:s30], [sflag:$0x1] =	stream.indirect.gather [hbm4b:s1+s29], $0x80, s23, s29, $0xb8;
	[tilespmem:$0x1F6D0] =	vst v63  }
0x1fc: {  	_ =	swait.ge [sflag:s12], $0x2800  }
0x1fd: {  	[sflag:s12] =	ssyncset.done $0x0  }
0x1fe: {  	s23 =	sadd.s32 $0x1810, s22;
	[sflag:s12] =	ssyncadd.s32 $0xFFFFD800  }
0x1ff: {  	[spmem:s3] =	stream.indirect.scatter.add.f32 [tilespmem:s8], [sflag:$0x6], $0x80, s23, s29, $0xb8;
	[tilespmem:$0x1F6D0] =	vst v63  }
0x200: {  	v2 =	vld [tilespmem:s22+$0x1810];
	_ =	sdelay $0x7  }
0x201: {  	[tilespmem:v2+s6+$0x0] =	vst.idx.add.f32.msk $0xffff, v1  }
0x202: {  	v2 =	vld [tilespmem:s22+$0x1820];
	_ =	sdelay $0x7  }
0x203: {  	[tilespmem:v2+s6+$0x0] =	vst.idx.add.f32.msk $0xffff, v1  }
0x204: {  	v2 =	vld [tilespmem:s22+$0x1830];
	_ =	sdelay $0x7  }
0x205: {  	[tilespmem:v2+s6+$0x0] =	vst.idx.add.f32.msk $0xffff, v1  }
0x206: {  	v2 =	vld [tilespmem:s22+$0x1840];
	_ =	sdelay $0x7  }
0x207: {  	[tilespmem:v2+s6+$0x0] =	vst.idx.add.f32.msk $0xffff, v1  }
0x208: {  	v2 =	vld [tilespmem:s22+$0x1850];
	_ =	sdelay $0x7  }
0x209: {  	[tilespmem:v2+s6+$0x0] =	vst.idx.add.f32.msk $0xffff, v1  }
0x20a: {  	_ =	swait.ge [sflag:s13], $0x2800  }
0x20b: {  	[sflag:s13] =	ssyncset.done $0x0  }
0x20c: {  	s23 =	sadd.s32 $0x10E0, s22;
	[sflag:s13] =	ssyncadd.s32 $0xFFFFD800  }
0x20d: {  	[tilespmem:s31], [sflag:$0x2] =	stream.indirect.gather [hbm4b:s1+s29], $0x80, s23, s29, $0xb8;
	[tilespmem:$0x1F6D0] =	vst v63  }
0x20e: {  	_ =	swait.ge [sflag:s5], $0x2800  }
0x20f: {  	[sflag:s5] =	ssyncset.done $0x0  }
0x210: {  	s23 =	sadd.s32 $0x1860, s22;
	[sflag:s5] =	ssyncadd.s32 $0xFFFFD800  }
0x211: {  	[spmem:s3] =	stream.indirect.scatter.add.f32 [tilespmem:s30], [sflag:$0x4], $0x80, s23, s29, $0xb8;
	[tilespmem:$0x1F6D0] =	vst v63  }
0x212: {  	v2 =	vld [tilespmem:s22+$0x1860];
	_ =	sdelay $0x7  }
0x213: {  	[tilespmem:v2+s6+$0x0] =	vst.idx.add.f32.msk $0xffff, v1  }
0x214: {  	v2 =	vld [tilespmem:s22+$0x1870];
	_ =	sdelay $0x7  }
0x215: {  	[tilespmem:v2+s6+$0x0] =	vst.idx.add.f32.msk $0xffff, v1  }
0x216: {  	v2 =	vld [tilespmem:s22+$0x1880];
	_ =	sdelay $0x7  }
0x217: {  	[tilespmem:v2+s6+$0x0] =	vst.idx.add.f32.msk $0xffff, v1  }
0x218: {  	v2 =	vld [tilespmem:s22+$0x1890];
	_ =	sdelay $0x7  }
0x219: {  	[tilespmem:v2+s6+$0x0] =	vst.idx.add.f32.msk $0xffff, v1  }
0x21a: {  	v2 =	vld [tilespmem:s22+$0x18A0];
	_ =	sdelay $0x6  }
0x21b: {  	p0 =	sne.s32 s21, $0x1680  }
.Ltmp4:
0x21c: {  	[tilespmem:v2+s6+$0x0] =	vst.idx.add.f32.msk $0xffff, v1;
	(pc) =	sbr.rel @p0 .LBB2_10-.Ltmp4, $4  }
0x21d: {  	_ =	swait.ge [sflag:s14], $0x2800  }
0x21e: {  	[sflag:s14] =	ssyncset.done $0x0  }
0x21f: {  	s21 =	sadd.s32 $0x3C0, s21;
	s22 =	sadd.s32 $0x1130, s22;
	[sflag:s14] =	ssyncadd.s32 $0xFFFFD800  }
0x220: {  	[tilespmem:s8], [sflag:$0x3] =	stream.indirect.gather [hbm4b:s1+s29], $0x80, s22, s29, $0xb8;
	[tilespmem:$0x1F6D0] =	vst v63  }
0x221: {  	_ =	swait.ge [sflag:s10], $0x2800  }
0x222: {  	[sflag:s10] =	ssyncset.done $0x0  }
0x223: {  	s21 =	simm.s32 $0x1E50;
	[sflag:s10] =	ssyncadd.s32 $0xFFFFD800  }
0x224: {  	[spmem:s3] =	stream.indirect.scatter.add.f32 [tilespmem:s31], [sflag:$0x5], $0x80, s21, s29, $0xb8;
	[tilespmem:$0x1F6D0] =	vst v63  }
0x225: {  	v2 =	vld [tilespmem:$0x1E50];
	_ =	sdelay $0x7  }
0x226: {  	[tilespmem:v2+s6+$0x0] =	vst.idx.add.f32.msk $0xffff, v1  }
0x227: {  	v2 =	vld [tilespmem:$0x1E60];
	_ =	sdelay $0x7  }
0x228: {  	[tilespmem:v2+s6+$0x0] =	vst.idx.add.f32.msk $0xffff, v1  }
0x229: {  	v2 =	vld [tilespmem:$0x1E70];
	_ =	sdelay $0x7  }
0x22a: {  	[tilespmem:v2+s6+$0x0] =	vst.idx.add.f32.msk $0xffff, v1  }
0x22b: {  	v2 =	vld [tilespmem:$0x1E80];
	_ =	sdelay $0x7  }
0x22c: {  	[tilespmem:v2+s6+$0x0] =	vst.idx.add.f32.msk $0xffff, v1  }
0x22d: {  	v2 =	vld [tilespmem:$0x1E90];
	_ =	sdelay $0x7  }
0x22e: {  	[tilespmem:v2+s6+$0x0] =	vst.idx.add.f32.msk $0xffff, v1  }
0x22f: {  	_ =	swait.ge [sflag:s11], $0x2800  }
0x230: {  	[sflag:s11] =	ssyncset.done $0x0  }
0x231: {  	s22 =	simm.s32 $0x1720;
	[sflag:s11] =	ssyncadd.s32 $0xFFFFD800  }
0x232: {  	[tilespmem:s30], [sflag:$0x1] =	stream.indirect.gather [hbm4b:s1+s29], $0x80, s22, s29, $0xb8;
	[tilespmem:$0x1F6D0] =	vst v63  }
0x233: {  	_ =	swait.ge [sflag:s12], $0x2800  }
0x234: {  	[sflag:s12] =	ssyncset.done $0x0  }
0x235: {  	s23 =	simm.s32 $0x1EA0;
	[sflag:s12] =	ssyncadd.s32 $0xFFFFD800  }
0x236: {  	[spmem:s3] =	stream.indirect.scatter.add.f32 [tilespmem:s8], [sflag:$0x6], $0x80, s23, s29, $0xb8;
	[tilespmem:$0x1F6D0] =	vst v63  }
0x237: {  	v2 =	vld [tilespmem:$0x1EA0];
	_ =	sdelay $0x7  }
0x238: {  	[tilespmem:v2+s6+$0x0] =	vst.idx.add.f32.msk $0xffff, v1  }
0x239: {  	v2 =	vld [tilespmem:$0x1EB0];
	_ =	sdelay $0x7  }
0x23a: {  	[tilespmem:v2+s6+$0x0] =	vst.idx.add.f32.msk $0xffff, v1  }
0x23b: {  	v2 =	vld [tilespmem:$0x1EC0];
	_ =	sdelay $0x7  }
0x23c: {  	[tilespmem:v2+s6+$0x0] =	vst.idx.add.f32.msk $0xffff, v1  }
0x23d: {  	v2 =	vld [tilespmem:$0x1ED0];
	_ =	sdelay $0x7  }
0x23e: {  	[tilespmem:v2+s6+$0x0] =	vst.idx.add.f32.msk $0xffff, v1  }
0x23f: {  	v2 =	vld [tilespmem:$0x1EE0];
	_ =	sdelay $0x7  }
0x240: {  	[tilespmem:v2+s6+$0x0] =	vst.idx.add.f32.msk $0xffff, v1  }
0x241: {  	_ =	swait.ge [sflag:s13], $0x2800  }
0x242: {  	[sflag:s13] =	ssyncset.done $0x0  }
0x243: {  	[sflag:s13] =	ssyncadd.s32 $0xFFFFD800  }
0x244: {  	_ =	swait.ge [sflag:s5], $0x2800  }
0x245: {  	[sflag:s5] =	ssyncset.done $0x0  }
0x246: {  	[sflag:s5] =	ssyncadd.s32 $0xFFFFD800  }
0x247: {  	[spmem:s3] =	stream.indirect.scatter.add.f32 [tilespmem:s30], [sflag:$0x4], $0x80, s24, s29, $0xb8;
	[tilespmem:$0x1F6D0] =	vst v63  }
0x248: {  	v2 =	vld [tilespmem:$0x1EF0];
	_ =	sdelay $0x7  }
0x249: {  	[tilespmem:v2+s6+$0x0] =	vst.idx.add.f32.msk $0xffff, v1  }
0x24a: {  	v2 =	vld [tilespmem:$0x1F00];
	_ =	sdelay $0x7  }
0x24b: {  	[tilespmem:v2+s6+$0x0] =	vst.idx.add.f32.msk $0xffff, v1  }
0x24c: {  	v2 =	vld [tilespmem:$0x1F10];
	_ =	sdelay $0x7  }
0x24d: {  	[tilespmem:v2+s6+$0x0] =	vst.idx.add.f32.msk $0xffff, v1  }
0x24e: {  	v2 =	vld [tilespmem:$0x1F20];
	_ =	sdelay $0x7  }
0x24f: {  	[tilespmem:v2+s6+$0x0] =	vst.idx.add.f32.msk $0xffff, v1  }
0x250: {  	v2 =	vld [tilespmem:$0x1F30];
	_ =	sdelay $0x7  }
0x251: {  	[tilespmem:v2+s6+$0x0] =	vst.idx.add.f32.msk $0xffff, v1  }
0x252: {  	_ =	swait.ge [sflag:s14], $0x2800  }
0x253: {  	[sflag:s14] =	ssyncset.done $0x0  }
0x254: {  	[sflag:s14] =	ssyncadd.s32 $0xFFFFD800  }
0x255: {  	_ =	swait.ge [sflag:s11], $0x2800  }
0x256: {  	[sflag:s11] =	ssyncset.done $0x0  }
0x257: {  	[sflag:s11] =	ssyncadd.s32 $0xFFFFD800  }
0x258: {  	_ =	swait.ge [sflag:s28], $0x7D0  }
0x259: {  	[sflag:s28] =	ssyncset.done $0x0  }
0x25a: {  	[sflag:s28] =	ssyncadd.s32 $0xFFFFF830  }
0x25b: {  	_ =	swait.ge [sflag:s28], $0x7D0  }
0x25c: {  	[sflag:s28] =	ssyncset.done $0x0  }
0x25d: {  	s21 =	simm.s32 $0x0;
	[sflag:s28] =	ssyncadd.s32 $0xFFFFF830  }
0x25e: {  	[tilespmem:s30], [sflag:$0x1] =	stream.indirect.gather [hbm4b:s1+s29], $0x80, s21, s29, $0xb8;
	[tilespmem:$0x1F6D0] =	vst v63  }
0x25f: {  	_ = 	snop  }
0x260: {  	[tilespmem:s31], [sflag:$0x2] =	stream.indirect.gather [hbm4b:s1+s29], $0x80, s29, s29, $0xb8;
	[tilespmem:$0x1F6D0] =	vst v63  }
0x261: {  	_ =	swait.ge [sflag:s5], $0x2800  }
0x262: {  	[sflag:s5] =	ssyncset.done $0x0  }
0x263: {  	[sflag:s5] =	ssyncadd.s32 $0xFFFFD800  }
0x264: {  	[spmem:s3] =	stream.indirect.scatter.add.f32 [tilespmem:s30], [sflag:$0x4], $0x80, s25, s29, $0xb8;
	[tilespmem:$0x1F6D0] =	vst v63  }
0x265: {  	v2 =	vld [tilespmem:$0x7D0];
	_ =	sdelay $0x7  }
0x266: {  	[tilespmem:v2+s6+$0x0] =	vst.idx.add.f32.msk $0xffff, v1  }
0x267: {  	v2 =	vld [tilespmem:$0x7E0];
	_ =	sdelay $0x7  }
0x268: {  	[tilespmem:v2+s6+$0x0] =	vst.idx.add.f32.msk $0xffff, v1  }
0x269: {  	v2 =	vld [tilespmem:$0x7F0];
	_ =	sdelay $0x7  }
0x26a: {  	[tilespmem:v2+s6+$0x0] =	vst.idx.add.f32.msk $0xffff, v1  }
0x26b: {  	v2 =	vld [tilespmem:$0x800];
	_ =	sdelay $0x7  }
0x26c: {  	[tilespmem:v2+s6+$0x0] =	vst.idx.add.f32.msk $0xffff, v1  }
0x26d: {  	v2 =	vld [tilespmem:$0x810];
	_ =	sdelay $0x7  }
0x26e: {  	[tilespmem:v2+s6+$0x0] =	vst.idx.add.f32.msk $0xffff, v1  }
0x26f: {  	[tilespmem:s8], [sflag:$0x3] =	stream.indirect.gather [hbm4b:s1+s29], $0x80, s7, s29, $0xb8;
	[tilespmem:$0x1F6D0] =	vst v63  }
.LBB2_12:
0x270: {  	_ =	swait.ge [sflag:s10], $0x2800  }
0x271: {  	s22 =	sshra.s32 s21, $0x2;
	[sflag:s10] =	ssyncset.done $0x0  }
0x272: {  	s23 =	sadd.s32 $0x820, s22;
	[sflag:s10] =	ssyncadd.s32 $0xFFFFD800  }
0x273: {  	[spmem:s3] =	stream.indirect.scatter.add.f32 [tilespmem:s31], [sflag:$0x5], $0x80, s23, s29, $0xb8;
	[tilespmem:$0x1F6D0] =	vst v63  }
0x274: {  	v2 =	vld [tilespmem:s22+$0x820];
	_ =	sdelay $0x7  }
0x275: {  	[tilespmem:v2+s6+$0x0] =	vst.idx.add.f32.msk $0xffff, v1  }
0x276: {  	v2 =	vld [tilespmem:s22+$0x830];
	_ =	sdelay $0x7  }
0x277: {  	[tilespmem:v2+s6+$0x0] =	vst.idx.add.f32.msk $0xffff, v1  }
0x278: {  	v2 =	vld [tilespmem:s22+$0x840];
	_ =	sdelay $0x7  }
0x279: {  	[tilespmem:v2+s6+$0x0] =	vst.idx.add.f32.msk $0xffff, v1  }
0x27a: {  	v2 =	vld [tilespmem:s22+$0x850];
	_ =	sdelay $0x7  }
0x27b: {  	[tilespmem:v2+s6+$0x0] =	vst.idx.add.f32.msk $0xffff, v1  }
0x27c: {  	v2 =	vld [tilespmem:s22+$0x860];
	_ =	sdelay $0x7  }
0x27d: {  	[tilespmem:v2+s6+$0x0] =	vst.idx.add.f32.msk $0xffff, v1  }
0x27e: {  	_ =	swait.ge [sflag:s11], $0x2800  }
0x27f: {  	[sflag:s11] =	ssyncset.done $0x0  }
0x280: {  	s23 =	sadd.s32 $0xF0, s22;
	[sflag:s11] =	ssyncadd.s32 $0xFFFFD800  }
0x281: {  	[tilespmem:s30], [sflag:$0x1] =	stream.indirect.gather [hbm4b:s1+s29], $0x80, s23, s29, $0xb8;
	[tilespmem:$0x1F6D0] =	vst v63  }
0x282: {  	_ =	swait.ge [sflag:s12], $0x2800  }
0x283: {  	[sflag:s12] =	ssyncset.done $0x0  }
0x284: {  	s23 =	sadd.s32 $0x870, s22;
	[sflag:s12] =	ssyncadd.s32 $0xFFFFD800  }
0x285: {  	[spmem:s3] =	stream.indirect.scatter.add.f32 [tilespmem:s8], [sflag:$0x6], $0x80, s23, s29, $0xb8;
	[tilespmem:$0x1F6D0] =	vst v63  }
0x286: {  	v2 =	vld [tilespmem:s22+$0x870];
	_ =	sdelay $0x7  }
0x287: {  	[tilespmem:v2+s6+$0x0] =	vst.idx.add.f32.msk $0xffff, v1  }
0x288: {  	v2 =	vld [tilespmem:s22+$0x880];
	_ =	sdelay $0x7  }
0x289: {  	[tilespmem:v2+s6+$0x0] =	vst.idx.add.f32.msk $0xffff, v1  }
0x28a: {  	v2 =	vld [tilespmem:s22+$0x890];
	_ =	sdelay $0x7  }
0x28b: {  	[tilespmem:v2+s6+$0x0] =	vst.idx.add.f32.msk $0xffff, v1  }
0x28c: {  	v2 =	vld [tilespmem:s22+$0x8A0];
	_ =	sdelay $0x7  }
0x28d: {  	[tilespmem:v2+s6+$0x0] =	vst.idx.add.f32.msk $0xffff, v1  }
0x28e: {  	v2 =	vld [tilespmem:s22+$0x8B0];
	_ =	sdelay $0x7  }
0x28f: {  	[tilespmem:v2+s6+$0x0] =	vst.idx.add.f32.msk $0xffff, v1  }
0x290: {  	_ =	swait.ge [sflag:s13], $0x2800  }
0x291: {  	[sflag:s13] =	ssyncset.done $0x0  }
0x292: {  	s23 =	sadd.s32 $0x140, s22;
	[sflag:s13] =	ssyncadd.s32 $0xFFFFD800  }
0x293: {  	[tilespmem:s31], [sflag:$0x2] =	stream.indirect.gather [hbm4b:s1+s29], $0x80, s23, s29, $0xb8;
	[tilespmem:$0x1F6D0] =	vst v63  }
0x294: {  	_ =	swait.ge [sflag:s5], $0x2800  }
0x295: {  	[sflag:s5] =	ssyncset.done $0x0  }
0x296: {  	s23 =	sadd.s32 $0x8C0, s22;
	[sflag:s5] =	ssyncadd.s32 $0xFFFFD800  }
0x297: {  	[spmem:s3] =	stream.indirect.scatter.add.f32 [tilespmem:s30], [sflag:$0x4], $0x80, s23, s29, $0xb8;
	[tilespmem:$0x1F6D0] =	vst v63  }
0x298: {  	v2 =	vld [tilespmem:s22+$0x8C0];
	_ =	sdelay $0x7  }
0x299: {  	[tilespmem:v2+s6+$0x0] =	vst.idx.add.f32.msk $0xffff, v1  }
0x29a: {  	v2 =	vld [tilespmem:s22+$0x8D0];
	_ =	sdelay $0x7  }
0x29b: {  	[tilespmem:v2+s6+$0x0] =	vst.idx.add.f32.msk $0xffff, v1  }
0x29c: {  	v2 =	vld [tilespmem:s22+$0x8E0];
	_ =	sdelay $0x7  }
0x29d: {  	[tilespmem:v2+s6+$0x0] =	vst.idx.add.f32.msk $0xffff, v1  }
0x29e: {  	v2 =	vld [tilespmem:s22+$0x8F0];
	_ =	sdelay $0x7  }
0x29f: {  	[tilespmem:v2+s6+$0x0] =	vst.idx.add.f32.msk $0xffff, v1  }
0x2a0: {  	v2 =	vld [tilespmem:s22+$0x900];
	_ =	sdelay $0x6  }
0x2a1: {  	p0 =	sne.s32 s21, $0x1680  }
.Ltmp5:
0x2a2: {  	[tilespmem:v2+s6+$0x0] =	vst.idx.add.f32.msk $0xffff, v1;
	(pc) =	sbr.rel @p0 .LBB2_12-.Ltmp5, $4  }
0x2a3: {  	_ =	swait.ge [sflag:s14], $0x2800  }
0x2a4: {  	[sflag:s14] =	ssyncset.done $0x0  }
0x2a5: {  	s21 =	sadd.s32 $0x3C0, s21;
	s22 =	sadd.s32 $0x190, s22;
	[sflag:s14] =	ssyncadd.s32 $0xFFFFD800  }
0x2a6: {  	[tilespmem:s8], [sflag:$0x3] =	stream.indirect.gather [hbm4b:s1+s29], $0x80, s22, s29, $0xb8;
	[tilespmem:$0x1F6D0] =	vst v63  }
0x2a7: {  	_ =	swait.ge [sflag:s10], $0x2800  }
0x2a8: {  	[sflag:s10] =	ssyncset.done $0x0  }
0x2a9: {  	[sflag:s10] =	ssyncadd.s32 $0xFFFFD800  }
0x2aa: {  	[spmem:s3] =	stream.indirect.scatter.add.f32 [tilespmem:s31], [sflag:$0x5], $0x80, s15, s29, $0xb8;
	[tilespmem:$0x1F6D0] =	vst v63  }
0x2ab: {  	v2 =	vld [tilespmem:$0xEB0];
	_ =	sdelay $0x7  }
0x2ac: {  	[tilespmem:v2+s6+$0x0] =	vst.idx.add.f32.msk $0xffff, v1  }
0x2ad: {  	v2 =	vld [tilespmem:$0xEC0];
	_ =	sdelay $0x7  }
0x2ae: {  	[tilespmem:v2+s6+$0x0] =	vst.idx.add.f32.msk $0xffff, v1  }
0x2af: {  	v2 =	vld [tilespmem:$0xED0];
	_ =	sdelay $0x7  }
0x2b0: {  	[tilespmem:v2+s6+$0x0] =	vst.idx.add.f32.msk $0xffff, v1  }
0x2b1: {  	v2 =	vld [tilespmem:$0xEE0];
	_ =	sdelay $0x7  }
0x2b2: {  	[tilespmem:v2+s6+$0x0] =	vst.idx.add.f32.msk $0xffff, v1  }
0x2b3: {  	v2 =	vld [tilespmem:$0xEF0];
	_ =	sdelay $0x7  }
0x2b4: {  	[tilespmem:v2+s6+$0x0] =	vst.idx.add.f32.msk $0xffff, v1  }
0x2b5: {  	_ =	swait.ge [sflag:s11], $0x2800  }
0x2b6: {  	[sflag:s11] =	ssyncset.done $0x0  }
0x2b7: {  	[sflag:s11] =	ssyncadd.s32 $0xFFFFD800  }
0x2b8: {  	[tilespmem:s30], [sflag:$0x1] =	stream.indirect.gather [hbm4b:s1+s29], $0x80, s16, s29, $0xb8;
	[tilespmem:$0x1F6D0] =	vst v63  }
0x2b9: {  	_ =	swait.ge [sflag:s12], $0x2800  }
0x2ba: {  	[sflag:s12] =	ssyncset.done $0x0  }
0x2bb: {  	[sflag:s12] =	ssyncadd.s32 $0xFFFFD800  }
0x2bc: {  	[spmem:s3] =	stream.indirect.scatter.add.f32 [tilespmem:s8], [sflag:$0x6], $0x80, s17, s29, $0xb8;
	[tilespmem:$0x1F6D0] =	vst v63  }
0x2bd: {  	v2 =	vld [tilespmem:$0xF00];
	_ =	sdelay $0x7  }
0x2be: {  	[tilespmem:v2+s6+$0x0] =	vst.idx.add.f32.msk $0xffff, v1  }
0x2bf: {  	v2 =	vld [tilespmem:$0xF10];
	_ =	sdelay $0x7  }
0x2c0: {  	[tilespmem:v2+s6+$0x0] =	vst.idx.add.f32.msk $0xffff, v1  }
0x2c1: {  	v2 =	vld [tilespmem:$0xF20];
	_ =	sdelay $0x7  }
0x2c2: {  	[tilespmem:v2+s6+$0x0] =	vst.idx.add.f32.msk $0xffff, v1  }
0x2c3: {  	v2 =	vld [tilespmem:$0xF30];
	_ =	sdelay $0x7  }
0x2c4: {  	[tilespmem:v2+s6+$0x0] =	vst.idx.add.f32.msk $0xffff, v1  }
0x2c5: {  	v2 =	vld [tilespmem:$0xF40];
	_ =	sdelay $0x7  }
0x2c6: {  	[tilespmem:v2+s6+$0x0] =	vst.idx.add.f32.msk $0xffff, v1  }
0x2c7: {  	_ =	swait.ge [sflag:s13], $0x2800  }
0x2c8: {  	[sflag:s13] =	ssyncset.done $0x0  }
0x2c9: {  	[sflag:s13] =	ssyncadd.s32 $0xFFFFD800  }
0x2ca: {  	_ =	swait.ge [sflag:s5], $0x2800  }
0x2cb: {  	[sflag:s5] =	ssyncset.done $0x0  }
0x2cc: {  	[sflag:s5] =	ssyncadd.s32 $0xFFFFD800  }
0x2cd: {  	[spmem:s3] =	stream.indirect.scatter.add.f32 [tilespmem:s30], [sflag:$0x4], $0x80, s18, s29, $0xb8;
	[tilespmem:$0x1F6D0] =	vst v63  }
0x2ce: {  	v2 =	vld [tilespmem:$0xF50];
	_ =	sdelay $0x7  }
0x2cf: {  	[tilespmem:v2+s6+$0x0] =	vst.idx.add.f32.msk $0xffff, v1  }
0x2d0: {  	v2 =	vld [tilespmem:$0xF60];
	_ =	sdelay $0x7  }
0x2d1: {  	[tilespmem:v2+s6+$0x0] =	vst.idx.add.f32.msk $0xffff, v1  }
0x2d2: {  	v2 =	vld [tilespmem:$0xF70];
	_ =	sdelay $0x7  }
0x2d3: {  	[tilespmem:v2+s6+$0x0] =	vst.idx.add.f32.msk $0xffff, v1  }
0x2d4: {  	v2 =	vld [tilespmem:$0xF80];
	_ =	sdelay $0x7  }
0x2d5: {  	[tilespmem:v2+s6+$0x0] =	vst.idx.add.f32.msk $0xffff, v1  }
0x2d6: {  	v2 =	vld [tilespmem:$0xF90];
	_ =	sdelay $0x7  }
0x2d7: {  	[tilespmem:v2+s6+$0x0] =	vst.idx.add.f32.msk $0xffff, v1  }
0x2d8: {  	_ =	swait.ge [sflag:s14], $0x2800  }
0x2d9: {  	[sflag:s14] =	ssyncset.done $0x0  }
0x2da: {  	[sflag:s14] =	ssyncadd.s32 $0xFFFFD800  }
0x2db: {  	_ =	swait.ge [sflag:s11], $0x2800  }
0x2dc: {  	[sflag:s11] =	ssyncset.done $0x0  }
0x2dd: {  	[sflag:s11] =	ssyncadd.s32 $0xFFFFD800  }
0x2de: {  	[bflag:$0x0] =	sbarrier.arrive $0xFFFF  }
0x2df: {  	s21 =	rddreg [dreg:$0x10]  }
0x2e0: {  	[hbm:s21], [sflag:s9] =	dma.local [spmem:s20], $0x2710  }
0x2e1: {  	_ =	swait.ge [sflag:s26], $0x2710  }
0x2e2: {  	[sflag:s26] =	ssyncset.done $0x0  }
0x2e3: {  	s21 =	rddreg [dreg:$0x11];
	[sflag:s26] =	ssyncadd.s32 $0xFFFFD8F0  }
0x2e4: {  	[hbm4b:s21+s4] =	stream.linear.scatter [tilespmem:s6], [sflag:$0x8], $0x7D0, $0x38;
	[tilespmem:$0x1F6D0] =	vst v63  }
0x2e5: {  	_ =	swait.ge [sflag:s26], $0x7D0  }
0x2e6: {  	[sflag:s26] =	ssyncset.done $0x0  }
0x2e7: {  	s23 =	simm.s32 $0x9F10;
	s22 =	rddreg [dreg:$0x12];
	[sflag:s26] =	ssyncadd.s32 $0xFFFFF830  }
0x2e8: {  	[hbm4b:s22+s4] =	stream.linear.scatter [tilespmem:s23], [sflag:$0x8], $0x7D0, $0x38;
	[tilespmem:$0x1F6D0] =	vst v63  }
0x2e9: {  	_ =	swait.ge [sflag:s26], $0x7D0  }
0x2ea: {  	[sflag:s26] =	ssyncset.done $0x0  }
0x2eb: {  	s23 =	simm.s32 $0xA6E0;
	s22 =	rddreg [dreg:$0x13];
	[sflag:s26] =	ssyncadd.s32 $0xFFFFF830  }
0x2ec: {  	[hbm4b:s22+s4] =	stream.linear.scatter [tilespmem:s23], [sflag:$0x8], $0x7D0, $0x38;
	[tilespmem:$0x1F6D0] =	vst v63  }
0x2ed: {  	_ =	swait.ge [sflag:s26], $0x7D0  }
0x2ee: {  	[sflag:s26] =	ssyncset.done $0x0  }
0x2ef: {  	s23 =	simm.s32 $0xAEB0;
	s22 =	rddreg [dreg:$0x14];
	[sflag:s26] =	ssyncadd.s32 $0xFFFFF830  }
0x2f0: {  	[hbm4b:s22+s4] =	stream.linear.scatter [tilespmem:s23], [sflag:$0x8], $0x7D0, $0x38;
	[tilespmem:$0x1F6D0] =	vst v63  }
0x2f1: {  	_ =	swait.ge [sflag:s26], $0x7D0  }
0x2f2: {  	[sflag:s26] =	ssyncset.done $0x0  }
0x2f3: {  	s22 =	simm.s32 $0xB680;
	s21 =	rddreg [dreg:$0x15];
	[sflag:s26] =	ssyncadd.s32 $0xFFFFF830  }
0x2f4: {  	[hbm4b:s21+s4] =	stream.linear.scatter [tilespmem:s22], [sflag:$0x8], $0x7D0, $0x38;
	[tilespmem:$0x1F6D0] =	vst v63  }
0x2f5: {  	_ =	swait.ge [sflag:s26], $0x7D0  }
0x2f6: {  	s19 =	sadd.s32 $0x1, s19;
	s23 =	rddreg [dreg:$0x16]  }
0x2f7: {  	p0 =	sne.s32 s19, s23  }
.Ltmp6:
0x2f8: {  	_ = 	snop;
	(pc) =	sbr.rel @p0 .LBB2_1-.Ltmp6, $3  }
0x2f9: {  	_ =	sdelay $0x1  }
0x2fa: {  	[sflag:s26] =	ssyncset.done $0x0  }
0x2fb: {  	[sflag:s26] =	ssyncadd.s32 $0xFFFFF830  }
0x2fc: {  	_ =	sfence.sel $0x180000  }
0x2fd: {  	[bflag:$0x0] =	sbarrier.arrive $0xFFFF  }
0x2fe: {  	_ =	strace $0x90000047  }
0x2ff: {  	s0 =	stileid.u32;
	[bflag:$0x2] =	sbarrier.arrive $0xFFFF  }
0x300: {  	p0 =	sne.s32 s0, $0x0;
	s0 =	rddreg [dreg:$0x3]  }
0x301: {  	s0 =	sadd.s32 @!p0 $0x100000, s0  }
0x302: {  	[sflag:s0] =	ssyncadd.tile.s32 @!p0 $0x1;
	_ =	shalt  }
.Lfunc_end2:
_tile_overlayer_lowered:
.L_overlay_start_2:
0x303: {  	(tag) =	ssettag $0x2  }
0x304: {  	s0 =	rddreg [dreg:$0x0];
	s2 =	stileid.u32  }
0x305: {  	s1 =	rddreg [dreg:$0x1];
	p0 =	sne.s32 s2, $0x0  }
0x306: {  	s3 =	rddreg [dreg:$0x2];
	[bflag:$0x3] =	sbarrier.arrive $0xFFFF;
	s2 =	simm.s32 @!p0 $0x1C08  }
0x307: {  	[timem:s3], [sflag:s2] =	dma.local @!p0 [hbm:s0], s1  }
0x308: {  	s0 =	simm.s32 @!p0 $0x8  }
0x309: {  	_ =	swait.ge @!p0 [sflag:s0], s1  }
0x30a: {  	s1 =	ssub.s32 @!p0 $0x0, s1;
	[sflag:s0] =	ssyncset.done @!p0 $0x0  }
0x30b: {  	[sflag:s0] =	ssyncadd.s32 @!p0 s1  }
0x30c: {  	[bflag:$0x3] =	sbarrier.arrive $0xFFFF  }
0x30d: {  	_ =	shalt  }

</sc_bundles>
